<compile_context>
chip_gen: v7x
topology: tpu7x:2x2x1
jax: 0.10.2.dev20260603
libtpu: 0.0.44.dev20260713+nightly
codegen_flags: <defaults>
</compile_context>

<pallas_src>
import jax
import jax.numpy as jnp
import numpy as np
from jax import lax
from jax.experimental import pallas as pl
from jax.experimental.pallas import tpu as pltpu
from jax.experimental.pallas import tpu_sc as plsc

L = 16
NC = 2
NS = 16
NW = NC * NS
B = 128
N = 32768
NV = N // L
K = 30
RPW = B // NW
NB = 256
NREG = 4
CAP1 = 640
CAP2 = 32

I32 = jnp.int32
IMIN = np.int32(-(2 ** 31))
IMAX = np.int32(2 ** 31 - 1)
MANT = np.int32(0x7FFFFFFF)


def _body(pred_hbm, target_hbm, out_hbm,
          rowt_v, rowp_v, ck_v, ci_v, hist_v, tot_v, c2k_v, c2i_v, ti_v,
          out_v, sem):
    iota = lax.iota(I32, L)
    ones = jnp.ones((L,), I32)
    zero16i = jnp.zeros((L,), I32)

    wid = lax.axis_index("s") * NC + lax.axis_index("c")

    def f2key(x):
        b = plsc.bitcast(x, I32)
        return b ^ ((b >> 31) & MANT)

    def key2f(k):
        return plsc.bitcast(k ^ ((k >> 31) & MANT), jnp.float32)

    def extract(vec, j, fill):
        return jnp.max(jnp.where(iota == j, vec, fill))

    def suffix_search(svec, kthr):
        vsuffix = lax.rev(plsc.cumsum(lax.rev(svec, (0,))), (0,))
        ngt = jnp.sum((vsuffix >= kthr).astype(I32))
        return ngt - 1, vsuffix

    def bucket_totals(nreg):
        def tv(v, svec):
            base = v * 256 + iota * 16
            acc = [zero16i for _ in range(4)]
            for u in range(nreg):
                for l in range(L):
                    acc[l % 4] = acc[l % 4] + plsc.load_gather(
                        hist_v, [base + ((u << 12) + l)])
            t = (acc[0] + acc[1]) + (acc[2] + acc[3])
            tot_v[pl.ds(v * 16, 16)] = t
            return jnp.where(iota == v, jnp.sum(t), svec)
        return lax.fori_loop(0, 16, tv, zero16i)

    def zero_hist(nreg):
        @plsc.parallel_loop(0, nreg * NB, 1, unroll=8)
        def z(i):
            hist_v[pl.ds(i * 16, 16)] = zero16i

    def topk_row(row_v):
        zero_hist(NREG)

        @plsc.parallel_loop(0, NV, 1, unroll=4)
        def p1(i):
            x = row_v[pl.ds(i * 16, 16)]
            k = f2key(x)
            addr = ((i & 3) << 12) + (((k >> 24) + 128) << 4) + iota
            plsc.addupdate_scatter(hist_v, [addr], ones)

        svec = bucket_totals(NREG)
        vstar, vsfx = suffix_search(svec, K)
        above_v = extract(vsfx, vstar, IMIN) - extract(svec, vstar, IMIN)
        t = tot_v[pl.ds(vstar * 16, 16)]
        sfx_in = lax.rev(plsc.cumsum(lax.rev(t, (0,))), (0,)) + above_v
        npos = jnp.sum((sfx_in >= K).astype(I32))
        b1_sel = vstar * 16 + npos - 1
        c_above = extract(sfx_in, npos - 1, IMIN) - extract(t, npos - 1, IMIN)
        t1 = (b1_sel - 128) << 24

        @plsc.parallel_loop(0, NV, 1, unroll=4, carry=zero16i)
        def p2(i, cnt):
            k = f2key(row_v[pl.ds(i * 16, 16)])
            m = (k >= t1) & (cnt < CAP1)
            pos = (cnt << 4) + iota
            plsc.store_scatter(ck_v, [pos], k, mask=m)
            plsc.store_scatter(ci_v, [pos], (i << 4) + iota, mask=m)
            return cnt + m.astype(I32)
        cnt1 = p2
        maxc1 = jnp.max(cnt1)

        zero_hist(1)
        b1s = b1_sel - 128

        def p2b(c, z):
            k = ck_v[pl.ds(c * 16, 16)]
            m = (c < cnt1) & ((k >> 24) == b1s)
            addr = (((k >> 16) & 255) << 4) + iota
            plsc.addupdate_scatter(hist_v, [addr], ones, mask=m)
            return z
        lax.fori_loop(0, maxc1, p2b, 0)

        k2 = K - c_above
        svec2 = bucket_totals(1)
        vstar2, vsfx2 = suffix_search(svec2, k2)
        above_v2 = extract(vsfx2, vstar2, IMIN) - extract(svec2, vstar2, IMIN)
        t2 = tot_v[pl.ds(vstar2 * 16, 16)]
        sfx_in2 = lax.rev(plsc.cumsum(lax.rev(t2, (0,))), (0,)) + above_v2
        npos2 = jnp.sum((sfx_in2 >= k2).astype(I32))
        s_sel = vstar2 * 16 + npos2 - 1
        thr = t1 + (s_sel << 16)

        @plsc.parallel_loop(0, maxc1, 1, unroll=2, carry=zero16i)
        def p2c(c, cnt):
            k = ck_v[pl.ds(c * 16, 16)]
            idv = ci_v[pl.ds(c * 16, 16)]
            m = (c < cnt1) & (k >= thr) & (cnt < CAP2)
            pos = (cnt << 4) + iota
            plsc.store_scatter(c2k_v, [pos], k, mask=m)
            plsc.store_scatter(c2i_v, [pos], idv, mask=m)
            return cnt + m.astype(I32)
        cnt2 = p2c
        maxc2 = jnp.max(cnt2)

        def sel_iter(j, carry):
            pk, pi, sk0, sk1, si0, si1 = carry

            @plsc.parallel_loop(0, maxc2, 1, unroll=2,
                                carry=(jnp.full((L,), IMIN), jnp.full((L,), IMAX)))
            def srow(c, bc):
                bk, bi = bc
                k = c2k_v[pl.ds(c * 16, 16)]
                idv = c2i_v[pl.ds(c * 16, 16)]
                valid = (c < cnt2) & ((k < pk) | ((k == pk) & (idv > pi)))
                k = jnp.where(valid, k, IMIN)
                idv = jnp.where(valid, idv, IMAX)
                better = (k > bk) | ((k == bk) & (idv < bi))
                return (jnp.where(better, k, bk), jnp.where(better, idv, bi))

            bk, bi = srow
            mk = jnp.max(bk)
            mi = jnp.min(jnp.where(bk == mk, bi, IMAX))
            m0 = iota == j
            m1 = iota == (j - 16)
            return (mk, mi,
                    jnp.where(m0, mk, sk0), jnp.where(m1, mk, sk1),
                    jnp.where(m0, mi, si0), jnp.where(m1, mi, si1))

        init = (jnp.int32(IMAX), jnp.int32(-1), zero16i, zero16i,
                zero16i - 1, zero16i - 1)
        _, _, sk0, sk1, si0, si1 = lax.fori_loop(0, K, sel_iter, init)
        return sk0, sk1, si0, si1

    def per_row(i, c):
        r = wid * RPW + i
        pltpu.make_async_copy(target_hbm.at[r], rowt_v, sem).wait()
        pltpu.async_copy(pred_hbm.at[r], rowp_v, sem)
        tk0, tk1, ti0, ti1 = topk_row(rowt_v)
        ti_v[pl.ds(0, 16)] = ti0
        ti_v[pl.ds(16, 16)] = ti1
        pltpu.make_async_copy(pred_hbm.at[r], rowp_v, sem).wait()

        @pl.when(i < RPW - 1)
        def _():
            pltpu.async_copy(target_hbm.at[r + 1], rowt_v, sem)

        pk0, pk1, pi0, pi1 = topk_row(rowp_v)

        d0 = jnp.abs(key2f(pk0) - key2f(tk0))
        d1 = jnp.abs(key2f(pk1) - key2f(tk1))
        rowsum = jnp.sum(d0) + jnp.sum(d1)

        def inter(j, acc):
            m0, m1 = acc
            tj = plsc.load_gather(ti_v, [zero16i + j])
            return (m0 | (pi0 == tj), m1 | (pi1 == tj))

        m0, m1 = lax.fori_loop(0, K, inter,
                               (jnp.zeros((L,), jnp.bool_),
                                jnp.zeros((L,), jnp.bool_)))
        nmatch = jnp.sum(m0.astype(jnp.float32)) + jnp.sum(m1.astype(jnp.float32))

        outrow = jnp.where(iota == 0, nmatch,
                           jnp.where(iota == 1, rowsum, jnp.float32(0.0)))
        out_v[pl.ds(i * 16, 16)] = outrow
        return c

    pltpu.async_copy(target_hbm.at[wid * RPW], rowt_v, sem)
    lax.fori_loop(0, RPW, per_row, 0)
    pltpu.sync_copy(out_v, out_hbm.at[wid])


_mesh = plsc.VectorSubcoreMesh(core_axis_name="c", subcore_axis_name="s",
                               num_cores=NC, num_subcores=NS)

_sc_call = pl.kernel(
    _body,
    out_type=jax.ShapeDtypeStruct((NW, RPW * L), jnp.float32),
    mesh=_mesh,
    compiler_params=pltpu.CompilerParams(needs_layout_passes=False),
    scratch_types=[
        pltpu.VMEM((N,), jnp.float32),
        pltpu.VMEM((N,), jnp.float32),
        pltpu.VMEM((CAP1 * L,), I32),
        pltpu.VMEM((CAP1 * L,), I32),
        pltpu.VMEM((NREG * NB * L,), I32),
        pltpu.VMEM((NB,), I32),
        pltpu.VMEM((CAP2 * L,), I32),
        pltpu.VMEM((CAP2 * L,), I32),
        pltpu.VMEM((2 * L,), I32),
        pltpu.VMEM((RPW * L,), jnp.float32),
        pltpu.SemaphoreType.DMA,
    ],
)


def kernel(pred, target):
    out = _sc_call(pred, target)
    a = out.reshape(B, L)
    counts = a[:, 0]
    rowsums = a[:, 1]
    s1 = counts.sum() / jnp.float32(B * K)
    s2 = rowsums.sum() / jnp.float32(K)
    return (s1, s2)

# --- scband reference (transcript-rebuilt; emitter-appended) ---
"""Pipeline reference for scband-top-kaccuracy-27084063768743 (READ-ONLY COPY).

The authoritative reference and input builder live on the scoring server;
editing this copy changes nothing except your own understanding.
"""

import jax, jax.numpy as jnp
import numpy as np


def setup_inputs(seed: int = 0) -> dict:
    key = jax.random.key(seed)
    k1, k2 = jax.random.split(key)
    pred = jax.random.normal(k1, (128, 32768), dtype=jnp.float32)
    target = jax.random.normal(k2, (128, 32768), dtype=jnp.float32)
    return {"pred": pred, "target": target}


def reference(pred, target):
    k = 30
    v_topk, i_topk = jax.lax.top_k(target, k)
    v_pred, i_pred = jax.lax.top_k(pred, k)
    # counts[i] = fraction of top-k predicted indices present in top-k target indices
    match = (i_pred[:, :, None] == i_topk[:, None, :]).any(axis=-1)  # [B, k]
    counts = match.sum(axis=-1).astype(jnp.float32) / k  # [B]
    # torch: sum(torch.abs(v_pred - v_topk)) iterates rows -> sum over batch dim, shape [k]
    diff = jnp.sum(jnp.abs(v_pred - v_topk), axis=0)  # [k]
    return (counts.mean(), diff.mean())

if __name__ == "__main__":
    import jax
    _d = setup_inputs()
    print(jax.jit(kernel)(*tuple(_d.values())))

</pallas_src>

<mosaic_0001>
#map = affine_map<(d0, d1) -> (0, 0)>
module attributes {stable_mosaic.version = 14 : i64} {
  func.func @_body(%arg0: i32, %arg1: i32, %arg2: memref<128x32768xf32, #tpu.memory_space<hbm>>, %arg3: memref<128x32768xf32, #tpu.memory_space<hbm>>, %arg4: memref<32x64xf32, #tpu.memory_space<hbm>>, %arg5: memref<32768xf32, #tpu.memory_space<vmem>>, %arg6: memref<32768xf32, #tpu.memory_space<vmem>>, %arg7: memref<10240xi32, #tpu.memory_space<vmem>>, %arg8: memref<10240xi32, #tpu.memory_space<vmem>>, %arg9: memref<16384xi32, #tpu.memory_space<vmem>>, %arg10: memref<256xi32, #tpu.memory_space<vmem>>, %arg11: memref<512xi32, #tpu.memory_space<vmem>>, %arg12: memref<512xi32, #tpu.memory_space<vmem>>, %arg13: memref<32xi32, #tpu.memory_space<vmem>>, %arg14: memref<64xf32, #tpu.memory_space<vmem>>, %arg15: memref<!tpu.dma_semaphore, #tpu.memory_space<semaphore_mem>>) attributes {dimension_semantics = [#tpu.dimension_semantics<core_parallel>, #tpu.dimension_semantics<subcore_parallel>], iteration_bounds = array<i64: 2, 16>, scalar_prefetch = 0 : i64, scratch_operands = 11 : i64, tpu.core_type = #tpu.core_type<sc_vector_subcore>, window_params = [{transform_indices = #map}, {transform_indices = #map}, {transform_indices = #map}]} {
    %iota3A = tpu.iota {dimensions = array<i32: 0>} : vector<16xi32>
    %broadcast_in_dim3A = arith.constant 1 : i32
    %broadcast_in_dim3A_0 = vector.broadcast %broadcast_in_dim3A : i32 to vector<16xi32>
    %broadcast_in_dim3A_1 = arith.constant 0 : i32
    %broadcast_in_dim3A_2 = vector.broadcast %broadcast_in_dim3A_1 : i32 to vector<16xi32>
    %mul3A = arith.constant 2 : i32
    %mul3A_3 = arith.muli %arg1, %mul3A : i32
    %add3A = arith.addi %mul3A_3, %arg0 : i32
    %mul3A_4 = arith.constant 4 : i32
    %mul3A_5 = arith.muli %add3A, %mul3A_4 : i32
    %dma_start3A = arith.constant 0 : i32
    %dma_start3A_6 = tpu.memref_slice %arg3[%mul3A_5, %dma_start3A] : memref<128x32768xf32, #tpu.memory_space<hbm>> -> memref<1x32768xf32, #tpu.memory_space<hbm>>
    %dma_start3A_7 = tpu.memref_squeeze %dma_start3A_6 : memref<1x32768xf32, #tpu.memory_space<hbm>> -> memref<32768xf32, #tpu.memory_space<hbm>>
    %dma_start3A_8 = arith.constant 0 : i32
    %dma_start3A_9 = tpu.memref_slice %arg3[%mul3A_5, %dma_start3A_8] : memref<128x32768xf32, #tpu.memory_space<hbm>> -> memref<1x32768xf32, #tpu.memory_space<hbm>>
    %dma_start3A_10 = tpu.memref_squeeze %dma_start3A_9 : memref<1x32768xf32, #tpu.memory_space<hbm>> -> memref<32768xf32, #tpu.memory_space<hbm>>
    tpu.enqueue_dma source(%dma_start3A_10 : memref<32768xf32, #tpu.memory_space<hbm>>) target(%arg5 : memref<32768xf32, #tpu.memory_space<vmem>>) target_semaphore(%arg15 : memref<!tpu.dma_semaphore, #tpu.memory_space<semaphore_mem>>)
    %scan3A = arith.constant 0 : i32
    %scan3A_11 = arith.constant 0 : i32
    %scan3A_12 = arith.constant 4 : i32
    %scan3A_13 = arith.addi %scan3A_11, %scan3A_12 : i32
    %scan3A_14 = arith.constant 1 : i32
    scf.for %scan3A_16 = %scan3A_11 to %scan3A_13 step %scan3A_14  : i32 {
      %mul3A_17 = arith.constant 4 : i32
      %mul3A_18 = arith.muli %add3A, %mul3A_17 : i32
      %add3A_19 = arith.addi %mul3A_18, %scan3A_16 : i32
      %dma_wait3A = arith.constant 0 : i32
      %dma_wait3A_20 = tpu.memref_slice %arg3[%add3A_19, %dma_wait3A] : memref<128x32768xf32, #tpu.memory_space<hbm>> -> memref<1x32768xf32, #tpu.memory_space<hbm>>
      %dma_wait3A_21 = tpu.memref_squeeze %dma_wait3A_20 : memref<1x32768xf32, #tpu.memory_space<hbm>> -> memref<32768xf32, #tpu.memory_space<hbm>>
      %dma_wait3A_22 = arith.constant 0 : i32
      %dma_wait3A_23 = tpu.memref_slice %arg3[%add3A_19, %dma_wait3A_22] : memref<128x32768xf32, #tpu.memory_space<hbm>> -> memref<1x32768xf32, #tpu.memory_space<hbm>>
      %dma_wait3A_24 = tpu.memref_squeeze %dma_wait3A_23 : memref<1x32768xf32, #tpu.memory_space<hbm>> -> memref<32768xf32, #tpu.memory_space<hbm>>
      tpu.wait_dma2 semaphore(%arg15 : memref<!tpu.dma_semaphore, #tpu.memory_space<semaphore_mem>>) src(%dma_wait3A_24 : memref<32768xf32, #tpu.memory_space<hbm>>) dst(%arg5 : memref<32768xf32, #tpu.memory_space<vmem>>)
      %dma_start3A_25 = arith.constant 0 : i32
      %dma_start3A_26 = tpu.memref_slice %arg2[%add3A_19, %dma_start3A_25] : memref<128x32768xf32, #tpu.memory_space<hbm>> -> memref<1x32768xf32, #tpu.memory_space<hbm>>
      %dma_start3A_27 = tpu.memref_squeeze %dma_start3A_26 : memref<1x32768xf32, #tpu.memory_space<hbm>> -> memref<32768xf32, #tpu.memory_space<hbm>>
      %dma_start3A_28 = arith.constant 0 : i32
      %dma_start3A_29 = tpu.memref_slice %arg2[%add3A_19, %dma_start3A_28] : memref<128x32768xf32, #tpu.memory_space<hbm>> -> memref<1x32768xf32, #tpu.memory_space<hbm>>
      %dma_start3A_30 = tpu.memref_squeeze %dma_start3A_29 : memref<1x32768xf32, #tpu.memory_space<hbm>> -> memref<32768xf32, #tpu.memory_space<hbm>>
      tpu.enqueue_dma source(%dma_start3A_30 : memref<32768xf32, #tpu.memory_space<hbm>>) target(%arg6 : memref<32768xf32, #tpu.memory_space<vmem>>) target_semaphore(%arg15 : memref<!tpu.dma_semaphore, #tpu.memory_space<semaphore_mem>>)
      %parallel_loop3A = arith.constant 0 : i32
      %parallel_loop3A_31 = arith.constant 1024 : i32
      %parallel_loop3A_32 = arith.constant 1 : i32
      scf.for %parallel_loop3A_652 = %parallel_loop3A to %parallel_loop3A_31 step %parallel_loop3A_32  : i32 {
        %parallel_loop3A_653 = arith.constant 16 : i32
        %parallel_loop3A_654 = arith.muli %parallel_loop3A_652, %parallel_loop3A_653 : i32
        %parallel_loop3A_655 = arith.index_cast %parallel_loop3A_654 : i32 to index
        %parallel_loop3A_656 = tpu.vector_load %arg9[%parallel_loop3A_655] {strides = array<i32>} : memref<16384xi32, #tpu.memory_space<vmem>>, vector<16xi32>,
        tpu.vector_store %arg9[%parallel_loop3A_655], %broadcast_in_dim3A_2 {strides = array<i32>} : memref<16384xi32, #tpu.memory_space<vmem>>, vector<16xi32>,
      } {sc.loop_unroll_factor = 8 : i64, sc.parallel_access}
      %parallel_loop3A_33 = arith.constant 0 : i32
      %parallel_loop3A_34 = arith.constant 2048 : i32
      %parallel_loop3A_35 = arith.constant 1 : i32
      scf.for %parallel_loop3A_652 = %parallel_loop3A_33 to %parallel_loop3A_34 step %parallel_loop3A_35  : i32 {
        %parallel_loop3A_653 = arith.constant 16 : i32
        %parallel_loop3A_654 = arith.muli %parallel_loop3A_652, %parallel_loop3A_653 : i32
        %parallel_loop3A_655 = arith.index_cast %parallel_loop3A_654 : i32 to index
        %parallel_loop3A_656 = tpu.vector_load %arg5[%parallel_loop3A_655] {strides = array<i32>} : memref<32768xf32, #tpu.memory_space<vmem>>, vector<16xf32>,
        %parallel_loop3A_657 = vector.bitcast %parallel_loop3A_656 : vector<16xf32> to vector<16xi32>
        %parallel_loop3A_658 = arith.constant 31 : i32
        %parallel_loop3A_659 = vector.broadcast %parallel_loop3A_658 : i32 to vector<16xi32>
        %parallel_loop3A_660 = arith.shrsi %parallel_loop3A_657, %parallel_loop3A_659 : vector<16xi32>
        %parallel_loop3A_661 = arith.constant 2147483647 : i32
        %parallel_loop3A_662 = vector.broadcast %parallel_loop3A_661 : i32 to vector<16xi32>
        %parallel_loop3A_663 = arith.andi %parallel_loop3A_660, %parallel_loop3A_662 : vector<16xi32>
        %parallel_loop3A_664 = arith.xori %parallel_loop3A_657, %parallel_loop3A_663 : vector<16xi32>
        %parallel_loop3A_665 = arith.constant 3 : i32
        %parallel_loop3A_666 = arith.andi %parallel_loop3A_652, %parallel_loop3A_665 : i32
        %parallel_loop3A_667 = arith.constant 12 : i32
        %parallel_loop3A_668 = arith.shli %parallel_loop3A_666, %parallel_loop3A_667 : i32
        %parallel_loop3A_669 = arith.constant 24 : i32
        %parallel_loop3A_670 = vector.broadcast %parallel_loop3A_669 : i32 to vector<16xi32>
        %parallel_loop3A_671 = arith.shrsi %parallel_loop3A_664, %parallel_loop3A_670 : vector<16xi32>
        %parallel_loop3A_672 = arith.constant 128 : i32
        %parallel_loop3A_673 = vector.broadcast %parallel_loop3A_672 : i32 to vector<16xi32>
        %parallel_loop3A_674 = arith.addi %parallel_loop3A_671, %parallel_loop3A_673 : vector<16xi32>
        %parallel_loop3A_675 = arith.constant 4 : i32
        %parallel_loop3A_676 = vector.broadcast %parallel_loop3A_675 : i32 to vector<16xi32>
        %parallel_loop3A_677 = arith.shli %parallel_loop3A_674, %parallel_loop3A_676 : vector<16xi32>
        %parallel_loop3A_678 = vector.broadcast %parallel_loop3A_668 : i32 to vector<16xi32>
        %parallel_loop3A_679 = arith.addi %parallel_loop3A_678, %parallel_loop3A_677 : vector<16xi32>
        %parallel_loop3A_680 = arith.addi %parallel_loop3A_679, %iota3A : vector<16xi32>
        tpu.vector_store_idx %arg9[%parallel_loop3A_680], %broadcast_in_dim3A_0 {add = true} : memref<16384xi32, #tpu.memory_space<vmem>>[vector<16xi32>], vector<16xi32>,
      } {sc.loop_unroll_factor = 4 : i64, sc.parallel_access}
      %scan3A_36 = arith.constant 0 : i32
      %scan3A_37 = arith.constant 16 : i32
      %scan3A_38 = arith.addi %scan3A_36, %scan3A_37 : i32
      %scan3A_39 = arith.constant 1 : i32
      %scan3A_40 = scf.for %scan3A_652 = %scan3A_36 to %scan3A_38 step %scan3A_39 iter_args(%scan3A_653 = %broadcast_in_dim3A_2) -> (vector<16xi32>)  : i32 {
        %mul3A_654 = arith.constant 256 : i32
        %mul3A_655 = arith.muli %scan3A_652, %mul3A_654 : i32
        %mul3A_656 = arith.constant 16 : i32
        %mul3A_657 = vector.broadcast %mul3A_656 : i32 to vector<16xi32>
        %mul3A_658 = arith.muli %iota3A, %mul3A_657 : vector<16xi32>
        %add3A_659 = vector.broadcast %mul3A_655 : i32 to vector<16xi32>
        %add3A_660 = arith.addi %add3A_659, %mul3A_658 : vector<16xi32>
        %add3A_661 = arith.constant 0 : i32
        %add3A_662 = vector.broadcast %add3A_661 : i32 to vector<16xi32>
        %add3A_663 = arith.addi %add3A_660, %add3A_662 : vector<16xi32>
        %gather3A = tpu.vector_load_idx %arg9[%add3A_663] : memref<16384xi32, #tpu.memory_space<vmem>>[vector<16xi32>], vector<16xi32>,
        %add3A_664 = arith.addi %broadcast_in_dim3A_2, %gather3A : vector<16xi32>
        %add3A_665 = arith.constant 1 : i32
        %add3A_666 = vector.broadcast %add3A_665 : i32 to vector<16xi32>
        %add3A_667 = arith.addi %add3A_660, %add3A_666 : vector<16xi32>
        %gather3A_668 = tpu.vector_load_idx %arg9[%add3A_667] : memref<16384xi32, #tpu.memory_space<vmem>>[vector<16xi32>], vector<16xi32>,
        %add3A_669 = arith.addi %broadcast_in_dim3A_2, %gather3A_668 : vector<16xi32>
        %add3A_670 = arith.constant 2 : i32
        %add3A_671 = vector.broadcast %add3A_670 : i32 to vector<16xi32>
        %add3A_672 = arith.addi %add3A_660, %add3A_671 : vector<16xi32>
        %gather3A_673 = tpu.vector_load_idx %arg9[%add3A_672] : memref<16384xi32, #tpu.memory_space<vmem>>[vector<16xi32>], vector<16xi32>,
        %add3A_674 = arith.addi %broadcast_in_dim3A_2, %gather3A_673 : vector<16xi32>
        %add3A_675 = arith.constant 3 : i32
        %add3A_676 = vector.broadcast %add3A_675 : i32 to vector<16xi32>
        %add3A_677 = arith.addi %add3A_660, %add3A_676 : vector<16xi32>
        %gather3A_678 = tpu.vector_load_idx %arg9[%add3A_677] : memref<16384xi32, #tpu.memory_space<vmem>>[vector<16xi32>], vector<16xi32>,
        %add3A_679 = arith.addi %broadcast_in_dim3A_2, %gather3A_678 : vector<16xi32>
        %add3A_680 = arith.constant 4 : i32
        %add3A_681 = vector.broadcast %add3A_680 : i32 to vector<16xi32>
        %add3A_682 = arith.addi %add3A_660, %add3A_681 : vector<16xi32>
        %gather3A_683 = tpu.vector_load_idx %arg9[%add3A_682] : memref<16384xi32, #tpu.memory_space<vmem>>[vector<16xi32>], vector<16xi32>,
        %add3A_684 = arith.addi %add3A_664, %gather3A_683 : vector<16xi32>
        %add3A_685 = arith.constant 5 : i32
        %add3A_686 = vector.broadcast %add3A_685 : i32 to vector<16xi32>
        %add3A_687 = arith.addi %add3A_660, %add3A_686 : vector<16xi32>
        %gather3A_688 = tpu.vector_load_idx %arg9[%add3A_687] : memref<16384xi32, #tpu.memory_space<vmem>>[vector<16xi32>], vector<16xi32>,
        %add3A_689 = arith.addi %add3A_669, %gather3A_688 : vector<16xi32>
        %add3A_690 = arith.constant 6 : i32
        %add3A_691 = vector.broadcast %add3A_690 : i32 to vector<16xi32>
        %add3A_692 = arith.addi %add3A_660, %add3A_691 : vector<16xi32>
        %gather3A_693 = tpu.vector_load_idx %arg9[%add3A_692] : memref<16384xi32, #tpu.memory_space<vmem>>[vector<16xi32>], vector<16xi32>,
        %add3A_694 = arith.addi %add3A_674, %gather3A_693 : vector<16xi32>
        %add3A_695 = arith.constant 7 : i32
        %add3A_696 = vector.broadcast %add3A_695 : i32 to vector<16xi32>
        %add3A_697 = arith.addi %add3A_660, %add3A_696 : vector<16xi32>
        %gather3A_698 = tpu.vector_load_idx %arg9[%add3A_697] : memref<16384xi32, #tpu.memory_space<vmem>>[vector<16xi32>], vector<16xi32>,
        %add3A_699 = arith.addi %add3A_679, %gather3A_698 : vector<16xi32>
        %add3A_700 = arith.constant 8 : i32
        %add3A_701 = vector.broadcast %add3A_700 : i32 to vector<16xi32>
        %add3A_702 = arith.addi %add3A_660, %add3A_701 : vector<16xi32>
        %gather3A_703 = tpu.vector_load_idx %arg9[%add3A_702] : memref<16384xi32, #tpu.memory_space<vmem>>[vector<16xi32>], vector<16xi32>,
        %add3A_704 = arith.addi %add3A_684, %gather3A_703 : vector<16xi32>
        %add3A_705 = arith.constant 9 : i32
        %add3A_706 = vector.broadcast %add3A_705 : i32 to vector<16xi32>
        %add3A_707 = arith.addi %add3A_660, %add3A_706 : vector<16xi32>
        %gather3A_708 = tpu.vector_load_idx %arg9[%add3A_707] : memref<16384xi32, #tpu.memory_space<vmem>>[vector<16xi32>], vector<16xi32>,
        %add3A_709 = arith.addi %add3A_689, %gather3A_708 : vector<16xi32>
        %add3A_710 = arith.constant 10 : i32
        %add3A_711 = vector.broadcast %add3A_710 : i32 to vector<16xi32>
        %add3A_712 = arith.addi %add3A_660, %add3A_711 : vector<16xi32>
        %gather3A_713 = tpu.vector_load_idx %arg9[%add3A_712] : memref<16384xi32, #tpu.memory_space<vmem>>[vector<16xi32>], vector<16xi32>,
        %add3A_714 = arith.addi %add3A_694, %gather3A_713 : vector<16xi32>
        %add3A_715 = arith.constant 11 : i32
        %add3A_716 = vector.broadcast %add3A_715 : i32 to vector<16xi32>
        %add3A_717 = arith.addi %add3A_660, %add3A_716 : vector<16xi32>
        %gather3A_718 = tpu.vector_load_idx %arg9[%add3A_717] : memref<16384xi32, #tpu.memory_space<vmem>>[vector<16xi32>], vector<16xi32>,
        %add3A_719 = arith.addi %add3A_699, %gather3A_718 : vector<16xi32>
        %add3A_720 = arith.constant 12 : i32
        %add3A_721 = vector.broadcast %add3A_720 : i32 to vector<16xi32>
        %add3A_722 = arith.addi %add3A_660, %add3A_721 : vector<16xi32>
        %gather3A_723 = tpu.vector_load_idx %arg9[%add3A_722] : memref<16384xi32, #tpu.memory_space<vmem>>[vector<16xi32>], vector<16xi32>,
        %add3A_724 = arith.addi %add3A_704, %gather3A_723 : vector<16xi32>
        %add3A_725 = arith.constant 13 : i32
        %add3A_726 = vector.broadcast %add3A_725 : i32 to vector<16xi32>
        %add3A_727 = arith.addi %add3A_660, %add3A_726 : vector<16xi32>
        %gather3A_728 = tpu.vector_load_idx %arg9[%add3A_727] : memref<16384xi32, #tpu.memory_space<vmem>>[vector<16xi32>], vector<16xi32>,
        %add3A_729 = arith.addi %add3A_709, %gather3A_728 : vector<16xi32>
        %add3A_730 = arith.constant 14 : i32
        %add3A_731 = vector.broadcast %add3A_730 : i32 to vector<16xi32>
        %add3A_732 = arith.addi %add3A_660, %add3A_731 : vector<16xi32>
        %gather3A_733 = tpu.vector_load_idx %arg9[%add3A_732] : memref<16384xi32, #tpu.memory_space<vmem>>[vector<16xi32>], vector<16xi32>,
        %add3A_734 = arith.addi %add3A_714, %gather3A_733 : vector<16xi32>
        %add3A_735 = arith.constant 15 : i32
        %add3A_736 = vector.broadcast %add3A_735 : i32 to vector<16xi32>
        %add3A_737 = arith.addi %add3A_660, %add3A_736 : vector<16xi32>
        %gather3A_738 = tpu.vector_load_idx %arg9[%add3A_737] : memref<16384xi32, #tpu.memory_space<vmem>>[vector<16xi32>], vector<16xi32>,
        %add3A_739 = arith.addi %add3A_719, %gather3A_738 : vector<16xi32>
        %add3A_740 = arith.constant 4096 : i32
        %add3A_741 = vector.broadcast %add3A_740 : i32 to vector<16xi32>
        %add3A_742 = arith.addi %add3A_660, %add3A_741 : vector<16xi32>
        %gather3A_743 = tpu.vector_load_idx %arg9[%add3A_742] : memref<16384xi32, #tpu.memory_space<vmem>>[vector<16xi32>], vector<16xi32>,
        %add3A_744 = arith.addi %add3A_724, %gather3A_743 : vector<16xi32>
        %add3A_745 = arith.constant 4097 : i32
        %add3A_746 = vector.broadcast %add3A_745 : i32 to vector<16xi32>
        %add3A_747 = arith.addi %add3A_660, %add3A_746 : vector<16xi32>
        %gather3A_748 = tpu.vector_load_idx %arg9[%add3A_747] : memref<16384xi32, #tpu.memory_space<vmem>>[vector<16xi32>], vector<16xi32>,
        %add3A_749 = arith.addi %add3A_729, %gather3A_748 : vector<16xi32>
        %add3A_750 = arith.constant 4098 : i32
        %add3A_751 = vector.broadcast %add3A_750 : i32 to vector<16xi32>
        %add3A_752 = arith.addi %add3A_660, %add3A_751 : vector<16xi32>
        %gather3A_753 = tpu.vector_load_idx %arg9[%add3A_752] : memref<16384xi32, #tpu.memory_space<vmem>>[vector<16xi32>], vector<16xi32>,
        %add3A_754 = arith.addi %add3A_734, %gather3A_753 : vector<16xi32>
        %add3A_755 = arith.constant 4099 : i32
        %add3A_756 = vector.broadcast %add3A_755 : i32 to vector<16xi32>
        %add3A_757 = arith.addi %add3A_660, %add3A_756 : vector<16xi32>
        %gather3A_758 = tpu.vector_load_idx %arg9[%add3A_757] : memref<16384xi32, #tpu.memory_space<vmem>>[vector<16xi32>], vector<16xi32>,
        %add3A_759 = arith.addi %add3A_739, %gather3A_758 : vector<16xi32>
        %add3A_760 = arith.constant 4100 : i32
        %add3A_761 = vector.broadcast %add3A_760 : i32 to vector<16xi32>
        %add3A_762 = arith.addi %add3A_660, %add3A_761 : vector<16xi32>
        %gather3A_763 = tpu.vector_load_idx %arg9[%add3A_762] : memref<16384xi32, #tpu.memory_space<vmem>>[vector<16xi32>], vector<16xi32>,
        %add3A_764 = arith.addi %add3A_744, %gather3A_763 : vector<16xi32>
        %add3A_765 = arith.constant 4101 : i32
        %add3A_766 = vector.broadcast %add3A_765 : i32 to vector<16xi32>
        %add3A_767 = arith.addi %add3A_660, %add3A_766 : vector<16xi32>
        %gather3A_768 = tpu.vector_load_idx %arg9[%add3A_767] : memref<16384xi32, #tpu.memory_space<vmem>>[vector<16xi32>], vector<16xi32>,
        %add3A_769 = arith.addi %add3A_749, %gather3A_768 : vector<16xi32>
        %add3A_770 = arith.constant 4102 : i32
        %add3A_771 = vector.broadcast %add3A_770 : i32 to vector<16xi32>
        %add3A_772 = arith.addi %add3A_660, %add3A_771 : vector<16xi32>
        %gather3A_773 = tpu.vector_load_idx %arg9[%add3A_772] : memref<16384xi32, #tpu.memory_space<vmem>>[vector<16xi32>], vector<16xi32>,
        %add3A_774 = arith.addi %add3A_754, %gather3A_773 : vector<16xi32>
        %add3A_775 = arith.constant 4103 : i32
        %add3A_776 = vector.broadcast %add3A_775 : i32 to vector<16xi32>
        %add3A_777 = arith.addi %add3A_660, %add3A_776 : vector<16xi32>
        %gather3A_778 = tpu.vector_load_idx %arg9[%add3A_777] : memref<16384xi32, #tpu.memory_space<vmem>>[vector<16xi32>], vector<16xi32>,
        %add3A_779 = arith.addi %add3A_759, %gather3A_778 : vector<16xi32>
        %add3A_780 = arith.constant 4104 : i32
        %add3A_781 = vector.broadcast %add3A_780 : i32 to vector<16xi32>
        %add3A_782 = arith.addi %add3A_660, %add3A_781 : vector<16xi32>
        %gather3A_783 = tpu.vector_load_idx %arg9[%add3A_782] : memref<16384xi32, #tpu.memory_space<vmem>>[vector<16xi32>], vector<16xi32>,
        %add3A_784 = arith.addi %add3A_764, %gather3A_783 : vector<16xi32>
        %add3A_785 = arith.constant 4105 : i32
        %add3A_786 = vector.broadcast %add3A_785 : i32 to vector<16xi32>
        %add3A_787 = arith.addi %add3A_660, %add3A_786 : vector<16xi32>
        %gather3A_788 = tpu.vector_load_idx %arg9[%add3A_787] : memref<16384xi32, #tpu.memory_space<vmem>>[vector<16xi32>], vector<16xi32>,
        %add3A_789 = arith.addi %add3A_769, %gather3A_788 : vector<16xi32>
        %add3A_790 = arith.constant 4106 : i32
        %add3A_791 = vector.broadcast %add3A_790 : i32 to vector<16xi32>
        %add3A_792 = arith.addi %add3A_660, %add3A_791 : vector<16xi32>
        %gather3A_793 = tpu.vector_load_idx %arg9[%add3A_792] : memref<16384xi32, #tpu.memory_space<vmem>>[vector<16xi32>], vector<16xi32>,
        %add3A_794 = arith.addi %add3A_774, %gather3A_793 : vector<16xi32>
        %add3A_795 = arith.constant 4107 : i32
        %add3A_796 = vector.broadcast %add3A_795 : i32 to vector<16xi32>
        %add3A_797 = arith.addi %add3A_660, %add3A_796 : vector<16xi32>
        %gather3A_798 = tpu.vector_load_idx %arg9[%add3A_797] : memref<16384xi32, #tpu.memory_space<vmem>>[vector<16xi32>], vector<16xi32>,
        %add3A_799 = arith.addi %add3A_779, %gather3A_798 : vector<16xi32>
        %add3A_800 = arith.constant 4108 : i32
        %add3A_801 = vector.broadcast %add3A_800 : i32 to vector<16xi32>
        %add3A_802 = arith.addi %add3A_660, %add3A_801 : vector<16xi32>
        %gather3A_803 = tpu.vector_load_idx %arg9[%add3A_802] : memref<16384xi32, #tpu.memory_space<vmem>>[vector<16xi32>], vector<16xi32>,
        %add3A_804 = arith.addi %add3A_784, %gather3A_803 : vector<16xi32>
        %add3A_805 = arith.constant 4109 : i32
        %add3A_806 = vector.broadcast %add3A_805 : i32 to vector<16xi32>
        %add3A_807 = arith.addi %add3A_660, %add3A_806 : vector<16xi32>
        %gather3A_808 = tpu.vector_load_idx %arg9[%add3A_807] : memref<16384xi32, #tpu.memory_space<vmem>>[vector<16xi32>], vector<16xi32>,
        %add3A_809 = arith.addi %add3A_789, %gather3A_808 : vector<16xi32>
        %add3A_810 = arith.constant 4110 : i32
        %add3A_811 = vector.broadcast %add3A_810 : i32 to vector<16xi32>
        %add3A_812 = arith.addi %add3A_660, %add3A_811 : vector<16xi32>
        %gather3A_813 = tpu.vector_load_idx %arg9[%add3A_812] : memref<16384xi32, #tpu.memory_space<vmem>>[vector<16xi32>], vector<16xi32>,
        %add3A_814 = arith.addi %add3A_794, %gather3A_813 : vector<16xi32>
        %add3A_815 = arith.constant 4111 : i32
        %add3A_816 = vector.broadcast %add3A_815 : i32 to vector<16xi32>
        %add3A_817 = arith.addi %add3A_660, %add3A_816 : vector<16xi32>
        %gather3A_818 = tpu.vector_load_idx %arg9[%add3A_817] : memref<16384xi32, #tpu.memory_space<vmem>>[vector<16xi32>], vector<16xi32>,
        %add3A_819 = arith.addi %add3A_799, %gather3A_818 : vector<16xi32>
        %add3A_820 = arith.constant 8192 : i32
        %add3A_821 = vector.broadcast %add3A_820 : i32 to vector<16xi32>
        %add3A_822 = arith.addi %add3A_660, %add3A_821 : vector<16xi32>
        %gather3A_823 = tpu.vector_load_idx %arg9[%add3A_822] : memref<16384xi32, #tpu.memory_space<vmem>>[vector<16xi32>], vector<16xi32>,
        %add3A_824 = arith.addi %add3A_804, %gather3A_823 : vector<16xi32>
        %add3A_825 = arith.constant 8193 : i32
        %add3A_826 = vector.broadcast %add3A_825 : i32 to vector<16xi32>
        %add3A_827 = arith.addi %add3A_660, %add3A_826 : vector<16xi32>
        %gather3A_828 = tpu.vector_load_idx %arg9[%add3A_827] : memref<16384xi32, #tpu.memory_space<vmem>>[vector<16xi32>], vector<16xi32>,
        %add3A_829 = arith.addi %add3A_809, %gather3A_828 : vector<16xi32>
        %add3A_830 = arith.constant 8194 : i32
        %add3A_831 = vector.broadcast %add3A_830 : i32 to vector<16xi32>
        %add3A_832 = arith.addi %add3A_660, %add3A_831 : vector<16xi32>
        %gather3A_833 = tpu.vector_load_idx %arg9[%add3A_832] : memref<16384xi32, #tpu.memory_space<vmem>>[vector<16xi32>], vector<16xi32>,
        %add3A_834 = arith.addi %add3A_814, %gather3A_833 : vector<16xi32>
        %add3A_835 = arith.constant 8195 : i32
        %add3A_836 = vector.broadcast %add3A_835 : i32 to vector<16xi32>
        %add3A_837 = arith.addi %add3A_660, %add3A_836 : vector<16xi32>
        %gather3A_838 = tpu.vector_load_idx %arg9[%add3A_837] : memref<16384xi32, #tpu.memory_space<vmem>>[vector<16xi32>], vector<16xi32>,
        %add3A_839 = arith.addi %add3A_819, %gather3A_838 : vector<16xi32>
        %add3A_840 = arith.constant 8196 : i32
        %add3A_841 = vector.broadcast %add3A_840 : i32 to vector<16xi32>
        %add3A_842 = arith.addi %add3A_660, %add3A_841 : vector<16xi32>
        %gather3A_843 = tpu.vector_load_idx %arg9[%add3A_842] : memref<16384xi32, #tpu.memory_space<vmem>>[vector<16xi32>], vector<16xi32>,
        %add3A_844 = arith.addi %add3A_824, %gather3A_843 : vector<16xi32>
        %add3A_845 = arith.constant 8197 : i32
        %add3A_846 = vector.broadcast %add3A_845 : i32 to vector<16xi32>
        %add3A_847 = arith.addi %add3A_660, %add3A_846 : vector<16xi32>
        %gather3A_848 = tpu.vector_load_idx %arg9[%add3A_847] : memref<16384xi32, #tpu.memory_space<vmem>>[vector<16xi32>], vector<16xi32>,
        %add3A_849 = arith.addi %add3A_829, %gather3A_848 : vector<16xi32>
        %add3A_850 = arith.constant 8198 : i32
        %add3A_851 = vector.broadcast %add3A_850 : i32 to vector<16xi32>
        %add3A_852 = arith.addi %add3A_660, %add3A_851 : vector<16xi32>
        %gather3A_853 = tpu.vector_load_idx %arg9[%add3A_852] : memref<16384xi32, #tpu.memory_space<vmem>>[vector<16xi32>], vector<16xi32>,
        %add3A_854 = arith.addi %add3A_834, %gather3A_853 : vector<16xi32>
        %add3A_855 = arith.constant 8199 : i32
        %add3A_856 = vector.broadcast %add3A_855 : i32 to vector<16xi32>
        %add3A_857 = arith.addi %add3A_660, %add3A_856 : vector<16xi32>
        %gather3A_858 = tpu.vector_load_idx %arg9[%add3A_857] : memref<16384xi32, #tpu.memory_space<vmem>>[vector<16xi32>], vector<16xi32>,
        %add3A_859 = arith.addi %add3A_839, %gather3A_858 : vector<16xi32>
        %add3A_860 = arith.constant 8200 : i32
        %add3A_861 = vector.broadcast %add3A_860 : i32 to vector<16xi32>
        %add3A_862 = arith.addi %add3A_660, %add3A_861 : vector<16xi32>
        %gather3A_863 = tpu.vector_load_idx %arg9[%add3A_862] : memref<16384xi32, #tpu.memory_space<vmem>>[vector<16xi32>], vector<16xi32>,
        %add3A_864 = arith.addi %add3A_844, %gather3A_863 : vector<16xi32>
        %add3A_865 = arith.constant 8201 : i32
        %add3A_866 = vector.broadcast %add3A_865 : i32 to vector<16xi32>
        %add3A_867 = arith.addi %add3A_660, %add3A_866 : vector<16xi32>
        %gather3A_868 = tpu.vector_load_idx %arg9[%add3A_867] : memref<16384xi32, #tpu.memory_space<vmem>>[vector<16xi32>], vector<16xi32>,
        %add3A_869 = arith.addi %add3A_849, %gather3A_868 : vector<16xi32>
        %add3A_870 = arith.constant 8202 : i32
        %add3A_871 = vector.broadcast %add3A_870 : i32 to vector<16xi32>
        %add3A_872 = arith.addi %add3A_660, %add3A_871 : vector<16xi32>
        %gather3A_873 = tpu.vector_load_idx %arg9[%add3A_872] : memref<16384xi32, #tpu.memory_space<vmem>>[vector<16xi32>], vector<16xi32>,
        %add3A_874 = arith.addi %add3A_854, %gather3A_873 : vector<16xi32>
        %add3A_875 = arith.constant 8203 : i32
        %add3A_876 = vector.broadcast %add3A_875 : i32 to vector<16xi32>
        %add3A_877 = arith.addi %add3A_660, %add3A_876 : vector<16xi32>
        %gather3A_878 = tpu.vector_load_idx %arg9[%add3A_877] : memref<16384xi32, #tpu.memory_space<vmem>>[vector<16xi32>], vector<16xi32>,
        %add3A_879 = arith.addi %add3A_859, %gather3A_878 : vector<16xi32>
        %add3A_880 = arith.constant 8204 : i32
        %add3A_881 = vector.broadcast %add3A_880 : i32 to vector<16xi32>
        %add3A_882 = arith.addi %add3A_660, %add3A_881 : vector<16xi32>
        %gather3A_883 = tpu.vector_load_idx %arg9[%add3A_882] : memref<16384xi32, #tpu.memory_space<vmem>>[vector<16xi32>], vector<16xi32>,
        %add3A_884 = arith.addi %add3A_864, %gather3A_883 : vector<16xi32>
        %add3A_885 = arith.constant 8205 : i32
        %add3A_886 = vector.broadcast %add3A_885 : i32 to vector<16xi32>
        %add3A_887 = arith.addi %add3A_660, %add3A_886 : vector<16xi32>
        %gather3A_888 = tpu.vector_load_idx %arg9[%add3A_887] : memref<16384xi32, #tpu.memory_space<vmem>>[vector<16xi32>], vector<16xi32>,
        %add3A_889 = arith.addi %add3A_869, %gather3A_888 : vector<16xi32>
        %add3A_890 = arith.constant 8206 : i32
        %add3A_891 = vector.broadcast %add3A_890 : i32 to vector<16xi32>
        %add3A_892 = arith.addi %add3A_660, %add3A_891 : vector<16xi32>
        %gather3A_893 = tpu.vector_load_idx %arg9[%add3A_892] : memref<16384xi32, #tpu.memory_space<vmem>>[vector<16xi32>], vector<16xi32>,
        %add3A_894 = arith.addi %add3A_874, %gather3A_893 : vector<16xi32>
        %add3A_895 = arith.constant 8207 : i32
        %add3A_896 = vector.broadcast %add3A_895 : i32 to vector<16xi32>
        %add3A_897 = arith.addi %add3A_660, %add3A_896 : vector<16xi32>
        %gather3A_898 = tpu.vector_load_idx %arg9[%add3A_897] : memref<16384xi32, #tpu.memory_space<vmem>>[vector<16xi32>], vector<16xi32>,
        %add3A_899 = arith.addi %add3A_879, %gather3A_898 : vector<16xi32>
        %add3A_900 = arith.constant 12288 : i32
        %add3A_901 = vector.broadcast %add3A_900 : i32 to vector<16xi32>
        %add3A_902 = arith.addi %add3A_660, %add3A_901 : vector<16xi32>
        %gather3A_903 = tpu.vector_load_idx %arg9[%add3A_902] : memref<16384xi32, #tpu.memory_space<vmem>>[vector<16xi32>], vector<16xi32>,
        %add3A_904 = arith.addi %add3A_884, %gather3A_903 : vector<16xi32>
        %add3A_905 = arith.constant 12289 : i32
        %add3A_906 = vector.broadcast %add3A_905 : i32 to vector<16xi32>
        %add3A_907 = arith.addi %add3A_660, %add3A_906 : vector<16xi32>
        %gather3A_908 = tpu.vector_load_idx %arg9[%add3A_907] : memref<16384xi32, #tpu.memory_space<vmem>>[vector<16xi32>], vector<16xi32>,
        %add3A_909 = arith.addi %add3A_889, %gather3A_908 : vector<16xi32>
        %add3A_910 = arith.constant 12290 : i32
        %add3A_911 = vector.broadcast %add3A_910 : i32 to vector<16xi32>
        %add3A_912 = arith.addi %add3A_660, %add3A_911 : vector<16xi32>
        %gather3A_913 = tpu.vector_load_idx %arg9[%add3A_912] : memref<16384xi32, #tpu.memory_space<vmem>>[vector<16xi32>], vector<16xi32>,
        %add3A_914 = arith.addi %add3A_894, %gather3A_913 : vector<16xi32>
        %add3A_915 = arith.constant 12291 : i32
        %add3A_916 = vector.broadcast %add3A_915 : i32 to vector<16xi32>
        %add3A_917 = arith.addi %add3A_660, %add3A_916 : vector<16xi32>
        %gather3A_918 = tpu.vector_load_idx %arg9[%add3A_917] : memref<16384xi32, #tpu.memory_space<vmem>>[vector<16xi32>], vector<16xi32>,
        %add3A_919 = arith.addi %add3A_899, %gather3A_918 : vector<16xi32>
        %add3A_920 = arith.constant 12292 : i32
        %add3A_921 = vector.broadcast %add3A_920 : i32 to vector<16xi32>
        %add3A_922 = arith.addi %add3A_660, %add3A_921 : vector<16xi32>
        %gather3A_923 = tpu.vector_load_idx %arg9[%add3A_922] : memref<16384xi32, #tpu.memory_space<vmem>>[vector<16xi32>], vector<16xi32>,
        %add3A_924 = arith.addi %add3A_904, %gather3A_923 : vector<16xi32>
        %add3A_925 = arith.constant 12293 : i32
        %add3A_926 = vector.broadcast %add3A_925 : i32 to vector<16xi32>
        %add3A_927 = arith.addi %add3A_660, %add3A_926 : vector<16xi32>
        %gather3A_928 = tpu.vector_load_idx %arg9[%add3A_927] : memref<16384xi32, #tpu.memory_space<vmem>>[vector<16xi32>], vector<16xi32>,
        %add3A_929 = arith.addi %add3A_909, %gather3A_928 : vector<16xi32>
        %add3A_930 = arith.constant 12294 : i32
        %add3A_931 = vector.broadcast %add3A_930 : i32 to vector<16xi32>
        %add3A_932 = arith.addi %add3A_660, %add3A_931 : vector<16xi32>
        %gather3A_933 = tpu.vector_load_idx %arg9[%add3A_932] : memref<16384xi32, #tpu.memory_space<vmem>>[vector<16xi32>], vector<16xi32>,
        %add3A_934 = arith.addi %add3A_914, %gather3A_933 : vector<16xi32>
        %add3A_935 = arith.constant 12295 : i32
        %add3A_936 = vector.broadcast %add3A_935 : i32 to vector<16xi32>
        %add3A_937 = arith.addi %add3A_660, %add3A_936 : vector<16xi32>
        %gather3A_938 = tpu.vector_load_idx %arg9[%add3A_937] : memref<16384xi32, #tpu.memory_space<vmem>>[vector<16xi32>], vector<16xi32>,
        %add3A_939 = arith.addi %add3A_919, %gather3A_938 : vector<16xi32>
        %add3A_940 = arith.constant 12296 : i32
        %add3A_941 = vector.broadcast %add3A_940 : i32 to vector<16xi32>
        %add3A_942 = arith.addi %add3A_660, %add3A_941 : vector<16xi32>
        %gather3A_943 = tpu.vector_load_idx %arg9[%add3A_942] : memref<16384xi32, #tpu.memory_space<vmem>>[vector<16xi32>], vector<16xi32>,
        %add3A_944 = arith.addi %add3A_924, %gather3A_943 : vector<16xi32>
        %add3A_945 = arith.constant 12297 : i32
        %add3A_946 = vector.broadcast %add3A_945 : i32 to vector<16xi32>
        %add3A_947 = arith.addi %add3A_660, %add3A_946 : vector<16xi32>
        %gather3A_948 = tpu.vector_load_idx %arg9[%add3A_947] : memref<16384xi32, #tpu.memory_space<vmem>>[vector<16xi32>], vector<16xi32>,
        %add3A_949 = arith.addi %add3A_929, %gather3A_948 : vector<16xi32>
        %add3A_950 = arith.constant 12298 : i32
        %add3A_951 = vector.broadcast %add3A_950 : i32 to vector<16xi32>
        %add3A_952 = arith.addi %add3A_660, %add3A_951 : vector<16xi32>
        %gather3A_953 = tpu.vector_load_idx %arg9[%add3A_952] : memref<16384xi32, #tpu.memory_space<vmem>>[vector<16xi32>], vector<16xi32>,
        %add3A_954 = arith.addi %add3A_934, %gather3A_953 : vector<16xi32>
        %add3A_955 = arith.constant 12299 : i32
        %add3A_956 = vector.broadcast %add3A_955 : i32 to vector<16xi32>
        %add3A_957 = arith.addi %add3A_660, %add3A_956 : vector<16xi32>
        %gather3A_958 = tpu.vector_load_idx %arg9[%add3A_957] : memref<16384xi32, #tpu.memory_space<vmem>>[vector<16xi32>], vector<16xi32>,
        %add3A_959 = arith.addi %add3A_939, %gather3A_958 : vector<16xi32>
        %add3A_960 = arith.constant 12300 : i32
        %add3A_961 = vector.broadcast %add3A_960 : i32 to vector<16xi32>
        %add3A_962 = arith.addi %add3A_660, %add3A_961 : vector<16xi32>
        %gather3A_963 = tpu.vector_load_idx %arg9[%add3A_962] : memref<16384xi32, #tpu.memory_space<vmem>>[vector<16xi32>], vector<16xi32>,
        %add3A_964 = arith.addi %add3A_944, %gather3A_963 : vector<16xi32>
        %add3A_965 = arith.constant 12301 : i32
        %add3A_966 = vector.broadcast %add3A_965 : i32 to vector<16xi32>
        %add3A_967 = arith.addi %add3A_660, %add3A_966 : vector<16xi32>
        %gather3A_968 = tpu.vector_load_idx %arg9[%add3A_967] : memref<16384xi32, #tpu.memory_space<vmem>>[vector<16xi32>], vector<16xi32>,
        %add3A_969 = arith.addi %add3A_949, %gather3A_968 : vector<16xi32>
        %add3A_970 = arith.constant 12302 : i32
        %add3A_971 = vector.broadcast %add3A_970 : i32 to vector<16xi32>
        %add3A_972 = arith.addi %add3A_660, %add3A_971 : vector<16xi32>
        %gather3A_973 = tpu.vector_load_idx %arg9[%add3A_972] : memref<16384xi32, #tpu.memory_space<vmem>>[vector<16xi32>], vector<16xi32>,
        %add3A_974 = arith.addi %add3A_954, %gather3A_973 : vector<16xi32>
        %add3A_975 = arith.constant 12303 : i32
        %add3A_976 = vector.broadcast %add3A_975 : i32 to vector<16xi32>
        %add3A_977 = arith.addi %add3A_660, %add3A_976 : vector<16xi32>
        %gather3A_978 = tpu.vector_load_idx %arg9[%add3A_977] : memref<16384xi32, #tpu.memory_space<vmem>>[vector<16xi32>], vector<16xi32>,
        %add3A_979 = arith.addi %add3A_959, %gather3A_978 : vector<16xi32>
        %add3A_980 = arith.addi %add3A_964, %add3A_969 : vector<16xi32>
        %add3A_981 = arith.addi %add3A_974, %add3A_979 : vector<16xi32>
        %add3A_982 = arith.addi %add3A_980, %add3A_981 : vector<16xi32>
        %mul3A_983 = arith.constant 16 : i32
        %mul3A_984 = arith.muli %scan3A_652, %mul3A_983 : i32
        %swap3A_985 = arith.index_cast %mul3A_984 : i32 to index
        %swap3A_986 = tpu.vector_load %arg10[%swap3A_985] {strides = array<i32>} : memref<256xi32, #tpu.memory_space<vmem>>, vector<16xi32>,
        tpu.vector_store %arg10[%swap3A_985], %add3A_982 {strides = array<i32>} : memref<256xi32, #tpu.memory_space<vmem>>, vector<16xi32>,
        %eq3A_987 = vector.broadcast %scan3A_652 : i32 to vector<16xi32>
        %eq3A_988 = arith.cmpi eq, %iota3A, %eq3A_987 : vector<16xi32>
        %reduce_sum3A_989 = arith.constant true
        %reduce_sum3A_990 = vector.broadcast %reduce_sum3A_989 : i1 to vector<16xi1>
        %reduce_sum3A_991 = tpu.scan <sum>, %add3A_982 masked %reduce_sum3A_990 : vector<16xi32>, vector<16xi1> -> vector<16xi32>
        %reduce_sum3A_992 = vector.extract %reduce_sum3A_991[15] : i32 from vector<16xi32>
        %broadcast_in_dim3A_993 = vector.broadcast %reduce_sum3A_992 : i32 to vector<16xi32>
        %select_n3A_994 = arith.select %eq3A_988, %broadcast_in_dim3A_993, %scan3A_653 : vector<16xi1>, vector<16xi32>
        scf.yield %select_n3A_994 : vector<16xi32>
      }
      %scan3A_41 = arith.constant 16 : i32
      %rev3A = arith.constant 15 : i32
      %rev3A_42 = vector.broadcast %rev3A : i32 to vector<16xi32>
      %rev3A_43 = tpu.iota {dimensions = array<i32: 0>} : vector<16xi32>
      %rev3A_44 = arith.subi %rev3A_42, %rev3A_43 : vector<16xi32>
      %rev3A_45 = tpu.dynamic_gather %scan3A_40[%rev3A_44] in [0] : vector<16xi32>, vector<16xi32> -> vector<16xi32>
      %broadcast_in_dim3A_46 = arith.constant true
      %broadcast_in_dim3A_47 = vector.broadcast %broadcast_in_dim3A_46 : i1 to vector<16xi1>
      %masked_cumsum3A = tpu.scan <sum>, %rev3A_45 masked %broadcast_in_dim3A_47 : vector<16xi32>, vector<16xi1> -> vector<16xi32>
      %rev3A_48 = arith.constant 15 : i32
      %rev3A_49 = vector.broadcast %rev3A_48 : i32 to vector<16xi32>
      %rev3A_50 = tpu.iota {dimensions = array<i32: 0>} : vector<16xi32>
      %rev3A_51 = arith.subi %rev3A_49, %rev3A_50 : vector<16xi32>
      %rev3A_52 = tpu.dynamic_gather %masked_cumsum3A[%rev3A_51] in [0] : vector<16xi32>, vector<16xi32> -> vector<16xi32>
      %ge3A = arith.constant 30 : i32
      %ge3A_53 = vector.broadcast %ge3A : i32 to vector<16xi32>
      %ge3A_54 = arith.cmpi sge, %rev3A_52, %ge3A_53 : vector<16xi32>
      %convert_element_type3A = arith.extui %ge3A_54 : vector<16xi1> to vector<16xi32>
      %reduce_sum3A = arith.constant true
      %reduce_sum3A_55 = vector.broadcast %reduce_sum3A : i1 to vector<16xi1>
      %reduce_sum3A_56 = tpu.scan <sum>, %convert_element_type3A masked %reduce_sum3A_55 : vector<16xi32>, vector<16xi1> -> vector<16xi32>
      %reduce_sum3A_57 = vector.extract %reduce_sum3A_56[15] : i32 from vector<16xi32>
      %sub3A = arith.constant 1 : i32
      %sub3A_58 = arith.subi %reduce_sum3A_57, %sub3A : i32
      %eq3A = vector.broadcast %sub3A_58 : i32 to vector<16xi32>
      %eq3A_59 = arith.cmpi eq, %iota3A, %eq3A : vector<16xi32>
      %jit3A = arith.constant -2147483648 : i32
      %broadcast_in_dim3A_60 = vector.broadcast %jit3A : i32 to vector<16xi32>
      %select_n3A = arith.select %eq3A_59, %rev3A_52, %broadcast_in_dim3A_60 : vector<16xi1>, vector<16xi32>
      %reduce_max3A = arith.constant true
      %reduce_max3A_61 = vector.broadcast %reduce_max3A : i1 to vector<16xi1>
      %reduce_max3A_62 = arith.constant -2147483648 : i32
      %reduce_max3A_63 = vector.broadcast %reduce_max3A_62 : i32 to vector<16xi32>
      %reduce_max3A_64 = arith.xori %select_n3A, %reduce_max3A_63 : vector<16xi32>
      %reduce_max3A_65 = tpu.scan <max>, %reduce_max3A_64 masked %reduce_max3A_61 : vector<16xi32>, vector<16xi1> -> vector<16xi32>
      %reduce_max3A_66 = arith.xori %reduce_max3A_65, %reduce_max3A_63 : vector<16xi32>
      %reduce_max3A_67 = vector.extract %reduce_max3A_66[15] : i32 from vector<16xi32>
      %eq3A_68 = vector.broadcast %sub3A_58 : i32 to vector<16xi32>
      %eq3A_69 = arith.cmpi eq, %iota3A, %eq3A_68 : vector<16xi32>
      %jit3A_70 = arith.constant -2147483648 : i32
      %broadcast_in_dim3A_71 = vector.broadcast %jit3A_70 : i32 to vector<16xi32>
      %select_n3A_72 = arith.select %eq3A_69, %scan3A_40, %broadcast_in_dim3A_71 : vector<16xi1>, vector<16xi32>
      %reduce_max3A_73 = arith.constant true
      %reduce_max3A_74 = vector.broadcast %reduce_max3A_73 : i1 to vector<16xi1>
      %reduce_max3A_75 = arith.constant -2147483648 : i32
      %reduce_max3A_76 = vector.broadcast %reduce_max3A_75 : i32 to vector<16xi32>
      %reduce_max3A_77 = arith.xori %select_n3A_72, %reduce_max3A_76 : vector<16xi32>
      %reduce_max3A_78 = tpu.scan <max>, %reduce_max3A_77 masked %reduce_max3A_74 : vector<16xi32>, vector<16xi1> -> vector<16xi32>
      %reduce_max3A_79 = arith.xori %reduce_max3A_78, %reduce_max3A_76 : vector<16xi32>
      %reduce_max3A_80 = vector.extract %reduce_max3A_79[15] : i32 from vector<16xi32>
      %sub3A_81 = arith.subi %reduce_max3A_67, %reduce_max3A_80 : i32
      %mul3A_82 = arith.constant 16 : i32
      %mul3A_83 = arith.muli %sub3A_58, %mul3A_82 : i32
      %get3A = arith.index_cast %mul3A_83 : i32 to index
      %get3A_84 = tpu.vector_load %arg10[%get3A] {strides = array<i32>} : memref<256xi32, #tpu.memory_space<vmem>>, vector<16xi32>,
      %rev3A_85 = arith.constant 15 : i32
      %rev3A_86 = vector.broadcast %rev3A_85 : i32 to vector<16xi32>
      %rev3A_87 = tpu.iota {dimensions = array<i32: 0>} : vector<16xi32>
      %rev3A_88 = arith.subi %rev3A_86, %rev3A_87 : vector<16xi32>
      %rev3A_89 = tpu.dynamic_gather %get3A_84[%rev3A_88] in [0] : vector<16xi32>, vector<16xi32> -> vector<16xi32>
      %broadcast_in_dim3A_90 = arith.constant true
      %broadcast_in_dim3A_91 = vector.broadcast %broadcast_in_dim3A_90 : i1 to vector<16xi1>
      %masked_cumsum3A_92 = tpu.scan <sum>, %rev3A_89 masked %broadcast_in_dim3A_91 : vector<16xi32>, vector<16xi1> -> vector<16xi32>
      %rev3A_93 = arith.constant 15 : i32
      %rev3A_94 = vector.broadcast %rev3A_93 : i32 to vector<16xi32>
      %rev3A_95 = tpu.iota {dimensions = array<i32: 0>} : vector<16xi32>
      %rev3A_96 = arith.subi %rev3A_94, %rev3A_95 : vector<16xi32>
      %rev3A_97 = tpu.dynamic_gather %masked_cumsum3A_92[%rev3A_96] in [0] : vector<16xi32>, vector<16xi32> -> vector<16xi32>
      %add3A_98 = vector.broadcast %sub3A_81 : i32 to vector<16xi32>
      %add3A_99 = arith.addi %rev3A_97, %add3A_98 : vector<16xi32>
      %ge3A_100 = arith.constant 30 : i32
      %ge3A_101 = vector.broadcast %ge3A_100 : i32 to vector<16xi32>
      %ge3A_102 = arith.cmpi sge, %add3A_99, %ge3A_101 : vector<16xi32>
      %convert_element_type3A_103 = arith.extui %ge3A_102 : vector<16xi1> to vector<16xi32>
      %reduce_sum3A_104 = arith.constant true
      %reduce_sum3A_105 = vector.broadcast %reduce_sum3A_104 : i1 to vector<16xi1>
      %reduce_sum3A_106 = tpu.scan <sum>, %convert_element_type3A_103 masked %reduce_sum3A_105 : vector<16xi32>, vector<16xi1> -> vector<16xi32>
      %reduce_sum3A_107 = vector.extract %reduce_sum3A_106[15] : i32 from vector<16xi32>
      %mul3A_108 = arith.constant 16 : i32
      %mul3A_109 = arith.muli %sub3A_58, %mul3A_108 : i32
      %add3A_110 = arith.addi %mul3A_109, %reduce_sum3A_107 : i32
      %sub3A_111 = arith.constant 1 : i32
      %sub3A_112 = arith.subi %add3A_110, %sub3A_111 : i32
      %sub3A_113 = arith.constant 1 : i32
      %sub3A_114 = arith.subi %reduce_sum3A_107, %sub3A_113 : i32
      %eq3A_115 = vector.broadcast %sub3A_114 : i32 to vector<16xi32>
      %eq3A_116 = arith.cmpi eq, %iota3A, %eq3A_115 : vector<16xi32>
      %jit3A_117 = arith.constant -2147483648 : i32
      %broadcast_in_dim3A_118 = vector.broadcast %jit3A_117 : i32 to vector<16xi32>
      %select_n3A_119 = arith.select %eq3A_116, %add3A_99, %broadcast_in_dim3A_118 : vector<16xi1>, vector<16xi32>
      %reduce_max3A_120 = arith.constant true
      %reduce_max3A_121 = vector.broadcast %reduce_max3A_120 : i1 to vector<16xi1>
      %reduce_max3A_122 = arith.constant -2147483648 : i32
      %reduce_max3A_123 = vector.broadcast %reduce_max3A_122 : i32 to vector<16xi32>
      %reduce_max3A_124 = arith.xori %select_n3A_119, %reduce_max3A_123 : vector<16xi32>
      %reduce_max3A_125 = tpu.scan <max>, %reduce_max3A_124 masked %reduce_max3A_121 : vector<16xi32>, vector<16xi1> -> vector<16xi32>
      %reduce_max3A_126 = arith.xori %reduce_max3A_125, %reduce_max3A_123 : vector<16xi32>
      %reduce_max3A_127 = vector.extract %reduce_max3A_126[15] : i32 from vector<16xi32>
      %sub3A_128 = arith.constant 1 : i32
      %sub3A_129 = arith.subi %reduce_sum3A_107, %sub3A_128 : i32
      %eq3A_130 = vector.broadcast %sub3A_129 : i32 to vector<16xi32>
      %eq3A_131 = arith.cmpi eq, %iota3A, %eq3A_130 : vector<16xi32>
      %jit3A_132 = arith.constant -2147483648 : i32
      %broadcast_in_dim3A_133 = vector.broadcast %jit3A_132 : i32 to vector<16xi32>
      %select_n3A_134 = arith.select %eq3A_131, %get3A_84, %broadcast_in_dim3A_133 : vector<16xi1>, vector<16xi32>
      %reduce_max3A_135 = arith.constant true
      %reduce_max3A_136 = vector.broadcast %reduce_max3A_135 : i1 to vector<16xi1>
      %reduce_max3A_137 = arith.constant -2147483648 : i32
      %reduce_max3A_138 = vector.broadcast %reduce_max3A_137 : i32 to vector<16xi32>
      %reduce_max3A_139 = arith.xori %select_n3A_134, %reduce_max3A_138 : vector<16xi32>
      %reduce_max3A_140 = tpu.scan <max>, %reduce_max3A_139 masked %reduce_max3A_136 : vector<16xi32>, vector<16xi1> -> vector<16xi32>
      %reduce_max3A_141 = arith.xori %reduce_max3A_140, %reduce_max3A_138 : vector<16xi32>
      %reduce_max3A_142 = vector.extract %reduce_max3A_141[15] : i32 from vector<16xi32>
      %sub3A_143 = arith.subi %reduce_max3A_127, %reduce_max3A_142 : i32
      %sub3A_144 = arith.constant 128 : i32
      %sub3A_145 = arith.subi %sub3A_112, %sub3A_144 : i32
      %shift_left3A = arith.constant 24 : i32
      %shift_left3A_146 = arith.shli %sub3A_145, %shift_left3A : i32
      %parallel_loop3A_147 = arith.constant 0 : i32
      %parallel_loop3A_148 = arith.constant 2048 : i32
      %parallel_loop3A_149 = arith.constant 1 : i32
      %parallel_loop3A_150 = scf.for %parallel_loop3A_652 = %parallel_loop3A_147 to %parallel_loop3A_148 step %parallel_loop3A_149 iter_args(%parallel_loop3A_653 = %broadcast_in_dim3A_2) -> (vector<16xi32>)  : i32 {
        %parallel_loop3A_654 = arith.constant 16 : i32
        %parallel_loop3A_655 = arith.muli %parallel_loop3A_652, %parallel_loop3A_654 : i32
        %parallel_loop3A_656 = arith.index_cast %parallel_loop3A_655 : i32 to index
        %parallel_loop3A_657 = tpu.vector_load %arg5[%parallel_loop3A_656] {strides = array<i32>} : memref<32768xf32, #tpu.memory_space<vmem>>, vector<16xf32>,
        %parallel_loop3A_658 = vector.bitcast %parallel_loop3A_657 : vector<16xf32> to vector<16xi32>
        %parallel_loop3A_659 = arith.constant 31 : i32
        %parallel_loop3A_660 = vector.broadcast %parallel_loop3A_659 : i32 to vector<16xi32>
        %parallel_loop3A_661 = arith.shrsi %parallel_loop3A_658, %parallel_loop3A_660 : vector<16xi32>
        %parallel_loop3A_662 = arith.constant 2147483647 : i32
        %parallel_loop3A_663 = vector.broadcast %parallel_loop3A_662 : i32 to vector<16xi32>
        %parallel_loop3A_664 = arith.andi %parallel_loop3A_661, %parallel_loop3A_663 : vector<16xi32>
        %parallel_loop3A_665 = arith.xori %parallel_loop3A_658, %parallel_loop3A_664 : vector<16xi32>
        %parallel_loop3A_666 = vector.broadcast %shift_left3A_146 : i32 to vector<16xi32>
        %parallel_loop3A_667 = arith.cmpi sge, %parallel_loop3A_665, %parallel_loop3A_666 : vector<16xi32>
        %parallel_loop3A_668 = arith.constant 640 : i32
        %parallel_loop3A_669 = vector.broadcast %parallel_loop3A_668 : i32 to vector<16xi32>
        %parallel_loop3A_670 = arith.cmpi slt, %parallel_loop3A_653, %parallel_loop3A_669 : vector<16xi32>
        %parallel_loop3A_671 = arith.andi %parallel_loop3A_667, %parallel_loop3A_670 : vector<16xi1>
        %parallel_loop3A_672 = arith.constant 4 : i32
        %parallel_loop3A_673 = vector.broadcast %parallel_loop3A_672 : i32 to vector<16xi32>
        %parallel_loop3A_674 = arith.shli %parallel_loop3A_653, %parallel_loop3A_673 : vector<16xi32>
        %parallel_loop3A_675 = arith.addi %parallel_loop3A_674, %iota3A : vector<16xi32>
        tpu.vector_store_idx %arg7[%parallel_loop3A_675], %parallel_loop3A_665 masked %parallel_loop3A_671 : memref<10240xi32, #tpu.memory_space<vmem>>[vector<16xi32>], vector<16xi32>, vector<16xi1>
        %parallel_loop3A_676 = arith.constant 4 : i32
        %parallel_loop3A_677 = arith.shli %parallel_loop3A_652, %parallel_loop3A_676 : i32
        %parallel_loop3A_678 = vector.broadcast %parallel_loop3A_677 : i32 to vector<16xi32>
        %parallel_loop3A_679 = arith.addi %parallel_loop3A_678, %iota3A : vector<16xi32>
        tpu.vector_store_idx %arg8[%parallel_loop3A_675], %parallel_loop3A_679 masked %parallel_loop3A_671 : memref<10240xi32, #tpu.memory_space<vmem>>[vector<16xi32>], vector<16xi32>, vector<16xi1>
        %parallel_loop3A_680 = arith.extui %parallel_loop3A_671 : vector<16xi1> to vector<16xi32>
        %parallel_loop3A_681 = arith.addi %parallel_loop3A_653, %parallel_loop3A_680 : vector<16xi32>
        scf.yield %parallel_loop3A_681 : vector<16xi32>
      } {sc.loop_unroll_factor = 4 : i64, sc.parallel_access}
      %reduce_max3A_151 = arith.constant true
      %reduce_max3A_152 = vector.broadcast %reduce_max3A_151 : i1 to vector<16xi1>
      %reduce_max3A_153 = arith.constant -2147483648 : i32
      %reduce_max3A_154 = vector.broadcast %reduce_max3A_153 : i32 to vector<16xi32>
      %reduce_max3A_155 = arith.xori %parallel_loop3A_150, %reduce_max3A_154 : vector<16xi32>
      %reduce_max3A_156 = tpu.scan <max>, %reduce_max3A_155 masked %reduce_max3A_152 : vector<16xi32>, vector<16xi1> -> vector<16xi32>
      %reduce_max3A_157 = arith.xori %reduce_max3A_156, %reduce_max3A_154 : vector<16xi32>
      %reduce_max3A_158 = vector.extract %reduce_max3A_157[15] : i32 from vector<16xi32>
      %parallel_loop3A_159 = arith.constant 0 : i32
      %parallel_loop3A_160 = arith.constant 256 : i32
      %parallel_loop3A_161 = arith.constant 1 : i32
      scf.for %parallel_loop3A_652 = %parallel_loop3A_159 to %parallel_loop3A_160 step %parallel_loop3A_161  : i32 {
        %parallel_loop3A_653 = arith.constant 16 : i32
        %parallel_loop3A_654 = arith.muli %parallel_loop3A_652, %parallel_loop3A_653 : i32
        %parallel_loop3A_655 = arith.index_cast %parallel_loop3A_654 : i32 to index
        %parallel_loop3A_656 = tpu.vector_load %arg9[%parallel_loop3A_655] {strides = array<i32>} : memref<16384xi32, #tpu.memory_space<vmem>>, vector<16xi32>,
        tpu.vector_store %arg9[%parallel_loop3A_655], %broadcast_in_dim3A_2 {strides = array<i32>} : memref<16384xi32, #tpu.memory_space<vmem>>, vector<16xi32>,
      } {sc.loop_unroll_factor = 8 : i64, sc.parallel_access}
      %sub3A_162 = arith.constant 128 : i32
      %sub3A_163 = arith.subi %sub3A_112, %sub3A_162 : i32
      %while3A = arith.constant 0 : i32
      %while3A_164 = arith.constant 0 : i32
      %while3A_165 = arith.subi %reduce_max3A_158, %while3A_164 : i32
      %while3A_166 = arith.addi %while3A_164, %while3A_165 : i32
      %while3A_167 = arith.constant 1 : i32
      %while3A_168 = arith.divsi %while3A_165, %while3A_167 : i32
      %while3A_169 = arith.muli %while3A_168, %while3A_167 : i32
      %while3A_170 = arith.addi %while3A_164, %while3A_169 : i32
      %while3A_171 = arith.constant 1 : i32
      scf.for %while3A_652 = %while3A_164 to %while3A_170 step %while3A_171  : i32 {
        %mul3A_653 = arith.constant 16 : i32
        %mul3A_654 = arith.muli %while3A_652, %mul3A_653 : i32
        %get3A_655 = arith.index_cast %mul3A_654 : i32 to index
        %get3A_656 = tpu.vector_load %arg7[%get3A_655] {strides = array<i32>} : memref<10240xi32, #tpu.memory_space<vmem>>, vector<16xi32>,
        %lt3A_657 = vector.broadcast %while3A_652 : i32 to vector<16xi32>
        %lt3A_658 = arith.cmpi slt, %lt3A_657, %parallel_loop3A_150 : vector<16xi32>
        %shift_right_arithmetic3A_659 = arith.constant 24 : i32
        %shift_right_arithmetic3A_660 = vector.broadcast %shift_right_arithmetic3A_659 : i32 to vector<16xi32>
        %shift_right_arithmetic3A_661 = arith.shrsi %get3A_656, %shift_right_arithmetic3A_660 : vector<16xi32>
        %eq3A_662 = vector.broadcast %sub3A_163 : i32 to vector<16xi32>
        %eq3A_663 = arith.cmpi eq, %shift_right_arithmetic3A_661, %eq3A_662 : vector<16xi32>
        %and3A_664 = arith.andi %lt3A_658, %eq3A_663 : vector<16xi1>
        %shift_right_arithmetic3A_665 = arith.constant 16 : i32
        %shift_right_arithmetic3A_666 = vector.broadcast %shift_right_arithmetic3A_665 : i32 to vector<16xi32>
        %shift_right_arithmetic3A_667 = arith.shrsi %get3A_656, %shift_right_arithmetic3A_666 : vector<16xi32>
        %and3A_668 = arith.constant 255 : i32
        %and3A_669 = vector.broadcast %and3A_668 : i32 to vector<16xi32>
        %and3A_670 = arith.andi %shift_right_arithmetic3A_667, %and3A_669 : vector<16xi32>
        %shift_left3A_671 = arith.constant 4 : i32
        %shift_left3A_672 = vector.broadcast %shift_left3A_671 : i32 to vector<16xi32>
        %shift_left3A_673 = arith.shli %and3A_670, %shift_left3A_672 : vector<16xi32>
        %add3A_674 = arith.addi %shift_left3A_673, %iota3A : vector<16xi32>
        tpu.vector_store_idx %arg9[%add3A_674], %broadcast_in_dim3A_0 masked %and3A_664 {add = true} : memref<16384xi32, #tpu.memory_space<vmem>>[vector<16xi32>], vector<16xi32>, vector<16xi1>
      }
      %while3A_172 = arith.constant 1 : i32
      scf.for %while3A_652 = %while3A_170 to %while3A_166 step %while3A_172  : i32 {
        %mul3A_653 = arith.constant 16 : i32
        %mul3A_654 = arith.muli %while3A_652, %mul3A_653 : i32
        %get3A_655 = arith.index_cast %mul3A_654 : i32 to index
        %get3A_656 = tpu.vector_load %arg7[%get3A_655] {strides = array<i32>} : memref<10240xi32, #tpu.memory_space<vmem>>, vector<16xi32>,
        %lt3A_657 = vector.broadcast %while3A_652 : i32 to vector<16xi32>
        %lt3A_658 = arith.cmpi slt, %lt3A_657, %parallel_loop3A_150 : vector<16xi32>
        %shift_right_arithmetic3A_659 = arith.constant 24 : i32
        %shift_right_arithmetic3A_660 = vector.broadcast %shift_right_arithmetic3A_659 : i32 to vector<16xi32>
        %shift_right_arithmetic3A_661 = arith.shrsi %get3A_656, %shift_right_arithmetic3A_660 : vector<16xi32>
        %eq3A_662 = vector.broadcast %sub3A_163 : i32 to vector<16xi32>
        %eq3A_663 = arith.cmpi eq, %shift_right_arithmetic3A_661, %eq3A_662 : vector<16xi32>
        %and3A_664 = arith.andi %lt3A_658, %eq3A_663 : vector<16xi1>
        %shift_right_arithmetic3A_665 = arith.constant 16 : i32
        %shift_right_arithmetic3A_666 = vector.broadcast %shift_right_arithmetic3A_665 : i32 to vector<16xi32>
        %shift_right_arithmetic3A_667 = arith.shrsi %get3A_656, %shift_right_arithmetic3A_666 : vector<16xi32>
        %and3A_668 = arith.constant 255 : i32
        %and3A_669 = vector.broadcast %and3A_668 : i32 to vector<16xi32>
        %and3A_670 = arith.andi %shift_right_arithmetic3A_667, %and3A_669 : vector<16xi32>
        %shift_left3A_671 = arith.constant 4 : i32
        %shift_left3A_672 = vector.broadcast %shift_left3A_671 : i32 to vector<16xi32>
        %shift_left3A_673 = arith.shli %and3A_670, %shift_left3A_672 : vector<16xi32>
        %add3A_674 = arith.addi %shift_left3A_673, %iota3A : vector<16xi32>
        tpu.vector_store_idx %arg9[%add3A_674], %broadcast_in_dim3A_0 masked %and3A_664 {add = true} : memref<16384xi32, #tpu.memory_space<vmem>>[vector<16xi32>], vector<16xi32>, vector<16xi1>
      }
      %sub3A_173 = arith.constant 30 : i32
      %sub3A_174 = arith.subi %sub3A_173, %sub3A_143 : i32
      %scan3A_175 = arith.constant 0 : i32
      %scan3A_176 = arith.constant 16 : i32
      %scan3A_177 = arith.addi %scan3A_175, %scan3A_176 : i32
      %scan3A_178 = arith.constant 1 : i32
      %scan3A_179 = scf.for %scan3A_652 = %scan3A_175 to %scan3A_177 step %scan3A_178 iter_args(%scan3A_653 = %broadcast_in_dim3A_2) -> (vector<16xi32>)  : i32 {
        %mul3A_654 = arith.constant 256 : i32
        %mul3A_655 = arith.muli %scan3A_652, %mul3A_654 : i32
        %mul3A_656 = arith.constant 16 : i32
        %mul3A_657 = vector.broadcast %mul3A_656 : i32 to vector<16xi32>
        %mul3A_658 = arith.muli %iota3A, %mul3A_657 : vector<16xi32>
        %add3A_659 = vector.broadcast %mul3A_655 : i32 to vector<16xi32>
        %add3A_660 = arith.addi %add3A_659, %mul3A_658 : vector<16xi32>
        %add3A_661 = arith.constant 0 : i32
        %add3A_662 = vector.broadcast %add3A_661 : i32 to vector<16xi32>
        %add3A_663 = arith.addi %add3A_660, %add3A_662 : vector<16xi32>
        %gather3A = tpu.vector_load_idx %arg9[%add3A_663] : memref<16384xi32, #tpu.memory_space<vmem>>[vector<16xi32>], vector<16xi32>,
        %add3A_664 = arith.addi %broadcast_in_dim3A_2, %gather3A : vector<16xi32>
        %add3A_665 = arith.constant 1 : i32
        %add3A_666 = vector.broadcast %add3A_665 : i32 to vector<16xi32>
        %add3A_667 = arith.addi %add3A_660, %add3A_666 : vector<16xi32>
        %gather3A_668 = tpu.vector_load_idx %arg9[%add3A_667] : memref<16384xi32, #tpu.memory_space<vmem>>[vector<16xi32>], vector<16xi32>,
        %add3A_669 = arith.addi %broadcast_in_dim3A_2, %gather3A_668 : vector<16xi32>
        %add3A_670 = arith.constant 2 : i32
        %add3A_671 = vector.broadcast %add3A_670 : i32 to vector<16xi32>
        %add3A_672 = arith.addi %add3A_660, %add3A_671 : vector<16xi32>
        %gather3A_673 = tpu.vector_load_idx %arg9[%add3A_672] : memref<16384xi32, #tpu.memory_space<vmem>>[vector<16xi32>], vector<16xi32>,
        %add3A_674 = arith.addi %broadcast_in_dim3A_2, %gather3A_673 : vector<16xi32>
        %add3A_675 = arith.constant 3 : i32
        %add3A_676 = vector.broadcast %add3A_675 : i32 to vector<16xi32>
        %add3A_677 = arith.addi %add3A_660, %add3A_676 : vector<16xi32>
        %gather3A_678 = tpu.vector_load_idx %arg9[%add3A_677] : memref<16384xi32, #tpu.memory_space<vmem>>[vector<16xi32>], vector<16xi32>,
        %add3A_679 = arith.addi %broadcast_in_dim3A_2, %gather3A_678 : vector<16xi32>
        %add3A_680 = arith.constant 4 : i32
        %add3A_681 = vector.broadcast %add3A_680 : i32 to vector<16xi32>
        %add3A_682 = arith.addi %add3A_660, %add3A_681 : vector<16xi32>
        %gather3A_683 = tpu.vector_load_idx %arg9[%add3A_682] : memref<16384xi32, #tpu.memory_space<vmem>>[vector<16xi32>], vector<16xi32>,
        %add3A_684 = arith.addi %add3A_664, %gather3A_683 : vector<16xi32>
        %add3A_685 = arith.constant 5 : i32
        %add3A_686 = vector.broadcast %add3A_685 : i32 to vector<16xi32>
        %add3A_687 = arith.addi %add3A_660, %add3A_686 : vector<16xi32>
        %gather3A_688 = tpu.vector_load_idx %arg9[%add3A_687] : memref<16384xi32, #tpu.memory_space<vmem>>[vector<16xi32>], vector<16xi32>,
        %add3A_689 = arith.addi %add3A_669, %gather3A_688 : vector<16xi32>
        %add3A_690 = arith.constant 6 : i32
        %add3A_691 = vector.broadcast %add3A_690 : i32 to vector<16xi32>
        %add3A_692 = arith.addi %add3A_660, %add3A_691 : vector<16xi32>
        %gather3A_693 = tpu.vector_load_idx %arg9[%add3A_692] : memref<16384xi32, #tpu.memory_space<vmem>>[vector<16xi32>], vector<16xi32>,
        %add3A_694 = arith.addi %add3A_674, %gather3A_693 : vector<16xi32>
        %add3A_695 = arith.constant 7 : i32
        %add3A_696 = vector.broadcast %add3A_695 : i32 to vector<16xi32>
        %add3A_697 = arith.addi %add3A_660, %add3A_696 : vector<16xi32>
        %gather3A_698 = tpu.vector_load_idx %arg9[%add3A_697] : memref<16384xi32, #tpu.memory_space<vmem>>[vector<16xi32>], vector<16xi32>,
        %add3A_699 = arith.addi %add3A_679, %gather3A_698 : vector<16xi32>
        %add3A_700 = arith.constant 8 : i32
        %add3A_701 = vector.broadcast %add3A_700 : i32 to vector<16xi32>
        %add3A_702 = arith.addi %add3A_660, %add3A_701 : vector<16xi32>
        %gather3A_703 = tpu.vector_load_idx %arg9[%add3A_702] : memref<16384xi32, #tpu.memory_space<vmem>>[vector<16xi32>], vector<16xi32>,
        %add3A_704 = arith.addi %add3A_684, %gather3A_703 : vector<16xi32>
        %add3A_705 = arith.constant 9 : i32
        %add3A_706 = vector.broadcast %add3A_705 : i32 to vector<16xi32>
        %add3A_707 = arith.addi %add3A_660, %add3A_706 : vector<16xi32>
        %gather3A_708 = tpu.vector_load_idx %arg9[%add3A_707] : memref<16384xi32, #tpu.memory_space<vmem>>[vector<16xi32>], vector<16xi32>,
        %add3A_709 = arith.addi %add3A_689, %gather3A_708 : vector<16xi32>
        %add3A_710 = arith.constant 10 : i32
        %add3A_711 = vector.broadcast %add3A_710 : i32 to vector<16xi32>
        %add3A_712 = arith.addi %add3A_660, %add3A_711 : vector<16xi32>
        %gather3A_713 = tpu.vector_load_idx %arg9[%add3A_712] : memref<16384xi32, #tpu.memory_space<vmem>>[vector<16xi32>], vector<16xi32>,
        %add3A_714 = arith.addi %add3A_694, %gather3A_713 : vector<16xi32>
        %add3A_715 = arith.constant 11 : i32
        %add3A_716 = vector.broadcast %add3A_715 : i32 to vector<16xi32>
        %add3A_717 = arith.addi %add3A_660, %add3A_716 : vector<16xi32>
        %gather3A_718 = tpu.vector_load_idx %arg9[%add3A_717] : memref<16384xi32, #tpu.memory_space<vmem>>[vector<16xi32>], vector<16xi32>,
        %add3A_719 = arith.addi %add3A_699, %gather3A_718 : vector<16xi32>
        %add3A_720 = arith.constant 12 : i32
        %add3A_721 = vector.broadcast %add3A_720 : i32 to vector<16xi32>
        %add3A_722 = arith.addi %add3A_660, %add3A_721 : vector<16xi32>
        %gather3A_723 = tpu.vector_load_idx %arg9[%add3A_722] : memref<16384xi32, #tpu.memory_space<vmem>>[vector<16xi32>], vector<16xi32>,
        %add3A_724 = arith.addi %add3A_704, %gather3A_723 : vector<16xi32>
        %add3A_725 = arith.constant 13 : i32
        %add3A_726 = vector.broadcast %add3A_725 : i32 to vector<16xi32>
        %add3A_727 = arith.addi %add3A_660, %add3A_726 : vector<16xi32>
        %gather3A_728 = tpu.vector_load_idx %arg9[%add3A_727] : memref<16384xi32, #tpu.memory_space<vmem>>[vector<16xi32>], vector<16xi32>,
        %add3A_729 = arith.addi %add3A_709, %gather3A_728 : vector<16xi32>
        %add3A_730 = arith.constant 14 : i32
        %add3A_731 = vector.broadcast %add3A_730 : i32 to vector<16xi32>
        %add3A_732 = arith.addi %add3A_660, %add3A_731 : vector<16xi32>
        %gather3A_733 = tpu.vector_load_idx %arg9[%add3A_732] : memref<16384xi32, #tpu.memory_space<vmem>>[vector<16xi32>], vector<16xi32>,
        %add3A_734 = arith.addi %add3A_714, %gather3A_733 : vector<16xi32>
        %add3A_735 = arith.constant 15 : i32
        %add3A_736 = vector.broadcast %add3A_735 : i32 to vector<16xi32>
        %add3A_737 = arith.addi %add3A_660, %add3A_736 : vector<16xi32>
        %gather3A_738 = tpu.vector_load_idx %arg9[%add3A_737] : memref<16384xi32, #tpu.memory_space<vmem>>[vector<16xi32>], vector<16xi32>,
        %add3A_739 = arith.addi %add3A_719, %gather3A_738 : vector<16xi32>
        %add3A_740 = arith.addi %add3A_724, %add3A_729 : vector<16xi32>
        %add3A_741 = arith.addi %add3A_734, %add3A_739 : vector<16xi32>
        %add3A_742 = arith.addi %add3A_740, %add3A_741 : vector<16xi32>
        %mul3A_743 = arith.constant 16 : i32
        %mul3A_744 = arith.muli %scan3A_652, %mul3A_743 : i32
        %swap3A_745 = arith.index_cast %mul3A_744 : i32 to index
        %swap3A_746 = tpu.vector_load %arg10[%swap3A_745] {strides = array<i32>} : memref<256xi32, #tpu.memory_space<vmem>>, vector<16xi32>,
        tpu.vector_store %arg10[%swap3A_745], %add3A_742 {strides = array<i32>} : memref<256xi32, #tpu.memory_space<vmem>>, vector<16xi32>,
        %eq3A_747 = vector.broadcast %scan3A_652 : i32 to vector<16xi32>
        %eq3A_748 = arith.cmpi eq, %iota3A, %eq3A_747 : vector<16xi32>
        %reduce_sum3A_749 = arith.constant true
        %reduce_sum3A_750 = vector.broadcast %reduce_sum3A_749 : i1 to vector<16xi1>
        %reduce_sum3A_751 = tpu.scan <sum>, %add3A_742 masked %reduce_sum3A_750 : vector<16xi32>, vector<16xi1> -> vector<16xi32>
        %reduce_sum3A_752 = vector.extract %reduce_sum3A_751[15] : i32 from vector<16xi32>
        %broadcast_in_dim3A_753 = vector.broadcast %reduce_sum3A_752 : i32 to vector<16xi32>
        %select_n3A_754 = arith.select %eq3A_748, %broadcast_in_dim3A_753, %scan3A_653 : vector<16xi1>, vector<16xi32>
        scf.yield %select_n3A_754 : vector<16xi32>
      }
      %scan3A_180 = arith.constant 16 : i32
      %rev3A_181 = arith.constant 15 : i32
      %rev3A_182 = vector.broadcast %rev3A_181 : i32 to vector<16xi32>
      %rev3A_183 = tpu.iota {dimensions = array<i32: 0>} : vector<16xi32>
      %rev3A_184 = arith.subi %rev3A_182, %rev3A_183 : vector<16xi32>
      %rev3A_185 = tpu.dynamic_gather %scan3A_179[%rev3A_184] in [0] : vector<16xi32>, vector<16xi32> -> vector<16xi32>
      %broadcast_in_dim3A_186 = arith.constant true
      %broadcast_in_dim3A_187 = vector.broadcast %broadcast_in_dim3A_186 : i1 to vector<16xi1>
      %masked_cumsum3A_188 = tpu.scan <sum>, %rev3A_185 masked %broadcast_in_dim3A_187 : vector<16xi32>, vector<16xi1> -> vector<16xi32>
      %rev3A_189 = arith.constant 15 : i32
      %rev3A_190 = vector.broadcast %rev3A_189 : i32 to vector<16xi32>
      %rev3A_191 = tpu.iota {dimensions = array<i32: 0>} : vector<16xi32>
      %rev3A_192 = arith.subi %rev3A_190, %rev3A_191 : vector<16xi32>
      %rev3A_193 = tpu.dynamic_gather %masked_cumsum3A_188[%rev3A_192] in [0] : vector<16xi32>, vector<16xi32> -> vector<16xi32>
      %ge3A_194 = vector.broadcast %sub3A_174 : i32 to vector<16xi32>
      %ge3A_195 = arith.cmpi sge, %rev3A_193, %ge3A_194 : vector<16xi32>
      %convert_element_type3A_196 = arith.extui %ge3A_195 : vector<16xi1> to vector<16xi32>
      %reduce_sum3A_197 = arith.constant true
      %reduce_sum3A_198 = vector.broadcast %reduce_sum3A_197 : i1 to vector<16xi1>
      %reduce_sum3A_199 = tpu.scan <sum>, %convert_element_type3A_196 masked %reduce_sum3A_198 : vector<16xi32>, vector<16xi1> -> vector<16xi32>
      %reduce_sum3A_200 = vector.extract %reduce_sum3A_199[15] : i32 from vector<16xi32>
      %sub3A_201 = arith.constant 1 : i32
      %sub3A_202 = arith.subi %reduce_sum3A_200, %sub3A_201 : i32
      %eq3A_203 = vector.broadcast %sub3A_202 : i32 to vector<16xi32>
      %eq3A_204 = arith.cmpi eq, %iota3A, %eq3A_203 : vector<16xi32>
      %jit3A_205 = arith.constant -2147483648 : i32
      %broadcast_in_dim3A_206 = vector.broadcast %jit3A_205 : i32 to vector<16xi32>
      %select_n3A_207 = arith.select %eq3A_204, %rev3A_193, %broadcast_in_dim3A_206 : vector<16xi1>, vector<16xi32>
      %reduce_max3A_208 = arith.constant true
      %reduce_max3A_209 = vector.broadcast %reduce_max3A_208 : i1 to vector<16xi1>
      %reduce_max3A_210 = arith.constant -2147483648 : i32
      %reduce_max3A_211 = vector.broadcast %reduce_max3A_210 : i32 to vector<16xi32>
      %reduce_max3A_212 = arith.xori %select_n3A_207, %reduce_max3A_211 : vector<16xi32>
      %reduce_max3A_213 = tpu.scan <max>, %reduce_max3A_212 masked %reduce_max3A_209 : vector<16xi32>, vector<16xi1> -> vector<16xi32>
      %reduce_max3A_214 = arith.xori %reduce_max3A_213, %reduce_max3A_211 : vector<16xi32>
      %reduce_max3A_215 = vector.extract %reduce_max3A_214[15] : i32 from vector<16xi32>
      %eq3A_216 = vector.broadcast %sub3A_202 : i32 to vector<16xi32>
      %eq3A_217 = arith.cmpi eq, %iota3A, %eq3A_216 : vector<16xi32>
      %jit3A_218 = arith.constant -2147483648 : i32
      %broadcast_in_dim3A_219 = vector.broadcast %jit3A_218 : i32 to vector<16xi32>
      %select_n3A_220 = arith.select %eq3A_217, %scan3A_179, %broadcast_in_dim3A_219 : vector<16xi1>, vector<16xi32>
      %reduce_max3A_221 = arith.constant true
      %reduce_max3A_222 = vector.broadcast %reduce_max3A_221 : i1 to vector<16xi1>
      %reduce_max3A_223 = arith.constant -2147483648 : i32
      %reduce_max3A_224 = vector.broadcast %reduce_max3A_223 : i32 to vector<16xi32>
      %reduce_max3A_225 = arith.xori %select_n3A_220, %reduce_max3A_224 : vector<16xi32>
      %reduce_max3A_226 = tpu.scan <max>, %reduce_max3A_225 masked %reduce_max3A_222 : vector<16xi32>, vector<16xi1> -> vector<16xi32>
      %reduce_max3A_227 = arith.xori %reduce_max3A_226, %reduce_max3A_224 : vector<16xi32>
      %reduce_max3A_228 = vector.extract %reduce_max3A_227[15] : i32 from vector<16xi32>
      %sub3A_229 = arith.subi %reduce_max3A_215, %reduce_max3A_228 : i32
      %mul3A_230 = arith.constant 16 : i32
      %mul3A_231 = arith.muli %sub3A_202, %mul3A_230 : i32
      %get3A_232 = arith.index_cast %mul3A_231 : i32 to index
      %get3A_233 = tpu.vector_load %arg10[%get3A_232] {strides = array<i32>} : memref<256xi32, #tpu.memory_space<vmem>>, vector<16xi32>,
      %rev3A_234 = arith.constant 15 : i32
      %rev3A_235 = vector.broadcast %rev3A_234 : i32 to vector<16xi32>
      %rev3A_236 = tpu.iota {dimensions = array<i32: 0>} : vector<16xi32>
      %rev3A_237 = arith.subi %rev3A_235, %rev3A_236 : vector<16xi32>
      %rev3A_238 = tpu.dynamic_gather %get3A_233[%rev3A_237] in [0] : vector<16xi32>, vector<16xi32> -> vector<16xi32>
      %broadcast_in_dim3A_239 = arith.constant true
      %broadcast_in_dim3A_240 = vector.broadcast %broadcast_in_dim3A_239 : i1 to vector<16xi1>
      %masked_cumsum3A_241 = tpu.scan <sum>, %rev3A_238 masked %broadcast_in_dim3A_240 : vector<16xi32>, vector<16xi1> -> vector<16xi32>
      %rev3A_242 = arith.constant 15 : i32
      %rev3A_243 = vector.broadcast %rev3A_242 : i32 to vector<16xi32>
      %rev3A_244 = tpu.iota {dimensions = array<i32: 0>} : vector<16xi32>
      %rev3A_245 = arith.subi %rev3A_243, %rev3A_244 : vector<16xi32>
      %rev3A_246 = tpu.dynamic_gather %masked_cumsum3A_241[%rev3A_245] in [0] : vector<16xi32>, vector<16xi32> -> vector<16xi32>
      %add3A_247 = vector.broadcast %sub3A_229 : i32 to vector<16xi32>
      %add3A_248 = arith.addi %rev3A_246, %add3A_247 : vector<16xi32>
      %ge3A_249 = vector.broadcast %sub3A_174 : i32 to vector<16xi32>
      %ge3A_250 = arith.cmpi sge, %add3A_248, %ge3A_249 : vector<16xi32>
      %convert_element_type3A_251 = arith.extui %ge3A_250 : vector<16xi1> to vector<16xi32>
      %reduce_sum3A_252 = arith.constant true
      %reduce_sum3A_253 = vector.broadcast %reduce_sum3A_252 : i1 to vector<16xi1>
      %reduce_sum3A_254 = tpu.scan <sum>, %convert_element_type3A_251 masked %reduce_sum3A_253 : vector<16xi32>, vector<16xi1> -> vector<16xi32>
      %reduce_sum3A_255 = vector.extract %reduce_sum3A_254[15] : i32 from vector<16xi32>
      %mul3A_256 = arith.constant 16 : i32
      %mul3A_257 = arith.muli %sub3A_202, %mul3A_256 : i32
      %add3A_258 = arith.addi %mul3A_257, %reduce_sum3A_255 : i32
      %sub3A_259 = arith.constant 1 : i32
      %sub3A_260 = arith.subi %add3A_258, %sub3A_259 : i32
      %shift_left3A_261 = arith.constant 16 : i32
      %shift_left3A_262 = arith.shli %sub3A_260, %shift_left3A_261 : i32
      %add3A_263 = arith.addi %shift_left3A_146, %shift_left3A_262 : i32
      %parallel_loop3A_264 = arith.constant 0 : i32
      %parallel_loop3A_265 = arith.constant 1 : i32
      %parallel_loop3A_266 = scf.for %parallel_loop3A_652 = %parallel_loop3A_264 to %reduce_max3A_158 step %parallel_loop3A_265 iter_args(%parallel_loop3A_653 = %broadcast_in_dim3A_2) -> (vector<16xi32>)  : i32 {
        %parallel_loop3A_654 = arith.constant 16 : i32
        %parallel_loop3A_655 = arith.muli %parallel_loop3A_652, %parallel_loop3A_654 : i32
        %parallel_loop3A_656 = arith.index_cast %parallel_loop3A_655 : i32 to index
        %parallel_loop3A_657 = tpu.vector_load %arg7[%parallel_loop3A_656] {strides = array<i32>} : memref<10240xi32, #tpu.memory_space<vmem>>, vector<16xi32>,
        %parallel_loop3A_658 = arith.constant 16 : i32
        %parallel_loop3A_659 = arith.muli %parallel_loop3A_652, %parallel_loop3A_658 : i32
        %parallel_loop3A_660 = arith.index_cast %parallel_loop3A_659 : i32 to index
        %parallel_loop3A_661 = tpu.vector_load %arg8[%parallel_loop3A_660] {strides = array<i32>} : memref<10240xi32, #tpu.memory_space<vmem>>, vector<16xi32>,
        %parallel_loop3A_662 = vector.broadcast %parallel_loop3A_652 : i32 to vector<16xi32>
        %parallel_loop3A_663 = arith.cmpi slt, %parallel_loop3A_662, %parallel_loop3A_150 : vector<16xi32>
        %parallel_loop3A_664 = vector.broadcast %add3A_263 : i32 to vector<16xi32>
        %parallel_loop3A_665 = arith.cmpi sge, %parallel_loop3A_657, %parallel_loop3A_664 : vector<16xi32>
        %parallel_loop3A_666 = arith.andi %parallel_loop3A_663, %parallel_loop3A_665 : vector<16xi1>
        %parallel_loop3A_667 = arith.constant 32 : i32
        %parallel_loop3A_668 = vector.broadcast %parallel_loop3A_667 : i32 to vector<16xi32>
        %parallel_loop3A_669 = arith.cmpi slt, %parallel_loop3A_653, %parallel_loop3A_668 : vector<16xi32>
        %parallel_loop3A_670 = arith.andi %parallel_loop3A_666, %parallel_loop3A_669 : vector<16xi1>
        %parallel_loop3A_671 = arith.constant 4 : i32
        %parallel_loop3A_672 = vector.broadcast %parallel_loop3A_671 : i32 to vector<16xi32>
        %parallel_loop3A_673 = arith.shli %parallel_loop3A_653, %parallel_loop3A_672 : vector<16xi32>
        %parallel_loop3A_674 = arith.addi %parallel_loop3A_673, %iota3A : vector<16xi32>
        tpu.vector_store_idx %arg11[%parallel_loop3A_674], %parallel_loop3A_657 masked %parallel_loop3A_670 : memref<512xi32, #tpu.memory_space<vmem>>[vector<16xi32>], vector<16xi32>, vector<16xi1>
        tpu.vector_store_idx %arg12[%parallel_loop3A_674], %parallel_loop3A_661 masked %parallel_loop3A_670 : memref<512xi32, #tpu.memory_space<vmem>>[vector<16xi32>], vector<16xi32>, vector<16xi1>
        %parallel_loop3A_675 = arith.extui %parallel_loop3A_670 : vector<16xi1> to vector<16xi32>
        %parallel_loop3A_676 = arith.addi %parallel_loop3A_653, %parallel_loop3A_675 : vector<16xi32>
        scf.yield %parallel_loop3A_676 : vector<16xi32>
      } {sc.loop_unroll_factor = 2 : i64, sc.parallel_access}
      %reduce_max3A_267 = arith.constant true
      %reduce_max3A_268 = vector.broadcast %reduce_max3A_267 : i1 to vector<16xi1>
      %reduce_max3A_269 = arith.constant -2147483648 : i32
      %reduce_max3A_270 = vector.broadcast %reduce_max3A_269 : i32 to vector<16xi32>
      %reduce_max3A_271 = arith.xori %parallel_loop3A_266, %reduce_max3A_270 : vector<16xi32>
      %reduce_max3A_272 = tpu.scan <max>, %reduce_max3A_271 masked %reduce_max3A_268 : vector<16xi32>, vector<16xi1> -> vector<16xi32>
      %reduce_max3A_273 = arith.xori %reduce_max3A_272, %reduce_max3A_270 : vector<16xi32>
      %reduce_max3A_274 = vector.extract %reduce_max3A_273[15] : i32 from vector<16xi32>
      %sub3A_275 = arith.constant 1 : i32
      %sub3A_276 = vector.broadcast %sub3A_275 : i32 to vector<16xi32>
      %sub3A_277 = arith.subi %broadcast_in_dim3A_2, %sub3A_276 : vector<16xi32>
      %sub3A_278 = arith.constant 1 : i32
      %sub3A_279 = vector.broadcast %sub3A_278 : i32 to vector<16xi32>
      %sub3A_280 = arith.subi %broadcast_in_dim3A_2, %sub3A_279 : vector<16xi32>
      %scan3A_281 = arith.constant 2147483647 : i32
      %scan3A_282 = arith.constant -1 : i32
      %scan3A_283 = arith.constant 0 : i32
      %scan3A_284 = arith.constant 30 : i32
      %scan3A_285 = arith.addi %scan3A_283, %scan3A_284 : i32
      %scan3A_286 = arith.constant 1 : i32
      %scan3A_287:6 = scf.for %scan3A_652 = %scan3A_283 to %scan3A_285 step %scan3A_286 iter_args(%scan3A_653 = %scan3A_281, %scan3A_654 = %scan3A_282, %scan3A_655 = %broadcast_in_dim3A_2, %scan3A_656 = %broadcast_in_dim3A_2, %scan3A_657 = %sub3A_277, %scan3A_658 = %sub3A_280) -> (i32, i32, vector<16xi32>, vector<16xi32>, vector<16xi32>, vector<16xi32>)  : i32 {
        %broadcast_in_dim3A_659 = arith.constant -2147483648 : i32
        %broadcast_in_dim3A_660 = vector.broadcast %broadcast_in_dim3A_659 : i32 to vector<16xi32>
        %broadcast_in_dim3A_661 = arith.constant 2147483647 : i32
        %broadcast_in_dim3A_662 = vector.broadcast %broadcast_in_dim3A_661 : i32 to vector<16xi32>
        %parallel_loop3A_663 = arith.constant 0 : i32
        %parallel_loop3A_664 = arith.constant 1 : i32
        %parallel_loop3A_665:2 = scf.for %parallel_loop3A_700 = %parallel_loop3A_663 to %reduce_max3A_274 step %parallel_loop3A_664 iter_args(%parallel_loop3A_701 = %broadcast_in_dim3A_660, %parallel_loop3A_702 = %broadcast_in_dim3A_662) -> (vector<16xi32>, vector<16xi32>)  : i32 {
          %parallel_loop3A_703 = arith.constant 16 : i32
          %parallel_loop3A_704 = arith.muli %parallel_loop3A_700, %parallel_loop3A_703 : i32
          %parallel_loop3A_705 = arith.index_cast %parallel_loop3A_704 : i32 to index
          %parallel_loop3A_706 = tpu.vector_load %arg11[%parallel_loop3A_705] {strides = array<i32>} : memref<512xi32, #tpu.memory_space<vmem>>, vector<16xi32>,
          %parallel_loop3A_707 = arith.constant 16 : i32
          %parallel_loop3A_708 = arith.muli %parallel_loop3A_700, %parallel_loop3A_707 : i32
          %parallel_loop3A_709 = arith.index_cast %parallel_loop3A_708 : i32 to index
          %parallel_loop3A_710 = tpu.vector_load %arg12[%parallel_loop3A_709] {strides = array<i32>} : memref<512xi32, #tpu.memory_space<vmem>>, vector<16xi32>,
          %parallel_loop3A_711 = vector.broadcast %parallel_loop3A_700 : i32 to vector<16xi32>
          %parallel_loop3A_712 = arith.cmpi slt, %parallel_loop3A_711, %parallel_loop3A_266 : vector<16xi32>
          %parallel_loop3A_713 = vector.broadcast %scan3A_653 : i32 to vector<16xi32>
          %parallel_loop3A_714 = arith.cmpi slt, %parallel_loop3A_706, %parallel_loop3A_713 : vector<16xi32>
          %parallel_loop3A_715 = vector.broadcast %scan3A_653 : i32 to vector<16xi32>
          %parallel_loop3A_716 = arith.cmpi eq, %parallel_loop3A_706, %parallel_loop3A_715 : vector<16xi32>
          %parallel_loop3A_717 = vector.broadcast %scan3A_654 : i32 to vector<16xi32>
          %parallel_loop3A_718 = arith.cmpi sgt, %parallel_loop3A_710, %parallel_loop3A_717 : vector<16xi32>
          %parallel_loop3A_719 = arith.andi %parallel_loop3A_716, %parallel_loop3A_718 : vector<16xi1>
          %parallel_loop3A_720 = arith.ori %parallel_loop3A_714, %parallel_loop3A_719 : vector<16xi1>
          %parallel_loop3A_721 = arith.andi %parallel_loop3A_712, %parallel_loop3A_720 : vector<16xi1>
          %parallel_loop3A_722 = arith.constant -2147483648 : i32
          %parallel_loop3A_723 = vector.broadcast %parallel_loop3A_722 : i32 to vector<16xi32>
          %parallel_loop3A_724 = arith.select %parallel_loop3A_721, %parallel_loop3A_706, %parallel_loop3A_723 : vector<16xi1>, vector<16xi32>
          %parallel_loop3A_725 = arith.constant 2147483647 : i32
          %parallel_loop3A_726 = vector.broadcast %parallel_loop3A_725 : i32 to vector<16xi32>
          %parallel_loop3A_727 = arith.select %parallel_loop3A_721, %parallel_loop3A_710, %parallel_loop3A_726 : vector<16xi1>, vector<16xi32>
          %parallel_loop3A_728 = arith.cmpi sgt, %parallel_loop3A_724, %parallel_loop3A_701 : vector<16xi32>
          %parallel_loop3A_729 = arith.cmpi eq, %parallel_loop3A_724, %parallel_loop3A_701 : vector<16xi32>
          %parallel_loop3A_730 = arith.cmpi slt, %parallel_loop3A_727, %parallel_loop3A_702 : vector<16xi32>
          %parallel_loop3A_731 = arith.andi %parallel_loop3A_729, %parallel_loop3A_730 : vector<16xi1>
          %parallel_loop3A_732 = arith.ori %parallel_loop3A_728, %parallel_loop3A_731 : vector<16xi1>
          %parallel_loop3A_733 = arith.select %parallel_loop3A_732, %parallel_loop3A_724, %parallel_loop3A_701 : vector<16xi1>, vector<16xi32>
          %parallel_loop3A_734 = arith.select %parallel_loop3A_732, %parallel_loop3A_727, %parallel_loop3A_702 : vector<16xi1>, vector<16xi32>
          scf.yield %parallel_loop3A_733, %parallel_loop3A_734 : vector<16xi32>, vector<16xi32>
        } {sc.loop_unroll_factor = 2 : i64, sc.parallel_access}
        %reduce_max3A_666 = arith.constant true
        %reduce_max3A_667 = vector.broadcast %reduce_max3A_666 : i1 to vector<16xi1>
        %reduce_max3A_668 = arith.constant -2147483648 : i32
        %reduce_max3A_669 = vector.broadcast %reduce_max3A_668 : i32 to vector<16xi32>
        %reduce_max3A_670 = arith.xori %parallel_loop3A_665#0, %reduce_max3A_669 : vector<16xi32>
        %reduce_max3A_671 = tpu.scan <max>, %reduce_max3A_670 masked %reduce_max3A_667 : vector<16xi32>, vector<16xi1> -> vector<16xi32>
        %reduce_max3A_672 = arith.xori %reduce_max3A_671, %reduce_max3A_669 : vector<16xi32>
        %reduce_max3A_673 = vector.extract %reduce_max3A_672[15] : i32 from vector<16xi32>
        %eq3A_674 = vector.broadcast %reduce_max3A_673 : i32 to vector<16xi32>
        %eq3A_675 = arith.cmpi eq, %parallel_loop3A_665#0, %eq3A_674 : vector<16xi32>
        %jit3A_676 = arith.constant 2147483647 : i32
        %broadcast_in_dim3A_677 = vector.broadcast %jit3A_676 : i32 to vector<16xi32>
        %select_n3A_678 = arith.select %eq3A_675, %parallel_loop3A_665#1, %broadcast_in_dim3A_677 : vector<16xi1>, vector<16xi32>
        %reduce_min3A = arith.constant true
        %reduce_min3A_679 = vector.broadcast %reduce_min3A : i1 to vector<16xi1>
        %reduce_min3A_680 = arith.constant -2147483648 : i32
        %reduce_min3A_681 = vector.broadcast %reduce_min3A_680 : i32 to vector<16xi32>
        %reduce_min3A_682 = arith.xori %select_n3A_678, %reduce_min3A_681 : vector<16xi32>
        %reduce_min3A_683 = tpu.scan <min>, %reduce_min3A_682 masked %reduce_min3A_679 : vector<16xi32>, vector<16xi1> -> vector<16xi32>
        %reduce_min3A_684 = arith.xori %reduce_min3A_683, %reduce_min3A_681 : vector<16xi32>
        %reduce_min3A_685 = vector.extract %reduce_min3A_684[15] : i32 from vector<16xi32>
        %eq3A_686 = vector.broadcast %scan3A_652 : i32 to vector<16xi32>
        %eq3A_687 = arith.cmpi eq, %iota3A, %eq3A_686 : vector<16xi32>
        %sub3A_688 = arith.constant 16 : i32
        %sub3A_689 = arith.subi %scan3A_652, %sub3A_688 : i32
        %eq3A_690 = vector.broadcast %sub3A_689 : i32 to vector<16xi32>
        %eq3A_691 = arith.cmpi eq, %iota3A, %eq3A_690 : vector<16xi32>
        %broadcast_in_dim3A_692 = vector.broadcast %reduce_max3A_673 : i32 to vector<16xi32>
        %select_n3A_693 = arith.select %eq3A_687, %broadcast_in_dim3A_692, %scan3A_655 : vector<16xi1>, vector<16xi32>
        %broadcast_in_dim3A_694 = vector.broadcast %reduce_max3A_673 : i32 to vector<16xi32>
        %select_n3A_695 = arith.select %eq3A_691, %broadcast_in_dim3A_694, %scan3A_656 : vector<16xi1>, vector<16xi32>
        %broadcast_in_dim3A_696 = vector.broadcast %reduce_min3A_685 : i32 to vector<16xi32>
        %select_n3A_697 = arith.select %eq3A_687, %broadcast_in_dim3A_696, %scan3A_657 : vector<16xi1>, vector<16xi32>
        %broadcast_in_dim3A_698 = vector.broadcast %reduce_min3A_685 : i32 to vector<16xi32>
        %select_n3A_699 = arith.select %eq3A_691, %broadcast_in_dim3A_698, %scan3A_658 : vector<16xi1>, vector<16xi32>
        scf.yield %reduce_max3A_673, %reduce_min3A_685, %select_n3A_693, %select_n3A_695, %select_n3A_697, %select_n3A_699 : i32, i32, vector<16xi32>, vector<16xi32>, vector<16xi32>, vector<16xi32>
      }
      %scan3A_288 = arith.constant 30 : i32
      %swap3A = arith.constant 0 : index
      %swap3A_289 = tpu.vector_load %arg13[%swap3A] {strides = array<i32>} : memref<32xi32, #tpu.memory_space<vmem>>, vector<16xi32>,
      tpu.vector_store %arg13[%swap3A], %scan3A_287#4 {strides = array<i32>} : memref<32xi32, #tpu.memory_space<vmem>>, vector<16xi32>,
      %swap3A_290 = arith.constant 16 : index
      %swap3A_291 = tpu.vector_load %arg13[%swap3A_290] {strides = array<i32>} : memref<32xi32, #tpu.memory_space<vmem>>, vector<16xi32>,
      tpu.vector_store %arg13[%swap3A_290], %scan3A_287#5 {strides = array<i32>} : memref<32xi32, #tpu.memory_space<vmem>>, vector<16xi32>,
      %dma_wait3A_292 = arith.constant 0 : i32
      %dma_wait3A_293 = tpu.memref_slice %arg2[%add3A_19, %dma_wait3A_292] : memref<128x32768xf32, #tpu.memory_space<hbm>> -> memref<1x32768xf32, #tpu.memory_space<hbm>>
      %dma_wait3A_294 = tpu.memref_squeeze %dma_wait3A_293 : memref<1x32768xf32, #tpu.memory_space<hbm>> -> memref<32768xf32, #tpu.memory_space<hbm>>
      %dma_wait3A_295 = arith.constant 0 : i32
      %dma_wait3A_296 = tpu.memref_slice %arg2[%add3A_19, %dma_wait3A_295] : memref<128x32768xf32, #tpu.memory_space<hbm>> -> memref<1x32768xf32, #tpu.memory_space<hbm>>
      %dma_wait3A_297 = tpu.memref_squeeze %dma_wait3A_296 : memref<1x32768xf32, #tpu.memory_space<hbm>> -> memref<32768xf32, #tpu.memory_space<hbm>>
      tpu.wait_dma2 semaphore(%arg15 : memref<!tpu.dma_semaphore, #tpu.memory_space<semaphore_mem>>) src(%dma_wait3A_297 : memref<32768xf32, #tpu.memory_space<hbm>>) dst(%arg6 : memref<32768xf32, #tpu.memory_space<vmem>>)
      %lt3A = arith.constant 3 : i32
      %lt3A_298 = arith.cmpi slt, %scan3A_16, %lt3A : i32
      %convert_element_type3A_299 = arith.extui %lt3A_298 : i1 to i32
      %cond3A = arith.constant 0 : i32
      %cond3A_300 = arith.cmpi ne, %convert_element_type3A_299, %cond3A : i32
      scf.if %cond3A_300 {
        %add3A_652 = arith.constant 1 : i32
        %add3A_653 = arith.addi %add3A_19, %add3A_652 : i32
        %dma_start3A_654 = arith.constant 0 : i32
        %dma_start3A_655 = tpu.memref_slice %arg3[%add3A_653, %dma_start3A_654] : memref<128x32768xf32, #tpu.memory_space<hbm>> -> memref<1x32768xf32, #tpu.memory_space<hbm>>
        %dma_start3A_656 = tpu.memref_squeeze %dma_start3A_655 : memref<1x32768xf32, #tpu.memory_space<hbm>> -> memref<32768xf32, #tpu.memory_space<hbm>>
        %dma_start3A_657 = arith.constant 0 : i32
        %dma_start3A_658 = tpu.memref_slice %arg3[%add3A_653, %dma_start3A_657] : memref<128x32768xf32, #tpu.memory_space<hbm>> -> memref<1x32768xf32, #tpu.memory_space<hbm>>
        %dma_start3A_659 = tpu.memref_squeeze %dma_start3A_658 : memref<1x32768xf32, #tpu.memory_space<hbm>> -> memref<32768xf32, #tpu.memory_space<hbm>>
        tpu.enqueue_dma source(%dma_start3A_659 : memref<32768xf32, #tpu.memory_space<hbm>>) target(%arg5 : memref<32768xf32, #tpu.memory_space<vmem>>) target_semaphore(%arg15 : memref<!tpu.dma_semaphore, #tpu.memory_space<semaphore_mem>>)
      } else {
      }
      %parallel_loop3A_301 = arith.constant 0 : i32
      %parallel_loop3A_302 = arith.constant 1024 : i32
      %parallel_loop3A_303 = arith.constant 1 : i32
      scf.for %parallel_loop3A_652 = %parallel_loop3A_301 to %parallel_loop3A_302 step %parallel_loop3A_303  : i32 {
        %parallel_loop3A_653 = arith.constant 16 : i32
        %parallel_loop3A_654 = arith.muli %parallel_loop3A_652, %parallel_loop3A_653 : i32
        %parallel_loop3A_655 = arith.index_cast %parallel_loop3A_654 : i32 to index
        %parallel_loop3A_656 = tpu.vector_load %arg9[%parallel_loop3A_655] {strides = array<i32>} : memref<16384xi32, #tpu.memory_space<vmem>>, vector<16xi32>,
        tpu.vector_store %arg9[%parallel_loop3A_655], %broadcast_in_dim3A_2 {strides = array<i32>} : memref<16384xi32, #tpu.memory_space<vmem>>, vector<16xi32>,
      } {sc.loop_unroll_factor = 8 : i64, sc.parallel_access}
      %parallel_loop3A_304 = arith.constant 0 : i32
      %parallel_loop3A_305 = arith.constant 2048 : i32
      %parallel_loop3A_306 = arith.constant 1 : i32
      scf.for %parallel_loop3A_652 = %parallel_loop3A_304 to %parallel_loop3A_305 step %parallel_loop3A_306  : i32 {
        %parallel_loop3A_653 = arith.constant 16 : i32
        %parallel_loop3A_654 = arith.muli %parallel_loop3A_652, %parallel_loop3A_653 : i32
        %parallel_loop3A_655 = arith.index_cast %parallel_loop3A_654 : i32 to index
        %parallel_loop3A_656 = tpu.vector_load %arg6[%parallel_loop3A_655] {strides = array<i32>} : memref<32768xf32, #tpu.memory_space<vmem>>, vector<16xf32>,
        %parallel_loop3A_657 = vector.bitcast %parallel_loop3A_656 : vector<16xf32> to vector<16xi32>
        %parallel_loop3A_658 = arith.constant 31 : i32
        %parallel_loop3A_659 = vector.broadcast %parallel_loop3A_658 : i32 to vector<16xi32>
        %parallel_loop3A_660 = arith.shrsi %parallel_loop3A_657, %parallel_loop3A_659 : vector<16xi32>
        %parallel_loop3A_661 = arith.constant 2147483647 : i32
        %parallel_loop3A_662 = vector.broadcast %parallel_loop3A_661 : i32 to vector<16xi32>
        %parallel_loop3A_663 = arith.andi %parallel_loop3A_660, %parallel_loop3A_662 : vector<16xi32>
        %parallel_loop3A_664 = arith.xori %parallel_loop3A_657, %parallel_loop3A_663 : vector<16xi32>
        %parallel_loop3A_665 = arith.constant 3 : i32
        %parallel_loop3A_666 = arith.andi %parallel_loop3A_652, %parallel_loop3A_665 : i32
        %parallel_loop3A_667 = arith.constant 12 : i32
        %parallel_loop3A_668 = arith.shli %parallel_loop3A_666, %parallel_loop3A_667 : i32
        %parallel_loop3A_669 = arith.constant 24 : i32
        %parallel_loop3A_670 = vector.broadcast %parallel_loop3A_669 : i32 to vector<16xi32>
        %parallel_loop3A_671 = arith.shrsi %parallel_loop3A_664, %parallel_loop3A_670 : vector<16xi32>
        %parallel_loop3A_672 = arith.constant 128 : i32
        %parallel_loop3A_673 = vector.broadcast %parallel_loop3A_672 : i32 to vector<16xi32>
        %parallel_loop3A_674 = arith.addi %parallel_loop3A_671, %parallel_loop3A_673 : vector<16xi32>
        %parallel_loop3A_675 = arith.constant 4 : i32
        %parallel_loop3A_676 = vector.broadcast %parallel_loop3A_675 : i32 to vector<16xi32>
        %parallel_loop3A_677 = arith.shli %parallel_loop3A_674, %parallel_loop3A_676 : vector<16xi32>
        %parallel_loop3A_678 = vector.broadcast %parallel_loop3A_668 : i32 to vector<16xi32>
        %parallel_loop3A_679 = arith.addi %parallel_loop3A_678, %parallel_loop3A_677 : vector<16xi32>
        %parallel_loop3A_680 = arith.addi %parallel_loop3A_679, %iota3A : vector<16xi32>
        tpu.vector_store_idx %arg9[%parallel_loop3A_680], %broadcast_in_dim3A_0 {add = true} : memref<16384xi32, #tpu.memory_space<vmem>>[vector<16xi32>], vector<16xi32>,
      } {sc.loop_unroll_factor = 4 : i64, sc.parallel_access}
      %scan3A_307 = arith.constant 0 : i32
      %scan3A_308 = arith.constant 16 : i32
      %scan3A_309 = arith.addi %scan3A_307, %scan3A_308 : i32
      %scan3A_310 = arith.constant 1 : i32
      %scan3A_311 = scf.for %scan3A_652 = %scan3A_307 to %scan3A_309 step %scan3A_310 iter_args(%scan3A_653 = %broadcast_in_dim3A_2) -> (vector<16xi32>)  : i32 {
        %mul3A_654 = arith.constant 256 : i32
        %mul3A_655 = arith.muli %scan3A_652, %mul3A_654 : i32
        %mul3A_656 = arith.constant 16 : i32
        %mul3A_657 = vector.broadcast %mul3A_656 : i32 to vector<16xi32>
        %mul3A_658 = arith.muli %iota3A, %mul3A_657 : vector<16xi32>
        %add3A_659 = vector.broadcast %mul3A_655 : i32 to vector<16xi32>
        %add3A_660 = arith.addi %add3A_659, %mul3A_658 : vector<16xi32>
        %add3A_661 = arith.constant 0 : i32
        %add3A_662 = vector.broadcast %add3A_661 : i32 to vector<16xi32>
        %add3A_663 = arith.addi %add3A_660, %add3A_662 : vector<16xi32>
        %gather3A = tpu.vector_load_idx %arg9[%add3A_663] : memref<16384xi32, #tpu.memory_space<vmem>>[vector<16xi32>], vector<16xi32>,
        %add3A_664 = arith.addi %broadcast_in_dim3A_2, %gather3A : vector<16xi32>
        %add3A_665 = arith.constant 1 : i32
        %add3A_666 = vector.broadcast %add3A_665 : i32 to vector<16xi32>
        %add3A_667 = arith.addi %add3A_660, %add3A_666 : vector<16xi32>
        %gather3A_668 = tpu.vector_load_idx %arg9[%add3A_667] : memref<16384xi32, #tpu.memory_space<vmem>>[vector<16xi32>], vector<16xi32>,
        %add3A_669 = arith.addi %broadcast_in_dim3A_2, %gather3A_668 : vector<16xi32>
        %add3A_670 = arith.constant 2 : i32
        %add3A_671 = vector.broadcast %add3A_670 : i32 to vector<16xi32>
        %add3A_672 = arith.addi %add3A_660, %add3A_671 : vector<16xi32>
        %gather3A_673 = tpu.vector_load_idx %arg9[%add3A_672] : memref<16384xi32, #tpu.memory_space<vmem>>[vector<16xi32>], vector<16xi32>,
        %add3A_674 = arith.addi %broadcast_in_dim3A_2, %gather3A_673 : vector<16xi32>
        %add3A_675 = arith.constant 3 : i32
        %add3A_676 = vector.broadcast %add3A_675 : i32 to vector<16xi32>
        %add3A_677 = arith.addi %add3A_660, %add3A_676 : vector<16xi32>
        %gather3A_678 = tpu.vector_load_idx %arg9[%add3A_677] : memref<16384xi32, #tpu.memory_space<vmem>>[vector<16xi32>], vector<16xi32>,
        %add3A_679 = arith.addi %broadcast_in_dim3A_2, %gather3A_678 : vector<16xi32>
        %add3A_680 = arith.constant 4 : i32
        %add3A_681 = vector.broadcast %add3A_680 : i32 to vector<16xi32>
        %add3A_682 = arith.addi %add3A_660, %add3A_681 : vector<16xi32>
        %gather3A_683 = tpu.vector_load_idx %arg9[%add3A_682] : memref<16384xi32, #tpu.memory_space<vmem>>[vector<16xi32>], vector<16xi32>,
        %add3A_684 = arith.addi %add3A_664, %gather3A_683 : vector<16xi32>
        %add3A_685 = arith.constant 5 : i32
        %add3A_686 = vector.broadcast %add3A_685 : i32 to vector<16xi32>
        %add3A_687 = arith.addi %add3A_660, %add3A_686 : vector<16xi32>
        %gather3A_688 = tpu.vector_load_idx %arg9[%add3A_687] : memref<16384xi32, #tpu.memory_space<vmem>>[vector<16xi32>], vector<16xi32>,
        %add3A_689 = arith.addi %add3A_669, %gather3A_688 : vector<16xi32>
        %add3A_690 = arith.constant 6 : i32
        %add3A_691 = vector.broadcast %add3A_690 : i32 to vector<16xi32>
        %add3A_692 = arith.addi %add3A_660, %add3A_691 : vector<16xi32>
        %gather3A_693 = tpu.vector_load_idx %arg9[%add3A_692] : memref<16384xi32, #tpu.memory_space<vmem>>[vector<16xi32>], vector<16xi32>,
        %add3A_694 = arith.addi %add3A_674, %gather3A_693 : vector<16xi32>
        %add3A_695 = arith.constant 7 : i32
        %add3A_696 = vector.broadcast %add3A_695 : i32 to vector<16xi32>
        %add3A_697 = arith.addi %add3A_660, %add3A_696 : vector<16xi32>
        %gather3A_698 = tpu.vector_load_idx %arg9[%add3A_697] : memref<16384xi32, #tpu.memory_space<vmem>>[vector<16xi32>], vector<16xi32>,
        %add3A_699 = arith.addi %add3A_679, %gather3A_698 : vector<16xi32>
        %add3A_700 = arith.constant 8 : i32
        %add3A_701 = vector.broadcast %add3A_700 : i32 to vector<16xi32>
        %add3A_702 = arith.addi %add3A_660, %add3A_701 : vector<16xi32>
        %gather3A_703 = tpu.vector_load_idx %arg9[%add3A_702] : memref<16384xi32, #tpu.memory_space<vmem>>[vector<16xi32>], vector<16xi32>,
        %add3A_704 = arith.addi %add3A_684, %gather3A_703 : vector<16xi32>
        %add3A_705 = arith.constant 9 : i32
        %add3A_706 = vector.broadcast %add3A_705 : i32 to vector<16xi32>
        %add3A_707 = arith.addi %add3A_660, %add3A_706 : vector<16xi32>
        %gather3A_708 = tpu.vector_load_idx %arg9[%add3A_707] : memref<16384xi32, #tpu.memory_space<vmem>>[vector<16xi32>], vector<16xi32>,
        %add3A_709 = arith.addi %add3A_689, %gather3A_708 : vector<16xi32>
        %add3A_710 = arith.constant 10 : i32
        %add3A_711 = vector.broadcast %add3A_710 : i32 to vector<16xi32>
        %add3A_712 = arith.addi %add3A_660, %add3A_711 : vector<16xi32>
        %gather3A_713 = tpu.vector_load_idx %arg9[%add3A_712] : memref<16384xi32, #tpu.memory_space<vmem>>[vector<16xi32>], vector<16xi32>,
        %add3A_714 = arith.addi %add3A_694, %gather3A_713 : vector<16xi32>
        %add3A_715 = arith.constant 11 : i32
        %add3A_716 = vector.broadcast %add3A_715 : i32 to vector<16xi32>
        %add3A_717 = arith.addi %add3A_660, %add3A_716 : vector<16xi32>
        %gather3A_718 = tpu.vector_load_idx %arg9[%add3A_717] : memref<16384xi32, #tpu.memory_space<vmem>>[vector<16xi32>], vector<16xi32>,
        %add3A_719 = arith.addi %add3A_699, %gather3A_718 : vector<16xi32>
        %add3A_720 = arith.constant 12 : i32
        %add3A_721 = vector.broadcast %add3A_720 : i32 to vector<16xi32>
        %add3A_722 = arith.addi %add3A_660, %add3A_721 : vector<16xi32>
        %gather3A_723 = tpu.vector_load_idx %arg9[%add3A_722] : memref<16384xi32, #tpu.memory_space<vmem>>[vector<16xi32>], vector<16xi32>,
        %add3A_724 = arith.addi %add3A_704, %gather3A_723 : vector<16xi32>
        %add3A_725 = arith.constant 13 : i32
        %add3A_726 = vector.broadcast %add3A_725 : i32 to vector<16xi32>
        %add3A_727 = arith.addi %add3A_660, %add3A_726 : vector<16xi32>
        %gather3A_728 = tpu.vector_load_idx %arg9[%add3A_727] : memref<16384xi32, #tpu.memory_space<vmem>>[vector<16xi32>], vector<16xi32>,
        %add3A_729 = arith.addi %add3A_709, %gather3A_728 : vector<16xi32>
        %add3A_730 = arith.constant 14 : i32
        %add3A_731 = vector.broadcast %add3A_730 : i32 to vector<16xi32>
        %add3A_732 = arith.addi %add3A_660, %add3A_731 : vector<16xi32>
        %gather3A_733 = tpu.vector_load_idx %arg9[%add3A_732] : memref<16384xi32, #tpu.memory_space<vmem>>[vector<16xi32>], vector<16xi32>,
        %add3A_734 = arith.addi %add3A_714, %gather3A_733 : vector<16xi32>
        %add3A_735 = arith.constant 15 : i32
        %add3A_736 = vector.broadcast %add3A_735 : i32 to vector<16xi32>
        %add3A_737 = arith.addi %add3A_660, %add3A_736 : vector<16xi32>
        %gather3A_738 = tpu.vector_load_idx %arg9[%add3A_737] : memref<16384xi32, #tpu.memory_space<vmem>>[vector<16xi32>], vector<16xi32>,
        %add3A_739 = arith.addi %add3A_719, %gather3A_738 : vector<16xi32>
        %add3A_740 = arith.constant 4096 : i32
        %add3A_741 = vector.broadcast %add3A_740 : i32 to vector<16xi32>
        %add3A_742 = arith.addi %add3A_660, %add3A_741 : vector<16xi32>
        %gather3A_743 = tpu.vector_load_idx %arg9[%add3A_742] : memref<16384xi32, #tpu.memory_space<vmem>>[vector<16xi32>], vector<16xi32>,
        %add3A_744 = arith.addi %add3A_724, %gather3A_743 : vector<16xi32>
        %add3A_745 = arith.constant 4097 : i32
        %add3A_746 = vector.broadcast %add3A_745 : i32 to vector<16xi32>
        %add3A_747 = arith.addi %add3A_660, %add3A_746 : vector<16xi32>
        %gather3A_748 = tpu.vector_load_idx %arg9[%add3A_747] : memref<16384xi32, #tpu.memory_space<vmem>>[vector<16xi32>], vector<16xi32>,
        %add3A_749 = arith.addi %add3A_729, %gather3A_748 : vector<16xi32>
        %add3A_750 = arith.constant 4098 : i32
        %add3A_751 = vector.broadcast %add3A_750 : i32 to vector<16xi32>
        %add3A_752 = arith.addi %add3A_660, %add3A_751 : vector<16xi32>
        %gather3A_753 = tpu.vector_load_idx %arg9[%add3A_752] : memref<16384xi32, #tpu.memory_space<vmem>>[vector<16xi32>], vector<16xi32>,
        %add3A_754 = arith.addi %add3A_734, %gather3A_753 : vector<16xi32>
        %add3A_755 = arith.constant 4099 : i32
        %add3A_756 = vector.broadcast %add3A_755 : i32 to vector<16xi32>
        %add3A_757 = arith.addi %add3A_660, %add3A_756 : vector<16xi32>
        %gather3A_758 = tpu.vector_load_idx %arg9[%add3A_757] : memref<16384xi32, #tpu.memory_space<vmem>>[vector<16xi32>], vector<16xi32>,
        %add3A_759 = arith.addi %add3A_739, %gather3A_758 : vector<16xi32>
        %add3A_760 = arith.constant 4100 : i32
        %add3A_761 = vector.broadcast %add3A_760 : i32 to vector<16xi32>
        %add3A_762 = arith.addi %add3A_660, %add3A_761 : vector<16xi32>
        %gather3A_763 = tpu.vector_load_idx %arg9[%add3A_762] : memref<16384xi32, #tpu.memory_space<vmem>>[vector<16xi32>], vector<16xi32>,
        %add3A_764 = arith.addi %add3A_744, %gather3A_763 : vector<16xi32>
        %add3A_765 = arith.constant 4101 : i32
        %add3A_766 = vector.broadcast %add3A_765 : i32 to vector<16xi32>
        %add3A_767 = arith.addi %add3A_660, %add3A_766 : vector<16xi32>
        %gather3A_768 = tpu.vector_load_idx %arg9[%add3A_767] : memref<16384xi32, #tpu.memory_space<vmem>>[vector<16xi32>], vector<16xi32>,
        %add3A_769 = arith.addi %add3A_749, %gather3A_768 : vector<16xi32>
        %add3A_770 = arith.constant 4102 : i32
        %add3A_771 = vector.broadcast %add3A_770 : i32 to vector<16xi32>
        %add3A_772 = arith.addi %add3A_660, %add3A_771 : vector<16xi32>
        %gather3A_773 = tpu.vector_load_idx %arg9[%add3A_772] : memref<16384xi32, #tpu.memory_space<vmem>>[vector<16xi32>], vector<16xi32>,
        %add3A_774 = arith.addi %add3A_754, %gather3A_773 : vector<16xi32>
        %add3A_775 = arith.constant 4103 : i32
        %add3A_776 = vector.broadcast %add3A_775 : i32 to vector<16xi32>
        %add3A_777 = arith.addi %add3A_660, %add3A_776 : vector<16xi32>
        %gather3A_778 = tpu.vector_load_idx %arg9[%add3A_777] : memref<16384xi32, #tpu.memory_space<vmem>>[vector<16xi32>], vector<16xi32>,
        %add3A_779 = arith.addi %add3A_759, %gather3A_778 : vector<16xi32>
        %add3A_780 = arith.constant 4104 : i32
        %add3A_781 = vector.broadcast %add3A_780 : i32 to vector<16xi32>
        %add3A_782 = arith.addi %add3A_660, %add3A_781 : vector<16xi32>
        %gather3A_783 = tpu.vector_load_idx %arg9[%add3A_782] : memref<16384xi32, #tpu.memory_space<vmem>>[vector<16xi32>], vector<16xi32>,
        %add3A_784 = arith.addi %add3A_764, %gather3A_783 : vector<16xi32>
        %add3A_785 = arith.constant 4105 : i32
        %add3A_786 = vector.broadcast %add3A_785 : i32 to vector<16xi32>
        %add3A_787 = arith.addi %add3A_660, %add3A_786 : vector<16xi32>
        %gather3A_788 = tpu.vector_load_idx %arg9[%add3A_787] : memref<16384xi32, #tpu.memory_space<vmem>>[vector<16xi32>], vector<16xi32>,
        %add3A_789 = arith.addi %add3A_769, %gather3A_788 : vector<16xi32>
        %add3A_790 = arith.constant 4106 : i32
        %add3A_791 = vector.broadcast %add3A_790 : i32 to vector<16xi32>
        %add3A_792 = arith.addi %add3A_660, %add3A_791 : vector<16xi32>
        %gather3A_793 = tpu.vector_load_idx %arg9[%add3A_792] : memref<16384xi32, #tpu.memory_space<vmem>>[vector<16xi32>], vector<16xi32>,
        %add3A_794 = arith.addi %add3A_774, %gather3A_793 : vector<16xi32>
        %add3A_795 = arith.constant 4107 : i32
        %add3A_796 = vector.broadcast %add3A_795 : i32 to vector<16xi32>
        %add3A_797 = arith.addi %add3A_660, %add3A_796 : vector<16xi32>
        %gather3A_798 = tpu.vector_load_idx %arg9[%add3A_797] : memref<16384xi32, #tpu.memory_space<vmem>>[vector<16xi32>], vector<16xi32>,
        %add3A_799 = arith.addi %add3A_779, %gather3A_798 : vector<16xi32>
        %add3A_800 = arith.constant 4108 : i32
        %add3A_801 = vector.broadcast %add3A_800 : i32 to vector<16xi32>
        %add3A_802 = arith.addi %add3A_660, %add3A_801 : vector<16xi32>
        %gather3A_803 = tpu.vector_load_idx %arg9[%add3A_802] : memref<16384xi32, #tpu.memory_space<vmem>>[vector<16xi32>], vector<16xi32>,
        %add3A_804 = arith.addi %add3A_784, %gather3A_803 : vector<16xi32>
        %add3A_805 = arith.constant 4109 : i32
        %add3A_806 = vector.broadcast %add3A_805 : i32 to vector<16xi32>
        %add3A_807 = arith.addi %add3A_660, %add3A_806 : vector<16xi32>
        %gather3A_808 = tpu.vector_load_idx %arg9[%add3A_807] : memref<16384xi32, #tpu.memory_space<vmem>>[vector<16xi32>], vector<16xi32>,
        %add3A_809 = arith.addi %add3A_789, %gather3A_808 : vector<16xi32>
        %add3A_810 = arith.constant 4110 : i32
        %add3A_811 = vector.broadcast %add3A_810 : i32 to vector<16xi32>
        %add3A_812 = arith.addi %add3A_660, %add3A_811 : vector<16xi32>
        %gather3A_813 = tpu.vector_load_idx %arg9[%add3A_812] : memref<16384xi32, #tpu.memory_space<vmem>>[vector<16xi32>], vector<16xi32>,
        %add3A_814 = arith.addi %add3A_794, %gather3A_813 : vector<16xi32>
        %add3A_815 = arith.constant 4111 : i32
        %add3A_816 = vector.broadcast %add3A_815 : i32 to vector<16xi32>
        %add3A_817 = arith.addi %add3A_660, %add3A_816 : vector<16xi32>
        %gather3A_818 = tpu.vector_load_idx %arg9[%add3A_817] : memref<16384xi32, #tpu.memory_space<vmem>>[vector<16xi32>], vector<16xi32>,
        %add3A_819 = arith.addi %add3A_799, %gather3A_818 : vector<16xi32>
        %add3A_820 = arith.constant 8192 : i32
        %add3A_821 = vector.broadcast %add3A_820 : i32 to vector<16xi32>
        %add3A_822 = arith.addi %add3A_660, %add3A_821 : vector<16xi32>
        %gather3A_823 = tpu.vector_load_idx %arg9[%add3A_822] : memref<16384xi32, #tpu.memory_space<vmem>>[vector<16xi32>], vector<16xi32>,
        %add3A_824 = arith.addi %add3A_804, %gather3A_823 : vector<16xi32>
        %add3A_825 = arith.constant 8193 : i32
        %add3A_826 = vector.broadcast %add3A_825 : i32 to vector<16xi32>
        %add3A_827 = arith.addi %add3A_660, %add3A_826 : vector<16xi32>
        %gather3A_828 = tpu.vector_load_idx %arg9[%add3A_827] : memref<16384xi32, #tpu.memory_space<vmem>>[vector<16xi32>], vector<16xi32>,
        %add3A_829 = arith.addi %add3A_809, %gather3A_828 : vector<16xi32>
        %add3A_830 = arith.constant 8194 : i32
        %add3A_831 = vector.broadcast %add3A_830 : i32 to vector<16xi32>
        %add3A_832 = arith.addi %add3A_660, %add3A_831 : vector<16xi32>
        %gather3A_833 = tpu.vector_load_idx %arg9[%add3A_832] : memref<16384xi32, #tpu.memory_space<vmem>>[vector<16xi32>], vector<16xi32>,
        %add3A_834 = arith.addi %add3A_814, %gather3A_833 : vector<16xi32>
        %add3A_835 = arith.constant 8195 : i32
        %add3A_836 = vector.broadcast %add3A_835 : i32 to vector<16xi32>
        %add3A_837 = arith.addi %add3A_660, %add3A_836 : vector<16xi32>
        %gather3A_838 = tpu.vector_load_idx %arg9[%add3A_837] : memref<16384xi32, #tpu.memory_space<vmem>>[vector<16xi32>], vector<16xi32>,
        %add3A_839 = arith.addi %add3A_819, %gather3A_838 : vector<16xi32>
        %add3A_840 = arith.constant 8196 : i32
        %add3A_841 = vector.broadcast %add3A_840 : i32 to vector<16xi32>
        %add3A_842 = arith.addi %add3A_660, %add3A_841 : vector<16xi32>
        %gather3A_843 = tpu.vector_load_idx %arg9[%add3A_842] : memref<16384xi32, #tpu.memory_space<vmem>>[vector<16xi32>], vector<16xi32>,
        %add3A_844 = arith.addi %add3A_824, %gather3A_843 : vector<16xi32>
        %add3A_845 = arith.constant 8197 : i32
        %add3A_846 = vector.broadcast %add3A_845 : i32 to vector<16xi32>
        %add3A_847 = arith.addi %add3A_660, %add3A_846 : vector<16xi32>
        %gather3A_848 = tpu.vector_load_idx %arg9[%add3A_847] : memref<16384xi32, #tpu.memory_space<vmem>>[vector<16xi32>], vector<16xi32>,
        %add3A_849 = arith.addi %add3A_829, %gather3A_848 : vector<16xi32>
        %add3A_850 = arith.constant 8198 : i32
        %add3A_851 = vector.broadcast %add3A_850 : i32 to vector<16xi32>
        %add3A_852 = arith.addi %add3A_660, %add3A_851 : vector<16xi32>
        %gather3A_853 = tpu.vector_load_idx %arg9[%add3A_852] : memref<16384xi32, #tpu.memory_space<vmem>>[vector<16xi32>], vector<16xi32>,
        %add3A_854 = arith.addi %add3A_834, %gather3A_853 : vector<16xi32>
        %add3A_855 = arith.constant 8199 : i32
        %add3A_856 = vector.broadcast %add3A_855 : i32 to vector<16xi32>
        %add3A_857 = arith.addi %add3A_660, %add3A_856 : vector<16xi32>
        %gather3A_858 = tpu.vector_load_idx %arg9[%add3A_857] : memref<16384xi32, #tpu.memory_space<vmem>>[vector<16xi32>], vector<16xi32>,
        %add3A_859 = arith.addi %add3A_839, %gather3A_858 : vector<16xi32>
        %add3A_860 = arith.constant 8200 : i32
        %add3A_861 = vector.broadcast %add3A_860 : i32 to vector<16xi32>
        %add3A_862 = arith.addi %add3A_660, %add3A_861 : vector<16xi32>
        %gather3A_863 = tpu.vector_load_idx %arg9[%add3A_862] : memref<16384xi32, #tpu.memory_space<vmem>>[vector<16xi32>], vector<16xi32>,
        %add3A_864 = arith.addi %add3A_844, %gather3A_863 : vector<16xi32>
        %add3A_865 = arith.constant 8201 : i32
        %add3A_866 = vector.broadcast %add3A_865 : i32 to vector<16xi32>
        %add3A_867 = arith.addi %add3A_660, %add3A_866 : vector<16xi32>
        %gather3A_868 = tpu.vector_load_idx %arg9[%add3A_867] : memref<16384xi32, #tpu.memory_space<vmem>>[vector<16xi32>], vector<16xi32>,
        %add3A_869 = arith.addi %add3A_849, %gather3A_868 : vector<16xi32>
        %add3A_870 = arith.constant 8202 : i32
        %add3A_871 = vector.broadcast %add3A_870 : i32 to vector<16xi32>
        %add3A_872 = arith.addi %add3A_660, %add3A_871 : vector<16xi32>
        %gather3A_873 = tpu.vector_load_idx %arg9[%add3A_872] : memref<16384xi32, #tpu.memory_space<vmem>>[vector<16xi32>], vector<16xi32>,
        %add3A_874 = arith.addi %add3A_854, %gather3A_873 : vector<16xi32>
        %add3A_875 = arith.constant 8203 : i32
        %add3A_876 = vector.broadcast %add3A_875 : i32 to vector<16xi32>
        %add3A_877 = arith.addi %add3A_660, %add3A_876 : vector<16xi32>
        %gather3A_878 = tpu.vector_load_idx %arg9[%add3A_877] : memref<16384xi32, #tpu.memory_space<vmem>>[vector<16xi32>], vector<16xi32>,
        %add3A_879 = arith.addi %add3A_859, %gather3A_878 : vector<16xi32>
        %add3A_880 = arith.constant 8204 : i32
        %add3A_881 = vector.broadcast %add3A_880 : i32 to vector<16xi32>
        %add3A_882 = arith.addi %add3A_660, %add3A_881 : vector<16xi32>
        %gather3A_883 = tpu.vector_load_idx %arg9[%add3A_882] : memref<16384xi32, #tpu.memory_space<vmem>>[vector<16xi32>], vector<16xi32>,
        %add3A_884 = arith.addi %add3A_864, %gather3A_883 : vector<16xi32>
        %add3A_885 = arith.constant 8205 : i32
        %add3A_886 = vector.broadcast %add3A_885 : i32 to vector<16xi32>
        %add3A_887 = arith.addi %add3A_660, %add3A_886 : vector<16xi32>
        %gather3A_888 = tpu.vector_load_idx %arg9[%add3A_887] : memref<16384xi32, #tpu.memory_space<vmem>>[vector<16xi32>], vector<16xi32>,
        %add3A_889 = arith.addi %add3A_869, %gather3A_888 : vector<16xi32>
        %add3A_890 = arith.constant 8206 : i32
        %add3A_891 = vector.broadcast %add3A_890 : i32 to vector<16xi32>
        %add3A_892 = arith.addi %add3A_660, %add3A_891 : vector<16xi32>
        %gather3A_893 = tpu.vector_load_idx %arg9[%add3A_892] : memref<16384xi32, #tpu.memory_space<vmem>>[vector<16xi32>], vector<16xi32>,
        %add3A_894 = arith.addi %add3A_874, %gather3A_893 : vector<16xi32>
        %add3A_895 = arith.constant 8207 : i32
        %add3A_896 = vector.broadcast %add3A_895 : i32 to vector<16xi32>
        %add3A_897 = arith.addi %add3A_660, %add3A_896 : vector<16xi32>
        %gather3A_898 = tpu.vector_load_idx %arg9[%add3A_897] : memref<16384xi32, #tpu.memory_space<vmem>>[vector<16xi32>], vector<16xi32>,
        %add3A_899 = arith.addi %add3A_879, %gather3A_898 : vector<16xi32>
        %add3A_900 = arith.constant 12288 : i32
        %add3A_901 = vector.broadcast %add3A_900 : i32 to vector<16xi32>
        %add3A_902 = arith.addi %add3A_660, %add3A_901 : vector<16xi32>
        %gather3A_903 = tpu.vector_load_idx %arg9[%add3A_902] : memref<16384xi32, #tpu.memory_space<vmem>>[vector<16xi32>], vector<16xi32>,
        %add3A_904 = arith.addi %add3A_884, %gather3A_903 : vector<16xi32>
        %add3A_905 = arith.constant 12289 : i32
        %add3A_906 = vector.broadcast %add3A_905 : i32 to vector<16xi32>
        %add3A_907 = arith.addi %add3A_660, %add3A_906 : vector<16xi32>
        %gather3A_908 = tpu.vector_load_idx %arg9[%add3A_907] : memref<16384xi32, #tpu.memory_space<vmem>>[vector<16xi32>], vector<16xi32>,
        %add3A_909 = arith.addi %add3A_889, %gather3A_908 : vector<16xi32>
        %add3A_910 = arith.constant 12290 : i32
        %add3A_911 = vector.broadcast %add3A_910 : i32 to vector<16xi32>
        %add3A_912 = arith.addi %add3A_660, %add3A_911 : vector<16xi32>
        %gather3A_913 = tpu.vector_load_idx %arg9[%add3A_912] : memref<16384xi32, #tpu.memory_space<vmem>>[vector<16xi32>], vector<16xi32>,
        %add3A_914 = arith.addi %add3A_894, %gather3A_913 : vector<16xi32>
        %add3A_915 = arith.constant 12291 : i32
        %add3A_916 = vector.broadcast %add3A_915 : i32 to vector<16xi32>
        %add3A_917 = arith.addi %add3A_660, %add3A_916 : vector<16xi32>
        %gather3A_918 = tpu.vector_load_idx %arg9[%add3A_917] : memref<16384xi32, #tpu.memory_space<vmem>>[vector<16xi32>], vector<16xi32>,
        %add3A_919 = arith.addi %add3A_899, %gather3A_918 : vector<16xi32>
        %add3A_920 = arith.constant 12292 : i32
        %add3A_921 = vector.broadcast %add3A_920 : i32 to vector<16xi32>
        %add3A_922 = arith.addi %add3A_660, %add3A_921 : vector<16xi32>
        %gather3A_923 = tpu.vector_load_idx %arg9[%add3A_922] : memref<16384xi32, #tpu.memory_space<vmem>>[vector<16xi32>], vector<16xi32>,
        %add3A_924 = arith.addi %add3A_904, %gather3A_923 : vector<16xi32>
        %add3A_925 = arith.constant 12293 : i32
        %add3A_926 = vector.broadcast %add3A_925 : i32 to vector<16xi32>
        %add3A_927 = arith.addi %add3A_660, %add3A_926 : vector<16xi32>
        %gather3A_928 = tpu.vector_load_idx %arg9[%add3A_927] : memref<16384xi32, #tpu.memory_space<vmem>>[vector<16xi32>], vector<16xi32>,
        %add3A_929 = arith.addi %add3A_909, %gather3A_928 : vector<16xi32>
        %add3A_930 = arith.constant 12294 : i32
        %add3A_931 = vector.broadcast %add3A_930 : i32 to vector<16xi32>
        %add3A_932 = arith.addi %add3A_660, %add3A_931 : vector<16xi32>
        %gather3A_933 = tpu.vector_load_idx %arg9[%add3A_932] : memref<16384xi32, #tpu.memory_space<vmem>>[vector<16xi32>], vector<16xi32>,
        %add3A_934 = arith.addi %add3A_914, %gather3A_933 : vector<16xi32>
        %add3A_935 = arith.constant 12295 : i32
        %add3A_936 = vector.broadcast %add3A_935 : i32 to vector<16xi32>
        %add3A_937 = arith.addi %add3A_660, %add3A_936 : vector<16xi32>
        %gather3A_938 = tpu.vector_load_idx %arg9[%add3A_937] : memref<16384xi32, #tpu.memory_space<vmem>>[vector<16xi32>], vector<16xi32>,
        %add3A_939 = arith.addi %add3A_919, %gather3A_938 : vector<16xi32>
        %add3A_940 = arith.constant 12296 : i32
        %add3A_941 = vector.broadcast %add3A_940 : i32 to vector<16xi32>
        %add3A_942 = arith.addi %add3A_660, %add3A_941 : vector<16xi32>
        %gather3A_943 = tpu.vector_load_idx %arg9[%add3A_942] : memref<16384xi32, #tpu.memory_space<vmem>>[vector<16xi32>], vector<16xi32>,
        %add3A_944 = arith.addi %add3A_924, %gather3A_943 : vector<16xi32>
        %add3A_945 = arith.constant 12297 : i32
        %add3A_946 = vector.broadcast %add3A_945 : i32 to vector<16xi32>
        %add3A_947 = arith.addi %add3A_660, %add3A_946 : vector<16xi32>
        %gather3A_948 = tpu.vector_load_idx %arg9[%add3A_947] : memref<16384xi32, #tpu.memory_space<vmem>>[vector<16xi32>], vector<16xi32>,
        %add3A_949 = arith.addi %add3A_929, %gather3A_948 : vector<16xi32>
        %add3A_950 = arith.constant 12298 : i32
        %add3A_951 = vector.broadcast %add3A_950 : i32 to vector<16xi32>
        %add3A_952 = arith.addi %add3A_660, %add3A_951 : vector<16xi32>
        %gather3A_953 = tpu.vector_load_idx %arg9[%add3A_952] : memref<16384xi32, #tpu.memory_space<vmem>>[vector<16xi32>], vector<16xi32>,
        %add3A_954 = arith.addi %add3A_934, %gather3A_953 : vector<16xi32>
        %add3A_955 = arith.constant 12299 : i32
        %add3A_956 = vector.broadcast %add3A_955 : i32 to vector<16xi32>
        %add3A_957 = arith.addi %add3A_660, %add3A_956 : vector<16xi32>
        %gather3A_958 = tpu.vector_load_idx %arg9[%add3A_957] : memref<16384xi32, #tpu.memory_space<vmem>>[vector<16xi32>], vector<16xi32>,
        %add3A_959 = arith.addi %add3A_939, %gather3A_958 : vector<16xi32>
        %add3A_960 = arith.constant 12300 : i32
        %add3A_961 = vector.broadcast %add3A_960 : i32 to vector<16xi32>
        %add3A_962 = arith.addi %add3A_660, %add3A_961 : vector<16xi32>
        %gather3A_963 = tpu.vector_load_idx %arg9[%add3A_962] : memref<16384xi32, #tpu.memory_space<vmem>>[vector<16xi32>], vector<16xi32>,
        %add3A_964 = arith.addi %add3A_944, %gather3A_963 : vector<16xi32>
        %add3A_965 = arith.constant 12301 : i32
        %add3A_966 = vector.broadcast %add3A_965 : i32 to vector<16xi32>
        %add3A_967 = arith.addi %add3A_660, %add3A_966 : vector<16xi32>
        %gather3A_968 = tpu.vector_load_idx %arg9[%add3A_967] : memref<16384xi32, #tpu.memory_space<vmem>>[vector<16xi32>], vector<16xi32>,
        %add3A_969 = arith.addi %add3A_949, %gather3A_968 : vector<16xi32>
        %add3A_970 = arith.constant 12302 : i32
        %add3A_971 = vector.broadcast %add3A_970 : i32 to vector<16xi32>
        %add3A_972 = arith.addi %add3A_660, %add3A_971 : vector<16xi32>
        %gather3A_973 = tpu.vector_load_idx %arg9[%add3A_972] : memref<16384xi32, #tpu.memory_space<vmem>>[vector<16xi32>], vector<16xi32>,
        %add3A_974 = arith.addi %add3A_954, %gather3A_973 : vector<16xi32>
        %add3A_975 = arith.constant 12303 : i32
        %add3A_976 = vector.broadcast %add3A_975 : i32 to vector<16xi32>
        %add3A_977 = arith.addi %add3A_660, %add3A_976 : vector<16xi32>
        %gather3A_978 = tpu.vector_load_idx %arg9[%add3A_977] : memref<16384xi32, #tpu.memory_space<vmem>>[vector<16xi32>], vector<16xi32>,
        %add3A_979 = arith.addi %add3A_959, %gather3A_978 : vector<16xi32>
        %add3A_980 = arith.addi %add3A_964, %add3A_969 : vector<16xi32>
        %add3A_981 = arith.addi %add3A_974, %add3A_979 : vector<16xi32>
        %add3A_982 = arith.addi %add3A_980, %add3A_981 : vector<16xi32>
        %mul3A_983 = arith.constant 16 : i32
        %mul3A_984 = arith.muli %scan3A_652, %mul3A_983 : i32
        %swap3A_985 = arith.index_cast %mul3A_984 : i32 to index
        %swap3A_986 = tpu.vector_load %arg10[%swap3A_985] {strides = array<i32>} : memref<256xi32, #tpu.memory_space<vmem>>, vector<16xi32>,
        tpu.vector_store %arg10[%swap3A_985], %add3A_982 {strides = array<i32>} : memref<256xi32, #tpu.memory_space<vmem>>, vector<16xi32>,
        %eq3A_987 = vector.broadcast %scan3A_652 : i32 to vector<16xi32>
        %eq3A_988 = arith.cmpi eq, %iota3A, %eq3A_987 : vector<16xi32>
        %reduce_sum3A_989 = arith.constant true
        %reduce_sum3A_990 = vector.broadcast %reduce_sum3A_989 : i1 to vector<16xi1>
        %reduce_sum3A_991 = tpu.scan <sum>, %add3A_982 masked %reduce_sum3A_990 : vector<16xi32>, vector<16xi1> -> vector<16xi32>
        %reduce_sum3A_992 = vector.extract %reduce_sum3A_991[15] : i32 from vector<16xi32>
        %broadcast_in_dim3A_993 = vector.broadcast %reduce_sum3A_992 : i32 to vector<16xi32>
        %select_n3A_994 = arith.select %eq3A_988, %broadcast_in_dim3A_993, %scan3A_653 : vector<16xi1>, vector<16xi32>
        scf.yield %select_n3A_994 : vector<16xi32>
      }
      %scan3A_312 = arith.constant 16 : i32
      %rev3A_313 = arith.constant 15 : i32
      %rev3A_314 = vector.broadcast %rev3A_313 : i32 to vector<16xi32>
      %rev3A_315 = tpu.iota {dimensions = array<i32: 0>} : vector<16xi32>
      %rev3A_316 = arith.subi %rev3A_314, %rev3A_315 : vector<16xi32>
      %rev3A_317 = tpu.dynamic_gather %scan3A_311[%rev3A_316] in [0] : vector<16xi32>, vector<16xi32> -> vector<16xi32>
      %broadcast_in_dim3A_318 = arith.constant true
      %broadcast_in_dim3A_319 = vector.broadcast %broadcast_in_dim3A_318 : i1 to vector<16xi1>
      %masked_cumsum3A_320 = tpu.scan <sum>, %rev3A_317 masked %broadcast_in_dim3A_319 : vector<16xi32>, vector<16xi1> -> vector<16xi32>
      %rev3A_321 = arith.constant 15 : i32
      %rev3A_322 = vector.broadcast %rev3A_321 : i32 to vector<16xi32>
      %rev3A_323 = tpu.iota {dimensions = array<i32: 0>} : vector<16xi32>
      %rev3A_324 = arith.subi %rev3A_322, %rev3A_323 : vector<16xi32>
      %rev3A_325 = tpu.dynamic_gather %masked_cumsum3A_320[%rev3A_324] in [0] : vector<16xi32>, vector<16xi32> -> vector<16xi32>
      %ge3A_326 = arith.constant 30 : i32
      %ge3A_327 = vector.broadcast %ge3A_326 : i32 to vector<16xi32>
      %ge3A_328 = arith.cmpi sge, %rev3A_325, %ge3A_327 : vector<16xi32>
      %convert_element_type3A_329 = arith.extui %ge3A_328 : vector<16xi1> to vector<16xi32>
      %reduce_sum3A_330 = arith.constant true
      %reduce_sum3A_331 = vector.broadcast %reduce_sum3A_330 : i1 to vector<16xi1>
      %reduce_sum3A_332 = tpu.scan <sum>, %convert_element_type3A_329 masked %reduce_sum3A_331 : vector<16xi32>, vector<16xi1> -> vector<16xi32>
      %reduce_sum3A_333 = vector.extract %reduce_sum3A_332[15] : i32 from vector<16xi32>
      %sub3A_334 = arith.constant 1 : i32
      %sub3A_335 = arith.subi %reduce_sum3A_333, %sub3A_334 : i32
      %eq3A_336 = vector.broadcast %sub3A_335 : i32 to vector<16xi32>
      %eq3A_337 = arith.cmpi eq, %iota3A, %eq3A_336 : vector<16xi32>
      %jit3A_338 = arith.constant -2147483648 : i32
      %broadcast_in_dim3A_339 = vector.broadcast %jit3A_338 : i32 to vector<16xi32>
      %select_n3A_340 = arith.select %eq3A_337, %rev3A_325, %broadcast_in_dim3A_339 : vector<16xi1>, vector<16xi32>
      %reduce_max3A_341 = arith.constant true
      %reduce_max3A_342 = vector.broadcast %reduce_max3A_341 : i1 to vector<16xi1>
      %reduce_max3A_343 = arith.constant -2147483648 : i32
      %reduce_max3A_344 = vector.broadcast %reduce_max3A_343 : i32 to vector<16xi32>
      %reduce_max3A_345 = arith.xori %select_n3A_340, %reduce_max3A_344 : vector<16xi32>
      %reduce_max3A_346 = tpu.scan <max>, %reduce_max3A_345 masked %reduce_max3A_342 : vector<16xi32>, vector<16xi1> -> vector<16xi32>
      %reduce_max3A_347 = arith.xori %reduce_max3A_346, %reduce_max3A_344 : vector<16xi32>
      %reduce_max3A_348 = vector.extract %reduce_max3A_347[15] : i32 from vector<16xi32>
      %eq3A_349 = vector.broadcast %sub3A_335 : i32 to vector<16xi32>
      %eq3A_350 = arith.cmpi eq, %iota3A, %eq3A_349 : vector<16xi32>
      %jit3A_351 = arith.constant -2147483648 : i32
      %broadcast_in_dim3A_352 = vector.broadcast %jit3A_351 : i32 to vector<16xi32>
      %select_n3A_353 = arith.select %eq3A_350, %scan3A_311, %broadcast_in_dim3A_352 : vector<16xi1>, vector<16xi32>
      %reduce_max3A_354 = arith.constant true
      %reduce_max3A_355 = vector.broadcast %reduce_max3A_354 : i1 to vector<16xi1>
      %reduce_max3A_356 = arith.constant -2147483648 : i32
      %reduce_max3A_357 = vector.broadcast %reduce_max3A_356 : i32 to vector<16xi32>
      %reduce_max3A_358 = arith.xori %select_n3A_353, %reduce_max3A_357 : vector<16xi32>
      %reduce_max3A_359 = tpu.scan <max>, %reduce_max3A_358 masked %reduce_max3A_355 : vector<16xi32>, vector<16xi1> -> vector<16xi32>
      %reduce_max3A_360 = arith.xori %reduce_max3A_359, %reduce_max3A_357 : vector<16xi32>
      %reduce_max3A_361 = vector.extract %reduce_max3A_360[15] : i32 from vector<16xi32>
      %sub3A_362 = arith.subi %reduce_max3A_348, %reduce_max3A_361 : i32
      %mul3A_363 = arith.constant 16 : i32
      %mul3A_364 = arith.muli %sub3A_335, %mul3A_363 : i32
      %get3A_365 = arith.index_cast %mul3A_364 : i32 to index
      %get3A_366 = tpu.vector_load %arg10[%get3A_365] {strides = array<i32>} : memref<256xi32, #tpu.memory_space<vmem>>, vector<16xi32>,
      %rev3A_367 = arith.constant 15 : i32
      %rev3A_368 = vector.broadcast %rev3A_367 : i32 to vector<16xi32>
      %rev3A_369 = tpu.iota {dimensions = array<i32: 0>} : vector<16xi32>
      %rev3A_370 = arith.subi %rev3A_368, %rev3A_369 : vector<16xi32>
      %rev3A_371 = tpu.dynamic_gather %get3A_366[%rev3A_370] in [0] : vector<16xi32>, vector<16xi32> -> vector<16xi32>
      %broadcast_in_dim3A_372 = arith.constant true
      %broadcast_in_dim3A_373 = vector.broadcast %broadcast_in_dim3A_372 : i1 to vector<16xi1>
      %masked_cumsum3A_374 = tpu.scan <sum>, %rev3A_371 masked %broadcast_in_dim3A_373 : vector<16xi32>, vector<16xi1> -> vector<16xi32>
      %rev3A_375 = arith.constant 15 : i32
      %rev3A_376 = vector.broadcast %rev3A_375 : i32 to vector<16xi32>
      %rev3A_377 = tpu.iota {dimensions = array<i32: 0>} : vector<16xi32>
      %rev3A_378 = arith.subi %rev3A_376, %rev3A_377 : vector<16xi32>
      %rev3A_379 = tpu.dynamic_gather %masked_cumsum3A_374[%rev3A_378] in [0] : vector<16xi32>, vector<16xi32> -> vector<16xi32>
      %add3A_380 = vector.broadcast %sub3A_362 : i32 to vector<16xi32>
      %add3A_381 = arith.addi %rev3A_379, %add3A_380 : vector<16xi32>
      %ge3A_382 = arith.constant 30 : i32
      %ge3A_383 = vector.broadcast %ge3A_382 : i32 to vector<16xi32>
      %ge3A_384 = arith.cmpi sge, %add3A_381, %ge3A_383 : vector<16xi32>
      %convert_element_type3A_385 = arith.extui %ge3A_384 : vector<16xi1> to vector<16xi32>
      %reduce_sum3A_386 = arith.constant true
      %reduce_sum3A_387 = vector.broadcast %reduce_sum3A_386 : i1 to vector<16xi1>
      %reduce_sum3A_388 = tpu.scan <sum>, %convert_element_type3A_385 masked %reduce_sum3A_387 : vector<16xi32>, vector<16xi1> -> vector<16xi32>
      %reduce_sum3A_389 = vector.extract %reduce_sum3A_388[15] : i32 from vector<16xi32>
      %mul3A_390 = arith.constant 16 : i32
      %mul3A_391 = arith.muli %sub3A_335, %mul3A_390 : i32
      %add3A_392 = arith.addi %mul3A_391, %reduce_sum3A_389 : i32
      %sub3A_393 = arith.constant 1 : i32
      %sub3A_394 = arith.subi %add3A_392, %sub3A_393 : i32
      %sub3A_395 = arith.constant 1 : i32
      %sub3A_396 = arith.subi %reduce_sum3A_389, %sub3A_395 : i32
      %eq3A_397 = vector.broadcast %sub3A_396 : i32 to vector<16xi32>
      %eq3A_398 = arith.cmpi eq, %iota3A, %eq3A_397 : vector<16xi32>
      %jit3A_399 = arith.constant -2147483648 : i32
      %broadcast_in_dim3A_400 = vector.broadcast %jit3A_399 : i32 to vector<16xi32>
      %select_n3A_401 = arith.select %eq3A_398, %add3A_381, %broadcast_in_dim3A_400 : vector<16xi1>, vector<16xi32>
      %reduce_max3A_402 = arith.constant true
      %reduce_max3A_403 = vector.broadcast %reduce_max3A_402 : i1 to vector<16xi1>
      %reduce_max3A_404 = arith.constant -2147483648 : i32
      %reduce_max3A_405 = vector.broadcast %reduce_max3A_404 : i32 to vector<16xi32>
      %reduce_max3A_406 = arith.xori %select_n3A_401, %reduce_max3A_405 : vector<16xi32>
      %reduce_max3A_407 = tpu.scan <max>, %reduce_max3A_406 masked %reduce_max3A_403 : vector<16xi32>, vector<16xi1> -> vector<16xi32>
      %reduce_max3A_408 = arith.xori %reduce_max3A_407, %reduce_max3A_405 : vector<16xi32>
      %reduce_max3A_409 = vector.extract %reduce_max3A_408[15] : i32 from vector<16xi32>
      %sub3A_410 = arith.constant 1 : i32
      %sub3A_411 = arith.subi %reduce_sum3A_389, %sub3A_410 : i32
      %eq3A_412 = vector.broadcast %sub3A_411 : i32 to vector<16xi32>
      %eq3A_413 = arith.cmpi eq, %iota3A, %eq3A_412 : vector<16xi32>
      %jit3A_414 = arith.constant -2147483648 : i32
      %broadcast_in_dim3A_415 = vector.broadcast %jit3A_414 : i32 to vector<16xi32>
      %select_n3A_416 = arith.select %eq3A_413, %get3A_366, %broadcast_in_dim3A_415 : vector<16xi1>, vector<16xi32>
      %reduce_max3A_417 = arith.constant true
      %reduce_max3A_418 = vector.broadcast %reduce_max3A_417 : i1 to vector<16xi1>
      %reduce_max3A_419 = arith.constant -2147483648 : i32
      %reduce_max3A_420 = vector.broadcast %reduce_max3A_419 : i32 to vector<16xi32>
      %reduce_max3A_421 = arith.xori %select_n3A_416, %reduce_max3A_420 : vector<16xi32>
      %reduce_max3A_422 = tpu.scan <max>, %reduce_max3A_421 masked %reduce_max3A_418 : vector<16xi32>, vector<16xi1> -> vector<16xi32>
      %reduce_max3A_423 = arith.xori %reduce_max3A_422, %reduce_max3A_420 : vector<16xi32>
      %reduce_max3A_424 = vector.extract %reduce_max3A_423[15] : i32 from vector<16xi32>
      %sub3A_425 = arith.subi %reduce_max3A_409, %reduce_max3A_424 : i32
      %sub3A_426 = arith.constant 128 : i32
      %sub3A_427 = arith.subi %sub3A_394, %sub3A_426 : i32
      %shift_left3A_428 = arith.constant 24 : i32
      %shift_left3A_429 = arith.shli %sub3A_427, %shift_left3A_428 : i32
      %parallel_loop3A_430 = arith.constant 0 : i32
      %parallel_loop3A_431 = arith.constant 2048 : i32
      %parallel_loop3A_432 = arith.constant 1 : i32
      %parallel_loop3A_433 = scf.for %parallel_loop3A_652 = %parallel_loop3A_430 to %parallel_loop3A_431 step %parallel_loop3A_432 iter_args(%parallel_loop3A_653 = %broadcast_in_dim3A_2) -> (vector<16xi32>)  : i32 {
        %parallel_loop3A_654 = arith.constant 16 : i32
        %parallel_loop3A_655 = arith.muli %parallel_loop3A_652, %parallel_loop3A_654 : i32
        %parallel_loop3A_656 = arith.index_cast %parallel_loop3A_655 : i32 to index
        %parallel_loop3A_657 = tpu.vector_load %arg6[%parallel_loop3A_656] {strides = array<i32>} : memref<32768xf32, #tpu.memory_space<vmem>>, vector<16xf32>,
        %parallel_loop3A_658 = vector.bitcast %parallel_loop3A_657 : vector<16xf32> to vector<16xi32>
        %parallel_loop3A_659 = arith.constant 31 : i32
        %parallel_loop3A_660 = vector.broadcast %parallel_loop3A_659 : i32 to vector<16xi32>
        %parallel_loop3A_661 = arith.shrsi %parallel_loop3A_658, %parallel_loop3A_660 : vector<16xi32>
        %parallel_loop3A_662 = arith.constant 2147483647 : i32
        %parallel_loop3A_663 = vector.broadcast %parallel_loop3A_662 : i32 to vector<16xi32>
        %parallel_loop3A_664 = arith.andi %parallel_loop3A_661, %parallel_loop3A_663 : vector<16xi32>
        %parallel_loop3A_665 = arith.xori %parallel_loop3A_658, %parallel_loop3A_664 : vector<16xi32>
        %parallel_loop3A_666 = vector.broadcast %shift_left3A_429 : i32 to vector<16xi32>
        %parallel_loop3A_667 = arith.cmpi sge, %parallel_loop3A_665, %parallel_loop3A_666 : vector<16xi32>
        %parallel_loop3A_668 = arith.constant 640 : i32
        %parallel_loop3A_669 = vector.broadcast %parallel_loop3A_668 : i32 to vector<16xi32>
        %parallel_loop3A_670 = arith.cmpi slt, %parallel_loop3A_653, %parallel_loop3A_669 : vector<16xi32>
        %parallel_loop3A_671 = arith.andi %parallel_loop3A_667, %parallel_loop3A_670 : vector<16xi1>
        %parallel_loop3A_672 = arith.constant 4 : i32
        %parallel_loop3A_673 = vector.broadcast %parallel_loop3A_672 : i32 to vector<16xi32>
        %parallel_loop3A_674 = arith.shli %parallel_loop3A_653, %parallel_loop3A_673 : vector<16xi32>
        %parallel_loop3A_675 = arith.addi %parallel_loop3A_674, %iota3A : vector<16xi32>
        tpu.vector_store_idx %arg7[%parallel_loop3A_675], %parallel_loop3A_665 masked %parallel_loop3A_671 : memref<10240xi32, #tpu.memory_space<vmem>>[vector<16xi32>], vector<16xi32>, vector<16xi1>
        %parallel_loop3A_676 = arith.constant 4 : i32
        %parallel_loop3A_677 = arith.shli %parallel_loop3A_652, %parallel_loop3A_676 : i32
        %parallel_loop3A_678 = vector.broadcast %parallel_loop3A_677 : i32 to vector<16xi32>
        %parallel_loop3A_679 = arith.addi %parallel_loop3A_678, %iota3A : vector<16xi32>
        tpu.vector_store_idx %arg8[%parallel_loop3A_675], %parallel_loop3A_679 masked %parallel_loop3A_671 : memref<10240xi32, #tpu.memory_space<vmem>>[vector<16xi32>], vector<16xi32>, vector<16xi1>
        %parallel_loop3A_680 = arith.extui %parallel_loop3A_671 : vector<16xi1> to vector<16xi32>
        %parallel_loop3A_681 = arith.addi %parallel_loop3A_653, %parallel_loop3A_680 : vector<16xi32>
        scf.yield %parallel_loop3A_681 : vector<16xi32>
      } {sc.loop_unroll_factor = 4 : i64, sc.parallel_access}
      %reduce_max3A_434 = arith.constant true
      %reduce_max3A_435 = vector.broadcast %reduce_max3A_434 : i1 to vector<16xi1>
      %reduce_max3A_436 = arith.constant -2147483648 : i32
      %reduce_max3A_437 = vector.broadcast %reduce_max3A_436 : i32 to vector<16xi32>
      %reduce_max3A_438 = arith.xori %parallel_loop3A_433, %reduce_max3A_437 : vector<16xi32>
      %reduce_max3A_439 = tpu.scan <max>, %reduce_max3A_438 masked %reduce_max3A_435 : vector<16xi32>, vector<16xi1> -> vector<16xi32>
      %reduce_max3A_440 = arith.xori %reduce_max3A_439, %reduce_max3A_437 : vector<16xi32>
      %reduce_max3A_441 = vector.extract %reduce_max3A_440[15] : i32 from vector<16xi32>
      %parallel_loop3A_442 = arith.constant 0 : i32
      %parallel_loop3A_443 = arith.constant 256 : i32
      %parallel_loop3A_444 = arith.constant 1 : i32
      scf.for %parallel_loop3A_652 = %parallel_loop3A_442 to %parallel_loop3A_443 step %parallel_loop3A_444  : i32 {
        %parallel_loop3A_653 = arith.constant 16 : i32
        %parallel_loop3A_654 = arith.muli %parallel_loop3A_652, %parallel_loop3A_653 : i32
        %parallel_loop3A_655 = arith.index_cast %parallel_loop3A_654 : i32 to index
        %parallel_loop3A_656 = tpu.vector_load %arg9[%parallel_loop3A_655] {strides = array<i32>} : memref<16384xi32, #tpu.memory_space<vmem>>, vector<16xi32>,
        tpu.vector_store %arg9[%parallel_loop3A_655], %broadcast_in_dim3A_2 {strides = array<i32>} : memref<16384xi32, #tpu.memory_space<vmem>>, vector<16xi32>,
      } {sc.loop_unroll_factor = 8 : i64, sc.parallel_access}
      %sub3A_445 = arith.constant 128 : i32
      %sub3A_446 = arith.subi %sub3A_394, %sub3A_445 : i32
      %while3A_447 = arith.constant 0 : i32
      %while3A_448 = arith.constant 0 : i32
      %while3A_449 = arith.subi %reduce_max3A_441, %while3A_448 : i32
      %while3A_450 = arith.addi %while3A_448, %while3A_449 : i32
      %while3A_451 = arith.constant 1 : i32
      %while3A_452 = arith.divsi %while3A_449, %while3A_451 : i32
      %while3A_453 = arith.muli %while3A_452, %while3A_451 : i32
      %while3A_454 = arith.addi %while3A_448, %while3A_453 : i32
      %while3A_455 = arith.constant 1 : i32
      scf.for %while3A_652 = %while3A_448 to %while3A_454 step %while3A_455  : i32 {
        %mul3A_653 = arith.constant 16 : i32
        %mul3A_654 = arith.muli %while3A_652, %mul3A_653 : i32
        %get3A_655 = arith.index_cast %mul3A_654 : i32 to index
        %get3A_656 = tpu.vector_load %arg7[%get3A_655] {strides = array<i32>} : memref<10240xi32, #tpu.memory_space<vmem>>, vector<16xi32>,
        %lt3A_657 = vector.broadcast %while3A_652 : i32 to vector<16xi32>
        %lt3A_658 = arith.cmpi slt, %lt3A_657, %parallel_loop3A_433 : vector<16xi32>
        %shift_right_arithmetic3A_659 = arith.constant 24 : i32
        %shift_right_arithmetic3A_660 = vector.broadcast %shift_right_arithmetic3A_659 : i32 to vector<16xi32>
        %shift_right_arithmetic3A_661 = arith.shrsi %get3A_656, %shift_right_arithmetic3A_660 : vector<16xi32>
        %eq3A_662 = vector.broadcast %sub3A_446 : i32 to vector<16xi32>
        %eq3A_663 = arith.cmpi eq, %shift_right_arithmetic3A_661, %eq3A_662 : vector<16xi32>
        %and3A_664 = arith.andi %lt3A_658, %eq3A_663 : vector<16xi1>
        %shift_right_arithmetic3A_665 = arith.constant 16 : i32
        %shift_right_arithmetic3A_666 = vector.broadcast %shift_right_arithmetic3A_665 : i32 to vector<16xi32>
        %shift_right_arithmetic3A_667 = arith.shrsi %get3A_656, %shift_right_arithmetic3A_666 : vector<16xi32>
        %and3A_668 = arith.constant 255 : i32
        %and3A_669 = vector.broadcast %and3A_668 : i32 to vector<16xi32>
        %and3A_670 = arith.andi %shift_right_arithmetic3A_667, %and3A_669 : vector<16xi32>
        %shift_left3A_671 = arith.constant 4 : i32
        %shift_left3A_672 = vector.broadcast %shift_left3A_671 : i32 to vector<16xi32>
        %shift_left3A_673 = arith.shli %and3A_670, %shift_left3A_672 : vector<16xi32>
        %add3A_674 = arith.addi %shift_left3A_673, %iota3A : vector<16xi32>
        tpu.vector_store_idx %arg9[%add3A_674], %broadcast_in_dim3A_0 masked %and3A_664 {add = true} : memref<16384xi32, #tpu.memory_space<vmem>>[vector<16xi32>], vector<16xi32>, vector<16xi1>
      }
      %while3A_456 = arith.constant 1 : i32
      scf.for %while3A_652 = %while3A_454 to %while3A_450 step %while3A_456  : i32 {
        %mul3A_653 = arith.constant 16 : i32
        %mul3A_654 = arith.muli %while3A_652, %mul3A_653 : i32
        %get3A_655 = arith.index_cast %mul3A_654 : i32 to index
        %get3A_656 = tpu.vector_load %arg7[%get3A_655] {strides = array<i32>} : memref<10240xi32, #tpu.memory_space<vmem>>, vector<16xi32>,
        %lt3A_657 = vector.broadcast %while3A_652 : i32 to vector<16xi32>
        %lt3A_658 = arith.cmpi slt, %lt3A_657, %parallel_loop3A_433 : vector<16xi32>
        %shift_right_arithmetic3A_659 = arith.constant 24 : i32
        %shift_right_arithmetic3A_660 = vector.broadcast %shift_right_arithmetic3A_659 : i32 to vector<16xi32>
        %shift_right_arithmetic3A_661 = arith.shrsi %get3A_656, %shift_right_arithmetic3A_660 : vector<16xi32>
        %eq3A_662 = vector.broadcast %sub3A_446 : i32 to vector<16xi32>
        %eq3A_663 = arith.cmpi eq, %shift_right_arithmetic3A_661, %eq3A_662 : vector<16xi32>
        %and3A_664 = arith.andi %lt3A_658, %eq3A_663 : vector<16xi1>
        %shift_right_arithmetic3A_665 = arith.constant 16 : i32
        %shift_right_arithmetic3A_666 = vector.broadcast %shift_right_arithmetic3A_665 : i32 to vector<16xi32>
        %shift_right_arithmetic3A_667 = arith.shrsi %get3A_656, %shift_right_arithmetic3A_666 : vector<16xi32>
        %and3A_668 = arith.constant 255 : i32
        %and3A_669 = vector.broadcast %and3A_668 : i32 to vector<16xi32>
        %and3A_670 = arith.andi %shift_right_arithmetic3A_667, %and3A_669 : vector<16xi32>
        %shift_left3A_671 = arith.constant 4 : i32
        %shift_left3A_672 = vector.broadcast %shift_left3A_671 : i32 to vector<16xi32>
        %shift_left3A_673 = arith.shli %and3A_670, %shift_left3A_672 : vector<16xi32>
        %add3A_674 = arith.addi %shift_left3A_673, %iota3A : vector<16xi32>
        tpu.vector_store_idx %arg9[%add3A_674], %broadcast_in_dim3A_0 masked %and3A_664 {add = true} : memref<16384xi32, #tpu.memory_space<vmem>>[vector<16xi32>], vector<16xi32>, vector<16xi1>
      }
      %sub3A_457 = arith.constant 30 : i32
      %sub3A_458 = arith.subi %sub3A_457, %sub3A_425 : i32
      %scan3A_459 = arith.constant 0 : i32
      %scan3A_460 = arith.constant 16 : i32
      %scan3A_461 = arith.addi %scan3A_459, %scan3A_460 : i32
      %scan3A_462 = arith.constant 1 : i32
      %scan3A_463 = scf.for %scan3A_652 = %scan3A_459 to %scan3A_461 step %scan3A_462 iter_args(%scan3A_653 = %broadcast_in_dim3A_2) -> (vector<16xi32>)  : i32 {
        %mul3A_654 = arith.constant 256 : i32
        %mul3A_655 = arith.muli %scan3A_652, %mul3A_654 : i32
        %mul3A_656 = arith.constant 16 : i32
        %mul3A_657 = vector.broadcast %mul3A_656 : i32 to vector<16xi32>
        %mul3A_658 = arith.muli %iota3A, %mul3A_657 : vector<16xi32>
        %add3A_659 = vector.broadcast %mul3A_655 : i32 to vector<16xi32>
        %add3A_660 = arith.addi %add3A_659, %mul3A_658 : vector<16xi32>
        %add3A_661 = arith.constant 0 : i32
        %add3A_662 = vector.broadcast %add3A_661 : i32 to vector<16xi32>
        %add3A_663 = arith.addi %add3A_660, %add3A_662 : vector<16xi32>
        %gather3A = tpu.vector_load_idx %arg9[%add3A_663] : memref<16384xi32, #tpu.memory_space<vmem>>[vector<16xi32>], vector<16xi32>,
        %add3A_664 = arith.addi %broadcast_in_dim3A_2, %gather3A : vector<16xi32>
        %add3A_665 = arith.constant 1 : i32
        %add3A_666 = vector.broadcast %add3A_665 : i32 to vector<16xi32>
        %add3A_667 = arith.addi %add3A_660, %add3A_666 : vector<16xi32>
        %gather3A_668 = tpu.vector_load_idx %arg9[%add3A_667] : memref<16384xi32, #tpu.memory_space<vmem>>[vector<16xi32>], vector<16xi32>,
        %add3A_669 = arith.addi %broadcast_in_dim3A_2, %gather3A_668 : vector<16xi32>
        %add3A_670 = arith.constant 2 : i32
        %add3A_671 = vector.broadcast %add3A_670 : i32 to vector<16xi32>
        %add3A_672 = arith.addi %add3A_660, %add3A_671 : vector<16xi32>
        %gather3A_673 = tpu.vector_load_idx %arg9[%add3A_672] : memref<16384xi32, #tpu.memory_space<vmem>>[vector<16xi32>], vector<16xi32>,
        %add3A_674 = arith.addi %broadcast_in_dim3A_2, %gather3A_673 : vector<16xi32>
        %add3A_675 = arith.constant 3 : i32
        %add3A_676 = vector.broadcast %add3A_675 : i32 to vector<16xi32>
        %add3A_677 = arith.addi %add3A_660, %add3A_676 : vector<16xi32>
        %gather3A_678 = tpu.vector_load_idx %arg9[%add3A_677] : memref<16384xi32, #tpu.memory_space<vmem>>[vector<16xi32>], vector<16xi32>,
        %add3A_679 = arith.addi %broadcast_in_dim3A_2, %gather3A_678 : vector<16xi32>
        %add3A_680 = arith.constant 4 : i32
        %add3A_681 = vector.broadcast %add3A_680 : i32 to vector<16xi32>
        %add3A_682 = arith.addi %add3A_660, %add3A_681 : vector<16xi32>
        %gather3A_683 = tpu.vector_load_idx %arg9[%add3A_682] : memref<16384xi32, #tpu.memory_space<vmem>>[vector<16xi32>], vector<16xi32>,
        %add3A_684 = arith.addi %add3A_664, %gather3A_683 : vector<16xi32>
        %add3A_685 = arith.constant 5 : i32
        %add3A_686 = vector.broadcast %add3A_685 : i32 to vector<16xi32>
        %add3A_687 = arith.addi %add3A_660, %add3A_686 : vector<16xi32>
        %gather3A_688 = tpu.vector_load_idx %arg9[%add3A_687] : memref<16384xi32, #tpu.memory_space<vmem>>[vector<16xi32>], vector<16xi32>,
        %add3A_689 = arith.addi %add3A_669, %gather3A_688 : vector<16xi32>
        %add3A_690 = arith.constant 6 : i32
        %add3A_691 = vector.broadcast %add3A_690 : i32 to vector<16xi32>
        %add3A_692 = arith.addi %add3A_660, %add3A_691 : vector<16xi32>
        %gather3A_693 = tpu.vector_load_idx %arg9[%add3A_692] : memref<16384xi32, #tpu.memory_space<vmem>>[vector<16xi32>], vector<16xi32>,
        %add3A_694 = arith.addi %add3A_674, %gather3A_693 : vector<16xi32>
        %add3A_695 = arith.constant 7 : i32
        %add3A_696 = vector.broadcast %add3A_695 : i32 to vector<16xi32>
        %add3A_697 = arith.addi %add3A_660, %add3A_696 : vector<16xi32>
        %gather3A_698 = tpu.vector_load_idx %arg9[%add3A_697] : memref<16384xi32, #tpu.memory_space<vmem>>[vector<16xi32>], vector<16xi32>,
        %add3A_699 = arith.addi %add3A_679, %gather3A_698 : vector<16xi32>
        %add3A_700 = arith.constant 8 : i32
        %add3A_701 = vector.broadcast %add3A_700 : i32 to vector<16xi32>
        %add3A_702 = arith.addi %add3A_660, %add3A_701 : vector<16xi32>
        %gather3A_703 = tpu.vector_load_idx %arg9[%add3A_702] : memref<16384xi32, #tpu.memory_space<vmem>>[vector<16xi32>], vector<16xi32>,
        %add3A_704 = arith.addi %add3A_684, %gather3A_703 : vector<16xi32>
        %add3A_705 = arith.constant 9 : i32
        %add3A_706 = vector.broadcast %add3A_705 : i32 to vector<16xi32>
        %add3A_707 = arith.addi %add3A_660, %add3A_706 : vector<16xi32>
        %gather3A_708 = tpu.vector_load_idx %arg9[%add3A_707] : memref<16384xi32, #tpu.memory_space<vmem>>[vector<16xi32>], vector<16xi32>,
        %add3A_709 = arith.addi %add3A_689, %gather3A_708 : vector<16xi32>
        %add3A_710 = arith.constant 10 : i32
        %add3A_711 = vector.broadcast %add3A_710 : i32 to vector<16xi32>
        %add3A_712 = arith.addi %add3A_660, %add3A_711 : vector<16xi32>
        %gather3A_713 = tpu.vector_load_idx %arg9[%add3A_712] : memref<16384xi32, #tpu.memory_space<vmem>>[vector<16xi32>], vector<16xi32>,
        %add3A_714 = arith.addi %add3A_694, %gather3A_713 : vector<16xi32>
        %add3A_715 = arith.constant 11 : i32
        %add3A_716 = vector.broadcast %add3A_715 : i32 to vector<16xi32>
        %add3A_717 = arith.addi %add3A_660, %add3A_716 : vector<16xi32>
        %gather3A_718 = tpu.vector_load_idx %arg9[%add3A_717] : memref<16384xi32, #tpu.memory_space<vmem>>[vector<16xi32>], vector<16xi32>,
        %add3A_719 = arith.addi %add3A_699, %gather3A_718 : vector<16xi32>
        %add3A_720 = arith.constant 12 : i32
        %add3A_721 = vector.broadcast %add3A_720 : i32 to vector<16xi32>
        %add3A_722 = arith.addi %add3A_660, %add3A_721 : vector<16xi32>
        %gather3A_723 = tpu.vector_load_idx %arg9[%add3A_722] : memref<16384xi32, #tpu.memory_space<vmem>>[vector<16xi32>], vector<16xi32>,
        %add3A_724 = arith.addi %add3A_704, %gather3A_723 : vector<16xi32>
        %add3A_725 = arith.constant 13 : i32
        %add3A_726 = vector.broadcast %add3A_725 : i32 to vector<16xi32>
        %add3A_727 = arith.addi %add3A_660, %add3A_726 : vector<16xi32>
        %gather3A_728 = tpu.vector_load_idx %arg9[%add3A_727] : memref<16384xi32, #tpu.memory_space<vmem>>[vector<16xi32>], vector<16xi32>,
        %add3A_729 = arith.addi %add3A_709, %gather3A_728 : vector<16xi32>
        %add3A_730 = arith.constant 14 : i32
        %add3A_731 = vector.broadcast %add3A_730 : i32 to vector<16xi32>
        %add3A_732 = arith.addi %add3A_660, %add3A_731 : vector<16xi32>
        %gather3A_733 = tpu.vector_load_idx %arg9[%add3A_732] : memref<16384xi32, #tpu.memory_space<vmem>>[vector<16xi32>], vector<16xi32>,
        %add3A_734 = arith.addi %add3A_714, %gather3A_733 : vector<16xi32>
        %add3A_735 = arith.constant 15 : i32
        %add3A_736 = vector.broadcast %add3A_735 : i32 to vector<16xi32>
        %add3A_737 = arith.addi %add3A_660, %add3A_736 : vector<16xi32>
        %gather3A_738 = tpu.vector_load_idx %arg9[%add3A_737] : memref<16384xi32, #tpu.memory_space<vmem>>[vector<16xi32>], vector<16xi32>,
        %add3A_739 = arith.addi %add3A_719, %gather3A_738 : vector<16xi32>
        %add3A_740 = arith.addi %add3A_724, %add3A_729 : vector<16xi32>
        %add3A_741 = arith.addi %add3A_734, %add3A_739 : vector<16xi32>
        %add3A_742 = arith.addi %add3A_740, %add3A_741 : vector<16xi32>
        %mul3A_743 = arith.constant 16 : i32
        %mul3A_744 = arith.muli %scan3A_652, %mul3A_743 : i32
        %swap3A_745 = arith.index_cast %mul3A_744 : i32 to index
        %swap3A_746 = tpu.vector_load %arg10[%swap3A_745] {strides = array<i32>} : memref<256xi32, #tpu.memory_space<vmem>>, vector<16xi32>,
        tpu.vector_store %arg10[%swap3A_745], %add3A_742 {strides = array<i32>} : memref<256xi32, #tpu.memory_space<vmem>>, vector<16xi32>,
        %eq3A_747 = vector.broadcast %scan3A_652 : i32 to vector<16xi32>
        %eq3A_748 = arith.cmpi eq, %iota3A, %eq3A_747 : vector<16xi32>
        %reduce_sum3A_749 = arith.constant true
        %reduce_sum3A_750 = vector.broadcast %reduce_sum3A_749 : i1 to vector<16xi1>
        %reduce_sum3A_751 = tpu.scan <sum>, %add3A_742 masked %reduce_sum3A_750 : vector<16xi32>, vector<16xi1> -> vector<16xi32>
        %reduce_sum3A_752 = vector.extract %reduce_sum3A_751[15] : i32 from vector<16xi32>
        %broadcast_in_dim3A_753 = vector.broadcast %reduce_sum3A_752 : i32 to vector<16xi32>
        %select_n3A_754 = arith.select %eq3A_748, %broadcast_in_dim3A_753, %scan3A_653 : vector<16xi1>, vector<16xi32>
        scf.yield %select_n3A_754 : vector<16xi32>
      }
      %scan3A_464 = arith.constant 16 : i32
      %rev3A_465 = arith.constant 15 : i32
      %rev3A_466 = vector.broadcast %rev3A_465 : i32 to vector<16xi32>
      %rev3A_467 = tpu.iota {dimensions = array<i32: 0>} : vector<16xi32>
      %rev3A_468 = arith.subi %rev3A_466, %rev3A_467 : vector<16xi32>
      %rev3A_469 = tpu.dynamic_gather %scan3A_463[%rev3A_468] in [0] : vector<16xi32>, vector<16xi32> -> vector<16xi32>
      %broadcast_in_dim3A_470 = arith.constant true
      %broadcast_in_dim3A_471 = vector.broadcast %broadcast_in_dim3A_470 : i1 to vector<16xi1>
      %masked_cumsum3A_472 = tpu.scan <sum>, %rev3A_469 masked %broadcast_in_dim3A_471 : vector<16xi32>, vector<16xi1> -> vector<16xi32>
      %rev3A_473 = arith.constant 15 : i32
      %rev3A_474 = vector.broadcast %rev3A_473 : i32 to vector<16xi32>
      %rev3A_475 = tpu.iota {dimensions = array<i32: 0>} : vector<16xi32>
      %rev3A_476 = arith.subi %rev3A_474, %rev3A_475 : vector<16xi32>
      %rev3A_477 = tpu.dynamic_gather %masked_cumsum3A_472[%rev3A_476] in [0] : vector<16xi32>, vector<16xi32> -> vector<16xi32>
      %ge3A_478 = vector.broadcast %sub3A_458 : i32 to vector<16xi32>
      %ge3A_479 = arith.cmpi sge, %rev3A_477, %ge3A_478 : vector<16xi32>
      %convert_element_type3A_480 = arith.extui %ge3A_479 : vector<16xi1> to vector<16xi32>
      %reduce_sum3A_481 = arith.constant true
      %reduce_sum3A_482 = vector.broadcast %reduce_sum3A_481 : i1 to vector<16xi1>
      %reduce_sum3A_483 = tpu.scan <sum>, %convert_element_type3A_480 masked %reduce_sum3A_482 : vector<16xi32>, vector<16xi1> -> vector<16xi32>
      %reduce_sum3A_484 = vector.extract %reduce_sum3A_483[15] : i32 from vector<16xi32>
      %sub3A_485 = arith.constant 1 : i32
      %sub3A_486 = arith.subi %reduce_sum3A_484, %sub3A_485 : i32
      %eq3A_487 = vector.broadcast %sub3A_486 : i32 to vector<16xi32>
      %eq3A_488 = arith.cmpi eq, %iota3A, %eq3A_487 : vector<16xi32>
      %jit3A_489 = arith.constant -2147483648 : i32
      %broadcast_in_dim3A_490 = vector.broadcast %jit3A_489 : i32 to vector<16xi32>
      %select_n3A_491 = arith.select %eq3A_488, %rev3A_477, %broadcast_in_dim3A_490 : vector<16xi1>, vector<16xi32>
      %reduce_max3A_492 = arith.constant true
      %reduce_max3A_493 = vector.broadcast %reduce_max3A_492 : i1 to vector<16xi1>
      %reduce_max3A_494 = arith.constant -2147483648 : i32
      %reduce_max3A_495 = vector.broadcast %reduce_max3A_494 : i32 to vector<16xi32>
      %reduce_max3A_496 = arith.xori %select_n3A_491, %reduce_max3A_495 : vector<16xi32>
      %reduce_max3A_497 = tpu.scan <max>, %reduce_max3A_496 masked %reduce_max3A_493 : vector<16xi32>, vector<16xi1> -> vector<16xi32>
      %reduce_max3A_498 = arith.xori %reduce_max3A_497, %reduce_max3A_495 : vector<16xi32>
      %reduce_max3A_499 = vector.extract %reduce_max3A_498[15] : i32 from vector<16xi32>
      %eq3A_500 = vector.broadcast %sub3A_486 : i32 to vector<16xi32>
      %eq3A_501 = arith.cmpi eq, %iota3A, %eq3A_500 : vector<16xi32>
      %jit3A_502 = arith.constant -2147483648 : i32
      %broadcast_in_dim3A_503 = vector.broadcast %jit3A_502 : i32 to vector<16xi32>
      %select_n3A_504 = arith.select %eq3A_501, %scan3A_463, %broadcast_in_dim3A_503 : vector<16xi1>, vector<16xi32>
      %reduce_max3A_505 = arith.constant true
      %reduce_max3A_506 = vector.broadcast %reduce_max3A_505 : i1 to vector<16xi1>
      %reduce_max3A_507 = arith.constant -2147483648 : i32
      %reduce_max3A_508 = vector.broadcast %reduce_max3A_507 : i32 to vector<16xi32>
      %reduce_max3A_509 = arith.xori %select_n3A_504, %reduce_max3A_508 : vector<16xi32>
      %reduce_max3A_510 = tpu.scan <max>, %reduce_max3A_509 masked %reduce_max3A_506 : vector<16xi32>, vector<16xi1> -> vector<16xi32>
      %reduce_max3A_511 = arith.xori %reduce_max3A_510, %reduce_max3A_508 : vector<16xi32>
      %reduce_max3A_512 = vector.extract %reduce_max3A_511[15] : i32 from vector<16xi32>
      %sub3A_513 = arith.subi %reduce_max3A_499, %reduce_max3A_512 : i32
      %mul3A_514 = arith.constant 16 : i32
      %mul3A_515 = arith.muli %sub3A_486, %mul3A_514 : i32
      %get3A_516 = arith.index_cast %mul3A_515 : i32 to index
      %get3A_517 = tpu.vector_load %arg10[%get3A_516] {strides = array<i32>} : memref<256xi32, #tpu.memory_space<vmem>>, vector<16xi32>,
      %rev3A_518 = arith.constant 15 : i32
      %rev3A_519 = vector.broadcast %rev3A_518 : i32 to vector<16xi32>
      %rev3A_520 = tpu.iota {dimensions = array<i32: 0>} : vector<16xi32>
      %rev3A_521 = arith.subi %rev3A_519, %rev3A_520 : vector<16xi32>
      %rev3A_522 = tpu.dynamic_gather %get3A_517[%rev3A_521] in [0] : vector<16xi32>, vector<16xi32> -> vector<16xi32>
      %broadcast_in_dim3A_523 = arith.constant true
      %broadcast_in_dim3A_524 = vector.broadcast %broadcast_in_dim3A_523 : i1 to vector<16xi1>
      %masked_cumsum3A_525 = tpu.scan <sum>, %rev3A_522 masked %broadcast_in_dim3A_524 : vector<16xi32>, vector<16xi1> -> vector<16xi32>
      %rev3A_526 = arith.constant 15 : i32
      %rev3A_527 = vector.broadcast %rev3A_526 : i32 to vector<16xi32>
      %rev3A_528 = tpu.iota {dimensions = array<i32: 0>} : vector<16xi32>
      %rev3A_529 = arith.subi %rev3A_527, %rev3A_528 : vector<16xi32>
      %rev3A_530 = tpu.dynamic_gather %masked_cumsum3A_525[%rev3A_529] in [0] : vector<16xi32>, vector<16xi32> -> vector<16xi32>
      %add3A_531 = vector.broadcast %sub3A_513 : i32 to vector<16xi32>
      %add3A_532 = arith.addi %rev3A_530, %add3A_531 : vector<16xi32>
      %ge3A_533 = vector.broadcast %sub3A_458 : i32 to vector<16xi32>
      %ge3A_534 = arith.cmpi sge, %add3A_532, %ge3A_533 : vector<16xi32>
      %convert_element_type3A_535 = arith.extui %ge3A_534 : vector<16xi1> to vector<16xi32>
      %reduce_sum3A_536 = arith.constant true
      %reduce_sum3A_537 = vector.broadcast %reduce_sum3A_536 : i1 to vector<16xi1>
      %reduce_sum3A_538 = tpu.scan <sum>, %convert_element_type3A_535 masked %reduce_sum3A_537 : vector<16xi32>, vector<16xi1> -> vector<16xi32>
      %reduce_sum3A_539 = vector.extract %reduce_sum3A_538[15] : i32 from vector<16xi32>
      %mul3A_540 = arith.constant 16 : i32
      %mul3A_541 = arith.muli %sub3A_486, %mul3A_540 : i32
      %add3A_542 = arith.addi %mul3A_541, %reduce_sum3A_539 : i32
      %sub3A_543 = arith.constant 1 : i32
      %sub3A_544 = arith.subi %add3A_542, %sub3A_543 : i32
      %shift_left3A_545 = arith.constant 16 : i32
      %shift_left3A_546 = arith.shli %sub3A_544, %shift_left3A_545 : i32
      %add3A_547 = arith.addi %shift_left3A_429, %shift_left3A_546 : i32
      %parallel_loop3A_548 = arith.constant 0 : i32
      %parallel_loop3A_549 = arith.constant 1 : i32
      %parallel_loop3A_550 = scf.for %parallel_loop3A_652 = %parallel_loop3A_548 to %reduce_max3A_441 step %parallel_loop3A_549 iter_args(%parallel_loop3A_653 = %broadcast_in_dim3A_2) -> (vector<16xi32>)  : i32 {
        %parallel_loop3A_654 = arith.constant 16 : i32
        %parallel_loop3A_655 = arith.muli %parallel_loop3A_652, %parallel_loop3A_654 : i32
        %parallel_loop3A_656 = arith.index_cast %parallel_loop3A_655 : i32 to index
        %parallel_loop3A_657 = tpu.vector_load %arg7[%parallel_loop3A_656] {strides = array<i32>} : memref<10240xi32, #tpu.memory_space<vmem>>, vector<16xi32>,
        %parallel_loop3A_658 = arith.constant 16 : i32
        %parallel_loop3A_659 = arith.muli %parallel_loop3A_652, %parallel_loop3A_658 : i32
        %parallel_loop3A_660 = arith.index_cast %parallel_loop3A_659 : i32 to index
        %parallel_loop3A_661 = tpu.vector_load %arg8[%parallel_loop3A_660] {strides = array<i32>} : memref<10240xi32, #tpu.memory_space<vmem>>, vector<16xi32>,
        %parallel_loop3A_662 = vector.broadcast %parallel_loop3A_652 : i32 to vector<16xi32>
        %parallel_loop3A_663 = arith.cmpi slt, %parallel_loop3A_662, %parallel_loop3A_433 : vector<16xi32>
        %parallel_loop3A_664 = vector.broadcast %add3A_547 : i32 to vector<16xi32>
        %parallel_loop3A_665 = arith.cmpi sge, %parallel_loop3A_657, %parallel_loop3A_664 : vector<16xi32>
        %parallel_loop3A_666 = arith.andi %parallel_loop3A_663, %parallel_loop3A_665 : vector<16xi1>
        %parallel_loop3A_667 = arith.constant 32 : i32
        %parallel_loop3A_668 = vector.broadcast %parallel_loop3A_667 : i32 to vector<16xi32>
        %parallel_loop3A_669 = arith.cmpi slt, %parallel_loop3A_653, %parallel_loop3A_668 : vector<16xi32>
        %parallel_loop3A_670 = arith.andi %parallel_loop3A_666, %parallel_loop3A_669 : vector<16xi1>
        %parallel_loop3A_671 = arith.constant 4 : i32
        %parallel_loop3A_672 = vector.broadcast %parallel_loop3A_671 : i32 to vector<16xi32>
        %parallel_loop3A_673 = arith.shli %parallel_loop3A_653, %parallel_loop3A_672 : vector<16xi32>
        %parallel_loop3A_674 = arith.addi %parallel_loop3A_673, %iota3A : vector<16xi32>
        tpu.vector_store_idx %arg11[%parallel_loop3A_674], %parallel_loop3A_657 masked %parallel_loop3A_670 : memref<512xi32, #tpu.memory_space<vmem>>[vector<16xi32>], vector<16xi32>, vector<16xi1>
        tpu.vector_store_idx %arg12[%parallel_loop3A_674], %parallel_loop3A_661 masked %parallel_loop3A_670 : memref<512xi32, #tpu.memory_space<vmem>>[vector<16xi32>], vector<16xi32>, vector<16xi1>
        %parallel_loop3A_675 = arith.extui %parallel_loop3A_670 : vector<16xi1> to vector<16xi32>
        %parallel_loop3A_676 = arith.addi %parallel_loop3A_653, %parallel_loop3A_675 : vector<16xi32>
        scf.yield %parallel_loop3A_676 : vector<16xi32>
      } {sc.loop_unroll_factor = 2 : i64, sc.parallel_access}
      %reduce_max3A_551 = arith.constant true
      %reduce_max3A_552 = vector.broadcast %reduce_max3A_551 : i1 to vector<16xi1>
      %reduce_max3A_553 = arith.constant -2147483648 : i32
      %reduce_max3A_554 = vector.broadcast %reduce_max3A_553 : i32 to vector<16xi32>
      %reduce_max3A_555 = arith.xori %parallel_loop3A_550, %reduce_max3A_554 : vector<16xi32>
      %reduce_max3A_556 = tpu.scan <max>, %reduce_max3A_555 masked %reduce_max3A_552 : vector<16xi32>, vector<16xi1> -> vector<16xi32>
      %reduce_max3A_557 = arith.xori %reduce_max3A_556, %reduce_max3A_554 : vector<16xi32>
      %reduce_max3A_558 = vector.extract %reduce_max3A_557[15] : i32 from vector<16xi32>
      %sub3A_559 = arith.constant 1 : i32
      %sub3A_560 = vector.broadcast %sub3A_559 : i32 to vector<16xi32>
      %sub3A_561 = arith.subi %broadcast_in_dim3A_2, %sub3A_560 : vector<16xi32>
      %sub3A_562 = arith.constant 1 : i32
      %sub3A_563 = vector.broadcast %sub3A_562 : i32 to vector<16xi32>
      %sub3A_564 = arith.subi %broadcast_in_dim3A_2, %sub3A_563 : vector<16xi32>
      %scan3A_565 = arith.constant 2147483647 : i32
      %scan3A_566 = arith.constant -1 : i32
      %scan3A_567 = arith.constant 0 : i32
      %scan3A_568 = arith.constant 30 : i32
      %scan3A_569 = arith.addi %scan3A_567, %scan3A_568 : i32
      %scan3A_570 = arith.constant 1 : i32
      %scan3A_571:6 = scf.for %scan3A_652 = %scan3A_567 to %scan3A_569 step %scan3A_570 iter_args(%scan3A_653 = %scan3A_565, %scan3A_654 = %scan3A_566, %scan3A_655 = %broadcast_in_dim3A_2, %scan3A_656 = %broadcast_in_dim3A_2, %scan3A_657 = %sub3A_561, %scan3A_658 = %sub3A_564) -> (i32, i32, vector<16xi32>, vector<16xi32>, vector<16xi32>, vector<16xi32>)  : i32 {
        %broadcast_in_dim3A_659 = arith.constant -2147483648 : i32
        %broadcast_in_dim3A_660 = vector.broadcast %broadcast_in_dim3A_659 : i32 to vector<16xi32>
        %broadcast_in_dim3A_661 = arith.constant 2147483647 : i32
        %broadcast_in_dim3A_662 = vector.broadcast %broadcast_in_dim3A_661 : i32 to vector<16xi32>
        %parallel_loop3A_663 = arith.constant 0 : i32
        %parallel_loop3A_664 = arith.constant 1 : i32
        %parallel_loop3A_665:2 = scf.for %parallel_loop3A_700 = %parallel_loop3A_663 to %reduce_max3A_558 step %parallel_loop3A_664 iter_args(%parallel_loop3A_701 = %broadcast_in_dim3A_660, %parallel_loop3A_702 = %broadcast_in_dim3A_662) -> (vector<16xi32>, vector<16xi32>)  : i32 {
          %parallel_loop3A_703 = arith.constant 16 : i32
          %parallel_loop3A_704 = arith.muli %parallel_loop3A_700, %parallel_loop3A_703 : i32
          %parallel_loop3A_705 = arith.index_cast %parallel_loop3A_704 : i32 to index
          %parallel_loop3A_706 = tpu.vector_load %arg11[%parallel_loop3A_705] {strides = array<i32>} : memref<512xi32, #tpu.memory_space<vmem>>, vector<16xi32>,
          %parallel_loop3A_707 = arith.constant 16 : i32
          %parallel_loop3A_708 = arith.muli %parallel_loop3A_700, %parallel_loop3A_707 : i32
          %parallel_loop3A_709 = arith.index_cast %parallel_loop3A_708 : i32 to index
          %parallel_loop3A_710 = tpu.vector_load %arg12[%parallel_loop3A_709] {strides = array<i32>} : memref<512xi32, #tpu.memory_space<vmem>>, vector<16xi32>,
          %parallel_loop3A_711 = vector.broadcast %parallel_loop3A_700 : i32 to vector<16xi32>
          %parallel_loop3A_712 = arith.cmpi slt, %parallel_loop3A_711, %parallel_loop3A_550 : vector<16xi32>
          %parallel_loop3A_713 = vector.broadcast %scan3A_653 : i32 to vector<16xi32>
          %parallel_loop3A_714 = arith.cmpi slt, %parallel_loop3A_706, %parallel_loop3A_713 : vector<16xi32>
          %parallel_loop3A_715 = vector.broadcast %scan3A_653 : i32 to vector<16xi32>
          %parallel_loop3A_716 = arith.cmpi eq, %parallel_loop3A_706, %parallel_loop3A_715 : vector<16xi32>
          %parallel_loop3A_717 = vector.broadcast %scan3A_654 : i32 to vector<16xi32>
          %parallel_loop3A_718 = arith.cmpi sgt, %parallel_loop3A_710, %parallel_loop3A_717 : vector<16xi32>
          %parallel_loop3A_719 = arith.andi %parallel_loop3A_716, %parallel_loop3A_718 : vector<16xi1>
          %parallel_loop3A_720 = arith.ori %parallel_loop3A_714, %parallel_loop3A_719 : vector<16xi1>
          %parallel_loop3A_721 = arith.andi %parallel_loop3A_712, %parallel_loop3A_720 : vector<16xi1>
          %parallel_loop3A_722 = arith.constant -2147483648 : i32
          %parallel_loop3A_723 = vector.broadcast %parallel_loop3A_722 : i32 to vector<16xi32>
          %parallel_loop3A_724 = arith.select %parallel_loop3A_721, %parallel_loop3A_706, %parallel_loop3A_723 : vector<16xi1>, vector<16xi32>
          %parallel_loop3A_725 = arith.constant 2147483647 : i32
          %parallel_loop3A_726 = vector.broadcast %parallel_loop3A_725 : i32 to vector<16xi32>
          %parallel_loop3A_727 = arith.select %parallel_loop3A_721, %parallel_loop3A_710, %parallel_loop3A_726 : vector<16xi1>, vector<16xi32>
          %parallel_loop3A_728 = arith.cmpi sgt, %parallel_loop3A_724, %parallel_loop3A_701 : vector<16xi32>
          %parallel_loop3A_729 = arith.cmpi eq, %parallel_loop3A_724, %parallel_loop3A_701 : vector<16xi32>
          %parallel_loop3A_730 = arith.cmpi slt, %parallel_loop3A_727, %parallel_loop3A_702 : vector<16xi32>
          %parallel_loop3A_731 = arith.andi %parallel_loop3A_729, %parallel_loop3A_730 : vector<16xi1>
          %parallel_loop3A_732 = arith.ori %parallel_loop3A_728, %parallel_loop3A_731 : vector<16xi1>
          %parallel_loop3A_733 = arith.select %parallel_loop3A_732, %parallel_loop3A_724, %parallel_loop3A_701 : vector<16xi1>, vector<16xi32>
          %parallel_loop3A_734 = arith.select %parallel_loop3A_732, %parallel_loop3A_727, %parallel_loop3A_702 : vector<16xi1>, vector<16xi32>
          scf.yield %parallel_loop3A_733, %parallel_loop3A_734 : vector<16xi32>, vector<16xi32>
        } {sc.loop_unroll_factor = 2 : i64, sc.parallel_access}
        %reduce_max3A_666 = arith.constant true
        %reduce_max3A_667 = vector.broadcast %reduce_max3A_666 : i1 to vector<16xi1>
        %reduce_max3A_668 = arith.constant -2147483648 : i32
        %reduce_max3A_669 = vector.broadcast %reduce_max3A_668 : i32 to vector<16xi32>
        %reduce_max3A_670 = arith.xori %parallel_loop3A_665#0, %reduce_max3A_669 : vector<16xi32>
        %reduce_max3A_671 = tpu.scan <max>, %reduce_max3A_670 masked %reduce_max3A_667 : vector<16xi32>, vector<16xi1> -> vector<16xi32>
        %reduce_max3A_672 = arith.xori %reduce_max3A_671, %reduce_max3A_669 : vector<16xi32>
        %reduce_max3A_673 = vector.extract %reduce_max3A_672[15] : i32 from vector<16xi32>
        %eq3A_674 = vector.broadcast %reduce_max3A_673 : i32 to vector<16xi32>
        %eq3A_675 = arith.cmpi eq, %parallel_loop3A_665#0, %eq3A_674 : vector<16xi32>
        %jit3A_676 = arith.constant 2147483647 : i32
        %broadcast_in_dim3A_677 = vector.broadcast %jit3A_676 : i32 to vector<16xi32>
        %select_n3A_678 = arith.select %eq3A_675, %parallel_loop3A_665#1, %broadcast_in_dim3A_677 : vector<16xi1>, vector<16xi32>
        %reduce_min3A = arith.constant true
        %reduce_min3A_679 = vector.broadcast %reduce_min3A : i1 to vector<16xi1>
        %reduce_min3A_680 = arith.constant -2147483648 : i32
        %reduce_min3A_681 = vector.broadcast %reduce_min3A_680 : i32 to vector<16xi32>
        %reduce_min3A_682 = arith.xori %select_n3A_678, %reduce_min3A_681 : vector<16xi32>
        %reduce_min3A_683 = tpu.scan <min>, %reduce_min3A_682 masked %reduce_min3A_679 : vector<16xi32>, vector<16xi1> -> vector<16xi32>
        %reduce_min3A_684 = arith.xori %reduce_min3A_683, %reduce_min3A_681 : vector<16xi32>
        %reduce_min3A_685 = vector.extract %reduce_min3A_684[15] : i32 from vector<16xi32>
        %eq3A_686 = vector.broadcast %scan3A_652 : i32 to vector<16xi32>
        %eq3A_687 = arith.cmpi eq, %iota3A, %eq3A_686 : vector<16xi32>
        %sub3A_688 = arith.constant 16 : i32
        %sub3A_689 = arith.subi %scan3A_652, %sub3A_688 : i32
        %eq3A_690 = vector.broadcast %sub3A_689 : i32 to vector<16xi32>
        %eq3A_691 = arith.cmpi eq, %iota3A, %eq3A_690 : vector<16xi32>
        %broadcast_in_dim3A_692 = vector.broadcast %reduce_max3A_673 : i32 to vector<16xi32>
        %select_n3A_693 = arith.select %eq3A_687, %broadcast_in_dim3A_692, %scan3A_655 : vector<16xi1>, vector<16xi32>
        %broadcast_in_dim3A_694 = vector.broadcast %reduce_max3A_673 : i32 to vector<16xi32>
        %select_n3A_695 = arith.select %eq3A_691, %broadcast_in_dim3A_694, %scan3A_656 : vector<16xi1>, vector<16xi32>
        %broadcast_in_dim3A_696 = vector.broadcast %reduce_min3A_685 : i32 to vector<16xi32>
        %select_n3A_697 = arith.select %eq3A_687, %broadcast_in_dim3A_696, %scan3A_657 : vector<16xi1>, vector<16xi32>
        %broadcast_in_dim3A_698 = vector.broadcast %reduce_min3A_685 : i32 to vector<16xi32>
        %select_n3A_699 = arith.select %eq3A_691, %broadcast_in_dim3A_698, %scan3A_658 : vector<16xi1>, vector<16xi32>
        scf.yield %reduce_max3A_673, %reduce_min3A_685, %select_n3A_693, %select_n3A_695, %select_n3A_697, %select_n3A_699 : i32, i32, vector<16xi32>, vector<16xi32>, vector<16xi32>, vector<16xi32>
      }
      %scan3A_572 = arith.constant 30 : i32
      %shift_right_arithmetic3A = arith.constant 31 : i32
      %shift_right_arithmetic3A_573 = vector.broadcast %shift_right_arithmetic3A : i32 to vector<16xi32>
      %shift_right_arithmetic3A_574 = arith.shrsi %scan3A_571#2, %shift_right_arithmetic3A_573 : vector<16xi32>
      %and3A = arith.constant 2147483647 : i32
      %and3A_575 = vector.broadcast %and3A : i32 to vector<16xi32>
      %and3A_576 = arith.andi %shift_right_arithmetic3A_574, %and3A_575 : vector<16xi32>
      %xor3A = arith.xori %scan3A_571#2, %and3A_576 : vector<16xi32>
      %bitcast3A = vector.bitcast %xor3A : vector<16xi32> to vector<16xf32>
      %shift_right_arithmetic3A_577 = arith.constant 31 : i32
      %shift_right_arithmetic3A_578 = vector.broadcast %shift_right_arithmetic3A_577 : i32 to vector<16xi32>
      %shift_right_arithmetic3A_579 = arith.shrsi %scan3A_287#2, %shift_right_arithmetic3A_578 : vector<16xi32>
      %and3A_580 = arith.constant 2147483647 : i32
      %and3A_581 = vector.broadcast %and3A_580 : i32 to vector<16xi32>
      %and3A_582 = arith.andi %shift_right_arithmetic3A_579, %and3A_581 : vector<16xi32>
      %xor3A_583 = arith.xori %scan3A_287#2, %and3A_582 : vector<16xi32>
      %bitcast3A_584 = vector.bitcast %xor3A_583 : vector<16xi32> to vector<16xf32>
      %sub3A_585 = arith.subf %bitcast3A, %bitcast3A_584 : vector<16xf32>
      %abs3A = math.absf %sub3A_585 : vector<16xf32>
      %shift_right_arithmetic3A_586 = arith.constant 31 : i32
      %shift_right_arithmetic3A_587 = vector.broadcast %shift_right_arithmetic3A_586 : i32 to vector<16xi32>
      %shift_right_arithmetic3A_588 = arith.shrsi %scan3A_571#3, %shift_right_arithmetic3A_587 : vector<16xi32>
      %and3A_589 = arith.constant 2147483647 : i32
      %and3A_590 = vector.broadcast %and3A_589 : i32 to vector<16xi32>
      %and3A_591 = arith.andi %shift_right_arithmetic3A_588, %and3A_590 : vector<16xi32>
      %xor3A_592 = arith.xori %scan3A_571#3, %and3A_591 : vector<16xi32>
      %bitcast3A_593 = vector.bitcast %xor3A_592 : vector<16xi32> to vector<16xf32>
      %shift_right_arithmetic3A_594 = arith.constant 31 : i32
      %shift_right_arithmetic3A_595 = vector.broadcast %shift_right_arithmetic3A_594 : i32 to vector<16xi32>
      %shift_right_arithmetic3A_596 = arith.shrsi %scan3A_287#3, %shift_right_arithmetic3A_595 : vector<16xi32>
      %and3A_597 = arith.constant 2147483647 : i32
      %and3A_598 = vector.broadcast %and3A_597 : i32 to vector<16xi32>
      %and3A_599 = arith.andi %shift_right_arithmetic3A_596, %and3A_598 : vector<16xi32>
      %xor3A_600 = arith.xori %scan3A_287#3, %and3A_599 : vector<16xi32>
      %bitcast3A_601 = vector.bitcast %xor3A_600 : vector<16xi32> to vector<16xf32>
      %sub3A_602 = arith.subf %bitcast3A_593, %bitcast3A_601 : vector<16xf32>
      %abs3A_603 = math.absf %sub3A_602 : vector<16xf32>
      %reduce_sum3A_604 = arith.constant true
      %reduce_sum3A_605 = vector.broadcast %reduce_sum3A_604 : i1 to vector<16xi1>
      %reduce_sum3A_606 = tpu.scan <sum>, %abs3A masked %reduce_sum3A_605 : vector<16xf32>, vector<16xi1> -> vector<16xf32>
      %reduce_sum3A_607 = vector.extract %reduce_sum3A_606[15] : f32 from vector<16xf32>
      %reduce_sum3A_608 = arith.constant true
      %reduce_sum3A_609 = vector.broadcast %reduce_sum3A_608 : i1 to vector<16xi1>
      %reduce_sum3A_610 = tpu.scan <sum>, %abs3A_603 masked %reduce_sum3A_609 : vector<16xf32>, vector<16xi1> -> vector<16xf32>
      %reduce_sum3A_611 = vector.extract %reduce_sum3A_610[15] : f32 from vector<16xf32>
      %add3A_612 = arith.addf %reduce_sum3A_607, %reduce_sum3A_611 : f32
      %broadcast_in_dim3A_613 = arith.constant false
      %broadcast_in_dim3A_614 = vector.broadcast %broadcast_in_dim3A_613 : i1 to vector<16xi1>
      %broadcast_in_dim3A_615 = arith.constant false
      %broadcast_in_dim3A_616 = vector.broadcast %broadcast_in_dim3A_615 : i1 to vector<16xi1>
      %scan3A_617 = arith.constant 0 : i32
      %scan3A_618 = arith.constant 30 : i32
      %scan3A_619 = arith.addi %scan3A_617, %scan3A_618 : i32
      %scan3A_620 = arith.constant 1 : i32
      %scan3A_621:2 = scf.for %scan3A_652 = %scan3A_617 to %scan3A_619 step %scan3A_620 iter_args(%scan3A_653 = %broadcast_in_dim3A_614, %scan3A_654 = %broadcast_in_dim3A_616) -> (vector<16xi1>, vector<16xi1>)  : i32 {
        %add3A_655 = vector.broadcast %scan3A_652 : i32 to vector<16xi32>
        %add3A_656 = arith.addi %broadcast_in_dim3A_2, %add3A_655 : vector<16xi32>
        %gather3A = tpu.vector_load_idx %arg13[%add3A_656] : memref<32xi32, #tpu.memory_space<vmem>>[vector<16xi32>], vector<16xi32>,
        %eq3A_657 = arith.cmpi eq, %scan3A_571#4, %gather3A : vector<16xi32>
        %or3A = arith.ori %scan3A_653, %eq3A_657 : vector<16xi1>
        %eq3A_658 = arith.cmpi eq, %scan3A_571#5, %gather3A : vector<16xi32>
        %or3A_659 = arith.ori %scan3A_654, %eq3A_658 : vector<16xi1>
        scf.yield %or3A, %or3A_659 : vector<16xi1>, vector<16xi1>
      }
      %scan3A_622 = arith.constant 30 : i32
      %convert_element_type3A_623 = arith.extui %scan3A_621#0 : vector<16xi1> to vector<16xi32>
      %convert_element_type3A_624 = arith.sitofp %convert_element_type3A_623 : vector<16xi32> to vector<16xf32>
      %reduce_sum3A_625 = arith.constant true
      %reduce_sum3A_626 = vector.broadcast %reduce_sum3A_625 : i1 to vector<16xi1>
      %reduce_sum3A_627 = tpu.scan <sum>, %convert_element_type3A_624 masked %reduce_sum3A_626 : vector<16xf32>, vector<16xi1> -> vector<16xf32>
      %reduce_sum3A_628 = vector.extract %reduce_sum3A_627[15] : f32 from vector<16xf32>
      %convert_element_type3A_629 = arith.extui %scan3A_621#1 : vector<16xi1> to vector<16xi32>
      %convert_element_type3A_630 = arith.sitofp %convert_element_type3A_629 : vector<16xi32> to vector<16xf32>
      %reduce_sum3A_631 = arith.constant true
      %reduce_sum3A_632 = vector.broadcast %reduce_sum3A_631 : i1 to vector<16xi1>
      %reduce_sum3A_633 = tpu.scan <sum>, %convert_element_type3A_630 masked %reduce_sum3A_632 : vector<16xf32>, vector<16xi1> -> vector<16xf32>
      %reduce_sum3A_634 = vector.extract %reduce_sum3A_633[15] : f32 from vector<16xf32>
      %add3A_635 = arith.addf %reduce_sum3A_628, %reduce_sum3A_634 : f32
      %eq3A_636 = arith.constant 0 : i32
      %eq3A_637 = vector.broadcast %eq3A_636 : i32 to vector<16xi32>
      %eq3A_638 = arith.cmpi eq, %iota3A, %eq3A_637 : vector<16xi32>
      %eq3A_639 = arith.constant 1 : i32
      %eq3A_640 = vector.broadcast %eq3A_639 : i32 to vector<16xi32>
      %eq3A_641 = arith.cmpi eq, %iota3A, %eq3A_640 : vector<16xi32>
      %jit3A_642 = arith.constant 0.000000e+00 : f32
      %broadcast_in_dim3A_643 = vector.broadcast %add3A_612 : f32 to vector<16xf32>
      %broadcast_in_dim3A_644 = vector.broadcast %jit3A_642 : f32 to vector<16xf32>
      %select_n3A_645 = arith.select %eq3A_641, %broadcast_in_dim3A_643, %broadcast_in_dim3A_644 : vector<16xi1>, vector<16xf32>
      %broadcast_in_dim3A_646 = vector.broadcast %add3A_635 : f32 to vector<16xf32>
      %select_n3A_647 = arith.select %eq3A_638, %broadcast_in_dim3A_646, %select_n3A_645 : vector<16xi1>, vector<16xf32>
      %mul3A_648 = arith.constant 16 : i32
      %mul3A_649 = arith.muli %scan3A_16, %mul3A_648 : i32
      %swap3A_650 = arith.index_cast %mul3A_649 : i32 to index
      %swap3A_651 = tpu.vector_load %arg14[%swap3A_650] {strides = array<i32>} : memref<64xf32, #tpu.memory_space<vmem>>, vector<16xf32>,
      tpu.vector_store %arg14[%swap3A_650], %select_n3A_647 {strides = array<i32>} : memref<64xf32, #tpu.memory_space<vmem>>, vector<16xf32>,
    }
    %scan3A_15 = arith.constant 4 : i32
    "tpu.region"() ({
      %run_scoped3A = tpu.sem_alloc : memref<!tpu.dma_semaphore, #tpu.memory_space<semaphore_mem>>
      %dma_start3A_16 = arith.constant 0 : i32
      %dma_start3A_17 = tpu.memref_slice %arg4[%add3A, %dma_start3A_16] : memref<32x64xf32, #tpu.memory_space<hbm>> -> memref<1x64xf32, #tpu.memory_space<hbm>>
      %dma_start3A_18 = tpu.memref_squeeze %dma_start3A_17 : memref<1x64xf32, #tpu.memory_space<hbm>> -> memref<64xf32, #tpu.memory_space<hbm>>
      %dma_start3A_19 = arith.constant 0 : i32
      %dma_start3A_20 = tpu.memref_slice %arg4[%add3A, %dma_start3A_19] : memref<32x64xf32, #tpu.memory_space<hbm>> -> memref<1x64xf32, #tpu.memory_space<hbm>>
      %dma_start3A_21 = tpu.memref_squeeze %dma_start3A_20 : memref<1x64xf32, #tpu.memory_space<hbm>> -> memref<64xf32, #tpu.memory_space<hbm>>
      tpu.enqueue_dma source(%arg14 : memref<64xf32, #tpu.memory_space<vmem>>) target(%dma_start3A_21 : memref<64xf32, #tpu.memory_space<hbm>>) target_semaphore(%run_scoped3A : memref<!tpu.dma_semaphore, #tpu.memory_space<semaphore_mem>>)
      %dma_wait3A = arith.constant 0 : i32
      %dma_wait3A_22 = tpu.memref_slice %arg4[%add3A, %dma_wait3A] : memref<32x64xf32, #tpu.memory_space<hbm>> -> memref<1x64xf32, #tpu.memory_space<hbm>>
      %dma_wait3A_23 = tpu.memref_squeeze %dma_wait3A_22 : memref<1x64xf32, #tpu.memory_space<hbm>> -> memref<64xf32, #tpu.memory_space<hbm>>
      %dma_wait3A_24 = arith.constant 0 : i32
      %dma_wait3A_25 = tpu.memref_slice %arg4[%add3A, %dma_wait3A_24] : memref<32x64xf32, #tpu.memory_space<hbm>> -> memref<1x64xf32, #tpu.memory_space<hbm>>
      %dma_wait3A_26 = tpu.memref_squeeze %dma_wait3A_25 : memref<1x64xf32, #tpu.memory_space<hbm>> -> memref<64xf32, #tpu.memory_space<hbm>>
      tpu.wait_dma2 semaphore(%run_scoped3A : memref<!tpu.dma_semaphore, #tpu.memory_space<semaphore_mem>>) src(%arg14 : memref<64xf32, #tpu.memory_space<vmem>>) dst(%dma_wait3A_26 : memref<64xf32, #tpu.memory_space<hbm>>)
      tpu.yield
    }) : () -> ()
    return
  }
}

</mosaic_0001>

<sc_bundles>
// kernel: kernel.3.cloned.1.call-start
scs
__scs_entry_jumppad:
0x0: {  	(pc) =	sbr.rel $0x88, $3  }
0x1: {  	(tag) =	ssettag $0x0;
	lr =	simm.s32 $0x1  }
0x2: {  	[smem:$0x3F9F] =	sst lr;
	_ =	strace $0xD0000000  }
0x3: {  	_ = 	snop  }
0x4: {  	_ = 	snop  }
0x5: {  	_ = 	snop  }
0x6: {  	_ = 	snop  }
0x7: {  	_ = 	snop  }
__scs_overlays_trampoline_lowered:
0x8: {  	[smem:$0x3FAE] =	sst s0  }
0x9: {  	[smem:$0x3FAF] =	sst s1  }
0xa: {  	[smem:$0x3FB0] =	sst s2  }
0xb: {  	[smem:$0x3FB1] =	sst s3  }
0xc: {  	[smem:$0x3FB2] =	sst s4  }
0xd: {  	[smem:$0x3FB3] =	sst s5  }
0xe: {  	[smem:$0x3FB4] =	sst s6  }
0xf: {  	[smem:$0x3FB5] =	sst s7  }
0x10: {  	[smem:$0x3FB6] =	sst s8  }
0x11: {  	[smem:$0x3FB7] =	sst s9;
	s0 =	simm.s32 @!p0 $0x0  }
0x12: {  	s1 =	sld [smem:$0x3F9D];
	s0 =	simm.s32 @p0 $0x1  }
0x13: {  	[smem:$0x3FB8] =	sst s0;
	s0 =	simm.s32 @!p1 $0x0  }
0x14: {  	s2 =	sld [smem:$0x3F9C];
	s0 =	simm.s32 @p1 $0x1  }
0x15: {  	[smem:$0x3FB9] =	sst s0;
	s0 =	simm.s32 @!p2 $0x0  }
0x16: {  	s3 =	sld [smem:$0x3FDB];
	s0 =	simm.s32 @p2 $0x1  }
0x17: {  	s4 =	simm.s32 $0x1BF5;
	[smem:$0x3FBB] =	sst s0  }
0x18: {  	s0 =	sld [smem:$0x3F9E];
	_ =	swait.ge [sflag:s4], $0x0  }
0x19: {  	s7 =	sld [smem:$0x3F9F]  }
0x1a: {  	s8 =	sadd.s32 $0xFFFFE003, lr  }
0x1b: {  	s9 =	sadd.s32 $0xFFFFFEF7, lr;
	s5 =	simm.s32 $0xFFFFFFFF;
	p2 =	slt.u32 s8, $0xFFFFF086  }
0x1c: {  	p1 =	slt.u32 s9, $0xF7A;
	s5 =	simm.s32 @!p2 $0x0  }
0x1d: {  	s5 =	simm.s32 @p1 $0x1;
	p0 =	seq.s32 s7, s2  }
0x1e: {  	s7 =	smul.u32 @!p0 $0xF7A, s2;
	p2 =	seq.s32 @!p0 s5, $0x0  }
0x1f: {  	s9 =	smul.u32 $0xF7A, s1;
	s8 =	simm.s32 @!p0 $0x1BF5;
	p2 =	por !p2, p0  }
0x20: {  	[sflag:s8] =	ssyncset.s32 @!p0 $0xFFFFF086;
	s6 =	sadd.s32 @!p0 s3, s7;
	s7 =	simm.s32 @!p0 $0x108  }
0x21: {  	s3 =	sadd.s32 s3, s9;
	s6 =	sadd.s32 @!p0 $0x88, s6;
	s7 =	simm.s32 @p2 $0x1082  }
0x22: {  	[simem:s7], [sflag:s8] =	dma.local @!p0 [hbm:s6], $0xF7A  }
0x23: {  	s9 =	sor.u32 $0xD0000000, s2;
	s6 =	simm.s32 $0x108;
	_ =	swait.ge @!p0 [sflag:s8], $0x0  }
0x24: {  	s3 =	sadd.s32 $0x88, s3;
	s6 =	simm.s32 @!p1 $0x1082;
	[sflag:s4] =	ssyncset.s32 $0xFFFFF086  }
0x25: {  	[simem:s6], [sflag:s4] =	dma.local [hbm:s3], $0xF7A  }
0x26: {  	[smem:$0x3F9F] =	sst s1;
	(tag) =	ssettag s2;
	_ =	strace s9  }
0x27: {  	s1 =	sld [smem:$0x3FAF]  }
0x28: {  	s2 =	sld [smem:$0x3FB0]  }
0x29: {  	s4 =	sld [smem:$0x3FB2]  }
0x2a: {  	p0 =	seq.s32 s5, $0x0;
	s5 =	sld [smem:$0x3FB3]  }
0x2b: {  	s6 =	sld [smem:$0x3FB4]  }
0x2c: {  	s7 =	sld [smem:$0x3FB5]  }
0x2d: {  	s3 =	simm.s32 $0x108;
	s8 =	sld [smem:$0x3FB6]  }
0x2e: {  	s3 =	simm.s32 @!p0 $0x1082;
	s9 =	sld [smem:$0x3FB7]  }
0x2f: {  	lr =	sadd.s32 s0, s3;
	s0 =	sld [smem:$0x3FAE]  }
0x30: {  	s3 =	sld [smem:$0x3FB1]  }
0x31: {  	[smem:$0x3FBA] =	sst s10  }
0x32: {  	s10 =	sld [smem:$0x3FB8];
	_ =	sdelay $0x3  }
0x33: {  	p0 =	seq.s32 s10, $0x1;
	s10 =	sld [smem:$0x3FBA];
	_ =	sdelay $0x3  }
0x34: {  	[smem:$0x3FBA] =	sst s10  }
0x35: {  	s10 =	sld [smem:$0x3FB9];
	_ =	sdelay $0x3  }
0x36: {  	p1 =	seq.s32 s10, $0x1;
	s10 =	sld [smem:$0x3FBA];
	_ =	sdelay $0x3  }
0x37: {  	[smem:$0x3FBA] =	sst s10  }
0x38: {  	s10 =	sld [smem:$0x3FBB]  }
0x39: {  	_ = 	snop;
	(pc) =	sbr.ind lr, $3  }
0x3a: {  	_ = 	snop  }
0x3b: {  	_ = 	snop  }
0x3c: {  	p2 =	seq.s32 s10, $0x1;
	s10 =	sld [smem:$0x3FBA]  }
0x3d: {  	_ =	shalt  }
0x3e: {  	_ =	shalt  }
0x3f: {  	_ =	shalt  }
0x40: {  	_ =	shalt  }
0x41: {  	_ =	shalt  }
0x42: {  	_ =	shalt  }
0x43: {  	_ =	shalt  }
0x44: {  	_ =	shalt  }
0x45: {  	_ =	shalt  }
0x46: {  	_ =	shalt  }
0x47: {  	_ =	shalt  }
0x48: {  	_ =	shalt  }
0x49: {  	_ =	shalt  }
0x4a: {  	_ =	shalt  }
0x4b: {  	_ =	shalt  }
0x4c: {  	_ =	shalt  }
0x4d: {  	_ =	shalt  }
0x4e: {  	_ =	shalt  }
0x4f: {  	_ =	shalt  }
0x50: {  	_ =	shalt  }
0x51: {  	_ =	shalt  }
0x52: {  	_ =	shalt  }
0x53: {  	_ =	shalt  }
0x54: {  	_ =	shalt  }
0x55: {  	_ =	shalt  }
0x56: {  	_ =	shalt  }
0x57: {  	_ =	shalt  }
0x58: {  	_ =	shalt  }
0x59: {  	_ =	shalt  }
0x5a: {  	_ =	shalt  }
0x5b: {  	_ =	shalt  }
0x5c: {  	_ =	shalt  }
0x5d: {  	_ =	shalt  }
0x5e: {  	_ =	shalt  }
0x5f: {  	_ =	shalt  }
0x60: {  	_ =	shalt  }
0x61: {  	_ =	shalt  }
0x62: {  	_ =	shalt  }
0x63: {  	_ =	shalt  }
0x64: {  	_ =	shalt  }
0x65: {  	_ =	shalt  }
0x66: {  	_ =	shalt  }
0x67: {  	_ =	shalt  }
0x68: {  	_ =	shalt  }
0x69: {  	_ =	shalt  }
0x6a: {  	_ =	shalt  }
0x6b: {  	_ =	shalt  }
0x6c: {  	_ =	shalt  }
0x6d: {  	_ =	shalt  }
0x6e: {  	_ =	shalt  }
0x6f: {  	_ =	shalt  }
0x70: {  	_ =	shalt  }
0x71: {  	_ =	shalt  }
0x72: {  	_ =	shalt  }
0x73: {  	_ =	shalt  }
0x74: {  	_ =	shalt  }
0x75: {  	_ =	shalt  }
0x76: {  	_ =	shalt  }
0x77: {  	_ =	shalt  }
0x78: {  	_ =	shalt  }
0x79: {  	_ =	shalt  }
0x7a: {  	_ =	shalt  }
0x7b: {  	_ =	shalt  }
0x7c: {  	_ =	shalt  }
0x7d: {  	_ =	shalt  }
0x7e: {  	_ =	shalt  }
0x7f: {  	_ =	shalt  }
0x80: {  	_ =	shalt  }
0x81: {  	_ =	shalt  }
0x82: {  	_ =	shalt  }
0x83: {  	_ =	shalt  }
0x84: {  	_ =	shalt  }
0x85: {  	_ =	shalt  }
0x86: {  	_ =	shalt  }
0x87: {  	_ =	shalt  }
.Lfunc_end0:
.L_simem_size_0:
called_computation_lowered:
.L_overlay_start_0:
0x88: {  	s2 =	sld [smem:$0x3FD9]  }
0x89: {  	s3 =	sld [smem:$0x3FFE];
	_ =	sdelay $0x1  }
0x8a: {  	s1 =	srdreg.scid  }
0x8b: {  	s0 =	sand.u32 $0x1, s1  }
0x8c: {  	s17 =	sshll.u32 s0, $0xA;
	s2 =	sadd.s32 s3, s2  }
0x8d: {  	s2 =	sadd.s32 s2, s17  }
0x8e: {  	[smem:$0x3FC6] =	sst s2  }
0x8f: {  	_ = 	snop  }
0x90: {  	s2 =	sld [smem:$0x3FC9]  }
0x91: {  	s18 =	sld [smem:$0x3FC8];
	(tm) =	ssettm $0x1  }
0x92: {  	s4 =	sld [smem:$0x3FFB];
	_ =	sdelay $0x3  }
0x93: {  	_ =	strace s4  }
0x94: {  	s4 =	sld [smem:$0x3FFC];
	_ =	sdelay $0x3  }
0x95: {  	_ =	strace s4  }
0x96: {  	s4 =	sld [smem:$0x3FFD];
	_ =	sdelay $0x3  }
0x97: {  	_ =	strace s4  }
0x98: {  	_ =	strace $0x8FFFFFFF  }
0x99: {  	s19 =	sld [smem:$0x3FDB];
	_ =	sdelay $0x1  }
0x9a: {  	s5 =	simm.s32 $_scs_section_size  }
0x9b: {  	s6 =	simm.s32 $_size__tile_overlayer_lowered;
	s7 =	simm.s32 $_tile_overlayer_lowered  }
0x9c: {  	s22 =	simm.s32 $0x1BFF;
	s21 =	sshll.u32 s7, $0x1;
	s4 =	sadd.s32 s5, s19  }
0x9d: {  	s8 =	simm.s32 $0x0;
	s20 =	sshll.u32 s6, $0x1;
	s6 =	sadd.s32 s21, s4  }
0x9e: {  	[timem:s8], [sflag:s22] =	dma.local [hbm:s6], s20  }
0x9f: {  	_ =	swait.ge [sflag:s22], s20  }
0xa0: {  	s5 =	ssub.s32 $0x0, s20;
	[sflag:s22] =	ssyncset.done $0x0  }
0xa1: {  	[sflag:s22] =	ssyncadd.s32 s5;
	_ =	sdelay $0x1  }
0xa2: {  	s23 =	simm.s32 $0x1B8B  }
0xa3: {  	_ =	swait.ge [sflag:s23], $0x1  }
0xa4: {  	[sflag:s23] =	ssyncset.done $0x0  }
0xa5: {  	s25 =	simm.s32 $0x1B8E;
	s24 =	sld [smem:$0x3FFE];
	[sflag:s23] =	ssyncadd.s32 $0xFFFFFFFF  }
0xa6: {  	s26 =	simm.s32 $execute0_lowered;
	[smem:$0x3FD2] =	sst s25  }
0xa7: {  	s6 =	sshll.u32 s26, $0x1;
	_ =	strace $0x80000046;
	[dreg:$0x1] =	wrdreg $0xFFFFFFFF  }
0xa8: {  	s28 =	simm.s32 $_size_execute0_lowered;
	s4 =	sadd.s32 s4, s6;
	[dreg:$0x0] =	wrdreg $0x0  }
0xa9: {  	s6 =	sshll.u32 s28, $0x1;
	[dreg:$0x2] =	wrdreg s4  }
0xaa: {  	[dreg:$0x3] =	wrdreg s6  }
0xab: {  	[dreg:$0x4] =	wrdreg $0xC0  }
0xac: {  	_ =	task [dreg:s8], $0x5FFFF  }
0xad: {  	[dreg:$0x1] =	wrdreg $0xFFFFFFFF  }
0xae: {  	[dreg:$0x0] =	wrdreg $0x60  }
0xaf: {  	[dreg:$0x2] =	wrdreg s2  }
0xb0: {  	[dreg:$0x3] =	wrdreg s18  }
0xb1: {  	[dreg:$0x4] =	wrdreg s24  }
0xb2: {  	[dreg:$0x5] =	wrdreg $0x9  }
0xb3: {  	_ =	task.clear_ibuf [dreg:s8], $0x6FFFF;
	_ =	strace $0x90000046  }
0xb4: {  	s29 =	simm.s32 $0x9;
	_ =	strace $0x80000048  }
0xb5: {  	_ =	swait.ge [sflag:s29], $0x1  }
0xb6: {  	[sflag:s29] =	ssyncadd.s32 $0xFFFFFFFF  }
0xb7: {  	_ =	strace $0x90000048  }
0xb8: {  	_ =	sfence  }
0xb9: {  	s30 =	sld [smem:$0x0];
	_ =	sdelay $0x2  }
0xba: {  	s31 =	sshll.u32 s1, $0xD;
	s1 =	sshrl.u32 s1, $0x2  }
0xbb: {  	s3 =	sand.u32 $0x4000, s31;
	s1 =	sadd.s32 s1, s30  }
0xbc: {  	s0 =	sor.u32 s3, s0;
	s1 =	sshll.u32 s1, $0x11  }
0xbd: {  	s0 =	sor.u32 s1, s0  }
0xbe: {  	s0 =	sadd.s32 $0x8F2B, s0  }
0xbf: {  	[sflag:s0] =	ssyncadd.remote.s32 $0x1  }
0xc0: {  	_ =	sfence.sel $0xFFFF  }
0xc1: {  	[dreg:$0x0] =	wrdreg $0xFFFFFFFF;
	(pc) =	sbr.abs _section_cstart, $3  }
0xc2: {  	[dreg:$0x1] =	wrdreg $0xFFFFFFFF  }
0xc3: {  	_ =	task.clear_ibuf [dreg:s8], $0x2FFFF;
	_ =	strace $0x9FFFFFFF  }
0xc4: {  	(tm) =	ssettm $0x7FFFFFFF  }
0xc5: {  	_ =	shalt  }
tec
execute0_lowered:
.L_overlay_start_1:
0x0: {  	(tag) =	ssettag $0x1  }
0x1: {  	v0 =	vlaneseq.u32  }
0x2: {  	v2 =	vand.u32 $0x7, v0  }
0x3: {  	v4 =	vmul.u32 $0x10, v0;
	v2 =	vmul.u32 $0x10, v2;
	_ =	sdelay $0x1  }
0x4: {  	v56 =	vor.u32 $0xFFFFFF80, v2;
	v2 =	vor.u32 $0x4, v4  }
0x5: {  	[tilespmem:$0x1FCB0] =	vst v2;
	v2 =	vor.u32 $0x1000, v4  }
0x6: {  	[tilespmem:$0x1FCC0] =	vst v2;
	v2 =	vor.u32 $0x1003, v4  }
0x7: {  	[tilespmem:$0x1FCD0] =	vst v2;
	v2 =	vor.u32 $0x1005, v4  }
0x8: {  	[tilespmem:$0x1FCE0] =	vst v2;
	v2 =	vor.u32 $0x1006, v4  }
0x9: {  	[tilespmem:$0x1FCF0] =	vst v2;
	v2 =	vor.u32 $0x100A, v4  }
0xa: {  	s1 =	rddreg [dreg:$0x0];
	[tilespmem:$0x1FD00] =	vst v2;
	v2 =	vor.u32 $0x100C, v4  }
0xb: {  	s0 =	rddreg [dreg:$0x1];
	s2 =	simm.s32 $0x0;
	[tilespmem:$0x1FD10] =	vst v2;
	v2 =	vor.u32 $0x100D, v4  }
0xc: {  	[smem:$0x7FF] =	sst s2;
	[tilespmem:$0x1FD20] =	vst v2;
	v2 =	vor.u32 $0x2006, v4  }
0xd: {  	s3 =	rddreg [dreg:$0x2];
	_ =	strace $0x80000047;
	[tilespmem:$0x1FD30] =	vst v2  }
0xe: {  	v43 =	vor.u32 $0x2800, v0;
	[tilespmem:$0x1FE00] =	vst v4  }
0xf: {  	v41 =	vor.u32 $0x3800, v0;
	[tilespmem:$0x1FE20] =	vst v43  }
0x10: {  	v55 =	vor.u32 $0x200F, v4;
	[tilespmem:$0x1FE30] =	vst v41  }
0x11: {  	v20 =	vor.u32 $0x800, v0;
	[tilespmem:$0x1FE40] =	vst v55  }
0x12: {  	v22 =	vor.u32 $0x1800, v0;
	[tilespmem:$0x1FE50] =	vst v20  }
0x13: {  	v42 =	vor.u32 $0x2004, v4;
	[tilespmem:$0x1FE60] =	vst v22  }
0x14: {  	v44 =	vor.u32 $0x2005, v4;
	[tilespmem:$0x1FE70] =	vst v42  }
0x15: {  	v57 =	vor.u32 $0x1001, v4;
	[tilespmem:$0x1FE80] =	vst v44  }
0x16: {  	v6 =	vor.u32 $0x100B, v4;
	[tilespmem:$0x1FE90] =	vst v57  }
0x17: {  	v47 =	vor.u32 $0xB, v4;
	[tilespmem:$0x1FEA0] =	vst v6  }
0x18: {  	v52 =	vor.u32 $0xD, v4;
	[tilespmem:$0x1FEB0] =	vst v47  }
0x19: {  	v54 =	vor.u32 $0xE, v4;
	[tilespmem:$0x1FEC0] =	vst v52  }
0x1a: {  	v53 =	vor.u32 $0xF, v4;
	[tilespmem:$0x1FED0] =	vst v54  }
0x1b: {  	v59 =	vor.u32 $0x1002, v4;
	[tilespmem:$0x1FEE0] =	vst v53  }
0x1c: {  	v19 =	vor.u32 $0xA, v4;
	[tilespmem:$0x1FEF0] =	vst v59  }
0x1d: {  	v48 =	vor.u32 $0x100F, v4;
	[tilespmem:$0x1FF00] =	vst v19  }
0x1e: {  	v14 =	vor.u32 $0x2000, v4;
	[tilespmem:$0x1FF10] =	vst v48  }
0x1f: {  	v45 =	vor.u32 $0x1007, v4;
	[tilespmem:$0x1FF20] =	vst v14  }
0x20: {  	v63 =	vor.u32 $0x2003, v4;
	[tilespmem:$0x1FF30] =	vst v45  }
0x21: {  	v8 =	vor.u32 $0x3002, v4;
	[tilespmem:$0x1FF40] =	vst v63  }
0x22: {  	v60 =	vor.u32 $0x3001, v4;
	[tilespmem:$0x1FF50] =	vst v8  }
0x23: {  	v10 =	vor.u32 $0x9, v4;
	[tilespmem:$0x1FF60] =	vst v60  }
0x24: {  	v40 =	vor.u32 $0x1004, v4;
	[tilespmem:$0x1FF70] =	vst v10  }
0x25: {  	v62 =	vor.u32 $0x100E, v4;
	[tilespmem:$0x1FF80] =	vst v40  }
0x26: {  	v49 =	vor.u32 $0x1008, v4;
	[tilespmem:$0x1FF90] =	vst v62  }
0x27: {  	v51 =	vor.u32 $0x2002, v4;
	[tilespmem:$0x1FFA0] =	vst v49  }
0x28: {  	v11 =	vor.u32 $0xC, v4;
	[tilespmem:$0x1FFB0] =	vst v51  }
0x29: {  	v50 =	vor.u32 $0x5, v4;
	[tilespmem:$0x1FFC0] =	vst v11  }
0x2a: {  	v15 =	vor.u32 $0x1009, v4;
	[tilespmem:$0x1FFD0] =	vst v50  }
0x2b: {  	v9 =	vor.u32 $0x2001, v4;
	[tilespmem:$0x1FFE0] =	vst v15  }
0x2c: {  	v2 =	vor.u32 $0x2007, v4;
	[tilespmem:$0x1FFF0] =	vst v9  }
0x2d: {  	[tilespmem:$0x1FD40] =	vst v2;
	v2 =	vor.u32 $0x2008, v4  }
0x2e: {  	[tilespmem:$0x1FD50] =	vst v2;
	v2 =	vor.u32 $0x2009, v4  }
0x2f: {  	[tilespmem:$0x1FD60] =	vst v2;
	v2 =	vor.u32 $0x200A, v4  }
0x30: {  	s4 =	srdreg.scid;
	s9 =	stileid.u32;
	s10 =	simm.s32 $0x400;
	[tilespmem:$0x1FD70] =	vst v2;
	v2 =	vor.u32 $0x200B, v4  }
0x31: {  	s11 =	simm.s32 $0x1;
	s12 =	simm.s32 $0x8000;
	s13 =	simm.s32 $0x15000;
	[tilespmem:$0x1FD80] =	vst v2;
	v2 =	vor.u32 $0x200C, v4  }
0x32: {  	s14 =	simm.s32 $0x10000;
	s15 =	simm.s32 $0x12800;
	s16 =	simm.s32 $0x19100;
	[tilespmem:$0x1FD90] =	vst v2;
	v2 =	vor.u32 $0x200D, v4  }
0x33: {  	s17 =	simm.s32 $0x19300;
	s18 =	simm.s32 $0x19500;
	s20 =	simm.s32 $0x2;
	[tilespmem:$0x1FDA0] =	vst v2;
	v2 =	vor.u32 $0x200E, v4  }
0x34: {  	s21 =	simm.s32 $0x0;
	s4 =	sand.u32 $0x1, s4;
	s7 =	sshll.u32 s9, $0x1;
	[tilespmem:$0x1FDB0] =	vst v2;
	v2 =	vor.u32 $0x3000, v4  }
.Ltmp0:
0x35: {  	v1 =	vimm.s32 $0x0;
	v3 =	vimm.s32 $0x1;
	s30 =	sshll.u32 s9, $0xF;
	s9 =	simm.s32 $0x80;
	[tilespmem:$0x1FDC0] =	vst v2;
	v2 =	vor.u32 $0x3003, v4;
	(pc) =	sbr.rel .LBB2_1-.Ltmp0, $4  }
0x36: {  	vm0 =	vmxor vm0, vm0;
	vm1 =	vcmask $0x300;
	s5 =	ssub.s32 $0x2, s4;
	s7 =	sor.u32 s4, s7;
	s29 =	sshll.u32 s4, $0x6;
	[tilespmem:$0x1FDD0] =	vst v2;
	v2 =	vor.u32 $0x3004, v4  }
0x37: {  	vm2 =	vcmask $0x704;
	v17 =	vor.u32 $0x1, v4;
	s6 =	sshrl.u32 s5, $0x1;
	s4 =	sshll.u32 s7, $0x2;
	s31 =	sshll.u32 s7, $0x4;
	[tilespmem:$0x1FDE0] =	vst v2;
	v2 =	vor.u32 $0x3005, v4  }
0x38: {  	v18 =	vor.u32 $0x2, v4;
	v16 =	vor.u32 $0x3, v4;
	s8 =	ssub.s32 s5, s6;
	s5 =	sadd.s32 s0, s29;
	s6 =	sadd.s32 s1, s30;
	[tilespmem:$0x1FDF0] =	vst v2;
	v2 =	vor.u32 $0x3006, v4  }
0x39: {  	v13 =	vor.u32 $0x6, v4;
	v23 =	vor.u32 $0x7, v4;
	v5 =	vor.u32 $0x8, v4;
	s7 =	sadd.s32 s3, s31;
	s5 =	sadd.s32 s30, s5;
	s8 =	smax.u32 s8, $0x1;
	[tilespmem:$0x1FE10] =	vst v2  }
.LBB2_83:
0x3a: {  	s21 =	sadd.s32 $0x1, s21  }
0x3b: {  	p0 =	sne.s32 s21, s8  }
.Ltmp1:
0x3c: {  	s1 =	simm.s32 $0x19580;
	(pc) =	sbr.rel @!p0 .LBB2_84-.Ltmp1, $4  }
0x3d: {  	[hbm4b:s7+s2] =	stream.linear.scatter [tilespmem:s1], [sflag:$0x2], $0x80, $0x38;
	[tilespmem:$0x19600] =	vst v63  }
0x3e: {  	_ =	swait.ge [sflag:s20], $0x80  }
0x3f: {  	[sflag:s20] =	ssyncset.done $0x0  }
0x40: {  	[sflag:s20] =	ssyncadd.s32 $0xFFFFFF80  }
.LBB2_1:
0x41: {  	[tilespmem:s2], [sflag:$0x1] =	stream.strided.gather [hbm4b:s5+s9], $0x8000, s10, s9, $0x38;
	[tilespmem:$0x19600] =	vst v63  }
0x42: {  	s22 =	simm.s32 $0x0  }
.LBB2_2:
0x43: {  	s23 =	sadd.s32 s4, s22  }
0x44: {  	v12 =	vld [tilespmem:$0x1FD20];
	_ =	swait.ge [sflag:s11], $0x8000;
	s1 =	sshll.u32 s23, $0x4  }
0x45: {  	[sflag:s11] =	ssyncset.done $0x0;
	s1 =	sand.u32 $0x70, s1  }
0x46: {  	[sflag:s11] =	ssyncadd.s32 $0xFFFF8000;
	s1 =	sadd.s32 s1, s6  }
0x47: {  	[tilespmem:s12], [sflag:$0x1] =	stream.strided.gather [hbm4b:s1+s9], $0x8000, s10, s9, $0x38;
	[tilespmem:$0x19600] =	vst v63  }
0x48: {  	s1 =	simm.s32 $0x15040  }
0x49: {  	[tilespmem:s1+$0xFFFFFFC0] =	vst v1  }
0x4a: {  	[tilespmem:s1+$0x30] =	vst v1  }
0x4b: {  	[tilespmem:s1+$0x20] =	vst v1  }
0x4c: {  	[tilespmem:s1+$0x10] =	vst v1  }
0x4d: {  	[tilespmem:s1+$0x0] =	vst v1  }
0x4e: {  	[tilespmem:s1+$0xFFFFFFF0] =	vst v1  }
0x4f: {  	v33 =	vmovc v55;
	v60 =	vmov v14;
	v14 =	vmov v6;
	v63 =	vmov v51;
	s19 =	simm.s32 $0x0;
	s3 =	simm.s32 $0x20;
	[tilespmem:s1+$0xFFFFFFE0] =	vst v1  }
.LBB2_3:
0x50: {  	s19 =	sadd.s32 $0x8, s19;
	[tilespmem:s1+$0xFFFFFFD0] =	vst v1;
	s1 =	sadd.s32 $0x80, s1  }
0x51: {  	[tilespmem:s1+$0xFFFFFFC0] =	vst v1;
	p0 =	slt.u32 s19, $0x3F8  }
0x52: {  	[tilespmem:s1+$0x30] =	vst v1  }
.Ltmp2:
0x53: {  	[tilespmem:s1+$0x20] =	vst v1;
	(pc) =	sbr.rel @p0 .LBB2_3-.Ltmp2, $4  }
0x54: {  	[tilespmem:s1+$0x10] =	vst v1  }
0x55: {  	[tilespmem:s1+$0x0] =	vst v1  }
0x56: {  	[tilespmem:s1+$0xFFFFFFF0] =	vst v1  }
0x57: {  	[tilespmem:s1+$0xFFFFFFE0] =	vst v1  }
0x58: {  	[tilespmem:s1+$0xFFFFFFD0] =	vst v1  }
0x59: {  	v2 =	vld [tilespmem:s3+$0x10]  }
0x5a: {  	v4 =	vld [tilespmem:s3+$0xFFFFFFF0]  }
0x5b: {  	s31 =	simm.s32 $0x60;
	v6 =	vld [tilespmem:s3+$0x0]  }
0x5c: {  	v27 =	vld [tilespmem:s31+$0x10]  }
0x5d: {  	v24 =	vld [tilespmem:s3+$0xFFFFFFE0];
	_ =	sdelay $0x2  }
0x5e: {  	v7 =	vshra.s32 v2, $0x1F;
	v25 =	vshra.s32 v4, $0x1F;
	v26 =	vshra.s32 v6, $0x1F  }
0x5f: {  	v29 =	vshra.s32 v27, $0x1F;
	v7 =	vand.u32 $0x7F000000, v7;
	v25 =	vand.u32 $0x7F000000, v25  }
0x60: {  	v26 =	vand.u32 $0x7F000000, v26;
	v2 =	vxor.u32 v2, v7;
	v7 =	vshra.s32 v24, $0x1F  }
0x61: {  	v29 =	vand.u32 $0x7F000000, v29;
	v2 =	vshra.s32 v2, $0x14;
	v28 =	vand.u32 $0x7F000000, v7;
	v7 =	vld [tilespmem:s31+$0xFFFFFFF0]  }
0x62: {  	v4 =	vxor.u32 v4, v25;
	v2 =	vand.u32 $0xFFFFFFF0, v2;
	v25 =	vxor.u32 v24, v28;
	v24 =	vld [tilespmem:s31+$0x0]  }
0x63: {  	v6 =	vxor.u32 v6, v26;
	v28 =	vadd.s32 v41, v2;
	v2 =	vshra.s32 v25, $0x14;
	v25 =	vld [tilespmem:s31+$0xFFFFFFE0]  }
0x64: {  	v29 =	vxor.u32 v27, v29;
	v4 =	vshra.s32 v4, $0x14;
	v6 =	vshra.s32 v6, $0x14  }
0x65: {  	v29 =	vshra.s32 v29, $0x14;
	v4 =	vand.u32 $0xFFFFFFF0, v4;
	v2 =	vand.u32 $0xFFFFFFF0, v2  }
0x66: {  	v26 =	vand.u32 $0xFFFFFFF0, v6;
	v6 =	vadd.s32 v20, v2;
	v2 =	vadd.s32 v22, v4  }
0x67: {  	v4 =	vadd.s32 v43, v26;
	v26 =	vshra.s32 v7, $0x1F;
	v27 =	vshra.s32 v24, $0x1F  }
0x68: {  	v55 =	vmovc v15;
	v42 =	vmovc v40;
	s1 =	simm.s32 $0x4;
	s3 =	simm.s32 $0xA0;
	v26 =	vand.u32 $0x7F000000, v26;
	[tilespmem:v28+s13+$0x0] =	vst.idx.add.s32.msk $0xffff, v3;
	v28 =	vshra.s32 v25, $0x1F;
	v27 =	vand.u32 $0x7F000000, v27  }
.LBB2_5:
0x69: {  	v30 =	vld [tilespmem:s3+$0x10];
	s1 =	sadd.s32 $0x4, s1;
	v28 =	vand.u32 $0x7F000000, v28;
	v26 =	vxor.u32 v7, v26;
	v29 =	vand.u32 $0xFFFFFFF0, v29  }
0x6a: {  	v27 =	vxor.u32 v24, v27;
	v7 =	vld [tilespmem:s3+$0xFFFFFFF0];
	p0 =	slt.u32 s1, $0x7FC;
	v25 =	vxor.u32 v25, v28;
	v28 =	vadd.s32 v41, v29  }
0x6b: {  	v26 =	vshra.s32 v26, $0x14;
	v27 =	vshra.s32 v27, $0x14;
	v24 =	vld [tilespmem:s3+$0x0];
	v29 =	vshra.s32 v25, $0x14  }
0x6c: {  	v26 =	vand.u32 $0xFFFFFFF0, v26;
	v27 =	vand.u32 $0xFFFFFFF0, v27;
	v25 =	vld [tilespmem:s3+$0xFFFFFFE0];
	v29 =	vand.u32 $0xFFFFFFF0, v29  }
.Ltmp3:
0x6d: {  	v31 =	vadd.s32 v22, v26;
	v32 =	vadd.s32 v43, v27;
	v29 =	vadd.s32 v20, v29;
	(pc) =	sbr.rel @p0 .LBB2_5-.Ltmp3, $4  }
0x6e: {  	v26 =	vshra.s32 v30, $0x1F;
	[tilespmem:v6+s13+$0x0] =	vst.idx.add.s32.msk $0xffff, v3;
	v6 =	vmov v29  }
0x6f: {  	v27 =	vshra.s32 v7, $0x1F;
	v29 =	vand.u32 $0x7F000000, v26;
	[tilespmem:v28+s13+$0x0] =	vst.idx.add.s32.msk $0xffff, v3  }
0x70: {  	v26 =	vand.u32 $0x7F000000, v27;
	v27 =	vshra.s32 v24, $0x1F;
	v29 =	vxor.u32 v30, v29;
	[tilespmem:v2+s13+$0x0] =	vst.idx.add.s32.msk $0xffff, v3;
	v2 =	vmovc v31  }
0x71: {  	s3 =	sadd.s32 $0x40, s3;
	v28 =	vshra.s32 v25, $0x1F;
	v27 =	vand.u32 $0x7F000000, v27;
	v29 =	vshra.s32 v29, $0x14;
	[tilespmem:v4+s13+$0x0] =	vst.idx.add.s32.msk $0xffff, v3;
	v4 =	vmovc v32  }
0x72: {  	v28 =	vand.u32 $0x7F000000, v28;
	v29 =	vand.u32 $0xFFFFFFF0, v29;
	v7 =	vxor.u32 v7, v26  }
0x73: {  	v24 =	vxor.u32 v24, v27;
	v25 =	vxor.u32 v25, v28;
	v7 =	vshra.s32 v7, $0x14  }
0x74: {  	v61 =	vadd.s32 v41, v29;
	v24 =	vshra.s32 v24, $0x14;
	v7 =	vand.u32 $0xFFFFFFF0, v7  }
0x75: {  	v25 =	vshra.s32 v25, $0x14;
	v24 =	vand.u32 $0xFFFFFFF0, v24;
	v7 =	vadd.s32 v22, v7  }
0x76: {  	[tilespmem:v6+s13+$0x0] =	vst.idx.add.s32.msk $0xffff, v3;
	v25 =	vand.u32 $0xFFFFFFF0, v25;
	v6 =	vadd.s32 v43, v24  }
0x77: {  	[tilespmem:v2+s13+$0x0] =	vst.idx.add.s32.msk $0xffff, v3;
	p2 =	por $0x1, $0x1;
	v25 =	vadd.s32 v20, v25  }
.Ltmp4:
0x78: {  	[tilespmem:v4+s13+$0x0] =	vst.idx.add.s32.msk $0xffff, v3;
	(pc) =	sbr.rel @!p2 .LBB2_7-.Ltmp4, $4  }
0x79: {  	[tilespmem:v61+s13+$0x0] =	vst.idx.add.s32.msk $0xffff, v3  }
0x7a: {  	[tilespmem:v7+s13+$0x0] =	vst.idx.add.s32.msk $0xffff, v3  }
0x7b: {  	s25 =	simm.s32 $0x19000;
	s24 =	simm.s32 $0x0;
	[tilespmem:v6+s13+$0x0] =	vst.idx.add.s32.msk $0xffff, v3  }
0x7c: {  	v15 =	vmov v13;
	s26 =	simm.s32 $0x1;
	p0 =	por $0x0, $0x0;
	p1 =	por $0x0, $0x0;
	[tilespmem:v25+s13+$0x0] =	vst.idx.add.s32.msk $0xffff, v3  }
0x7d: {  	v61 =	vld [tilespmem:$0x1FE00];
	_ =	sdelay $0x1  }
0x7e: {  	v58 =	vmov v62;
	v4 =	vor.u32 s24, v17;
	v62 =	vld [tilespmem:$0x1FCB0]  }
0x7f: {  	v6 =	vor.u32 s24, v18;
	v8 =	vld [tilespmem:$0x1FCC0]  }
0x80: {  	v7 =	vor.u32 s24, v16;
	v21 =	vld [tilespmem:$0x1FCD0]  }
0x81: {  	v25 =	vor.u32 s24, v50;
	v36 =	vld [tilespmem:$0x1FCF0];
	v2 =	vor.u32 s24, v61  }
0x82: {  	v34 =	vld [tilespmem:$0x1FD10];
	v2 =	vand.u32 v56, v2  }
0x83: {  	v26 =	vor.u32 s24, v15;
	v4 =	vld.idx.msk [tilespmem:v4+s13+$0x0], $0xffff  }
0x84: {  	v27 =	vor.u32 s24, v23;
	v6 =	vld.idx.msk [tilespmem:v6+s13+$0x0], $0xffff  }
0x85: {  	v24 =	vor.u32 s24, v62;
	v7 =	vld.idx.msk [tilespmem:v7+s13+$0x0], $0xffff  }
0x86: {  	v31 =	vor.u32 s24, v47;
	v25 =	vld.idx.msk [tilespmem:v25+s13+$0x0], $0xffff  }
0x87: {  	v28 =	vor.u32 s24, v5;
	v2 =	vld.idx.msk [tilespmem:v2+s13+$0x0], $0xffff  }
0x88: {  	v29 =	vor.u32 s24, v10;
	v26 =	vld.idx.msk [tilespmem:v26+s13+$0x0], $0xffff  }
0x89: {  	v30 =	vor.u32 s24, v19;
	v27 =	vld.idx.msk [tilespmem:v27+s13+$0x0], $0xffff  }
0x8a: {  	v32 =	vor.u32 s24, v11;
	v24 =	vld.idx.msk [tilespmem:v24+s13+$0x0], $0xffff  }
0x8b: {  	v37 =	vld.idx.msk [tilespmem:v31+s13+$0x0], $0xffff  }
0x8c: {  	v2 =	vadd.s32 v2, v4;
	v4 =	vld.idx.msk [tilespmem:v28+s13+$0x0], $0xffff;
	v28 =	vor.u32 s24, v52  }
0x8d: {  	v2 =	vadd.s32 v6, v2;
	v6 =	vld.idx.msk [tilespmem:v29+s13+$0x0], $0xffff;
	v29 =	vor.u32 s24, v54  }
0x8e: {  	v2 =	vadd.s32 v7, v2;
	v7 =	vld.idx.msk [tilespmem:v30+s13+$0x0], $0xffff;
	v30 =	vor.u32 s24, v53  }
0x8f: {  	v31 =	vor.u32 s24, v8;
	v38 =	vld.idx.msk [tilespmem:v32+s13+$0x0], $0xffff;
	v2 =	vadd.s32 v24, v2  }
0x90: {  	v43 =	vor.u32 s24, v57;
	v8 =	vmov v48;
	v48 =	vld [tilespmem:$0x1FCE0];
	v2 =	vadd.s32 v25, v2  }
0x91: {  	v2 =	vadd.s32 v26, v2;
	v26 =	vld.idx.msk [tilespmem:v28+s13+$0x0], $0xffff;
	v28 =	vor.u32 s24, v59  }
0x92: {  	v2 =	vadd.s32 v27, v2;
	v27 =	vld.idx.msk [tilespmem:v29+s13+$0x0], $0xffff  }
0x93: {  	v2 =	vadd.s32 v4, v2;
	v4 =	vld.idx.msk [tilespmem:v30+s13+$0x0], $0xffff;
	v30 =	vor.u32 s24, v42  }
0x94: {  	v29 =	vor.u32 s24, v21;
	v2 =	vadd.s32 v6, v2;
	v6 =	vld.idx.msk [tilespmem:v31+s13+$0x0], $0xffff  }
0x95: {  	v31 =	vor.u32 s24, v48;
	v2 =	vadd.s32 v7, v2;
	v7 =	vld.idx.msk [tilespmem:v43+s13+$0x0], $0xffff  }
0x96: {  	v32 =	vor.u32 s24, v36;
	v2 =	vadd.s32 v37, v2;
	v37 =	vld.idx.msk [tilespmem:v28+s13+$0x0], $0xffff  }
0x97: {  	v28 =	vor.u32 s24, v45;
	v45 =	vmov v8;
	v8 =	vld [tilespmem:$0x1FD00];
	v2 =	vadd.s32 v38, v2  }
0x98: {  	v2 =	vadd.s32 v26, v2;
	v39 =	vld.idx.msk [tilespmem:v30+s13+$0x0], $0xffff;
	v30 =	vor.u32 s24, v55  }
0x99: {  	v38 =	vld.idx.msk [tilespmem:v29+s13+$0x0], $0xffff;
	v2 =	vadd.s32 v27, v2  }
0x9a: {  	v40 =	vor.u32 s24, v14;
	v27 =	vld.idx.msk [tilespmem:v31+s13+$0x0], $0xffff;
	v2 =	vadd.s32 v4, v2  }
0x9b: {  	v29 =	vor.u32 s24, v49;
	v4 =	vld.idx.msk [tilespmem:v32+s13+$0x0], $0xffff;
	v2 =	vadd.s32 v6, v2  }
0x9c: {  	v6 =	vld.idx.msk [tilespmem:v28+s13+$0x0], $0xffff;
	v28 =	vor.u32 s24, v34;
	v2 =	vadd.s32 v7, v2  }
0x9d: {  	v46 =	vmovc v15;
	v15 =	vmovc v57;
	v57 =	vmov v42;
	v2 =	vadd.s32 v37, v2;
	v42 =	vld.idx.msk [tilespmem:v30+s13+$0x0], $0xffff;
	v30 =	vor.u32 s24, v58  }
0x9e: {  	v31 =	vor.u32 s24, v8;
	v8 =	vld [tilespmem:$0x1FF40];
	v2 =	vadd.s32 v38, v2  }
0x9f: {  	v49 =	vmov v55;
	v55 =	vld.idx.msk [tilespmem:v40+s13+$0x0], $0xffff;
	v2 =	vadd.s32 v39, v2  }
0xa0: {  	v7 =	vld.idx.msk [tilespmem:v29+s13+$0x0], $0xffff;
	v2 =	vadd.s32 v27, v2  }
0xa1: {  	v29 =	vor.u32 s24, v12;
	v27 =	vld.idx.msk [tilespmem:v28+s13+$0x0], $0xffff;
	v2 =	vadd.s32 v4, v2  }
0xa2: {  	v28 =	vor.u32 s24, v9;
	v2 =	vadd.s32 v6, v2;
	v6 =	vld.idx.msk [tilespmem:v30+s13+$0x0], $0xffff  }
0xa3: {  	v30 =	vor.u32 s24, v8;
	v8 =	vld [tilespmem:$0x1FD30]  }
0xa4: {  	v43 =	vld.idx.msk [tilespmem:v31+s13+$0x0], $0xffff;
	v31 =	vor.u32 s24, v45  }
0xa5: {  	v41 =	vmov v59;
	v59 =	vmov v12;
	v12 =	vmov v9;
	v9 =	vld [tilespmem:$0x1FD70]  }
0xa6: {  	v4 =	vld.idx.msk [tilespmem:v29+s13+$0x0], $0xffff  }
0xa7: {  	v29 =	vor.u32 s24, v63;
	v2 =	vadd.s32 v7, v2;
	v39 =	vld.idx.msk [tilespmem:v28+s13+$0x0], $0xffff  }
0xa8: {  	v2 =	vadd.s32 v42, v2;
	v28 =	vor.u32 s24, v8;
	v8 =	vld [tilespmem:$0x1FD40]  }
0xa9: {  	v7 =	vld.idx.msk [tilespmem:v31+s13+$0x0], $0xffff;
	v2 =	vadd.s32 v43, v2  }
0xaa: {  	v51 =	vmovc v36;
	v36 =	vor.u32 s24, v60;
	v60 =	vmovc v63;
	v63 =	vor.u32 s24, v9;
	v9 =	vld [tilespmem:$0x1FD80];
	v2 =	vadd.s32 v55, v2  }
0xab: {  	v13 =	vld [tilespmem:$0x1FE70];
	v2 =	vadd.s32 v27, v2  }
0xac: {  	v55 =	vld.idx.msk [tilespmem:v29+s13+$0x0], $0xffff;
	v2 =	vadd.s32 v4, v2  }
0xad: {  	v2 =	vadd.s32 v6, v2;
	v29 =	vor.u32 s24, v8;
	v8 =	vld [tilespmem:$0x1FD50]  }
0xae: {  	v2 =	vadd.s32 v7, v2;
	v7 =	vld.idx.msk [tilespmem:v28+s13+$0x0], $0xffff  }
0xaf: {  	v28 =	vor.u32 s24, v9;
	v9 =	vld [tilespmem:$0x1FD90]  }
0xb0: {  	v37 =	vld.idx.msk [tilespmem:v36+s13+$0x0], $0xffff  }
0xb1: {  	v43 =	vld [tilespmem:$0x1FD60]  }
0xb2: {  	v31 =	vor.u32 s24, v13;
	v27 =	vld.idx.msk [tilespmem:v30+s13+$0x0], $0xffff  }
0xb3: {  	v30 =	vor.u32 s24, v8;
	v36 =	vld.idx.msk [tilespmem:v29+s13+$0x0], $0xffff  }
0xb4: {  	v29 =	vor.u32 s24, v9;
	v9 =	vld [tilespmem:$0x1FDA0]  }
0xb5: {  	v38 =	vor.u32 s24, v44  }
0xb6: {  	v42 =	vld [tilespmem:$0x1FF60]  }
0xb7: {  	v4 =	vld.idx.msk [tilespmem:v31+s13+$0x0], $0xffff  }
0xb8: {  	v31 =	vor.u32 s24, v43;
	v2 =	vadd.s32 v37, v2;
	v37 =	vld.idx.msk [tilespmem:v30+s13+$0x0], $0xffff  }
0xb9: {  	v30 =	vor.u32 s24, v9;
	v9 =	vld [tilespmem:$0x1FDB0]  }
0xba: {  	v6 =	vld.idx.msk [tilespmem:v38+s13+$0x0], $0xffff  }
0xbb: {  	v2 =	vadd.s32 v39, v2  }
0xbc: {  	v10 =	vld [tilespmem:$0x1FF50];
	v2 =	vadd.s32 v55, v2  }
0xbd: {  	v2 =	vadd.s32 v27, v2;
	v38 =	vld.idx.msk [tilespmem:v31+s13+$0x0], $0xffff  }
0xbe: {  	v2 =	vadd.s32 v4, v2;
	v31 =	vor.u32 s24, v9;
	v9 =	vld [tilespmem:$0x1FDC0]  }
0xbf: {  	v55 =	vld [tilespmem:$0x1FDE0];
	v2 =	vadd.s32 v6, v2;
	v6 =	vor.u32 s24, v42  }
0xc0: {  	v27 =	vld.idx.msk [tilespmem:v63+s13+$0x0], $0xffff  }
0xc1: {  	v4 =	vld.idx.msk [tilespmem:v28+s13+$0x0], $0xffff;
	v2 =	vadd.s32 v7, v2  }
0xc2: {  	v29 =	vld.idx.msk [tilespmem:v29+s13+$0x0], $0xffff;
	v2 =	vadd.s32 v36, v2  }
0xc3: {  	v2 =	vadd.s32 v37, v2;
	v28 =	vor.u32 s24, v9;
	v9 =	vld [tilespmem:$0x1FDD0]  }
0xc4: {  	v39 =	vor.u32 s24, v33;
	v36 =	vld.idx.msk [tilespmem:v6+s13+$0x0], $0xffff;
	v2 =	vadd.s32 v38, v2  }
0xc5: {  	v27 =	vadd.s32 v27, v2;
	v2 =	vld [tilespmem:$0x1FE10]  }
0xc6: {  	v7 =	vor.u32 s24, v10;
	v30 =	vld.idx.msk [tilespmem:v30+s13+$0x0], $0xffff  }
0xc7: {  	v25 =	vor.u32 s24, v55;
	v31 =	vld.idx.msk [tilespmem:v31+s13+$0x0], $0xffff  }
0xc8: {  	v6 =	vor.u32 $0x3007, v61;
	v40 =	vor.u32 s24, v9;
	v9 =	vld [tilespmem:$0x1FDF0]  }
0xc9: {  	v8 =	vmov v33;
	v33 =	vld.idx.msk [tilespmem:v39+s13+$0x0], $0xffff;
	v4 =	vadd.s32 v4, v27;
	v27 =	vor.u32 s24, v6  }
0xca: {  	[tilespmem:$0x1FC30] =	vst v6;
	v6 =	vor.u32 $0x3008, v61;
	v63 =	vor.u32 s24, v2;
	v28 =	vld.idx.msk [tilespmem:v28+s13+$0x0], $0xffff  }
0xcb: {  	v38 =	vld.idx.msk [tilespmem:v7+s13+$0x0], $0xffff;
	v4 =	vadd.s32 v29, v4;
	[tilespmem:$0x1FC40] =	vst v6;
	v37 =	vor.u32 s24, v6;
	v6 =	vor.u32 $0x3009, v61  }
0xcc: {  	v29 =	vld.idx.msk [tilespmem:v25+s13+$0x0], $0xffff;
	v4 =	vadd.s32 v30, v4;
	v39 =	vor.u32 s24, v6  }
0xcd: {  	p2 =	por $0x1, $0x1;
	[tilespmem:$0x1FC50] =	vst v6;
	v6 =	vor.u32 $0x300A, v61;
	v4 =	vadd.s32 v31, v4;
	v26 =	vor.u32 s24, v9;
	v40 =	vld.idx.msk [tilespmem:v40+s13+$0x0], $0xffff  }
.Ltmp5:
0xce: {  	[tilespmem:$0x1FC60] =	vst v6;
	v32 =	vor.u32 s24, v6;
	v6 =	vor.u32 $0x300B, v61;
	v4 =	vadd.s32 v33, v4;
	v33 =	vld.idx.msk [tilespmem:v27+s13+$0x0], $0xffff;
	(pc) =	sbr.rel @!p2 .LBB2_9-.Ltmp5, $4  }
0xcf: {  	[tilespmem:$0x1FC70] =	vst v6;
	v34 =	vor.u32 s24, v6;
	v6 =	vor.u32 $0x300C, v61;
	v31 =	vld.idx.msk [tilespmem:v63+s13+$0x0], $0xffff;
	v4 =	vadd.s32 v28, v4  }
0xd0: {  	[tilespmem:$0x1FC80] =	vst v6;
	v35 =	vor.u32 s24, v6;
	v6 =	vor.u32 $0x300D, v61;
	v4 =	vadd.s32 v36, v4;
	v36 =	vld.idx.msk [tilespmem:v37+s13+$0x0], $0xffff  }
0xd1: {  	[tilespmem:$0x1FC90] =	vst v6;
	v37 =	vor.u32 s24, v6;
	v6 =	vor.u32 $0x300E, v61;
	v4 =	vadd.s32 v38, v4;
	v38 =	vld.idx.msk [tilespmem:v39+s13+$0x0], $0xffff  }
0xd2: {  	s29 =	simm.s32 $0x2;
	p0 =	por $0x1, $0x1;
	[tilespmem:$0x1FCA0] =	vst v6;
	v39 =	vor.u32 s24, v6;
	v30 =	vld.idx.msk [tilespmem:v26+s13+$0x0], $0xffff;
	v40 =	vadd.s32 v40, v4;
	v4 =	vor.u32 $0x300F, v61  }
0xd3: {  	_ =	sdelay $0x2  }
0xd4: {  	v28 =	vadd.s32 v29, v40  }
0xd5: {  	v29 =	vld.idx.msk [tilespmem:v32+s13+$0x0], $0xffff;
	v63 =	vor.u32 s24, v4;
	v28 =	vadd.s32 v30, v28  }
0xd6: {  	v30 =	vld.idx.msk [tilespmem:v34+s13+$0x0], $0xffff;
	v28 =	vadd.s32 v31, v28  }
0xd7: {  	v31 =	vld.idx.msk [tilespmem:v35+s13+$0x0], $0xffff;
	v28 =	vadd.s32 v33, v28  }
0xd8: {  	v37 =	vld.idx.msk [tilespmem:v37+s13+$0x0], $0xffff;
	v28 =	vadd.s32 v36, v28  }
0xd9: {  	v40 =	vld.idx.msk [tilespmem:v39+s13+$0x0], $0xffff;
	v28 =	vadd.s32 v38, v28  }
0xda: {  	v32 =	vld.idx.msk [tilespmem:v63+s13+$0x0], $0xffff;
	v28 =	vadd.s32 v29, v28  }
0xdb: {  	s28 =	simm.s32 $0x100;
	v28 =	vadd.s32 v30, v28  }
0xdc: {  	v29 =	vor.u32 s28, v61;
	v30 =	vor.u32 s28, v17;
	v28 =	vadd.s32 v31, v28  }
0xdd: {  	v29 =	vand.u32 v56, v29;
	v28 =	vadd.s32 v37, v28  }
0xde: {  	v0 =	vld [tilespmem:$0x1FF70];
	v31 =	vor.u32 s28, v18;
	v28 =	vadd.s32 v40, v28  }
0xdf: {  	v6 =	vld [tilespmem:$0x1FFA0];
	v33 =	vor.u32 s28, v16;
	v28 =	vadd.s32 v32, v28  }
0xe0: {  	v20 =	vld [tilespmem:$0x1FD00];
	v63 =	vor.u32 s28, v62;
	[tilespmem:s25+$0x0] =	vst v28  }
0xe1: {  	v62 =	vor.u32 s28, v46;
	v30 =	vld.idx.msk [tilespmem:v30+s13+$0x0], $0xffff  }
0xe2: {  	v36 =	vor.u32 s28, v23;
	v29 =	vld.idx.msk [tilespmem:v29+s13+$0x0], $0xffff  }
0xe3: {  	v3 =	vmov v44;
	v44 =	vor.u32 s28, v19;
	v31 =	vld.idx.msk [tilespmem:v31+s13+$0x0], $0xffff  }
0xe4: {  	v33 =	vld.idx.msk [tilespmem:v33+s13+$0x0], $0xffff  }
0xe5: {  	v40 =	vor.u32 s28, v50;
	v32 =	vld.idx.msk [tilespmem:v63+s13+$0x0], $0xffff  }
0xe6: {  	v35 =	vld.idx.msk [tilespmem:v62+s13+$0x0], $0xffff;
	v62 =	vor.u32 s28, v47  }
0xe7: {  	v36 =	vld.idx.msk [tilespmem:v36+s13+$0x0], $0xffff  }
0xe8: {  	v37 =	vor.u32 s28, v5;
	v39 =	vld.idx.msk [tilespmem:v44+s13+$0x0], $0xffff  }
0xe9: {  	v63 =	vor.u32 s28, v0;
	v44 =	vor.u32 s28, v41;
	v41 =	vld [tilespmem:$0x1FD10]  }
0xea: {  	v34 =	vld.idx.msk [tilespmem:v40+s13+$0x0], $0xffff;
	v29 =	vadd.s32 v29, v30;
	v30 =	vor.u32 s28, v11  }
0xeb: {  	v40 =	vld.idx.msk [tilespmem:v62+s13+$0x0], $0xffff;
	v29 =	vadd.s32 v31, v29;
	v31 =	vor.u32 s28, v52  }
0xec: {  	v62 =	vld [tilespmem:$0x1FCC0]  }
0xed: {  	v37 =	vld.idx.msk [tilespmem:v37+s13+$0x0], $0xffff;
	v29 =	vadd.s32 v33, v29  }
0xee: {  	v38 =	vld.idx.msk [tilespmem:v63+s13+$0x0], $0xffff;
	v33 =	vor.u32 s28, v54;
	v29 =	vadd.s32 v32, v29  }
0xef: {  	v32 =	vor.u32 s28, v53;
	v29 =	vadd.s32 v34, v29;
	v30 =	vld.idx.msk [tilespmem:v30+s13+$0x0], $0xffff  }
0xf0: {  	v57 =	vor.u32 s28, v57;
	v29 =	vadd.s32 v35, v29;
	v31 =	vld.idx.msk [tilespmem:v31+s13+$0x0], $0xffff  }
0xf1: {  	v63 =	vor.u32 s28, v62;
	v29 =	vadd.s32 v36, v29;
	v36 =	vld.idx.msk [tilespmem:v44+s13+$0x0], $0xffff  }
0xf2: {  	v44 =	vld [tilespmem:$0x1FF30]  }
0xf3: {  	v35 =	vor.u32 s28, v15;
	v33 =	vld.idx.msk [tilespmem:v33+s13+$0x0], $0xffff  }
0xf4: {  	v29 =	vadd.s32 v37, v29;
	v32 =	vld.idx.msk [tilespmem:v32+s13+$0x0], $0xffff  }
0xf5: {  	v37 =	vor.u32 s28, v21;
	v29 =	vadd.s32 v38, v29;
	v38 =	vld.idx.msk [tilespmem:v57+s13+$0x0], $0xffff  }
0xf6: {  	v29 =	vadd.s32 v39, v29;
	v34 =	vld.idx.msk [tilespmem:v63+s13+$0x0], $0xffff;
	v63 =	vor.u32 s28, v48  }
0xf7: {  	v57 =	vld [tilespmem:$0x1FEA0];
	v29 =	vadd.s32 v40, v29;
	v48 =	vor.u32 s28, v51  }
0xf8: {  	v35 =	vld.idx.msk [tilespmem:v35+s13+$0x0], $0xffff;
	v29 =	vadd.s32 v30, v29;
	v30 =	vor.u32 s28, v44  }
0xf9: {  	v27 =	vld [tilespmem:$0x1FF20];
	v29 =	vadd.s32 v31, v29;
	v31 =	vor.u32 s28, v6  }
0xfa: {  	v37 =	vld.idx.msk [tilespmem:v37+s13+$0x0], $0xffff;
	v29 =	vadd.s32 v33, v29;
	v33 =	vor.u32 s28, v49  }
0xfb: {  	v49 =	vor.u32 s28, v20;
	v29 =	vadd.s32 v32, v29;
	v39 =	vld.idx.msk [tilespmem:v63+s13+$0x0], $0xffff  }
0xfc: {  	v40 =	vld.idx.msk [tilespmem:v48+s13+$0x0], $0xffff;
	v29 =	vadd.s32 v34, v29;
	v63 =	vor.u32 s28, v57  }
0xfd: {  	v48 =	vor.u32 s28, v41;
	v30 =	vld.idx.msk [tilespmem:v30+s13+$0x0], $0xffff;
	v29 =	vadd.s32 v35, v29  }
0xfe: {  	v31 =	vld.idx.msk [tilespmem:v31+s13+$0x0], $0xffff;
	v29 =	vadd.s32 v36, v29  }
0xff: {  	v36 =	vor.u32 s28, v59;
	v33 =	vld.idx.msk [tilespmem:v33+s13+$0x0], $0xffff;
	v29 =	vadd.s32 v37, v29  }
0x100: {  	v37 =	vor.u32 s28, v58;
	v32 =	vld.idx.msk [tilespmem:v49+s13+$0x0], $0xffff;
	v29 =	vadd.s32 v38, v29  }
0x101: {  	v49 =	vor.u32 s28, v45;
	v34 =	vld.idx.msk [tilespmem:v63+s13+$0x0], $0xffff;
	v29 =	vadd.s32 v39, v29  }
0x102: {  	v35 =	vld.idx.msk [tilespmem:v48+s13+$0x0], $0xffff;
	v48 =	vor.u32 s28, v12;
	v29 =	vadd.s32 v40, v29  }
0x103: {  	v0 =	vld [tilespmem:$0x1FD50];
	v29 =	vadd.s32 v30, v29  }
0x104: {  	v36 =	vld.idx.msk [tilespmem:v36+s13+$0x0], $0xffff;
	v29 =	vadd.s32 v31, v29  }
0x105: {  	v37 =	vld.idx.msk [tilespmem:v37+s13+$0x0], $0xffff;
	v29 =	vadd.s32 v33, v29  }
0x106: {  	v38 =	vld.idx.msk [tilespmem:v49+s13+$0x0], $0xffff;
	v29 =	vadd.s32 v32, v29  }
0x107: {  	v40 =	vld.idx.msk [tilespmem:v48+s13+$0x0], $0xffff;
	v29 =	vadd.s32 v34, v29  }
0x108: {  	v48 =	vmov v45;
	v45 =	vld [tilespmem:$0x1FD30];
	v29 =	vadd.s32 v35, v29  }
0x109: {  	v29 =	vadd.s32 v36, v29;
	v36 =	vor.u32 s28, v0;
	v0 =	vld [tilespmem:$0x1FD70];
	_ =	sdelay $0x2  }
0x10a: {  	v63 =	vor.u32 s28, v27  }
0x10b: {  	v14 =	vmovc v15;
	v15 =	vmov v46;
	v46 =	vld [tilespmem:$0x1FD40];
	v29 =	vadd.s32 v37, v29;
	v49 =	vor.u32 s28, v45  }
0x10c: {  	v29 =	vadd.s32 v38, v29;
	v38 =	vor.u32 s28, v0;
	v0 =	vld [tilespmem:$0x1FD80];
	_ =	sdelay $0x1  }
0x10d: {  	v25 =	vld [tilespmem:$0x1FF40]  }
0x10e: {  	v30 =	vor.u32 s28, v60;
	v39 =	vld.idx.msk [tilespmem:v63+s13+$0x0], $0xffff  }
0x10f: {  	v63 =	vor.u32 s28, v46;
	v34 =	vld.idx.msk [tilespmem:v49+s13+$0x0], $0xffff  }
0x110: {  	v49 =	vor.u32 s28, v0;
	v0 =	vld [tilespmem:$0x1FD90];
	_ =	sdelay $0x2  }
0x111: {  	v31 =	vor.u32 s28, v25;
	v30 =	vld.idx.msk [tilespmem:v30+s13+$0x0], $0xffff  }
0x112: {  	v35 =	vld.idx.msk [tilespmem:v63+s13+$0x0], $0xffff  }
0x113: {  	v63 =	vor.u32 s28, v0;
	v0 =	vld [tilespmem:$0x1FDA0];
	_ =	sdelay $0x2  }
0x114: {  	v31 =	vld.idx.msk [tilespmem:v31+s13+$0x0], $0xffff;
	v29 =	vadd.s32 v39, v29  }
0x115: {  	v33 =	vor.u32 s28, v13;
	v29 =	vadd.s32 v40, v29;
	v39 =	vld.idx.msk [tilespmem:v49+s13+$0x0], $0xffff  }
0x116: {  	v29 =	vadd.s32 v30, v29;
	v49 =	vor.u32 s28, v10;
	v30 =	vor.u32 s28, v0;
	v0 =	vld [tilespmem:$0x1FDB0]  }
0x117: {  	v32 =	vor.u32 s28, v3;
	_ =	sdelay $0x1  }
0x118: {  	v37 =	vor.u32 s28, v43  }
0x119: {  	v33 =	vld.idx.msk [tilespmem:v33+s13+$0x0], $0xffff  }
0x11a: {  	v29 =	vadd.s32 v31, v29;
	v31 =	vor.u32 s28, v0;
	v0 =	vld.idx.msk [tilespmem:v49+s13+$0x0], $0xffff  }
0x11b: {  	v32 =	vld.idx.msk [tilespmem:v32+s13+$0x0], $0xffff  }
0x11c: {  	v36 =	vld.idx.msk [tilespmem:v36+s13+$0x0], $0xffff  }
0x11d: {  	v37 =	vld.idx.msk [tilespmem:v37+s13+$0x0], $0xffff  }
0x11e: {  	v38 =	vld.idx.msk [tilespmem:v38+s13+$0x0], $0xffff  }
0x11f: {  	v29 =	vadd.s32 v33, v29;
	[tilespmem:$0x1FC20] =	vst v0;
	v0 =	vld [tilespmem:$0x1FC30]  }
0x120: {  	v29 =	vadd.s32 v32, v29;
	v40 =	vld.idx.msk [tilespmem:v63+s13+$0x0], $0xffff  }
0x121: {  	v29 =	vadd.s32 v34, v29;
	v63 =	vld [tilespmem:$0x1FDD0]  }
0x122: {  	v29 =	vadd.s32 v35, v29  }
0x123: {  	v29 =	vadd.s32 v36, v29  }
0x124: {  	v26 =	vld [tilespmem:$0x1FDC0];
	[tilespmem:$0x1FC10] =	vst v4;
	v4 =	vmovc v17;
	v29 =	vadd.s32 v37, v29;
	v35 =	vor.u32 s28, v0;
	v0 =	vmov v50  }
0x125: {  	v24 =	vmovc v12;
	(xrf0) =	vadd.scan.msk.s32 $0xffff, v28;
	v33 =	vor.u32 s28, v8;
	v29 =	vadd.s32 v38, v29  }
0x126: {  	v29 =	vadd.s32 v39, v29;
	v39 =	vmovc v20;
	v20 =	vmovc v47;
	v47 =	vmov v14;
	v28 =	vld.idx.msk [tilespmem:v31+s13+$0x0], $0xffff;
	v31 =	vor.u32 s28, v63  }
0x127: {  	v14 =	vmovc v0;
	v0 =	vmovc v63;
	v63 =	vmov v10;
	v10 =	vmov v4;
	v4 =	vmov v24;
	v24 =	vld [tilespmem:$0x1FC40];
	_ =	sdelay $0x1  }
0x128: {  	v32 =	vor.u32 s28, v26  }
0x129: {  	v7 =	vmov v23;
	v30 =	vld.idx.msk [tilespmem:v30+s13+$0x0], $0xffff  }
0x12a: {  	v23 =	vmovc v54;
	v54 =	vmov v6;
	v6 =	vmov v60;
	v60 =	vmov v58;
	v33 =	vld.idx.msk [tilespmem:v33+s13+$0x0], $0xffff  }
0x12b: {  	v58 =	vmovc v41;
	v36 =	vor.u32 s28, v55;
	v38 =	vor.u32 s28, v2;
	v2 =	vmovc v5;
	v41 =	vor.u32 s28, v24;
	v24 =	vld [tilespmem:$0x1FC50]  }
0x12c: {  	v12 =	vmovc v16;
	v16 =	vmovc v7;
	v7 =	vmov v13;
	v29 =	vadd.s32 v40, v29;
	v40 =	vld.idx.msk [tilespmem:v31+s13+$0x0], $0xffff;
	v31 =	vmov v62  }
0x12d: {  	v34 =	vor.u32 s28, v42;
	v32 =	vld.idx.msk [tilespmem:v32+s13+$0x0], $0xffff;
	v37 =	vor.u32 s28, v9  }
0x12e: {  	v17 =	vmovc v2;
	v2 =	vmovc v7;
	v30 =	vadd.s32 v30, v29;
	v62 =	vmov v27;
	v27 =	vmov v42  }
0x12f: {  	v28 =	vadd.s32 v28, v30;
	v42 =	vmov s24;
	v7 =	vmov v31;
	v31, _, _ =	vpop (xrf0)  }
0x130: {  	v9 =	vmovc v56;
	v56 =	vmovc v39;
	v29 =	vld.idx.msk [tilespmem:v36+s13+$0x0], $0xffff;
	v36 =	vbroadcast v31, $0xF;
	v39 =	vor.u32 s28, v24;
	v24 =	vlaneseq.u32  }
0x131: {  	v28 =	vadd.s32 v33, v28;
	vm3 =	veq.s32 v42, v24;
	v24 =	vimm.s32 $0x0  }
0x132: {  	v42 =	vadd.s32 v32, v28;
	v28 =	vsel vm3, v36, v24;
	v24 =	vld [tilespmem:$0x1FC60];
	_ =	sdelay $0x3  }
0x133: {  	v34 =	vld.idx.msk [tilespmem:v34+s13+$0x0], $0xffff  }
0x134: {  	v32 =	vor.u32 s28, v24;
	v24 =	vld [tilespmem:$0x1FC70];
	_ =	sdelay $0x3  }
0x135: {  	v30 =	vld.idx.msk [tilespmem:v37+s13+$0x0], $0xffff  }
0x136: {  	v37 =	vadd.s32 v34, v42;
	v34 =	vor.u32 s28, v24;
	v24 =	vld [tilespmem:$0x1FC80];
	_ =	sdelay $0x3  }
0x137: {  	v33 =	vld.idx.msk [tilespmem:v35+s13+$0x0], $0xffff  }
0x138: {  	v35 =	vor.u32 s28, v24;
	v24 =	vld [tilespmem:$0x1FC20];
	_ =	sdelay $0x3  }
0x139: {  	v36 =	vld.idx.msk [tilespmem:v41+s13+$0x0], $0xffff  }
0x13a: {  	v41 =	vadd.s32 v24, v37;
	v24 =	vld [tilespmem:$0x1FC90]  }
0x13b: {  	v22 =	vmov v52;
	v52 =	vmov v51;
	v51 =	vld [tilespmem:$0x1FCE0]  }
0x13c: {  	v13 =	vld [tilespmem:$0x1FCB0]  }
0x13d: {  	v3 =	vmov v61;
	v61 =	vmov v48;
	v48 =	vld [tilespmem:$0x1FEF0]  }
0x13e: {  	v55 =	vld [tilespmem:$0x1FFE0]  }
0x13f: {  	p2 =	por $0x1, $0x1;
	v37 =	vor.u32 s28, v24;
	v24 =	vld [tilespmem:$0x1FCA0]  }
.Ltmp6:
0x140: {  	v5 =	vmov v53;
	v53 =	vmov v44;
	v44 =	vld [tilespmem:$0x1FE80];
	(pc) =	sbr.rel @!p2 .LBB2_11-.Ltmp6, $4  }
0x141: {  	v49 =	vmov v21;
	v21 =	vmov v11;
	v11 =	vmov v18;
	v18 =	vld [tilespmem:$0x1FF70]  }
0x142: {  	v50 =	vld [tilespmem:$0x1FF80]  }
0x143: {  	v31 =	vld.idx.msk [tilespmem:v38+s13+$0x0], $0xffff  }
0x144: {  	s31 =	simm.s32 $0x3;
	p1 =	por $0x1, $0x1;
	s30 =	simm.s32 $0x19000;
	v38 =	vld.idx.msk [tilespmem:v39+s13+$0x0], $0xffff;
	v40 =	vadd.s32 v40, v41;
	v39 =	vor.u32 s28, v24;
	v24 =	vmov v43  }
.LBB2_12:
0x145: {  	v41 =	vld [tilespmem:$0x1FC10];
	_ =	sdelay $0x3  }
0x146: {  	v29 =	vadd.s32 v29, v40  }
0x147: {  	v32 =	vld.idx.msk [tilespmem:v32+s13+$0x0], $0xffff;
	v29 =	vadd.s32 v30, v29;
	v41 =	vor.u32 s28, v41  }
0x148: {  	v34 =	vld.idx.msk [tilespmem:v34+s13+$0x0], $0xffff;
	v29 =	vadd.s32 v31, v29  }
0x149: {  	v30 =	vld.idx.msk [tilespmem:v35+s13+$0x0], $0xffff;
	v29 =	vadd.s32 v33, v29  }
0x14a: {  	v31 =	vld.idx.msk [tilespmem:v37+s13+$0x0], $0xffff;
	v29 =	vadd.s32 v36, v29  }
0x14b: {  	v39 =	vld.idx.msk [tilespmem:v39+s13+$0x0], $0xffff;
	v29 =	vadd.s32 v38, v29  }
0x14c: {  	v29 =	vadd.s32 v32, v29;
	v40 =	vld.idx.msk [tilespmem:v41+s13+$0x0], $0xffff  }
0x14d: {  	s28 =	sadd.s32 $0x100, s28;
	v29 =	vadd.s32 v34, v29  }
0x14e: {  	v42 =	vor.u32 s28, v10;
	v29 =	vadd.s32 v30, v29;
	v41 =	vor.u32 s28, v3  }
0x14f: {  	v29 =	vadd.s32 v31, v29;
	v30 =	vand.u32 v9, v41  }
0x150: {  	v31 =	vor.u32 s28, v11;
	v29 =	vadd.s32 v39, v29  }
0x151: {  	s30 =	sadd.s32 $0x10, s30;
	v43 =	vor.u32 s28, v12;
	v29 =	vadd.s32 v40, v29  }
0x152: {  	v41 =	vor.u32 s28, v14;
	[tilespmem:s30+$0x0] =	vst v29  }
0x153: {  	v40 =	vor.u32 s28, v13;
	(xrf0) =	vadd.scan.msk.s32 $0xffff, v29;
	v29 =	vld.idx.msk [tilespmem:v42+s13+$0x0], $0xffff  }
0x154: {  	v35 =	vor.u32 s28, v15;
	v30 =	vld.idx.msk [tilespmem:v30+s13+$0x0], $0xffff  }
0x155: {  	v36 =	vor.u32 s28, v16;
	v31 =	vld.idx.msk [tilespmem:v31+s13+$0x0], $0xffff  }
0x156: {  	v37 =	vor.u32 s28, v17;
	v32 =	vld.idx.msk [tilespmem:v43+s13+$0x0], $0xffff  }
0x157: {  	v38 =	vor.u32 s28, v18;
	v34 =	vld.idx.msk [tilespmem:v41+s13+$0x0], $0xffff  }
0x158: {  	v39 =	vor.u32 s28, v19;
	v33 =	vld.idx.msk [tilespmem:v40+s13+$0x0], $0xffff  }
0x159: {  	v35 =	vld.idx.msk [tilespmem:v35+s13+$0x0], $0xffff;
	v41 =	vor.u32 s28, v20;
	v42 =	vmov s26  }
0x15a: {  	v36 =	vld.idx.msk [tilespmem:v36+s13+$0x0], $0xffff;
	v43 =	vor.u32 s28, v21;
	v29 =	vadd.s32 v30, v29;
	v30 =	vlaneseq.u32  }
0x15b: {  	vm3 =	veq.s32 v42, v30;
	v30 =	vld.idx.msk [tilespmem:v37+s13+$0x0], $0xffff;
	v37 =	vor.u32 s28, v22;
	v29 =	vadd.s32 v31, v29  }
0x15c: {  	v40, _, _ =	vpop (xrf0);
	v31 =	vld.idx.msk [tilespmem:v38+s13+$0x0], $0xffff;
	v38 =	vor.u32 s28, v23;
	v29 =	vadd.s32 v32, v29  }
0x15d: {  	v40 =	vbroadcast v40, $0xF;
	v32 =	vld.idx.msk [tilespmem:v39+s13+$0x0], $0xffff;
	v39 =	vor.u32 s28, v5;
	v29 =	vadd.s32 v33, v29  }
0x15e: {  	v33 =	vld.idx.msk [tilespmem:v41+s13+$0x0], $0xffff;
	v41 =	vor.u32 s28, v47;
	v29 =	vadd.s32 v34, v29  }
0x15f: {  	v28 =	vsel vm3, v40, v28;
	v40 =	vor.u32 s28, v7;
	v34 =	vld.idx.msk [tilespmem:v43+s13+$0x0], $0xffff;
	v29 =	vadd.s32 v35, v29  }
0x160: {  	v35 =	vld.idx.msk [tilespmem:v37+s13+$0x0], $0xffff;
	v37 =	vor.u32 s28, v48;
	v29 =	vadd.s32 v36, v29  }
0x161: {  	v36 =	vld.idx.msk [tilespmem:v38+s13+$0x0], $0xffff;
	v38 =	vor.u32 s28, v49;
	v29 =	vadd.s32 v30, v29  }
0x162: {  	v30 =	vld.idx.msk [tilespmem:v39+s13+$0x0], $0xffff;
	v39 =	vor.u32 s28, v50;
	v29 =	vadd.s32 v31, v29  }
0x163: {  	v29 =	vadd.s32 v32, v29;
	v32 =	vld.idx.msk [tilespmem:v41+s13+$0x0], $0xffff;
	v41 =	vor.u32 s28, v52  }
0x164: {  	v31 =	vld.idx.msk [tilespmem:v40+s13+$0x0], $0xffff;
	v40 =	vor.u32 s28, v51;
	v29 =	vadd.s32 v33, v29  }
0x165: {  	v33 =	vld.idx.msk [tilespmem:v37+s13+$0x0], $0xffff;
	v37 =	vor.u32 s28, v53;
	v29 =	vadd.s32 v34, v29  }
0x166: {  	v34 =	vld.idx.msk [tilespmem:v38+s13+$0x0], $0xffff;
	v38 =	vor.u32 s28, v54;
	v29 =	vadd.s32 v35, v29  }
0x167: {  	v35 =	vld.idx.msk [tilespmem:v39+s13+$0x0], $0xffff;
	v39 =	vor.u32 s28, v55;
	v29 =	vadd.s32 v36, v29  }
0x168: {  	v29 =	vadd.s32 v30, v29;
	v30 =	vld.idx.msk [tilespmem:v41+s13+$0x0], $0xffff;
	v41 =	vor.u32 s28, v57  }
0x169: {  	v36 =	vld.idx.msk [tilespmem:v40+s13+$0x0], $0xffff;
	v40 =	vor.u32 s28, v56;
	v29 =	vadd.s32 v31, v29  }
0x16a: {  	v31 =	vld.idx.msk [tilespmem:v37+s13+$0x0], $0xffff;
	v37 =	vor.u32 s28, v58;
	v29 =	vadd.s32 v32, v29  }
0x16b: {  	v32 =	vld.idx.msk [tilespmem:v38+s13+$0x0], $0xffff;
	v38 =	vor.u32 s28, v59;
	v29 =	vadd.s32 v33, v29  }
0x16c: {  	v33 =	vld.idx.msk [tilespmem:v39+s13+$0x0], $0xffff;
	v39 =	vor.u32 s28, v60;
	v29 =	vadd.s32 v34, v29  }
0x16d: {  	v29 =	vadd.s32 v35, v29;
	v35 =	vld.idx.msk [tilespmem:v41+s13+$0x0], $0xffff;
	v41 =	vor.u32 s28, v62  }
0x16e: {  	v34 =	vld.idx.msk [tilespmem:v40+s13+$0x0], $0xffff;
	v29 =	vadd.s32 v36, v29  }
0x16f: {  	v36 =	vld.idx.msk [tilespmem:v37+s13+$0x0], $0xffff;
	v29 =	vadd.s32 v30, v29  }
0x170: {  	v40 =	vor.u32 s28, v61;
	v30 =	vld.idx.msk [tilespmem:v38+s13+$0x0], $0xffff;
	v29 =	vadd.s32 v31, v29  }
0x171: {  	v37 =	vor.u32 s28, v4;
	v31 =	vld.idx.msk [tilespmem:v39+s13+$0x0], $0xffff;
	v29 =	vadd.s32 v32, v29  }
0x172: {  	v29 =	vadd.s32 v33, v29;
	v33 =	vld.idx.msk [tilespmem:v41+s13+$0x0], $0xffff;
	v41 =	vor.u32 s28, v44  }
0x173: {  	v42 =	vld [tilespmem:$0x1FD50];
	v29 =	vadd.s32 v34, v29  }
0x174: {  	v43 =	vld [tilespmem:$0x1FD80];
	v38 =	vor.u32 s28, v6;
	v29 =	vadd.s32 v35, v29  }
0x175: {  	v39 =	vor.u32 s28, v25;
	v32 =	vld.idx.msk [tilespmem:v40+s13+$0x0], $0xffff;
	v29 =	vadd.s32 v36, v29  }
0x176: {  	v34 =	vld.idx.msk [tilespmem:v37+s13+$0x0], $0xffff;
	v29 =	vadd.s32 v30, v29  }
0x177: {  	v40 =	vor.u32 s28, v2;
	v29 =	vadd.s32 v31, v29;
	v31 =	vld.idx.msk [tilespmem:v41+s13+$0x0], $0xffff  }
0x178: {  	v37 =	vor.u32 s28, v45;
	v41 =	vld [tilespmem:$0x1FD70]  }
0x179: {  	v35 =	vld.idx.msk [tilespmem:v38+s13+$0x0], $0xffff;
	v38 =	vor.u32 s28, v46  }
0x17a: {  	v36 =	vld.idx.msk [tilespmem:v39+s13+$0x0], $0xffff  }
0x17b: {  	v39 =	vor.u32 s28, v42;
	v42 =	vld [tilespmem:$0x1FD90]  }
0x17c: {  	v30 =	vld.idx.msk [tilespmem:v40+s13+$0x0], $0xffff;
	v40 =	vor.u32 s28, v24  }
0x17d: {  	v29 =	vadd.s32 v32, v29;
	v32 =	vld.idx.msk [tilespmem:v37+s13+$0x0], $0xffff;
	v41 =	vor.u32 s28, v41  }
0x17e: {  	v29 =	vadd.s32 v33, v29;
	v33 =	vld.idx.msk [tilespmem:v38+s13+$0x0], $0xffff  }
0x17f: {  	v37 =	vor.u32 s28, v43;
	v43 =	vld [tilespmem:$0x1FDA0];
	v29 =	vadd.s32 v34, v29  }
0x180: {  	v34 =	vld.idx.msk [tilespmem:v39+s13+$0x0], $0xffff;
	v29 =	vadd.s32 v35, v29  }
0x181: {  	v35 =	vld.idx.msk [tilespmem:v40+s13+$0x0], $0xffff;
	v29 =	vadd.s32 v36, v29  }
0x182: {  	v29 =	vadd.s32 v30, v29;
	v36 =	vld.idx.msk [tilespmem:v41+s13+$0x0], $0xffff;
	v41 =	vor.u32 s28, v8  }
0x183: {  	v40 =	vld [tilespmem:$0x1FDB0];
	v29 =	vadd.s32 v31, v29  }
0x184: {  	v30 =	vld.idx.msk [tilespmem:v37+s13+$0x0], $0xffff;
	v29 =	vadd.s32 v32, v29  }
0x185: {  	v38 =	vor.u32 s28, v42;
	v42 =	vld [tilespmem:$0x1FDF0];
	v29 =	vadd.s32 v33, v29  }
0x186: {  	v39 =	vor.u32 s28, v43;
	v43 =	vld [tilespmem:$0x1FE10];
	v29 =	vadd.s32 v34, v29  }
0x187: {  	v37 =	vor.u32 s28, v26;
	v29 =	vadd.s32 v35, v29;
	v34 =	vld.idx.msk [tilespmem:v41+s13+$0x0], $0xffff  }
0x188: {  	v40 =	vor.u32 s28, v40;
	v41 =	vld [tilespmem:$0x1FDE0];
	v29 =	vadd.s32 v36, v29  }
0x189: {  	v29 =	vadd.s32 v30, v29;
	v30 =	vld [tilespmem:$0x1FC30]  }
0x18a: {  	v31 =	vld.idx.msk [tilespmem:v38+s13+$0x0], $0xffff  }
0x18b: {  	v32 =	vld.idx.msk [tilespmem:v39+s13+$0x0], $0xffff  }
0x18c: {  	v35 =	vld.idx.msk [tilespmem:v37+s13+$0x0], $0xffff  }
0x18d: {  	v38 =	vor.u32 s28, v27;
	v33 =	vld.idx.msk [tilespmem:v40+s13+$0x0], $0xffff  }
0x18e: {  	v37 =	vor.u32 s28, v42;
	v41 =	vor.u32 s28, v41;
	v42 =	vor.u32 s28, v30;
	v30 =	vld [tilespmem:$0x1FC40]  }
0x18f: {  	v29 =	vadd.s32 v31, v29;
	v31 =	vld [tilespmem:$0x1FC50];
	_ =	sdelay $0x2  }
0x190: {  	v36 =	vld.idx.msk [tilespmem:v38+s13+$0x0], $0xffff  }
0x191: {  	v38 =	vor.u32 s28, v43;
	v43 =	vor.u32 s28, v30;
	v30 =	vadd.s32 v32, v29;
	v29 =	vld.idx.msk [tilespmem:v41+s13+$0x0], $0xffff  }
0x192: {  	v41 =	vor.u32 s28, v31;
	v31 =	vadd.s32 v33, v30;
	v30 =	vld.idx.msk [tilespmem:v37+s13+$0x0], $0xffff  }
0x193: {  	v37 =	vld [tilespmem:$0x1FC60];
	_ =	sdelay $0x2  }
0x194: {  	v39 =	vor.u32 s28, v63  }
0x195: {  	v40 =	vor.u32 s28, v0  }
0x196: {  	v32 =	vor.u32 s28, v37;
	v37 =	vld [tilespmem:$0x1FC70]  }
0x197: {  	v33 =	vadd.s32 v34, v31;
	v31 =	vld.idx.msk [tilespmem:v38+s13+$0x0], $0xffff  }
0x198: {  	v38 =	vld [tilespmem:$0x1FC80]  }
0x199: {  	v39 =	vld.idx.msk [tilespmem:v39+s13+$0x0], $0xffff  }
0x19a: {  	v40 =	vld.idx.msk [tilespmem:v40+s13+$0x0], $0xffff  }
0x19b: {  	v34 =	vor.u32 s28, v37;
	v37 =	vadd.s32 v35, v33;
	v33 =	vld.idx.msk [tilespmem:v42+s13+$0x0], $0xffff  }
0x19c: {  	v42 =	vld [tilespmem:$0x1FC90]  }
0x19d: {  	v35 =	vor.u32 s28, v38;
	v38 =	vadd.s32 v36, v37;
	v36 =	vld.idx.msk [tilespmem:v43+s13+$0x0], $0xffff  }
0x19e: {  	p2 =	sne.s32 s31, $0xF;
	v43 =	vld [tilespmem:$0x1FCA0]  }
.Ltmp7:
0x19f: {  	_ = 	snop;
	(pc) =	sbr.rel @p2 .LBB2_12-.Ltmp7, $3  }
0x1a0: {  	_ =	sdelay $0x1  }
0x1a1: {  	v37 =	vor.u32 s28, v42;
	v42 =	vadd.s32 v39, v38  }
0x1a2: {  	s26 =	smov.u32 s29;
	s29 =	smov.u32 s31;
	s31 =	sadd.s32 $0x1, s31;
	v38 =	vld.idx.msk [tilespmem:v41+s13+$0x0], $0xffff;
	v39 =	vor.u32 s28, v43;
	v40 =	vadd.s32 v40, v42  }
0x1a3: {  	v41 =	vmovc v50;
	v42 =	vmov v53;
	v51 =	vmov v58;
	v58 =	vmov v6  }
0x1a4: {  	v6 =	vmovc v17;
	v17 =	vmovc v10;
	v10 =	vmov v18;
	v18 =	vmov v11;
	v11 =	vmov v21;
	v21 =	vld [tilespmem:$0x1FD50]  }
0x1a5: {  	v49 =	vmovc v54;
	v43 =	vmovc v56;
	v59 =	vmov v25;
	v4 =	vmov v16;
	v16 =	vmov v12;
	v12 =	vld [tilespmem:$0x1FDE0]  }
0x1a6: {  	v56 =	vmovc v9;
	v50 =	vmovc v14;
	v8 =	vmov v19;
	v60 =	vmov v20;
	v52 =	vmov v22;
	v9 =	vld [tilespmem:$0x1FDF0]  }
0x1a7: {  	v54 =	vmovc v23;
	v53 =	vmovc v5;
	v61 =	vmov v3;
	v3 =	vimm.s32 $0x1;
	v14 =	vmov v2;
	v46 =	vld [tilespmem:$0x1FE10]  }
0x1a8: {  	s31 =	smov.u32 s26;
	s26 =	smov.u32 s29;
	v45 =	vmovc v26;
	v19 =	vmovc v0;
	v0 =	vlaneseq.u32;
	v23 =	vmov v4;
	v5 =	vmov v6;
	v4 =	vld [tilespmem:$0x1FC10]  }
.LBB2_14:
0x1a9: {  	_ =	sdelay $0x2  }
0x1aa: {  	v2 =	vadd.s32 @p0 v29, v40  }
0x1ab: {  	v6 =	vld.idx.msk @p0 [tilespmem:v32+s13+$0x0], $0xffff;
	v2 =	vadd.s32 @p0 v30, v2;
	v4 =	vor.u32 @p0 s28, v4  }
0x1ac: {  	v7 =	vld.idx.msk @p0 [tilespmem:v34+s13+$0x0], $0xffff;
	v2 =	vadd.s32 @p0 v31, v2  }
0x1ad: {  	v24 =	vld.idx.msk @p0 [tilespmem:v35+s13+$0x0], $0xffff;
	v2 =	vadd.s32 @p0 v33, v2  }
0x1ae: {  	v25 =	vld.idx.msk @p0 [tilespmem:v37+s13+$0x0], $0xffff;
	v2 =	vadd.s32 @p0 v36, v2  }
0x1af: {  	v26 =	vld.idx.msk @p0 [tilespmem:v39+s13+$0x0], $0xffff;
	v2 =	vadd.s32 @p0 v38, v2  }
0x1b0: {  	s1 =	sadd.s32 @p0 $0x100, s28;
	s29 =	simm.s32 $0x0;
	v2 =	vadd.s32 @p0 v6, v2;
	v4 =	vld.idx.msk @p0 [tilespmem:v4+s13+$0x0], $0xffff  }
0x1b1: {  	s29 =	smov.u32 @p0 s1;
	v2 =	vadd.s32 @p0 v7, v2  }
0x1b2: {  	v6 =	vor.u32 s29, v61;
	v7 =	vor.u32 s29, v17;
	v2 =	vadd.s32 @p0 v24, v2  }
0x1b3: {  	v6 =	vand.u32 v56, v6;
	v2 =	vadd.s32 @p0 v25, v2  }
0x1b4: {  	s1 =	sadd.s32 @p1 $0x10, s30;
	s28 =	simm.s32 $0x19000;
	v24 =	vor.u32 s29, v18;
	v2 =	vadd.s32 @p0 v26, v2  }
0x1b5: {  	s28 =	smov.u32 @p1 s1;
	v25 =	vor.u32 s29, v16;
	v29 =	vadd.s32 @p0 v4, v2  }
0x1b6: {  	v26 =	vor.u32 s29, v15;
	[tilespmem:s28+$0x0] =	vst @p0 v29  }
0x1b7: {  	v2 =	vor.u32 s29, v13;
	v4 =	vld.idx.msk [tilespmem:v7+s13+$0x0], $0xffff  }
0x1b8: {  	v7 =	vor.u32 s29, v50;
	v6 =	vld.idx.msk [tilespmem:v6+s13+$0x0], $0xffff  }
0x1b9: {  	v27 =	vor.u32 s29, v23;
	v24 =	vld.idx.msk [tilespmem:v24+s13+$0x0], $0xffff  }
0x1ba: {  	v25 =	vld.idx.msk [tilespmem:v25+s13+$0x0], $0xffff  }
0x1bb: {  	v26 =	vld.idx.msk [tilespmem:v26+s13+$0x0], $0xffff  }
0x1bc: {  	v30 =	vor.u32 s29, v5;
	v2 =	vld.idx.msk [tilespmem:v2+s13+$0x0], $0xffff  }
0x1bd: {  	v31 =	vor.u32 s29, v10;
	v7 =	vld.idx.msk [tilespmem:v7+s13+$0x0], $0xffff  }
0x1be: {  	v4 =	vadd.s32 v6, v4;
	v6 =	vld.idx.msk [tilespmem:v27+s13+$0x0], $0xffff;
	v27 =	vor.u32 s29, v11  }
0x1bf: {  	v37 =	vor.u32 s29, v60;
	v60 =	vld [tilespmem:$0x1FCE0];
	v4 =	vadd.s32 v24, v4  }
0x1c0: {  	v36 =	vor.u32 s29, v8;
	v8 =	vld [tilespmem:$0x1FCC0];
	v4 =	vadd.s32 v25, v4  }
0x1c1: {  	v24 =	vld.idx.msk [tilespmem:v30+s13+$0x0], $0xffff;
	v2 =	vadd.s32 v2, v4  }
0x1c2: {  	v30 =	vor.u32 s29, v52;
	v25 =	vld.idx.msk [tilespmem:v31+s13+$0x0], $0xffff;
	v2 =	vadd.s32 v7, v2  }
0x1c3: {  	v2 =	vadd.s32 v26, v2;
	v26 =	vld.idx.msk [tilespmem:v27+s13+$0x0], $0xffff  }
0x1c4: {  	v31 =	vor.u32 s29, v54;
	v27 =	vor.u32 s29, v47;
	v47 =	vld [tilespmem:$0x1FCD0]  }
0x1c5: {  	v38 =	vor.u32 s29, v53;
	v4 =	vld.idx.msk [tilespmem:v36+s13+$0x0], $0xffff  }
0x1c6: {  	v39 =	vor.u32 s29, v8;
	v7 =	vld.idx.msk [tilespmem:v37+s13+$0x0], $0xffff  }
0x1c7: {  	v2 =	vadd.s32 v6, v2;
	v6 =	vld.idx.msk [tilespmem:v30+s13+$0x0], $0xffff  }
0x1c8: {  	v30 =	vor.u32 s29, v48;
	v48 =	vld [tilespmem:$0x1FCF0]  }
0x1c9: {  	v2 =	vadd.s32 v24, v2;
	v24 =	vld.idx.msk [tilespmem:v31+s13+$0x0], $0xffff;
	v31 =	vor.u32 s29, v47  }
0x1ca: {  	v2 =	vadd.s32 v25, v2;
	v25 =	vld.idx.msk [tilespmem:v38+s13+$0x0], $0xffff  }
0x1cb: {  	v2 =	vadd.s32 v4, v2;
	v4 =	vld.idx.msk [tilespmem:v39+s13+$0x0], $0xffff  }
0x1cc: {  	v2 =	vadd.s32 v7, v2;
	v7 =	vld.idx.msk [tilespmem:v27+s13+$0x0], $0xffff  }
0x1cd: {  	v2 =	vadd.s32 v26, v2;
	v26 =	vld.idx.msk [tilespmem:v30+s13+$0x0], $0xffff  }
0x1ce: {  	v2 =	vadd.s32 v6, v2;
	v6 =	vld.idx.msk [tilespmem:v31+s13+$0x0], $0xffff;
	v31 =	vor.u32 s29, v49  }
0x1cf: {  	v8 =	vld [tilespmem:$0x1FD20];
	v2 =	vadd.s32 v24, v2  }
0x1d0: {  	v2 =	vadd.s32 v25, v2  }
0x1d1: {  	v40 =	vor.u32 s29, v41;
	v2 =	vadd.s32 v4, v2  }
0x1d2: {  	v53 =	vmov v41;
	v41 =	vor.u32 s29, v60;
	v2 =	vadd.s32 v7, v2  }
0x1d3: {  	v27 =	vor.u32 s29, v48;
	v2 =	vadd.s32 v26, v2;
	v26 =	vld.idx.msk [tilespmem:v31+s13+$0x0], $0xffff  }
0x1d4: {  	v31 =	vor.u32 s29, v8;
	v8 =	vld [tilespmem:$0x1FF90]  }
0x1d5: {  	v30 =	vor.u32 s29, v42  }
0x1d6: {  	v42 =	vor.u32 s29, v55;
	v24 =	vld.idx.msk [tilespmem:v40+s13+$0x0], $0xffff  }
0x1d7: {  	v43 =	vor.u32 s29, v43;
	v25 =	vld.idx.msk [tilespmem:v41+s13+$0x0], $0xffff  }
0x1d8: {  	v4 =	vld.idx.msk [tilespmem:v27+s13+$0x0], $0xffff;
	v27 =	vor.u32 s29, v57  }
0x1d9: {  	v49 =	vor.u32 s29, v8;
	v8 =	vld [tilespmem:$0x1FF10]  }
0x1da: {  	v7 =	vld.idx.msk [tilespmem:v30+s13+$0x0], $0xffff  }
0x1db: {  	v2 =	vadd.s32 v6, v2;
	v6 =	vld.idx.msk [tilespmem:v42+s13+$0x0], $0xffff  }
0x1dc: {  	v30 =	vor.u32 s29, v51;
	v2 =	vadd.s32 v24, v2;
	v24 =	vld.idx.msk [tilespmem:v43+s13+$0x0], $0xffff  }
0x1dd: {  	v2 =	vadd.s32 v25, v2;
	v25 =	vld.idx.msk [tilespmem:v27+s13+$0x0], $0xffff  }
0x1de: {  	v27 =	vor.u32 s29, v62;
	v57 =	vor.u32 s29, v8;
	v8 =	vld [tilespmem:$0x1FFF0]  }
0x1df: {  	v34 =	vld [tilespmem:$0x1FD30];
	v2 =	vadd.s32 v4, v2  }
0x1e0: {  	v35 =	vld [tilespmem:$0x1FD40];
	v2 =	vadd.s32 v7, v2  }
0x1e1: {  	v4 =	vld.idx.msk [tilespmem:v30+s13+$0x0], $0xffff;
	v2 =	vadd.s32 v26, v2  }
0x1e2: {  	v7 =	vld.idx.msk [tilespmem:v31+s13+$0x0], $0xffff;
	v2 =	vadd.s32 v6, v2  }
0x1e3: {  	v2 =	vadd.s32 v24, v2;
	v24 =	vld.idx.msk [tilespmem:v27+s13+$0x0], $0xffff;
	v30 =	vor.u32 s29, v8  }
0x1e4: {  	v31 =	vor.u32 s29, v58;
	v26 =	vld.idx.msk [tilespmem:v49+s13+$0x0], $0xffff  }
0x1e5: {  	v27 =	vor.u32 s29, v44;
	v6 =	vld.idx.msk [tilespmem:v57+s13+$0x0], $0xffff  }
0x1e6: {  	v38 =	vld [tilespmem:$0x1FDA0];
	v2 =	vadd.s32 v25, v2  }
0x1e7: {  	v2 =	vadd.s32 v4, v2;
	v54 =	vmov v8;
	v8 =	vld [tilespmem:$0x1FD60]  }
0x1e8: {  	v2 =	vadd.s32 v7, v2;
	v25 =	vld.idx.msk [tilespmem:v30+s13+$0x0], $0xffff;
	v30 =	vor.u32 s29, v34  }
0x1e9: {  	v4 =	vld.idx.msk [tilespmem:v31+s13+$0x0], $0xffff;
	v2 =	vadd.s32 v26, v2  }
0x1ea: {  	v31 =	vor.u32 s29, v35;
	v2 =	vadd.s32 v6, v2;
	v6 =	vld.idx.msk [tilespmem:v27+s13+$0x0], $0xffff  }
0x1eb: {  	v27 =	vld [tilespmem:$0x1FD70]  }
0x1ec: {  	v55 =	vmovc v51;
	v51 =	vmov v59;
	v59 =	vor.u32 s29, v59;
	v37 =	vor.u32 s29, v8;
	v8 =	vld [tilespmem:$0x1FDB0]  }
0x1ed: {  	v62 =	vor.u32 s29, v14;
	v2 =	vadd.s32 v24, v2;
	v24 =	vld.idx.msk [tilespmem:v30+s13+$0x0], $0xffff  }
0x1ee: {  	v30 =	vld [tilespmem:$0x1FD80]  }
0x1ef: {  	v2 =	vadd.s32 v25, v2;
	v25 =	vld.idx.msk [tilespmem:v31+s13+$0x0], $0xffff  }
0x1f0: {  	v31 =	vld [tilespmem:$0x1FD90]  }
0x1f1: {  	v36 =	vor.u32 s29, v21;
	v7 =	vld.idx.msk [tilespmem:v59+s13+$0x0], $0xffff  }
0x1f2: {  	v26 =	vld.idx.msk [tilespmem:v62+s13+$0x0], $0xffff  }
0x1f3: {  	v27 =	vor.u32 s29, v27;
	v39 =	vor.u32 s29, v8;
	v8 =	vld [tilespmem:$0x1FE40]  }
0x1f4: {  	v30 =	vor.u32 s29, v30  }
0x1f5: {  	v43 =	vld [tilespmem:$0x1FF60];
	v2 =	vadd.s32 v4, v2;
	v31 =	vor.u32 s29, v31  }
0x1f6: {  	v32 =	vor.u32 s29, v38;
	v4 =	vld.idx.msk [tilespmem:v36+s13+$0x0], $0xffff;
	v2 =	vadd.s32 v7, v2  }
0x1f7: {  	v7 =	vld.idx.msk [tilespmem:v37+s13+$0x0], $0xffff;
	v2 =	vadd.s32 v26, v2  }
0x1f8: {  	v2 =	vadd.s32 v6, v2;
	v26 =	vld.idx.msk [tilespmem:v27+s13+$0x0], $0xffff;
	v27 =	vor.u32 s29, v8  }
0x1f9: {  	v2 =	vadd.s32 v24, v2;
	v6 =	vld.idx.msk [tilespmem:v30+s13+$0x0], $0xffff;
	v30 =	vor.u32 s29, v45  }
0x1fa: {  	v2 =	vadd.s32 v25, v2;
	v24 =	vld.idx.msk [tilespmem:v31+s13+$0x0], $0xffff;
	v31 =	vor.u32 s29, v43  }
0x1fb: {  	v44 =	vor.u32 s29, v63;
	v25 =	vld.idx.msk [tilespmem:v32+s13+$0x0], $0xffff;
	v2 =	vadd.s32 v4, v2  }
0x1fc: {  	v33 =	vld.idx.msk [tilespmem:v39+s13+$0x0], $0xffff;
	v4 =	vor.u32 s29, v19;
	v2 =	vadd.s32 v7, v2  }
0x1fd: {  	v7 =	vld.idx.msk [tilespmem:v27+s13+$0x0], $0xffff;
	v27 =	vor.u32 s29, v12;
	v2 =	vadd.s32 v26, v2  }
0x1fe: {  	v26 =	vld.idx.msk [tilespmem:v30+s13+$0x0], $0xffff;
	v30 =	vor.u32 s29, v9;
	v2 =	vadd.s32 v6, v2  }
0x1ff: {  	v45 =	vor.u32 s29, v46;
	v31 =	vld.idx.msk [tilespmem:v31+s13+$0x0], $0xffff;
	v9 =	vor.u32 $0x3007, v61;
	v6 =	vadd.s32 v24, v2  }
0x200: {  	v10 =	vor.u32 $0x3008, v61;
	v32 =	vld.idx.msk [tilespmem:v44+s13+$0x0], $0xffff;
	v46 =	vor.u32 s29, v9;
	v6 =	vadd.s32 v25, v6  }
0x201: {  	v49 =	vor.u32 s29, v10;
	v36 =	vld.idx.msk [tilespmem:v4+s13+$0x0], $0xffff;
	v4 =	vor.u32 $0x3009, v61;
	v24 =	vadd.s32 v33, v6  }
0x202: {  	v57 =	vld.idx.msk [tilespmem:v27+s13+$0x0], $0xffff;
	v27 =	vor.u32 s29, v4;
	v6 =	vor.u32 $0x300A, v61;
	v24 =	vadd.s32 v7, v24  }
0x203: {  	v52 =	vmovc v58;
	v58 =	vor.u32 s29, v6;
	v7 =	vor.u32 $0x300B, v61;
	v30 =	vld.idx.msk [tilespmem:v30+s13+$0x0], $0xffff;
	v25 =	vadd.s32 v26, v24  }
0x204: {  	v12 =	vor.u32 $0x300C, v61;
	v34 =	vld.idx.msk [tilespmem:v45+s13+$0x0], $0xffff;
	v59 =	vor.u32 s29, v7;
	v26 =	vadd.s32 v31, v25  }
0x205: {  	v14 =	vor.u32 $0x300D, v61;
	v62 =	vor.u32 s29, v12;
	v31 =	vld.idx.msk [tilespmem:v46+s13+$0x0], $0xffff;
	v32 =	vadd.s32 v32, v26  }
0x206: {  	v37 =	vld.idx.msk [tilespmem:v49+s13+$0x0], $0xffff;
	v43 =	vmovc v63;
	v63 =	vor.u32 s29, v14;
	v46 =	vor.u32 $0x300E, v61;
	v32 =	vadd.s32 v36, v32  }
0x207: {  	v44 =	vld.idx.msk [tilespmem:v27+s13+$0x0], $0xffff;
	v27 =	vor.u32 $0x300F, v61;
	v45 =	vor.u32 s29, v46;
	v32 =	vadd.s32 v57, v32  }
0x208: {  	v49 =	vld.idx.msk [tilespmem:v58+s13+$0x0], $0xffff;
	v57 =	vor.u32 s29, v27;
	v30 =	vadd.s32 v30, v32  }
0x209: {  	v58 =	vld.idx.msk [tilespmem:v59+s13+$0x0], $0xffff;
	v30 =	vadd.s32 v34, v30  }
0x20a: {  	v59 =	vld.idx.msk [tilespmem:v62+s13+$0x0], $0xffff;
	v30 =	vadd.s32 v31, v30  }
0x20b: {  	v31 =	vld.idx.msk [tilespmem:v63+s13+$0x0], $0xffff;
	v30 =	vadd.s32 v37, v30  }
0x20c: {  	v62 =	vld.idx.msk [tilespmem:v45+s13+$0x0], $0xffff;
	v30 =	vadd.s32 v44, v30  }
0x20d: {  	v63 =	vld.idx.msk [tilespmem:v57+s13+$0x0], $0xffff;
	v30 =	vadd.s32 v49, v30  }
0x20e: {  	(xrf0) =	vadd.scan.msk.s32 @p0 $0xffff, v29;
	v30 =	vadd.s32 v58, v30  }
0x20f: {  	v30 =	vadd.s32 v59, v30  }
0x210: {  	v29 =	vadd.s32 v31, v30  }
0x211: {  	v29 =	vadd.s32 v62, v29  }
0x212: {  	v29 =	vadd.s32 v63, v29  }
0x213: {  	(xrf0) =	vadd.scan.msk.s32 $0xffff, v29  }
0x214: {  	v30, _, _ =	vpop @p0 (xrf0)  }
0x215: {  	v30 =	vbroadcast @p0 v30, $0xF;
	_ =	sdelay $0x1  }
0x216: {  	v31 =	vmov @p0 s31  }
0x217: {  	vm3 =	veq.s32 @p0 v31, v0  }
0x218: {  	v13 =	vimm.s32 $0x0;
	v28 =	vsel @p0 vm3, v30, v28;
	v30, _, _ =	vpop (xrf0)  }
0x219: {  	v38 =	vmul.u32 $0xFFFFFFFF, v0;
	v31 =	vmov s26;
	v30 =	vbroadcast v30, $0xF  }
0x21a: {  	vm3 =	veq.s32 v31, v0;
	v28 =	vpsel p0, v28, v13  }
0x21b: {  	v2 =	vadd.s32 $0xF, v38;
	v28 =	vsel vm3, v30, v28  }
0x21c: {  	v30 =	vperm.xlane v28, v2;
	_ =	sdelay $0x1  }
0x21d: {  	(xrf0) =	vadd.scan.msk.s32 $0xffff, v30;
	_ =	sdelay $0x5  }
0x21e: {  	v30, _, _ =	vpop (xrf0)  }
0x21f: {  	v30 =	vperm.xlane v30, v2;
	_ =	sdelay $0x1  }
0x220: {  	vm3 =	vgt.s32 v30, $0x1D  }
0x221: {  	v31 =	vsel vm3, $0x1, v1  }
0x222: {  	(xrf0) =	vadd.scan.msk.s32 $0xffff, v31;
	_ =	sdelay $0x5  }
0x223: {  	v31, _, _ =	vpop (xrf0)  }
0x224: {  	(v2sf) =	vpush v31, $0xF;
	_ =	sdelay $0xe  }
0x225: {  	s30 =	spop (v2sf)  }
0x226: {  	s1 =	sadd.s32 $0xFFFFFFFF, s30  }
0x227: {  	v31 =	vmov s1  }
0x228: {  	v30 =	vxor.u32 $0x80000000, v30;
	vm3 =	veq.s32 v31, v0  }
0x229: {  	v28 =	vxor.u32 $0x80000000, v28;
	v30 =	vnsel vm3, $0x0, v30  }
0x22a: {  	v28 =	vnsel vm3, $0x0, v28;
	(xrf0) =	vmax.scan.msk.u32 $0xffff, v30  }
0x22b: {  	(xrf0) =	vmax.scan.msk.u32 $0xffff, v28;
	_ =	sdelay $0x4  }
0x22c: {  	v28, _, _ =	vpop (xrf0)  }
0x22d: {  	s3 =	sadd.s32 @p0 $0x10, s28;
	(v2sf) =	vpush v28, $0xF;
	v28, _, _ =	vpop (xrf0)  }
0x22e: {  	s25 =	smov.u32 @p0 s3;
	(v2sf) =	vpush v28, $0xF  }
0x22f: {  	[tilespmem:s25+$0x0] =	vst v29;
	s1 =	sshll.u32 s1, $0x4  }
0x230: {  	v59 =	vld [tilespmem:s1+$0x19000];
	_ =	sdelay $0x4  }
0x231: {  	v28 =	vperm.xlane v59, v2;
	_ =	sdelay $0x1  }
0x232: {  	(xrf0) =	vadd.scan.msk.s32 $0xffff, v28;
	_ =	sdelay $0x4  }
0x233: {  	s31 =	spop (v2sf)  }
0x234: {  	v28, _, _ =	vpop (xrf0);
	s19 =	spop (v2sf)  }
0x235: {  	v28 =	vperm.xlane v28, v2;
	s3 =	sxor.u32 $0x80000000, s31;
	s19 =	sxor.u32 $0x80000000, s19  }
0x236: {  	s3 =	ssub.s32 s3, s19  }
0x237: {  	v63 =	vadd.s32 s3, v28  }
0x238: {  	vm3 =	vgt.s32 v63, $0x1D  }
0x239: {  	v28 =	vsel vm3, $0x1, v1  }
0x23a: {  	(xrf0) =	vadd.scan.msk.s32 $0xffff, v28;
	_ =	sdelay $0x5  }
0x23b: {  	v28, _, _ =	vpop (xrf0)  }
0x23c: {  	(v2sf) =	vpush v28, $0xF;
	_ =	sdelay $0xa  }
0x23d: {  	[tilespmem:$0x1FC00] =	vst v2;
	s19 =	simm.s32 $0x20  }
0x23e: {  	v29 =	vld [tilespmem:s19+$0xFFFFFFE0];
	_ =	sdelay $0x2  }
0x23f: {  	s26 =	spop (v2sf)  }
0x240: {  	v30 =	vld [tilespmem:s19+$0xFFFFFFF0];
	s1 =	sadd.s32 s26, s1  }
0x241: {  	v28 =	vshra.s32 v29, $0x1F;
	s28 =	sadd.s32 $0xFFFFFF7F, s1  }
0x242: {  	v31 =	vand.u32 $0x7FFFFFFF, v28;
	s25 =	sshll.u32 s28, $0x18  }
0x243: {  	v29 =	vxor.u32 v29, v31;
	v28 =	vmov s25  }
0x244: {  	vm4 =	vlt.s32 v13, $0x280;
	v31 =	vld [tilespmem:s19+$0x0];
	vm3 =	vge.s32 v29, v28  }
0x245: {  	v39 =	vshra.s32 v30, $0x1F;
	vm5 =	vmand vm4, vm3  }
0x246: {  	v32 =	vand.u32 $0x7FFFFFFF, v39;
	v40 =	vsel vm5, $0x1, v1  }
0x247: {  	v32 =	vxor.u32 v30, v32;
	v33 =	vadd.s32 v40, v13  }
0x248: {  	v30 =	vld [tilespmem:s19+$0x10];
	vm3 =	vge.s32 v32, v28;
	vm4 =	vlt.s32 v33, $0x280  }
0x249: {  	v41 =	vshra.s32 v31, $0x1F;
	vm4 =	vmand vm3, vm4  }
0x24a: {  	v44 =	vshll.u32 v13, $0x4;
	v34 =	vand.u32 $0x7FFFFFFF, v41;
	v42 =	vsel vm4, $0x1, v1  }
0x24b: {  	v45 =	vor.u32 v0, v44;
	v31 =	vxor.u32 v31, v34;
	s1 =	simm.s32 $0x60;
	v35 =	vadd.s32 v42, v33  }
0x24c: {  	v62 =	vor.u32 s24, v0;
	v49 =	vld [tilespmem:s1+$0xFFFFFFE0];
	vm3 =	vge.s32 v31, v28;
	vm6 =	vlt.s32 v35, $0x280  }
0x24d: {  	v57 =	vshra.s32 v30, $0x1F;
	v33 =	vshll.u32 v33, $0x4;
	vm6 =	vmand vm3, vm6  }
0x24e: {  	v37 =	vand.u32 $0x7FFFFFFF, v57;
	v33 =	vor.u32 v0, v33;
	v58 =	vsel vm6, $0x1, v1  }
0x24f: {  	v37 =	vxor.u32 v30, v37;
	v40 =	vld [tilespmem:s1+$0xFFFFFFF0];
	v30 =	vshll.u32 v35, $0x4;
	v38 =	vadd.s32 v58, v35  }
0x250: {  	vm3 =	vge.s32 v37, v28;
	v35 =	vor.u32 v0, v30;
	vm7 =	vlt.s32 v38, $0x280  }
0x251: {  	[tilespmem:v45+s14+$0x0] =	vst.idx.msk vm5, v29;
	v29 =	vshra.s32 v49, $0x1F;
	v30 =	vshll.u32 v38, $0x4;
	vm3 =	vmand vm3, vm7  }
0x252: {  	v24 =	vmovc v48;
	s29 =	simm.s32 $0x10;
	[tilespmem:v45+s15+$0x0] =	vst.idx.msk vm5, v62;
	v29 =	vand.u32 $0x7FFFFFFF, v29;
	v30 =	vor.u32 v0, v30;
	v44 =	vsel vm3, $0x1, v1  }
0x253: {  	v29 =	vxor.u32 v49, v29;
	v49 =	vor.u32 s29, v0;
	[tilespmem:v33+s14+$0x0] =	vst.idx.msk vm4, v32;
	v45 =	vadd.s32 v44, v38  }
0x254: {  	v25 =	vmovc v60;
	s30 =	simm.s32 $0x20;
	v57 =	vshra.s32 v40, $0x1F;
	vm5 =	vge.s32 v29, v28;
	[tilespmem:v33+s15+$0x0] =	vst.idx.msk vm4, v49;
	v33 =	vld [tilespmem:s1+$0x0];
	vm7 =	vlt.s32 v45, $0x280  }
0x255: {  	v2 =	vmovc v61;
	v61 =	vmovc v47;
	[tilespmem:v35+s14+$0x0] =	vst.idx.msk vm6, v31;
	v31 =	vor.u32 s30, v0;
	v62 =	vshll.u32 v45, $0x4;
	vm4 =	vmand vm7, vm5  }
0x256: {  	s31 =	simm.s32 $0x30;
	v13 =	vmovc v15;
	[tilespmem:v35+s15+$0x0] =	vst.idx.msk vm6, v31;
	v31 =	vand.u32 $0x7FFFFFFF, v57;
	v32 =	vor.u32 v0, v62;
	v58 =	vsel vm4, $0x1, v1  }
0x257: {  	s3 =	simm.s32 $0x4;
	v35 =	vor.u32 s31, v0;
	v31 =	vxor.u32 v40, v31;
	v34 =	vadd.s32 v58, v45;
	[tilespmem:v30+s14+$0x0] =	vst.idx.msk vm3, v37  }
.LBB2_15:
0x258: {  	s3 =	sadd.s32 $0x4, s3;
	vm5 =	vge.s32 v31, v28;
	vm6 =	vlt.s32 v34, $0x280;
	v36 =	vshll.u32 v34, $0x4;
	v37 =	vld [tilespmem:s1+$0x10];
	[tilespmem:v30+s15+$0x0] =	vst.idx.msk vm3, v35  }
0x259: {  	p0 =	slt.u32 s3, $0x7FC;
	vm3 =	vmand vm5, vm6;
	v30 =	vor.u32 v0, v36;
	v35 =	vshra.s32 v33, $0x1F  }
0x25a: {  	s24 =	sadd.s32 $0x40, s24;
	v36 =	vsel vm3, $0x1, v1;
	v35 =	vand.u32 $0x7FFFFFFF, v35  }
0x25b: {  	s1 =	sadd.s32 $0x40, s1;
	[tilespmem:v32+s14+$0x0] =	vst.idx.msk vm4, v29;
	v29 =	vor.u32 s24, v0;
	v34 =	vadd.s32 v36, v34;
	v33 =	vxor.u32 v33, v35  }
0x25c: {  	v35 =	vld [tilespmem:s1+$0xFFFFFFE0];
	[tilespmem:v32+s15+$0x0] =	vst.idx.msk vm4, v29;
	vm4 =	vge.s32 v33, v28;
	vm5 =	vlt.s32 v34, $0x280;
	v29 =	vshll.u32 v34, $0x4  }
0x25d: {  	vm4 =	vmand vm4, vm5;
	v32 =	vor.u32 v0, v29;
	v29 =	vshra.s32 v37, $0x1F  }
0x25e: {  	s19 =	sadd.s32 $0x10, s24;
	v36 =	vsel vm4, $0x1, v1;
	v29 =	vand.u32 $0x7FFFFFFF, v29  }
0x25f: {  	[tilespmem:v30+s14+$0x0] =	vst.idx.msk vm3, v31;
	v31 =	vor.u32 s19, v0;
	v34 =	vadd.s32 v36, v34;
	v36 =	vxor.u32 v37, v29  }
0x260: {  	v37 =	vld [tilespmem:s1+$0xFFFFFFF0];
	[tilespmem:v30+s15+$0x0] =	vst.idx.msk vm3, v31;
	vm3 =	vge.s32 v36, v28;
	vm5 =	vlt.s32 v34, $0x280;
	v29 =	vshll.u32 v34, $0x4  }
0x261: {  	v31 =	vshra.s32 v35, $0x1F;
	vm3 =	vmand vm3, vm5;
	v30 =	vor.u32 v0, v29  }
0x262: {  	s19 =	sadd.s32 $0x20, s24;
	v29 =	vand.u32 $0x7FFFFFFF, v31;
	v31 =	vsel vm3, $0x1, v1  }
.Ltmp8:
0x263: {  	v29 =	vxor.u32 v35, v29;
	[tilespmem:v32+s14+$0x0] =	vst.idx.msk vm4, v33;
	v35 =	vor.u32 s19, v0;
	v31 =	vadd.s32 v31, v34;
	(pc) =	sbr.rel @p0 .LBB2_15-.Ltmp8, $4  }
0x264: {  	vm5 =	vge.s32 v29, v28;
	vm6 =	vlt.s32 v31, $0x280;
	v34 =	vshll.u32 v31, $0x4;
	v33 =	vld [tilespmem:s1+$0x0];
	[tilespmem:v32+s15+$0x0] =	vst.idx.msk vm4, v35  }
0x265: {  	vm4 =	vmand vm6, vm5;
	v32 =	vor.u32 v0, v34;
	v34 =	vshra.s32 v37, $0x1F  }
0x266: {  	s19 =	sadd.s32 $0x30, s24;
	v35 =	vsel vm4, $0x1, v1;
	v38 =	vand.u32 $0x7FFFFFFF, v34  }
0x267: {  	v34 =	vadd.s32 v35, v31;
	v31 =	vxor.u32 v37, v38;
	[tilespmem:v30+s14+$0x0] =	vst.idx.msk vm3, v36;
	v35 =	vor.u32 s19, v0  }
0x268: {  	[tilespmem:$0x1FBB0] =	vst v12  }
0x269: {  	[tilespmem:$0x1FBC0] =	vst v7  }
0x26a: {  	[tilespmem:$0x1FBD0] =	vst v4  }
0x26b: {  	[tilespmem:$0x1FBE0] =	vst v10  }
0x26c: {  	[tilespmem:$0x1FBF0] =	vst v9  }
0x26d: {  	vm5 =	vge.s32 v31, v28;
	vm6 =	vlt.s32 v34, $0x280;
	v36 =	vld [tilespmem:s1+$0x10]  }
0x26e: {  	vm5 =	vmand vm5, vm6;
	v37 =	vshra.s32 v33, $0x1F  }
0x26f: {  	v38 =	vsel vm5, $0x1, v1;
	v37 =	vand.u32 $0x7FFFFFFF, v37  }
0x270: {  	v38 =	vadd.s32 v38, v34;
	v57 =	vxor.u32 v33, v37  }
0x271: {  	v58 =	vshll.u32 v34, $0x4;
	vm14 =	vge.s32 v57, v28;
	vm7 =	vlt.s32 v38, $0x280  }
0x272: {  	v34 =	vor.u32 v0, v58;
	vm6 =	vmand vm14, vm7;
	v60 =	vshra.s32 v36, $0x1F  }
0x273: {  	v39 =	vsel vm6, $0x1, v1;
	v37 =	vand.u32 $0x7FFFFFFF, v60  }
0x274: {  	v62 =	vadd.s32 v39, v38;
	v38 =	vshll.u32 v38, $0x4;
	v36 =	vxor.u32 v36, v37  }
0x275: {  	[tilespmem:v30+s15+$0x0] =	vst.idx.msk vm3, v35;
	v30 =	vor.u32 v0, v38;
	vm15 =	vlt.s32 v62, $0x280;
	vm3 =	vge.s32 v36, v28  }
0x276: {  	s30 =	sadd.s32 $0x40, s24;
	[tilespmem:v32+s14+$0x0] =	vst.idx.msk vm4, v29;
	v29 =	vshll.u32 v62, $0x4;
	vm3 =	vmand vm3, vm15  }
0x277: {  	s3 =	sadd.s32 $0x10, s30;
	[tilespmem:v34+s14+$0x0] =	vst.idx.msk vm5, v31;
	v28 =	vor.u32 s30, v0;
	v29 =	vor.u32 v0, v29  }
0x278: {  	[tilespmem:v32+s15+$0x0] =	vst.idx.msk vm4, v28;
	v28 =	vor.u32 s3, v0  }
0x279: {  	s31 =	sadd.s32 $0x20, s30;
	[tilespmem:v34+s15+$0x0] =	vst.idx.msk vm5, v28  }
0x27a: {  	v28 =	vor.u32 s31, v0;
	[tilespmem:v30+s14+$0x0] =	vst.idx.msk vm6, v57  }
0x27b: {  	s1 =	sadd.s32 $0x30, s30;
	[tilespmem:v30+s15+$0x0] =	vst.idx.msk vm6, v28  }
0x27c: {  	v30 =	vor.u32 s1, v0;
	[tilespmem:v29+s14+$0x0] =	vst.idx.msk vm3, v36  }
0x27d: {  	s1 =	simm.s32 $0x15040;
	[tilespmem:v29+s15+$0x0] =	vst.idx.msk vm3, v30  }
0x27e: {  	[tilespmem:s1+$0xFFFFFFC0] =	vst v1  }
0x27f: {  	[tilespmem:s1+$0x30] =	vst v1  }
0x280: {  	[tilespmem:s1+$0x20] =	vst v1  }
0x281: {  	p0 =	por $0x1, $0x1;
	[tilespmem:s1+$0x10] =	vst v1  }
.Ltmp9:
0x282: {  	[tilespmem:s1+$0x0] =	vst v1;
	(pc) =	sbr.rel @!p0 .LBB2_18-.Ltmp9, $4  }
0x283: {  	[tilespmem:s1+$0xFFFFFFF0] =	vst v1  }
0x284: {  	[tilespmem:s1+$0xFFFFFFE0] =	vst v1  }
0x285: {  	v28 =	vsel vm3, $0x1, v1;
	v7 =	vld [tilespmem:$0x1FCB0]  }
0x286: {  	v4 =	vmovc v52;
	v49 =	vmovc v43;
	v26 =	vmov v54;
	s3 =	simm.s32 $0x0;
	v57 =	vmov v53;
	v28 =	vadd.s32 v28, v62;
	v10 =	vld [tilespmem:$0x1FF70]  }
.LBB2_17:
0x287: {  	s3 =	sadd.s32 $0x8, s3;
	[tilespmem:s1+$0xFFFFFFD0] =	vst v1;
	s1 =	sadd.s32 $0x80, s1  }
0x288: {  	[tilespmem:s1+$0xFFFFFFC0] =	vst v1;
	p0 =	slt.u32 s3, $0xF8  }
0x289: {  	[tilespmem:s1+$0x30] =	vst v1  }
.Ltmp10:
0x28a: {  	[tilespmem:s1+$0x20] =	vst v1;
	(pc) =	sbr.rel @p0 .LBB2_17-.Ltmp10, $4  }
0x28b: {  	[tilespmem:s1+$0x10] =	vst v1  }
0x28c: {  	[tilespmem:s1+$0x0] =	vst v1  }
0x28d: {  	[tilespmem:s1+$0xFFFFFFF0] =	vst v1  }
0x28e: {  	[tilespmem:s1+$0xFFFFFFE0] =	vst v1  }
.LBB2_18:
0x28f: {  	s31 =	sadd.s32 $0xFFFFFFFF, s26  }
0x290: {  	v29 =	vmov s31  }
0x291: {  	vm3 =	veq.s32 v29, v0;
	v29 =	vxor.u32 $0x80000000, v63  }
0x292: {  	v30 =	vxor.u32 $0x80000000, v59;
	v29 =	vnsel vm3, $0x0, v29  }
0x293: {  	(xrf0) =	vmax.scan.msk.u32 $0xffff, v29;
	v29 =	vnsel vm3, $0x0, v30  }
0x294: {  	(xrf0) =	vmax.scan.msk.u32 $0xffff, v29;
	v29 =	vxor.u32 $0x80000000, v28  }
0x295: {  	(xrf0) =	vmax.scan.msk.u32 $0xffff, v29;
	_ =	sdelay $0x3  }
0x296: {  	v29, _, _ =	vpop (xrf0)  }
0x297: {  	v30, _, _ =	vpop (xrf0);
	(v2sf) =	vpush v29, $0xF  }
0x298: {  	(v2sf) =	vpush v30, $0xF;
	v29, _, _ =	vpop (xrf0)  }
0x299: {  	(v2sf) =	vpush v29, $0xF;
	_ =	sdelay $0x8  }
0x29a: {  	[tilespmem:$0x1FB80] =	vst v27  }
0x29b: {  	[tilespmem:$0x1FB90] =	vst v14  }
0x29c: {  	[tilespmem:$0x1FBA0] =	vst v6  }
0x29d: {  	[tilespmem:s1+$0xFFFFFFD0] =	vst v1  }
0x29e: {  	v19 =	vld [tilespmem:$0x1FF00];
	s29 =	spop (v2sf)  }
0x29f: {  	v47 =	vld [tilespmem:$0x1FEB0];
	s30 =	spop (v2sf)  }
0x2a0: {  	v52 =	vld [tilespmem:$0x1FEC0];
	s26 =	spop (v2sf)  }
0x2a1: {  	v54 =	vld [tilespmem:$0x1FED0];
	s24 =	sxor.u32 $0x80000000, s26  }
0x2a2: {  	v53 =	vld [tilespmem:$0x1FEE0];
	p0 =	slt.s32 s24, $0x1  }
.Ltmp11:
0x2a3: {  	v14 =	vld [tilespmem:$0x1FEF0];
	(pc) =	sbr.rel @p0 .LBB2_22-.Ltmp11, $4  }
0x2a4: {  	v27 =	vld [tilespmem:$0x1FF30]  }
0x2a5: {  	v9 =	vld [tilespmem:$0x1FFA0]  }
0x2a6: {  	v48 =	vld [tilespmem:$0x1FFE0]  }
0x2a7: {  	v59 =	vld [tilespmem:$0x1FD00]  }
0x2a8: {  	s1 =	simm.s32 $0x10000  }
0x2a9: {  	v30 =	vld [tilespmem:s1+$0x0];
	_ =	sdelay $0x2  }
0x2aa: {  	p0 =	sne.s32 s24, $0x1  }
.Ltmp12:
0x2ab: {  	s3 =	simm.s32 $0x0;
	(pc) =	sbr.rel @!p0 .LBB2_21-.Ltmp12, $4  }
0x2ac: {  	v29 =	vmov s28;
	v31 =	vmov s3;
	v32 =	vshra.s32 v30, $0x18  }
0x2ad: {  	vm3 =	vlt.s32 v31, v28;
	v30 =	vshrl.u32 v30, $0xC;
	vm4 =	veq.s32 v32, v29  }
0x2ae: {  	v30 =	vand.u32 $0xFF0, v30;
	vm3 =	vmand vm3, vm4  }
0x2af: {  	s3 =	simm.s32 $0x1;
	v30 =	vor.u32 v0, v30  }
.LBB2_20:
0x2b0: {  	_ =	sdelay $0x3  }
0x2b1: {  	[tilespmem:v30+s13+$0x0] =	vst.idx.add.s32.msk vm3, v3;
	s1 =	sadd.s32 $0x10, s1;
	s19 =	smov.u32 s3;
	s3 =	sadd.s32 $0x1, s3  }
0x2b2: {  	v30 =	vld [tilespmem:s1+$0x0];
	p0 =	sne.s32 s24, s3;
	_ =	sdelay $0x3  }
.Ltmp13:
0x2b3: {  	(pc) =	sbr.rel @p0 .LBB2_20-.Ltmp13, $4  }
0x2b4: {  	v31 =	vmov s19;
	v32 =	vshra.s32 v30, $0x18;
	v30 =	vshrl.u32 v30, $0xC  }
0x2b5: {  	vm3 =	vlt.s32 v31, v28;
	vm4 =	veq.s32 v32, v29;
	v30 =	vand.u32 $0xFF0, v30  }
0x2b6: {  	vm3 =	vmand vm3, vm4  }
0x2b7: {  	v30 =	vor.u32 v0, v30  }
.LBB2_21:
0x2b8: {  	_ =	sdelay $0x4  }
0x2b9: {  	[tilespmem:v30+s13+$0x0] =	vst.idx.add.s32.msk vm3, v3  }
.LBB2_22:
0x2ba: {  	s19 =	simm.s32 $0x0  }
0x2bb: {  	v29 =	vor.u32 s19, v2;
	v30 =	vor.u32 s19, v17  }
0x2bc: {  	v29 =	vand.u32 v56, v29  }
0x2bd: {  	v31 =	vor.u32 s19, v18  }
0x2be: {  	v32 =	vor.u32 s19, v16  }
0x2bf: {  	v33 =	vor.u32 s19, v7  }
0x2c0: {  	v34 =	vor.u32 s19, v50;
	v30 =	vld.idx.msk [tilespmem:v30+s13+$0x0], $0xffff  }
0x2c1: {  	v35 =	vor.u32 s19, v13;
	v29 =	vld.idx.msk [tilespmem:v29+s13+$0x0], $0xffff  }
0x2c2: {  	v36 =	vor.u32 s19, v23;
	v31 =	vld.idx.msk [tilespmem:v31+s13+$0x0], $0xffff  }
0x2c3: {  	v37 =	vor.u32 s19, v5;
	v32 =	vld.idx.msk [tilespmem:v32+s13+$0x0], $0xffff  }
0x2c4: {  	v38 =	vor.u32 s19, v10;
	v33 =	vld.idx.msk [tilespmem:v33+s13+$0x0], $0xffff  }
0x2c5: {  	v39 =	vor.u32 s19, v19;
	v34 =	vld.idx.msk [tilespmem:v34+s13+$0x0], $0xffff  }
0x2c6: {  	v40 =	vor.u32 s19, v47;
	v35 =	vld.idx.msk [tilespmem:v35+s13+$0x0], $0xffff;
	v29 =	vadd.s32 v29, v30  }
0x2c7: {  	[tilespmem:$0x1FB70] =	vst v46;
	v46 =	vmov v51;
	v51 =	vor.u32 s19, v11;
	v30 =	vld.idx.msk [tilespmem:v36+s13+$0x0], $0xffff;
	v29 =	vadd.s32 v31, v29  }
0x2c8: {  	v58 =	vor.u32 s19, v52;
	v31 =	vld.idx.msk [tilespmem:v37+s13+$0x0], $0xffff;
	v29 =	vadd.s32 v32, v29  }
0x2c9: {  	v62 =	vor.u32 s19, v54;
	v60 =	vld.idx.msk [tilespmem:v38+s13+$0x0], $0xffff;
	v29 =	vadd.s32 v33, v29  }
0x2ca: {  	v43 =	vor.u32 s19, v53;
	v42 =	vld.idx.msk [tilespmem:v39+s13+$0x0], $0xffff;
	v29 =	vadd.s32 v34, v29  }
0x2cb: {  	v44 =	vld.idx.msk [tilespmem:v40+s13+$0x0], $0xffff;
	v29 =	vadd.s32 v35, v29  }
0x2cc: {  	v45 =	vld.idx.msk [tilespmem:v51+s13+$0x0], $0xffff;
	v29 =	vadd.s32 v30, v29  }
0x2cd: {  	v30 =	vld.idx.msk [tilespmem:v58+s13+$0x0], $0xffff;
	v29 =	vadd.s32 v31, v29  }
0x2ce: {  	v31 =	vld.idx.msk [tilespmem:v62+s13+$0x0], $0xffff;
	v29 =	vadd.s32 v60, v29  }
0x2cf: {  	v51 =	vld.idx.msk [tilespmem:v43+s13+$0x0], $0xffff;
	v29 =	vadd.s32 v42, v29  }
0x2d0: {  	s3 =	simm.s32 $0x100;
	v29 =	vadd.s32 v44, v29  }
0x2d1: {  	v58 =	vor.u32 s3, v2;
	v60 =	vor.u32 s3, v17;
	v29 =	vadd.s32 v45, v29  }
0x2d2: {  	v33 =	vand.u32 v56, v58;
	v29 =	vadd.s32 v30, v29  }
0x2d3: {  	v30 =	vor.u32 s3, v18;
	v29 =	vadd.s32 v31, v29  }
0x2d4: {  	s1 =	simm.s32 $0x19000;
	v62 =	vor.u32 s3, v7;
	v29 =	vadd.s32 v51, v29  }
0x2d5: {  	v31 =	vor.u32 s3, v16;
	[tilespmem:s1+$0x0] =	vst v29  }
0x2d6: {  	v34 =	vor.u32 s3, v50;
	(xrf0) =	vadd.scan.msk.s32 $0xffff, v29;
	v39 =	vld.idx.msk [tilespmem:v60+s13+$0x0], $0xffff  }
0x2d7: {  	v58 =	vor.u32 s3, v23;
	v45 =	vld.idx.msk [tilespmem:v33+s13+$0x0], $0xffff  }
0x2d8: {  	v51 =	vor.u32 s3, v13;
	v41 =	vld.idx.msk [tilespmem:v30+s13+$0x0], $0xffff  }
0x2d9: {  	v60 =	vor.u32 s3, v5;
	v30 =	vld.idx.msk [tilespmem:v62+s13+$0x0], $0xffff  }
0x2da: {  	v62 =	vor.u32 s3, v10;
	v42 =	vld.idx.msk [tilespmem:v31+s13+$0x0], $0xffff  }
0x2db: {  	v63 =	vmov v4;
	v31 =	vld.idx.msk [tilespmem:v34+s13+$0x0], $0xffff;
	v34 =	vor.u32 s3, v19  }
0x2dc: {  	v4 =	vimm.s32 $0x0;
	v37 =	vor.u32 s3, v11;
	v35 =	vor.u32 s3, v47;
	v33 =	vld.idx.msk [tilespmem:v58+s13+$0x0], $0xffff;
	v43, _, _ =	vpop (xrf0)  }
0x2dd: {  	v29 =	vmov s19;
	v32 =	vld.idx.msk [tilespmem:v51+s13+$0x0], $0xffff;
	v39 =	vadd.s32 v45, v39;
	v43 =	vbroadcast v43, $0xF  }
0x2de: {  	s28 =	sxor.u32 $0x7FFFFFFF, s29;
	s29 =	sxor.u32 $0x80000000, s30;
	v38 =	vor.u32 s3, v52;
	vm3 =	veq.s32 v29, v0;
	v36 =	vld.idx.msk [tilespmem:v60+s13+$0x0], $0xffff;
	v41 =	vadd.s32 v41, v39  }
0x2df: {  	s31 =	simm.s32 $0x1;
	s30 =	simm.s32 $0x2;
	v40 =	vor.u32 s3, v54;
	s19 =	simm.s32 $0x3;
	v39 =	vld.idx.msk [tilespmem:v62+s13+$0x0], $0xffff;
	v41 =	vadd.s32 v42, v41;
	v29 =	vsel vm3, v43, v4  }
.LBB2_23:
0x2e0: {  	p0 =	sne.s32 s19, $0xF;
	v34 =	vld.idx.msk [tilespmem:v34+s13+$0x0], $0xffff;
	v42 =	vor.u32 s3, v53;
	v30 =	vadd.s32 v30, v41  }
0x2e1: {  	v35 =	vld.idx.msk [tilespmem:v35+s13+$0x0], $0xffff;
	v30 =	vadd.s32 v31, v30  }
0x2e2: {  	v31 =	vld.idx.msk [tilespmem:v37+s13+$0x0], $0xffff;
	v30 =	vadd.s32 v32, v30  }
0x2e3: {  	v32 =	vld.idx.msk [tilespmem:v38+s13+$0x0], $0xffff;
	v30 =	vadd.s32 v33, v30  }
0x2e4: {  	v33 =	vld.idx.msk [tilespmem:v40+s13+$0x0], $0xffff;
	v30 =	vadd.s32 v36, v30  }
0x2e5: {  	v36 =	vld.idx.msk [tilespmem:v42+s13+$0x0], $0xffff;
	v30 =	vadd.s32 v39, v30  }
0x2e6: {  	v30 =	vadd.s32 v34, v30  }
0x2e7: {  	s3 =	sadd.s32 $0x100, s3;
	v30 =	vadd.s32 v35, v30  }
0x2e8: {  	v34 =	vor.u32 s3, v2;
	v35 =	vor.u32 s3, v17;
	v30 =	vadd.s32 v31, v30  }
0x2e9: {  	v31 =	vand.u32 v56, v34;
	v30 =	vadd.s32 v32, v30  }
0x2ea: {  	v32 =	vor.u32 s3, v18;
	v30 =	vadd.s32 v33, v30  }
0x2eb: {  	s1 =	sadd.s32 $0x10, s1;
	v33 =	vor.u32 s3, v16;
	v30 =	vadd.s32 v36, v30  }
0x2ec: {  	v34 =	vor.u32 s3, v7;
	[tilespmem:s1+$0x0] =	vst v30;
	(xrf0) =	vadd.scan.msk.s32 $0xffff, v30  }
0x2ed: {  	v36 =	vld.idx.msk [tilespmem:v35+s13+$0x0], $0xffff;
	v35 =	vor.u32 s3, v50  }
0x2ee: {  	v37 =	vor.u32 s3, v13;
	v38 =	vld.idx.msk [tilespmem:v31+s13+$0x0], $0xffff  }
0x2ef: {  	v40 =	vor.u32 s3, v23;
	v39 =	vld.idx.msk [tilespmem:v32+s13+$0x0], $0xffff  }
0x2f0: {  	v42 =	vor.u32 s3, v5;
	v41 =	vld.idx.msk [tilespmem:v33+s13+$0x0], $0xffff  }
0x2f1: {  	v43 =	vor.u32 s3, v10;
	v30 =	vld.idx.msk [tilespmem:v34+s13+$0x0], $0xffff  }
.Ltmp14:
0x2f2: {  	v34 =	vor.u32 s3, v19;
	v31 =	vld.idx.msk [tilespmem:v35+s13+$0x0], $0xffff;
	v33, _, _ =	vpop (xrf0);
	(pc) =	sbr.rel @p0 .LBB2_23-.Ltmp14, $4  }
0x2f3: {  	v44 =	vmov s31;
	s31 =	smov.u32 s30;
	s30 =	smov.u32 s19;
	v35 =	vor.u32 s3, v47;
	v32 =	vld.idx.msk [tilespmem:v37+s13+$0x0], $0xffff;
	v45 =	vbroadcast v33, $0xF  }
0x2f4: {  	vm3 =	veq.s32 v44, v0;
	v37 =	vor.u32 s3, v11;
	v33 =	vld.idx.msk [tilespmem:v40+s13+$0x0], $0xffff;
	v40 =	vadd.s32 v38, v36  }
0x2f5: {  	v38 =	vor.u32 s3, v52;
	v36 =	vld.idx.msk [tilespmem:v42+s13+$0x0], $0xffff;
	v42 =	vadd.s32 v39, v40;
	v29 =	vsel vm3, v45, v29  }
0x2f6: {  	s19 =	sadd.s32 $0x1, s19;
	v40 =	vor.u32 s3, v54;
	v39 =	vld.idx.msk [tilespmem:v43+s13+$0x0], $0xffff;
	v41 =	vadd.s32 v41, v42  }
0x2f7: {  	_ =	sdelay $0x2  }
0x2f8: {  	v30 =	vadd.s32 v30, v41  }
0x2f9: {  	v34 =	vld.idx.msk [tilespmem:v34+s13+$0x0], $0xffff;
	v60 =	vor.u32 s3, v53;
	v30 =	vadd.s32 v31, v30  }
0x2fa: {  	v31 =	vld.idx.msk [tilespmem:v35+s13+$0x0], $0xffff;
	v30 =	vadd.s32 v32, v30  }
0x2fb: {  	v62 =	vld.idx.msk [tilespmem:v37+s13+$0x0], $0xffff;
	v30 =	vadd.s32 v33, v30  }
0x2fc: {  	v42 =	vld.idx.msk [tilespmem:v38+s13+$0x0], $0xffff;
	v30 =	vadd.s32 v36, v30  }
0x2fd: {  	v43 =	vld.idx.msk [tilespmem:v40+s13+$0x0], $0xffff;
	v30 =	vadd.s32 v39, v30  }
0x2fe: {  	v44 =	vld.idx.msk [tilespmem:v60+s13+$0x0], $0xffff;
	v30 =	vadd.s32 v34, v30  }
0x2ff: {  	s19 =	sadd.s32 $0x100, s3;
	v30 =	vadd.s32 v31, v30  }
0x300: {  	v45 =	vor.u32 s19, v17;
	v31 =	vor.u32 s19, v2;
	v30 =	vadd.s32 v62, v30  }
0x301: {  	v31 =	vand.u32 v56, v31;
	v30 =	vadd.s32 v42, v30  }
0x302: {  	v51 =	vor.u32 s19, v18;
	v30 =	vadd.s32 v43, v30  }
0x303: {  	s1 =	sadd.s32 $0x10, s1;
	v58 =	vor.u32 s19, v16;
	v30 =	vadd.s32 v44, v30  }
0x304: {  	v60 =	vor.u32 s19, v7;
	[tilespmem:s1+$0x0] =	vst v30  }
0x305: {  	v62 =	vor.u32 s19, v50;
	v34 =	vld.idx.msk [tilespmem:v45+s13+$0x0], $0xffff  }
0x306: {  	v44 =	vor.u32 s19, v13;
	v31 =	vld.idx.msk [tilespmem:v31+s13+$0x0], $0xffff  }
0x307: {  	v32 =	vld.idx.msk [tilespmem:v51+s13+$0x0], $0xffff;
	v45 =	vor.u32 s19, v23  }
0x308: {  	v33 =	vld.idx.msk [tilespmem:v58+s13+$0x0], $0xffff;
	v51 =	vor.u32 s19, v5  }
0x309: {  	v35 =	vld.idx.msk [tilespmem:v60+s13+$0x0], $0xffff;
	v58 =	vor.u32 s19, v10  }
0x30a: {  	v36 =	vld.idx.msk [tilespmem:v62+s13+$0x0], $0xffff;
	v60 =	vor.u32 s19, v19  }
0x30b: {  	v42 =	vor.u32 s19, v47;
	v37 =	vld.idx.msk [tilespmem:v44+s13+$0x0], $0xffff;
	v31 =	vadd.s32 v31, v34  }
0x30c: {  	v62 =	vor.u32 s19, v11;
	v34 =	vld.idx.msk [tilespmem:v45+s13+$0x0], $0xffff;
	v31 =	vadd.s32 v32, v31  }
0x30d: {  	v39 =	vor.u32 s19, v52;
	v32 =	vld.idx.msk [tilespmem:v51+s13+$0x0], $0xffff;
	v31 =	vadd.s32 v33, v31  }
0x30e: {  	v44 =	vld.idx.msk [tilespmem:v58+s13+$0x0], $0xffff;
	v45 =	vor.u32 s19, v54;
	v31 =	vadd.s32 v35, v31  }
0x30f: {  	v58 =	vor.u32 s19, v53;
	v51 =	vld.idx.msk [tilespmem:v60+s13+$0x0], $0xffff;
	v31 =	vadd.s32 v36, v31  }
0x310: {  	v60 =	vld.idx.msk [tilespmem:v42+s13+$0x0], $0xffff;
	v31 =	vadd.s32 v37, v31  }
0x311: {  	v62 =	vld.idx.msk [tilespmem:v62+s13+$0x0], $0xffff;
	v31 =	vadd.s32 v34, v31  }
0x312: {  	v42 =	vld.idx.msk [tilespmem:v39+s13+$0x0], $0xffff;
	v31 =	vadd.s32 v32, v31  }
0x313: {  	v43 =	vld.idx.msk [tilespmem:v45+s13+$0x0], $0xffff;
	v31 =	vadd.s32 v44, v31  }
0x314: {  	v44 =	vld.idx.msk [tilespmem:v58+s13+$0x0], $0xffff;
	v31 =	vadd.s32 v51, v31  }
0x315: {  	v31 =	vadd.s32 v60, v31  }
0x316: {  	v31 =	vadd.s32 v62, v31  }
0x317: {  	v31 =	vadd.s32 v42, v31  }
0x318: {  	v31 =	vadd.s32 v43, v31  }
0x319: {  	(xrf0) =	vadd.scan.msk.s32 $0xffff, v30;
	v30 =	vadd.s32 v44, v31  }
0x31a: {  	(xrf0) =	vadd.scan.msk.s32 $0xffff, v30;
	_ =	sdelay $0x4  }
0x31b: {  	v4 =	vld [tilespmem:$0x1FC00];
	v31, _, _ =	vpop (xrf0)  }
0x31c: {  	v45 =	vmov s31;
	v31 =	vbroadcast v31, $0xF;
	v51, _, _ =	vpop (xrf0)  }
0x31d: {  	vm3 =	veq.s32 v45, v0;
	v58 =	vmov s30;
	v33 =	vbroadcast v51, $0xF  }
0x31e: {  	v29 =	vsel vm3, v31, v29;
	vm3 =	veq.s32 v58, v0  }
0x31f: {  	v29 =	vsel vm3, v33, v29  }
0x320: {  	v31 =	vperm.xlane v29, v4;
	_ =	sdelay $0x1  }
0x321: {  	(xrf0) =	vadd.scan.msk.s32 $0xffff, v31;
	_ =	sdelay $0x5  }
0x322: {  	v31, _, _ =	vpop (xrf0)  }
0x323: {  	s30 =	sadd.s32 s29, s28;
	v31 =	vperm.xlane v31, v4  }
0x324: {  	s3 =	sadd.s32 $0x1F, s30  }
0x325: {  	vm3 =	vge.s32 v31, s3  }
0x326: {  	v60 =	vsel vm3, $0x1, v1  }
0x327: {  	(xrf0) =	vadd.scan.msk.s32 $0xffff, v60;
	_ =	sdelay $0x5  }
0x328: {  	v32, _, _ =	vpop (xrf0)  }
0x329: {  	(v2sf) =	vpush v32, $0xF;
	_ =	sdelay $0xe  }
0x32a: {  	s19 =	spop (v2sf)  }
0x32b: {  	s19 =	sadd.s32 $0xFFFFFFFF, s19  }
0x32c: {  	v62 =	vmov s19  }
0x32d: {  	v31 =	vxor.u32 $0x80000000, v31;
	vm3 =	veq.s32 v62, v0  }
0x32e: {  	v29 =	vxor.u32 $0x80000000, v29;
	v31 =	vnsel vm3, $0x0, v31  }
0x32f: {  	v29 =	vnsel vm3, $0x0, v29;
	(xrf0) =	vmax.scan.msk.u32 $0xffff, v31  }
0x330: {  	(xrf0) =	vmax.scan.msk.u32 $0xffff, v29;
	_ =	sdelay $0x4  }
0x331: {  	v29, _, _ =	vpop (xrf0)  }
0x332: {  	(v2sf) =	vpush v29, $0xF;
	v29, _, _ =	vpop (xrf0)  }
0x333: {  	s1 =	sadd.s32 $0x10, s1;
	(v2sf) =	vpush v29, $0xF  }
0x334: {  	[tilespmem:s1+$0x0] =	vst v30;
	s1 =	sshll.u32 s19, $0x4  }
0x335: {  	v29 =	vld [tilespmem:s1+$0x19000];
	_ =	sdelay $0x4  }
0x336: {  	v29 =	vperm.xlane v29, v4;
	_ =	sdelay $0x1  }
0x337: {  	(xrf0) =	vadd.scan.msk.s32 $0xffff, v29;
	_ =	sdelay $0x4  }
0x338: {  	s31 =	spop (v2sf)  }
0x339: {  	v29, _, _ =	vpop (xrf0);
	s29 =	spop (v2sf)  }
0x33a: {  	v29 =	vperm.xlane v29, v4;
	s19 =	sxor.u32 $0x80000000, s31;
	s28 =	sxor.u32 $0x80000000, s29  }
0x33b: {  	s19 =	ssub.s32 s19, s28  }
0x33c: {  	v29 =	vadd.s32 s19, v29  }
0x33d: {  	vm3 =	vge.s32 v29, s3  }
0x33e: {  	v29 =	vsel vm3, $0x1, v1  }
0x33f: {  	(xrf0) =	vadd.scan.msk.s32 $0xffff, v29;
	_ =	sdelay $0x5  }
0x340: {  	v29, _, _ =	vpop (xrf0)  }
0x341: {  	(v2sf) =	vpush v29, $0xF;
	_ =	sdelay $0xe  }
0x342: {  	s30 =	spop (v2sf)  }
0x343: {  	s31 =	sshrl.u32 s24, $0x1F;
	s1 =	sadd.s32 s1, s30  }
0x344: {  	s3 =	sadd.s32 s31, s24;
	s1 =	sshll.u32 s1, $0x10  }
0x345: {  	s1 =	sadd.s32 s1, s25;
	s25 =	sand.u32 $0xFFFFFFFE, s3  }
0x346: {  	p0 =	slt.s32 s25, $0x1  }
.Ltmp15:
0x347: {  	_ = 	snop;
	(pc) =	sbr.rel @p0 .LBB2_25-.Ltmp15, $3  }
0x348: {  	_ =	sdelay $0x1  }
0x349: {  	s1 =	sadd.s32 $0xFFFF0000, s1  }
0x34a: {  	v21 =	vmov v55;
	v45 =	vmov v14;
	v30 =	vmov s1  }
0x34b: {  	v20 =	vld [tilespmem:$0x1FE50]  }
0x34c: {  	s28 =	simm.s32 $0x10010;
	v22 =	vld [tilespmem:$0x1FE60]  }
0x34d: {  	p1 =	sgt.s32 s25, $0x2;
	v36 =	vld [tilespmem:s28+$0xFFFFFFF0]  }
.Ltmp16:
0x34e: {  	v41 =	vld [tilespmem:$0x1FE30];
	(pc) =	sbr.rel @!p1 .LBB2_43-.Ltmp16, $4  }
0x34f: {  	s19 =	simm.s32 $0x0;
	v31 =	vld [tilespmem:s28+$0x0]  }
0x350: {  	v33 =	vimm.s32 $0x0;
	v43 =	vld [tilespmem:$0x1FE20];
	v29 =	vmov s19  }
0x351: {  	v12 =	vld [tilespmem:$0x1FE90];
	vm5 =	vlt.s32 v33, $0x20;
	vm3 =	vlt.s32 v29, v28;
	v29 =	vshll.u32 v33, $0x4  }
0x352: {  	s1 =	simm.s32 $0x12810;
	v51 =	vld [tilespmem:$0x1FF90];
	s3 =	simm.s32 $0x2;
	p0 =	por $0x0, $0x0;
	v8 =	vmovc v46;
	vm5 =	vmand vm3, vm5;
	v29 =	vor.u32 v0, v29;
	vm4 =	vge.s32 v36, v30  }
0x353: {  	vm4 =	vmand vm5, vm4;
	_ =	sdelay $0x1  }
0x354: {  	s19 =	simm.s32 $0x1;
	v34 =	vld [tilespmem:s1+$0xFFFFFFF0];
	v32 =	vsel vm4, $0x1, v1  }
0x355: {  	v58 =	vmov s19;
	v33 =	vadd.s32 v32, v33  }
0x356: {  	s19 =	simm.s32 $0x10030;
	vm3 =	vlt.s32 v58, v28;
	vm5 =	vlt.s32 v33, $0x20  }
0x357: {  	p1 =	sgt.s32 s25, $0x4;
	vm6 =	vge.s32 v31, v30;
	v35 =	vld [tilespmem:s19+$0xFFFFFFF0];
	vm3 =	vmand vm3, vm5  }
.Ltmp17:
0x358: {  	v60 =	vshll.u32 v33, $0x4;
	vm3 =	vmand vm3, vm6;
	[tilespmem:v29+s16+$0x0] =	vst.idx.msk vm4, v36;
	v36 =	vld [tilespmem:s19+$0x0];
	(pc) =	sbr.rel @!p1 .LBB2_45-.Ltmp17, $4  }
0x359: {  	v32 =	vor.u32 v0, v60;
	v37 =	vsel vm3, $0x1, v1;
	[tilespmem:v29+s17+$0x0] =	vst.idx.msk vm4, v34;
	v34 =	vld [tilespmem:s1+$0x0]  }
0x35a: {  	v62 =	vmov s3;
	v33 =	vadd.s32 v37, v33;
	v6 =	vld [tilespmem:$0x1FEA0]  }
0x35b: {  	vm5 =	vlt.s32 v62, v28;
	vm6 =	vlt.s32 v33, $0x20;
	v29 =	vshll.u32 v33, $0x4;
	v46 =	vld [tilespmem:$0x1FF10]  }
0x35c: {  	s29 =	simm.s32 $0x4;
	p0 =	por $0x1, $0x1;
	s28 =	simm.s32 $0x12810;
	vm4 =	vge.s32 v35, v30;
	v14 =	vld [tilespmem:$0x1FF20];
	vm5 =	vmand vm5, vm6;
	v29 =	vor.u32 v0, v29  }
.LBB2_46:
0x35d: {  	vm4 =	vmand vm5, vm4;
	s30 =	smov.u32 s29;
	s29 =	sadd.s32 $0x2, s29  }
0x35e: {  	s3 =	sadd.s32 $0x1, s3;
	s28 =	sadd.s32 $0x20, s28;
	p1 =	slt.s32 s29, s25;
	v37 =	vsel vm4, $0x1, v1;
	[tilespmem:v32+s16+$0x0] =	vst.idx.msk vm3, v31  }
0x35f: {  	v15 =	vmov s3;
	s3 =	smov.u32 s30;
	v38 =	vld [tilespmem:s28+$0xFFFFFFF0];
	v33 =	vadd.s32 v37, v33;
	[tilespmem:v32+s17+$0x0] =	vst.idx.msk vm3, v34  }
0x360: {  	s19 =	sadd.s32 $0x20, s19;
	vm3 =	vlt.s32 v15, v28;
	vm5 =	vlt.s32 v33, $0x20;
	v4 =	vshll.u32 v33, $0x4  }
0x361: {  	v37 =	vld [tilespmem:s19+$0xFFFFFFF0];
	vm6 =	vge.s32 v36, v30;
	vm3 =	vmand vm3, vm5;
	v32 =	vor.u32 v0, v4;
	v31 =	vmovc v36  }
.Ltmp18:
0x362: {  	vm3 =	vmand vm3, vm6;
	(pc) =	sbr.rel @p1 .LBB2_46-.Ltmp18, $4  }
0x363: {  	[tilespmem:v29+s16+$0x0] =	vst.idx.msk vm4, v35;
	v35 =	vsel vm3, $0x1, v1  }
0x364: {  	v36 =	vmov s3;
	[tilespmem:v29+s17+$0x0] =	vst.idx.msk vm4, v38;
	v34 =	vld [tilespmem:s28+$0x0];
	v33 =	vadd.s32 v35, v33  }
0x365: {  	vm5 =	vlt.s32 v36, v28;
	vm6 =	vlt.s32 v33, $0x20;
	v29 =	vshll.u32 v33, $0x4  }
0x366: {  	vm4 =	vge.s32 v37, v30;
	vm5 =	vmand vm5, vm6;
	v29 =	vor.u32 v0, v29;
	v36 =	vld [tilespmem:s19+$0x0];
	v35 =	vmovc v37  }
0x367: {  	_ =	sdelay $0x3  }
0x368: {  	v37 =	vmov v31;
	s19 =	smov.u32 s3;
	v31 =	vmov v36;
	v36 =	vmov v35  }
.LBB2_48:
0x369: {  	vm4 =	vmand vm5, vm4  }
0x36a: {  	s3 =	sadd.s32 $0x1, s19;
	v35 =	vsel vm4, $0x1, v1  }
0x36b: {  	v58 =	vmov s3;
	v33 =	vadd.s32 v35, v33  }
0x36c: {  	s3 =	sadd.s32 @p0 $0x20, s28;
	vm14 =	vlt.s32 v58, v28;
	vm6 =	vlt.s32 v33, $0x20  }
0x36d: {  	vm15 =	vge.s32 v31, v30;
	s1 =	smov.u32 @p0 s3;
	vm5 =	vmand vm14, vm6  }
0x36e: {  	v60 =	vld [tilespmem:s1+$0xFFFFFFF0];
	v38 =	vshll.u32 v33, $0x4;
	vm5 =	vmand vm5, vm15  }
0x36f: {  	v38 =	vor.u32 v0, v38  }
0x370: {  	[tilespmem:v32+s16+$0x0] =	vst.idx.msk @p0 vm3, v37;
	v62 =	vld [tilespmem:s1+$0x0]  }
.Ltmp19:
0x371: {  	[tilespmem:v32+s17+$0x0] =	vst.idx.msk @p0 vm3, v34;
	(pc) =	sbr.rel .LBB2_26-.Ltmp19, $4  }
0x372: {  	[tilespmem:v29+s16+$0x0] =	vst.idx.msk vm4, v36  }
0x373: {  	[tilespmem:v29+s17+$0x0] =	vst.idx.msk vm4, v60  }
0x374: {  	v29 =	vsel vm5, $0x1, v1;
	[tilespmem:v38+s16+$0x0] =	vst.idx.msk vm5, v31  }
0x375: {  	v29 =	vadd.s32 v29, v33;
	[tilespmem:v38+s17+$0x0] =	vst.idx.msk vm5, v62  }
.LBB2_25:
0x376: {  	v20 =	vld [tilespmem:$0x1FE50]  }
0x377: {  	v22 =	vld [tilespmem:$0x1FE60]  }
0x378: {  	v43 =	vld [tilespmem:$0x1FE20]  }
0x379: {  	v41 =	vld [tilespmem:$0x1FE30]  }
0x37a: {  	v12 =	vld [tilespmem:$0x1FE90]  }
0x37b: {  	v6 =	vld [tilespmem:$0x1FEA0]  }
0x37c: {  	v51 =	vld [tilespmem:$0x1FF90]  }
0x37d: {  	v8 =	vmov v46;
	v46 =	vld [tilespmem:$0x1FF10]  }
0x37e: {  	v29 =	vimm.s32 $0x0;
	v14 =	vld [tilespmem:$0x1FF20]  }
.LBB2_26:
0x37f: {  	p0 =	sge.s32 s25, s24  }
.Ltmp20:
0x380: {  	_ = 	snop;
	(pc) =	sbr.rel @p0 .LBB2_29-.Ltmp20, $1  }
0x381: {  	_ =	sdelay $0x3  }
0x382: {  	s1 =	ssub.s32 s24, s25  }
0x383: {  	s3 =	sshll.u32 s26, $0x6;
	s19 =	sshll.u32 s1, $0x6  }
0x384: {  	s3 =	ssub.s32 s3, s19  }
0x385: {  	s19 =	sshra.s32 s3, $0x2  }
0x386: {  	s1 =	ssub.s32 $0x0, s1;
	s3 =	sadd.s32 $0x10000, s19;
	s19 =	sadd.s32 $0x12800, s19  }
.LBB2_28:
0x387: {  	v31 =	vld [tilespmem:s3+$0x0];
	_ =	sdelay $0x1  }
0x388: {  	s25 =	sadd.s32 s1, s24  }
0x389: {  	v32 =	vmov s25  }
0x38a: {  	vm4 =	vlt.s32 v29, $0x20;
	vm3 =	vlt.s32 v32, v28  }
0x38b: {  	vm3 =	vmand vm3, vm4;
	vm5 =	vge.s32 v31, v30  }
0x38c: {  	v62 =	vshll.u32 v29, $0x4;
	vm3 =	vmand vm3, vm5  }
0x38d: {  	s1 =	sadd.s32 $0x1, s1;
	v32 =	vor.u32 v0, v62  }
0x38e: {  	v33 =	vld [tilespmem:s19+$0x0];
	p0 =	seq.s32 s1, $0x0  }
.Ltmp21:
0x38f: {  	_ = 	snop;
	(pc) =	sbr.rel @!p0 .LBB2_28-.Ltmp21, $3  }
0x390: {  	_ =	sdelay $0x1  }
0x391: {  	[tilespmem:v32+s16+$0x0] =	vst.idx.msk vm3, v31;
	v31 =	vsel vm3, $0x1, v1  }
0x392: {  	s3 =	sadd.s32 $0x10, s3;
	s19 =	sadd.s32 $0x10, s19;
	[tilespmem:v32+s17+$0x0] =	vst.idx.msk vm3, v33;
	v29 =	vadd.s32 v31, v29  }
.LBB2_29:
0x393: {  	v28 =	vxor.u32 $0x80000000, v29  }
0x394: {  	(xrf0) =	vmax.scan.msk.u32 $0xffff, v28;
	_ =	sdelay $0x5  }
0x395: {  	v28, _, _ =	vpop (xrf0)  }
0x396: {  	(v2sf) =	vpush v28, $0xF;
	_ =	sdelay $0xe  }
0x397: {  	s1 =	spop (v2sf)  }
0x398: {  	s24 =	sxor.u32 $0x80000000, s1  }
0x399: {  	s3 =	sshrl.u32 s24, $0x1F  }
0x39a: {  	s3 =	sadd.s32 s3, s24  }
0x39b: {  	s25 =	sand.u32 $0xFFFFFFFE, s3  }
.Ltmp22:
0x39c: {  	s3 =	ssub.s32 s24, s25;
	(pc) =	sbr.rel .LBB2_30-.Ltmp22, $4  }
0x39d: {  	s30 =	simm.s32 $0x0;
	s1 =	sshll.u32 s1, $0x6;
	s19 =	sshll.u32 s3, $0x6  }
0x39e: {  	p0 =	slt.s32 s25, $0x1;
	p1 =	sge.s32 s25, s24;
	s1 =	ssub.s32 s1, s19  }
0x39f: {  	v58 =	vimm.s32 $0x0;
	s26 =	ssub.s32 $0x0, s3;
	s3 =	simm.s32 $0xFFFFFFFF;
	s1 =	sshra.s32 s1, $0x2  }
0x3a0: {  	v30 =	vimm.s32 $0xFFFFFFFF;
	v4 =	vimm.s32 $0x0;
	v28 =	vimm.s32 $0xFFFFFFFF;
	s28 =	sadd.s32 $0x19100, s1;
	s29 =	sadd.s32 $0x19300, s1;
	s1 =	simm.s32 $0x7FFFFFFF  }
.LBB2_35:
0x3a1: {  	v31 =	vxor.u32 $0x80000000, v34  }
0x3a2: {  	(xrf0) =	vmax.scan.msk.u32 $0xffff, v31;
	_ =	sdelay $0x5  }
0x3a3: {  	v31, _, _ =	vpop (xrf0)  }
0x3a4: {  	(v2sf) =	vpush v31, $0xF;
	_ =	sdelay $0xe  }
0x3a5: {  	s1 =	spop (v2sf)  }
0x3a6: {  	s1 =	sxor.u32 $0x80000000, s1  }
0x3a7: {  	v31 =	vxor.u32 $0x80000000, v33;
	vm3 =	veq.s32 v34, s1  }
0x3a8: {  	v31 =	vnsel vm3, $0xFFFFFFFF, v31  }
0x3a9: {  	(xrf0) =	vmin.scan.msk.u32 $0xffff, v31;
	_ =	sdelay $0x5  }
0x3aa: {  	v31, _, _ =	vpop (xrf0)  }
0x3ab: {  	(v2sf) =	vpush v31, $0xF;
	_ =	sdelay $0xa  }
0x3ac: {  	s3 =	sadd.s32 $0xFFFFFFF0, s30;
	v31 =	vmov s30;
	s30 =	sadd.s32 $0x1, s30  }
0x3ad: {  	p2 =	sne.s32 s30, $0x1E  }
.Ltmp23:
0x3ae: {  	_ = 	snop;
	(pc) =	sbr.rel @!p2 .LBB2_36-.Ltmp23, $4  }
0x3af: {  	_ = 	snop  }
0x3b0: {  	vm3 =	veq.s32 v31, v0;
	v31 =	vmov s3;
	s19 =	spop (v2sf)  }
0x3b1: {  	vm4 =	veq.s32 v31, v0;
	v4 =	vsel vm3, s1, v4;
	s3 =	sxor.u32 $0x80000000, s19  }
0x3b2: {  	v58 =	vsel vm4, s1, v58;
	v30 =	vsel vm3, s3, v30;
	v28 =	vsel vm4, s3, v28  }
.LBB2_30:
.Ltmp24:
0x3b3: {  	(pc) =	sbr.rel @p0 .LBB2_31-.Ltmp24, $2  }
0x3b4: {  	_ =	sdelay $0x2  }
0x3b5: {  	v31 =	vmov s1;
	v32 =	vmov s3  }
0x3b6: {  	s19 =	simm.s32 $0x19110  }
0x3b7: {  	s1 =	simm.s32 $0x19310;
	v37 =	vld [tilespmem:s19+$0xFFFFFFF0]  }
0x3b8: {  	v38 =	vld [tilespmem:s1+$0xFFFFFFF0];
	_ =	sdelay $0x1  }
0x3b9: {  	v33 =	vld [tilespmem:s1+$0x0]  }
0x3ba: {  	s3 =	simm.s32 $0x0;
	v34 =	vld [tilespmem:s19+$0x0]  }
0x3bb: {  	v35 =	vimm.s32 $0x80000000;
	v36 =	vimm.s32 $0x7FFFFFFF;
	s31 =	simm.s32 $0x1;
	v39 =	vmov s3  }
0x3bc: {  	p2 =	sgt.s32 s25, $0x2;
	v40 =	vmov s31;
	vm3 =	veq.s32 v37, v31;
	vm4 =	vgt.s32 v38, v32  }
.Ltmp25:
0x3bd: {  	vm5 =	vlt.s32 v39, v29;
	vm6 =	vlt.s32 v37, v31;
	vm3 =	vmand vm3, vm4;
	(pc) =	sbr.rel @!p2 .LBB2_51-.Ltmp25, $4  }
0x3be: {  	vm7 =	vgt.s32 v33, v32;
	vm4 =	vmor vm6, vm3;
	vm3 =	vlt.s32 v40, v29  }
0x3bf: {  	vm6 =	vlt.s32 v34, v31;
	vm4 =	vmand vm5, vm4;
	vm5 =	veq.s32 v34, v31  }
0x3c0: {  	v37 =	vnsel vm4, $0x80000000, v37;
	v38 =	vnsel vm4, $0x7FFFFFFF, v38;
	vm7 =	vmand vm5, vm7  }
0x3c1: {  	s3 =	simm.s32 $0x2;
	s19 =	simm.s32 $0x19130;
	vm4 =	veq.s32 v37, v35;
	vm5 =	vlt.s32 v38, v36;
	vm6 =	vmor vm6, vm7  }
.LBB2_50:
0x3c2: {  	v39 =	vld [tilespmem:s19+$0xFFFFFFF0];
	vm7 =	vgt.s32 v37, v35;
	vm4 =	vmand vm4, vm5;
	vm3 =	vmand vm3, vm6;
	s1 =	sadd.s32 $0x20, s1;
	s31 =	smov.u32 s3  }
0x3c3: {  	s3 =	sadd.s32 $0x2, s3;
	v40 =	vld [tilespmem:s1+$0xFFFFFFF0];
	vm4 =	vmor vm7, vm4;
	v41 =	vnsel vm3, $0x80000000, v34  }
0x3c4: {  	p2 =	slt.s32 s3, s25;
	v35 =	vsel vm4, v37, v35;
	v36 =	vsel vm4, v38, v36;
	v37 =	vnsel vm3, $0x7FFFFFFF, v33  }
0x3c5: {  	v34 =	vld [tilespmem:s19+$0x0];
	vm3 =	veq.s32 v41, v35;
	vm4 =	vlt.s32 v37, v36  }
0x3c6: {  	v38 =	vmov s31;
	s31 =	sadd.s32 $0x1, s31;
	vm5 =	vgt.s32 v41, v35;
	v33 =	vld [tilespmem:s1+$0x0];
	vm3 =	vmand vm3, vm4  }
0x3c7: {  	v42 =	vmov s31;
	vm4 =	veq.s32 v39, v31;
	vm3 =	vmor vm5, vm3  }
0x3c8: {  	vm5 =	vgt.s32 v40, v32;
	v35 =	vsel vm3, v41, v35;
	v36 =	vsel vm3, v37, v36  }
.Ltmp26:
0x3c9: {  	vm6 =	vlt.s32 v38, v29;
	vm3 =	vlt.s32 v39, v31;
	vm4 =	vmand vm4, vm5;
	(pc) =	sbr.rel @p2 .LBB2_50-.Ltmp26, $4  }
0x3ca: {  	vm4 =	vmor vm3, vm4;
	vm3 =	vlt.s32 v42, v29;
	vm7 =	vlt.s32 v34, v31  }
0x3cb: {  	vm5 =	veq.s32 v34, v31;
	vm4 =	vmand vm6, vm4;
	vm6 =	vgt.s32 v33, v32  }
0x3cc: {  	v37 =	vnsel vm4, $0x80000000, v39;
	v38 =	vnsel vm4, $0x7FFFFFFF, v40;
	vm6 =	vmand vm5, vm6  }
0x3cd: {  	s19 =	sadd.s32 $0x20, s19;
	vm4 =	veq.s32 v37, v35;
	vm5 =	vlt.s32 v38, v36;
	vm6 =	vmor vm7, vm6  }
.LBB2_51:
0x3ce: {  	vm7 =	vgt.s32 v37, v35;
	vm4 =	vmand vm4, vm5;
	vm3 =	vmand vm3, vm6  }
0x3cf: {  	vm4 =	vmor vm7, vm4;
	v34 =	vnsel vm3, $0x80000000, v34  }
.Ltmp27:
0x3d0: {  	v33 =	vnsel vm3, $0x7FFFFFFF, v33;
	v62 =	vsel vm4, v37, v35;
	v36 =	vsel vm4, v38, v36;
	(pc) =	sbr.rel .LBB2_32-.Ltmp27, $4  }
0x3d1: {  	v41 =	vld [tilespmem:$0x1FE30];
	vm3 =	veq.s32 v34, v62;
	vm4 =	vlt.s32 v33, v36  }
0x3d2: {  	vm15 =	vgt.s32 v34, v62;
	vm3 =	vmand vm3, vm4  }
0x3d3: {  	vm3 =	vmor vm15, vm3  }
0x3d4: {  	v34 =	vsel vm3, v34, v62;
	v33 =	vsel vm3, v33, v36  }
.LBB2_31:
0x3d5: {  	v33 =	vimm.s32 $0x7FFFFFFF;
	v34 =	vimm.s32 $0x80000000  }
.LBB2_32:
.Ltmp28:
0x3d6: {  	(pc) =	sbr.rel @p1 .LBB2_35-.Ltmp28, $1  }
0x3d7: {  	_ =	sdelay $0x3  }
0x3d8: {  	s1 =	smov.u32 s29;
	s3 =	smov.u32 s28;
	s19 =	smov.u32 s26  }
.LBB2_34:
0x3d9: {  	v35 =	vld [tilespmem:s3+$0x0]  }
0x3da: {  	v36 =	vld [tilespmem:s1+$0x0];
	_ =	sdelay $0x4  }
0x3db: {  	s31 =	sadd.s32 s19, s24;
	vm3 =	veq.s32 v35, v31;
	vm4 =	vgt.s32 v36, v32  }
0x3dc: {  	v37 =	vmov s31;
	vm5 =	vlt.s32 v35, v31;
	vm3 =	vmand vm3, vm4  }
0x3dd: {  	s19 =	sadd.s32 $0x1, s19;
	vm13 =	vlt.s32 v37, v29;
	vm3 =	vmor vm5, vm3  }
0x3de: {  	p2 =	seq.s32 s19, $0x0;
	vm3 =	vmand vm13, vm3  }
.Ltmp29:
0x3df: {  	v35 =	vnsel vm3, $0x80000000, v35;
	v36 =	vnsel vm3, $0x7FFFFFFF, v36;
	(pc) =	sbr.rel @!p2 .LBB2_34-.Ltmp29, $4  }
0x3e0: {  	vm3 =	veq.s32 v35, v34;
	vm14 =	vlt.s32 v36, v33  }
0x3e1: {  	vm15 =	vgt.s32 v35, v34;
	vm3 =	vmand vm3, vm14  }
0x3e2: {  	vm3 =	vmor vm15, vm3  }
0x3e3: {  	s3 =	sadd.s32 $0x10, s3;
	s1 =	sadd.s32 $0x10, s1;
	v34 =	vsel vm3, v35, v34;
	v33 =	vsel vm3, v36, v33  }
.Ltmp30:
0x3e4: {  	_ = 	snop;
	(pc) =	sbr.rel .LBB2_35-.Ltmp30, $1  }
0x3e5: {  	_ =	sdelay $0x3  }
.LBB2_36:
0x3e6: {  	p0 =	seq.s32 s22, $0x3;
	[tilespmem:$0x19500] =	vst v30  }
0x3e7: {  	[tilespmem:$0x19510] =	vst v28;
	s1 =	sadd.s32 @!p0 $0x1, s23  }
0x3e8: {  	_ =	swait.ge [sflag:s11], $0x8000;
	s19 =	simm.s32 @!p0 $0x400;
	s3 =	sshll.u32 @!p0 s1, $0x4  }
0x3e9: {  	s23 =	simm.s32 @!p0 $0x0;
	s1 =	sshll.u32 @!p0 s1, $0xC;
	s3 =	sand.u32 @!p0 $0x70, s3  }
0x3ea: {  	[sflag:s11] =	ssyncset.done $0x0;
	s1 =	sand.u32 @!p0 $0xFFF8000, s1;
	s3 =	sadd.s32 @!p0 s0, s3  }
0x3eb: {  	[sflag:s11] =	ssyncadd.s32 $0xFFFF8000;
	s1 =	sadd.s32 @!p0 s1, s3;
	s3 =	simm.s32 @!p0 $0x80  }
0x3ec: {  	[tilespmem:s23], [sflag:$0x1] =	stream.strided.gather @!p0 [hbm4b:s1+s3], $0x8000, s19, s3, $0x38;
	[tilespmem:$0x19600] =	vst v63  }
0x3ed: {  	s1 =	simm.s32 $0x15040  }
0x3ee: {  	[tilespmem:s1+$0xFFFFFFC0] =	vst v1  }
0x3ef: {  	[tilespmem:s1+$0x30] =	vst v1  }
0x3f0: {  	[tilespmem:s1+$0x20] =	vst v1  }
0x3f1: {  	[tilespmem:s1+$0x10] =	vst v1  }
0x3f2: {  	[tilespmem:s1+$0x0] =	vst v1  }
0x3f3: {  	[tilespmem:s1+$0xFFFFFFF0] =	vst v1  }
0x3f4: {  	s19 =	simm.s32 $0x0;
	s3 =	simm.s32 $0x8020;
	[tilespmem:s1+$0xFFFFFFE0] =	vst v1  }
.LBB2_37:
0x3f5: {  	s19 =	sadd.s32 $0x8, s19;
	[tilespmem:s1+$0xFFFFFFD0] =	vst v1;
	s1 =	sadd.s32 $0x80, s1  }
0x3f6: {  	[tilespmem:s1+$0xFFFFFFC0] =	vst v1;
	p0 =	slt.u32 s19, $0x3F8  }
0x3f7: {  	[tilespmem:s1+$0x30] =	vst v1  }
.Ltmp31:
0x3f8: {  	[tilespmem:s1+$0x20] =	vst v1;
	(pc) =	sbr.rel @p0 .LBB2_37-.Ltmp31, $4  }
0x3f9: {  	[tilespmem:s1+$0x10] =	vst v1  }
0x3fa: {  	[tilespmem:s1+$0x0] =	vst v1  }
0x3fb: {  	[tilespmem:s1+$0xFFFFFFF0] =	vst v1  }
0x3fc: {  	[tilespmem:s1+$0xFFFFFFE0] =	vst v1  }
0x3fd: {  	[tilespmem:s1+$0xFFFFFFD0] =	vst v1  }
0x3fe: {  	v28 =	vld [tilespmem:s3+$0x10]  }
0x3ff: {  	v29 =	vld [tilespmem:s3+$0xFFFFFFF0]  }
0x400: {  	s31 =	simm.s32 $0x8060;
	v30 =	vld [tilespmem:s3+$0x0]  }
0x401: {  	v35 =	vld [tilespmem:s31+$0x10]  }
0x402: {  	v32 =	vld [tilespmem:s3+$0xFFFFFFE0];
	_ =	sdelay $0x2  }
0x403: {  	v31 =	vshra.s32 v28, $0x1F;
	v33 =	vshra.s32 v29, $0x1F;
	v34 =	vshra.s32 v30, $0x1F  }
0x404: {  	v37 =	vshra.s32 v35, $0x1F;
	v31 =	vand.u32 $0x7F000000, v31;
	v33 =	vand.u32 $0x7F000000, v33  }
0x405: {  	v34 =	vand.u32 $0x7F000000, v34;
	v28 =	vxor.u32 v28, v31;
	v31 =	vshra.s32 v32, $0x1F  }
0x406: {  	v37 =	vand.u32 $0x7F000000, v37;
	v28 =	vshra.s32 v28, $0x14;
	v36 =	vand.u32 $0x7F000000, v31;
	v31 =	vld [tilespmem:s31+$0xFFFFFFF0]  }
0x407: {  	v29 =	vxor.u32 v29, v33;
	v28 =	vand.u32 $0xFFFFFFF0, v28;
	v42 =	vxor.u32 v32, v36;
	v32 =	vld [tilespmem:s31+$0x0]  }
0x408: {  	v30 =	vxor.u32 v30, v34;
	v33 =	vld [tilespmem:s31+$0xFFFFFFE0];
	v37 =	vxor.u32 v35, v37;
	v44 =	vadd.s32 v41, v28  }
0x409: {  	v29 =	vshra.s32 v29, $0x14;
	v30 =	vshra.s32 v30, $0x14;
	v28 =	vshra.s32 v42, $0x14  }
0x40a: {  	v37 =	vshra.s32 v37, $0x14;
	v29 =	vand.u32 $0xFFFFFFF0, v29;
	v28 =	vand.u32 $0xFFFFFFF0, v28  }
0x40b: {  	v55 =	vand.u32 $0xFFFFFFF0, v30;
	v30 =	vadd.s32 v20, v28;
	v28 =	vadd.s32 v22, v29  }
0x40c: {  	v29 =	vadd.s32 v43, v55;
	v60 =	vshra.s32 v31, $0x1F;
	v62 =	vshra.s32 v32, $0x1F  }
0x40d: {  	s1 =	simm.s32 $0x4;
	s3 =	simm.s32 $0x80A0;
	v36 =	vshra.s32 v33, $0x1F;
	v34 =	vand.u32 $0x7F000000, v60;
	[tilespmem:v44+s13+$0x0] =	vst.idx.add.s32.msk $0xffff, v3;
	v35 =	vand.u32 $0x7F000000, v62  }
.LBB2_39:
0x40e: {  	v38 =	vld [tilespmem:s3+$0x10];
	s1 =	sadd.s32 $0x4, s1;
	v36 =	vand.u32 $0x7F000000, v36;
	v34 =	vxor.u32 v31, v34;
	v37 =	vand.u32 $0xFFFFFFF0, v37  }
0x40f: {  	v35 =	vxor.u32 v32, v35;
	v31 =	vld [tilespmem:s3+$0xFFFFFFF0];
	p0 =	slt.u32 s1, $0x7FC;
	v33 =	vxor.u32 v33, v36;
	v36 =	vadd.s32 v41, v37  }
0x410: {  	v34 =	vshra.s32 v34, $0x14;
	v35 =	vshra.s32 v35, $0x14;
	v32 =	vld [tilespmem:s3+$0x0];
	v37 =	vshra.s32 v33, $0x14  }
0x411: {  	v34 =	vand.u32 $0xFFFFFFF0, v34;
	v35 =	vand.u32 $0xFFFFFFF0, v35;
	v33 =	vld [tilespmem:s3+$0xFFFFFFE0];
	v37 =	vand.u32 $0xFFFFFFF0, v37  }
.Ltmp32:
0x412: {  	v39 =	vadd.s32 v22, v34;
	v40 =	vadd.s32 v43, v35;
	v37 =	vadd.s32 v20, v37;
	(pc) =	sbr.rel @p0 .LBB2_39-.Ltmp32, $4  }
0x413: {  	v34 =	vshra.s32 v38, $0x1F;
	[tilespmem:v30+s13+$0x0] =	vst.idx.add.s32.msk $0xffff, v3;
	v30 =	vmov v37  }
0x414: {  	v35 =	vshra.s32 v31, $0x1F;
	v37 =	vand.u32 $0x7F000000, v34;
	[tilespmem:v36+s13+$0x0] =	vst.idx.add.s32.msk $0xffff, v3  }
0x415: {  	v34 =	vand.u32 $0x7F000000, v35;
	v35 =	vshra.s32 v32, $0x1F;
	v37 =	vxor.u32 v38, v37;
	[tilespmem:v28+s13+$0x0] =	vst.idx.add.s32.msk $0xffff, v3;
	v28 =	vmovc v39  }
0x416: {  	s3 =	sadd.s32 $0x40, s3;
	v36 =	vshra.s32 v33, $0x1F;
	v35 =	vand.u32 $0x7F000000, v35;
	v37 =	vshra.s32 v37, $0x14;
	[tilespmem:v29+s13+$0x0] =	vst.idx.add.s32.msk $0xffff, v3;
	v29 =	vmovc v40  }
0x417: {  	v36 =	vand.u32 $0x7F000000, v36;
	v37 =	vand.u32 $0xFFFFFFF0, v37;
	v31 =	vxor.u32 v31, v34  }
0x418: {  	v32 =	vxor.u32 v32, v35;
	v33 =	vxor.u32 v33, v36;
	v31 =	vshra.s32 v31, $0x14  }
0x419: {  	v60 =	vadd.s32 v41, v37;
	v32 =	vshra.s32 v32, $0x14;
	v31 =	vand.u32 $0xFFFFFFF0, v31  }
0x41a: {  	[tilespmem:$0x1FB60] =	vst v4;
	v33 =	vshra.s32 v33, $0x14;
	v32 =	vand.u32 $0xFFFFFFF0, v32;
	v31 =	vadd.s32 v22, v31  }
0x41b: {  	[tilespmem:v30+s13+$0x0] =	vst.idx.add.s32.msk $0xffff, v3;
	v33 =	vand.u32 $0xFFFFFFF0, v33;
	v62 =	vadd.s32 v43, v32  }
0x41c: {  	p2 =	por $0x1, $0x1;
	[tilespmem:v28+s13+$0x0] =	vst.idx.add.s32.msk $0xffff, v3;
	v33 =	vadd.s32 v20, v33  }
.Ltmp33:
0x41d: {  	[tilespmem:v29+s13+$0x0] =	vst.idx.add.s32.msk $0xffff, v3;
	(pc) =	sbr.rel @!p2 .LBB2_41-.Ltmp33, $4  }
0x41e: {  	[tilespmem:v60+s13+$0x0] =	vst.idx.add.s32.msk $0xffff, v3  }
0x41f: {  	[tilespmem:v31+s13+$0x0] =	vst.idx.add.s32.msk $0xffff, v3  }
0x420: {  	s24 =	simm.s32 $0x19000;
	s23 =	simm.s32 $0x0;
	[tilespmem:v62+s13+$0x0] =	vst.idx.add.s32.msk $0xffff, v3  }
0x421: {  	s25 =	simm.s32 $0x1;
	p0 =	por $0x0, $0x0;
	p1 =	por $0x0, $0x0;
	[tilespmem:v33+s13+$0x0] =	vst.idx.add.s32.msk $0xffff, v3  }
0x422: {  	v33 =	vor.u32 s23, v50;
	v50 =	vor.u32 s23, v53;
	v53 =	vld [tilespmem:$0x1FD20]  }
0x423: {  	v20 =	vld [tilespmem:$0x1FCC0]  }
0x424: {  	v55 =	vor.u32 s23, v12;
	v12 =	vld [tilespmem:$0x1FF60]  }
0x425: {  	v28 =	vor.u32 s23, v2;
	v2 =	vld [tilespmem:$0x1FD30]  }
0x426: {  	v32 =	vor.u32 s23, v7;
	v7 =	vld [tilespmem:$0x1FD60]  }
0x427: {  	v29 =	vor.u32 s23, v17;
	v42 =	vor.u32 s23, v24;
	v24 =	vld [tilespmem:$0x1FD70]  }
0x428: {  	v30 =	vor.u32 s23, v18;
	v62 =	vor.u32 s23, v25;
	v25 =	vld [tilespmem:$0x1FD80]  }
0x429: {  	v31 =	vor.u32 s23, v16;
	v37 =	vor.u32 s23, v10;
	v15 =	vmov v61;
	v10 =	vld [tilespmem:$0x1FE40]  }
0x42a: {  	v60 =	vor.u32 s23, v15;
	v15 =	vld [tilespmem:$0x1FDE0]  }
0x42b: {  	v38 =	vor.u32 s23, v19;
	v19 =	vmovc v17;
	v17 =	vmov v56;
	v28 =	vand.u32 v56, v28;
	v56 =	vld [tilespmem:$0x1FBF0]  }
0x42c: {  	v29 =	vld.idx.msk [tilespmem:v29+s13+$0x0], $0xffff  }
0x42d: {  	v34 =	vor.u32 s23, v13;
	v30 =	vld.idx.msk [tilespmem:v30+s13+$0x0], $0xffff  }
0x42e: {  	v35 =	vor.u32 s23, v23;
	v31 =	vld.idx.msk [tilespmem:v31+s13+$0x0], $0xffff  }
0x42f: {  	v36 =	vor.u32 s23, v5;
	v32 =	vld.idx.msk [tilespmem:v32+s13+$0x0], $0xffff  }
0x430: {  	v28 =	vld.idx.msk [tilespmem:v28+s13+$0x0], $0xffff  }
0x431: {  	v33 =	vld.idx.msk [tilespmem:v33+s13+$0x0], $0xffff  }
0x432: {  	v39 =	vor.u32 s23, v47;
	v34 =	vld.idx.msk [tilespmem:v34+s13+$0x0], $0xffff  }
0x433: {  	v35 =	vld.idx.msk [tilespmem:v35+s13+$0x0], $0xffff  }
0x434: {  	v36 =	vld.idx.msk [tilespmem:v36+s13+$0x0], $0xffff  }
0x435: {  	v37 =	vld.idx.msk [tilespmem:v37+s13+$0x0], $0xffff;
	v28 =	vadd.s32 v28, v29;
	v29 =	vor.u32 s23, v11  }
0x436: {  	v38 =	vld.idx.msk [tilespmem:v38+s13+$0x0], $0xffff  }
0x437: {  	[tilespmem:$0x1FB50] =	vst v58;
	v4 =	vmovc v21;
	v58 =	vor.u32 s23, v45;
	v39 =	vld.idx.msk [tilespmem:v39+s13+$0x0], $0xffff;
	v28 =	vadd.s32 v30, v28;
	v30 =	vor.u32 s23, v52  }
0x438: {  	v21 =	vmovc v20;
	v28 =	vadd.s32 v31, v28;
	v31 =	vor.u32 s23, v54;
	v54 =	vor.u32 s23, v20;
	v20 =	vmovc v16;
	v16 =	vld [tilespmem:$0x1FE10]  }
0x439: {  	v28 =	vadd.s32 v32, v28;
	v32 =	vld.idx.msk [tilespmem:v50+s13+$0x0], $0xffff  }
0x43a: {  	v28 =	vadd.s32 v33, v28;
	v29 =	vld.idx.msk [tilespmem:v29+s13+$0x0], $0xffff  }
0x43b: {  	v28 =	vadd.s32 v34, v28;
	v34 =	vld.idx.msk [tilespmem:v55+s13+$0x0], $0xffff  }
0x43c: {  	v52 =	vmov v57;
	v30 =	vld.idx.msk [tilespmem:v30+s13+$0x0], $0xffff  }
0x43d: {  	v61 =	vor.u32 s23, v52;
	v28 =	vadd.s32 v35, v28;
	v35 =	vld.idx.msk [tilespmem:v58+s13+$0x0], $0xffff  }
0x43e: {  	v31 =	vld.idx.msk [tilespmem:v31+s13+$0x0], $0xffff  }
0x43f: {  	v33 =	vld.idx.msk [tilespmem:v54+s13+$0x0], $0xffff  }
0x440: {  	v57 =	vmov v51;
	v28 =	vadd.s32 v36, v28;
	v36 =	vld.idx.msk [tilespmem:v60+s13+$0x0], $0xffff  }
0x441: {  	v50 =	vor.u32 s23, v51;
	v51 =	vor.u32 s23, v46;
	v58 =	vmovc v46;
	v46 =	vmovc v26;
	v54 =	vor.u32 s23, v26;
	v26 =	vld [tilespmem:$0x1FD90]  }
0x442: {  	v28 =	vadd.s32 v37, v28;
	v37 =	vld.idx.msk [tilespmem:v61+s13+$0x0], $0xffff  }
0x443: {  	v45 =	vor.u32 s23, v6;
	v61 =	vmov v6;
	v6 =	vld [tilespmem:$0x1FD50]  }
0x444: {  	v28 =	vadd.s32 v38, v28;
	v38 =	vld.idx.msk [tilespmem:v62+s13+$0x0], $0xffff  }
0x445: {  	v44 =	vor.u32 s23, v59;
	v47 =	vor.u32 s23, v4;
	v62 =	vmovc v59;
	v59 =	vmovc v4;
	v4 =	vld [tilespmem:$0x1FD40];
	v28 =	vadd.s32 v39, v28  }
0x446: {  	v39 =	vld.idx.msk [tilespmem:v42+s13+$0x0], $0xffff;
	v28 =	vadd.s32 v29, v28  }
0x447: {  	v29 =	vor.u32 s23, v27;
	v27 =	vld [tilespmem:$0x1FDA0];
	v28 =	vadd.s32 v30, v28  }
0x448: {  	v22 =	vmov v48;
	v30 =	vor.u32 s23, v9;
	v9 =	vld [tilespmem:$0x1FDC0];
	v28 =	vadd.s32 v31, v28  }
0x449: {  	v55 =	vmovc v14;
	v60 =	vmovc v53;
	v31 =	vor.u32 s23, v48;
	v48 =	vor.u32 s23, v53;
	v53 =	vor.u32 s23, v14;
	v14 =	vld [tilespmem:$0x1FDF0]  }
0x44a: {  	v28 =	vadd.s32 v32, v28;
	v32 =	vld.idx.msk [tilespmem:v44+s13+$0x0], $0xffff  }
0x44b: {  	v44 =	vld [tilespmem:$0x1FE70]  }
0x44c: {  	v28 =	vadd.s32 v33, v28;
	v33 =	vld.idx.msk [tilespmem:v45+s13+$0x0], $0xffff  }
0x44d: {  	v45 =	vld [tilespmem:$0x1FE80]  }
0x44e: {  	v29 =	vld.idx.msk [tilespmem:v29+s13+$0x0], $0xffff;
	v28 =	vadd.s32 v34, v28  }
0x44f: {  	v34 =	vld.idx.msk [tilespmem:v47+s13+$0x0], $0xffff;
	v28 =	vadd.s32 v35, v28  }
0x450: {  	v30 =	vld.idx.msk [tilespmem:v30+s13+$0x0], $0xffff;
	v28 =	vadd.s32 v36, v28  }
0x451: {  	v31 =	vld.idx.msk [tilespmem:v31+s13+$0x0], $0xffff;
	v28 =	vadd.s32 v37, v28  }
0x452: {  	v35 =	vld.idx.msk [tilespmem:v48+s13+$0x0], $0xffff;
	v28 =	vadd.s32 v38, v28  }
0x453: {  	v40 =	vor.u32 s23, v2;
	v36 =	vld.idx.msk [tilespmem:v50+s13+$0x0], $0xffff;
	v28 =	vadd.s32 v39, v28  }
0x454: {  	v38 =	vld.idx.msk [tilespmem:v53+s13+$0x0], $0xffff;
	v53 =	vor.u32 s23, v12;
	v28 =	vadd.s32 v29, v28  }
0x455: {  	v37 =	vld.idx.msk [tilespmem:v51+s13+$0x0], $0xffff;
	v28 =	vadd.s32 v30, v28  }
0x456: {  	v39 =	vld.idx.msk [tilespmem:v54+s13+$0x0], $0xffff;
	v29 =	vor.u32 s23, v63;
	v28 =	vadd.s32 v31, v28  }
0x457: {  	v63 =	vor.u32 s23, v45;
	v30 =	vor.u32 s23, v8;
	v8 =	vld [tilespmem:$0x1FDB0];
	v28 =	vadd.s32 v32, v28  }
0x458: {  	v41 =	vor.u32 s23, v4;
	v28 =	vadd.s32 v33, v28;
	v33 =	vld.idx.msk [tilespmem:v40+s13+$0x0], $0xffff  }
0x459: {  	v40 =	vld.idx.msk [tilespmem:v53+s13+$0x0], $0xffff  }
0x45a: {  	v53 =	vld [tilespmem:$0x1FBE0]  }
0x45b: {  	v42 =	vor.u32 s23, v6;
	v29 =	vld.idx.msk [tilespmem:v29+s13+$0x0], $0xffff  }
0x45c: {  	v31 =	vor.u32 s23, v44;
	v32 =	vld.idx.msk [tilespmem:v63+s13+$0x0], $0xffff  }
0x45d: {  	v47 =	vor.u32 s23, v7;
	v28 =	vadd.s32 v34, v28;
	v34 =	vld.idx.msk [tilespmem:v41+s13+$0x0], $0xffff  }
0x45e: {  	v48 =	vor.u32 s23, v24;
	v63 =	vmovc v5;
	v5 =	vmov v23;
	v23 =	vmov v13;
	v13 =	vld [tilespmem:$0x1FDD0]  }
0x45f: {  	v50 =	vor.u32 s23, v25;
	v30 =	vld.idx.msk [tilespmem:v30+s13+$0x0], $0xffff;
	v28 =	vadd.s32 v35, v28  }
0x460: {  	v51 =	vor.u32 s23, v26;
	v35 =	vld.idx.msk [tilespmem:v42+s13+$0x0], $0xffff;
	v28 =	vadd.s32 v36, v28  }
0x461: {  	v31 =	vld.idx.msk [tilespmem:v31+s13+$0x0], $0xffff;
	v28 =	vadd.s32 v37, v28  }
0x462: {  	v52 =	vor.u32 s23, v9;
	v36 =	vld.idx.msk [tilespmem:v47+s13+$0x0], $0xffff;
	v28 =	vadd.s32 v38, v28  }
0x463: {  	v37 =	vld.idx.msk [tilespmem:v48+s13+$0x0], $0xffff;
	v28 =	vadd.s32 v39, v28  }
0x464: {  	v38 =	vld.idx.msk [tilespmem:v50+s13+$0x0], $0xffff;
	v47 =	vor.u32 s23, v13;
	v28 =	vadd.s32 v29, v28  }
0x465: {  	v39 =	vld.idx.msk [tilespmem:v51+s13+$0x0], $0xffff;
	v29 =	vor.u32 s23, v27;
	v28 =	vadd.s32 v30, v28  }
0x466: {  	v51 =	vld [tilespmem:$0x1FBC0];
	v30 =	vor.u32 s23, v8;
	v28 =	vadd.s32 v31, v28  }
0x467: {  	v31 =	vor.u32 s23, v10;
	v28 =	vadd.s32 v32, v28;
	v32 =	vld.idx.msk [tilespmem:v52+s13+$0x0], $0xffff  }
0x468: {  	v54 =	vor.u32 s23, v49;
	v52 =	vld [tilespmem:$0x1FBB0];
	v28 =	vadd.s32 v33, v28  }
0x469: {  	v47 =	vld.idx.msk [tilespmem:v47+s13+$0x0], $0xffff;
	v28 =	vadd.s32 v34, v28  }
0x46a: {  	v48 =	vor.u32 s23, v15;
	v29 =	vld.idx.msk [tilespmem:v29+s13+$0x0], $0xffff;
	v28 =	vadd.s32 v35, v28  }
0x46b: {  	v30 =	vld.idx.msk [tilespmem:v30+s13+$0x0], $0xffff;
	v28 =	vadd.s32 v36, v28  }
0x46c: {  	v11 =	vmov v49;
	v49 =	vor.u32 s23, v14;
	v31 =	vld.idx.msk [tilespmem:v31+s13+$0x0], $0xffff;
	v28 =	vadd.s32 v37, v28  }
0x46d: {  	v28 =	vadd.s32 v38, v28;
	v38 =	vld.idx.msk [tilespmem:v54+s13+$0x0], $0xffff  }
0x46e: {  	v50 =	vor.u32 s23, v16;
	v54 =	vld [tilespmem:$0x1FBD0];
	v28 =	vadd.s32 v39, v28  }
0x46f: {  	v28 =	vadd.s32 v29, v28;
	v29 =	vld.idx.msk [tilespmem:v48+s13+$0x0], $0xffff  }
0x470: {  	v48 =	vld [tilespmem:$0x1FB70]  }
0x471: {  	v28 =	vadd.s32 v30, v28;
	v30 =	vld.idx.msk [tilespmem:v49+s13+$0x0], $0xffff  }
0x472: {  	v34 =	vor.u32 s23, v56;
	v49 =	vld [tilespmem:$0x1FB90]  }
0x473: {  	v41 =	vor.u32 s23, v53;
	v28 =	vadd.s32 v31, v28;
	v31 =	vld.idx.msk [tilespmem:v50+s13+$0x0], $0xffff  }
0x474: {  	p2 =	por $0x1, $0x1;
	v50 =	vld [tilespmem:$0x1FBA0];
	v42 =	vor.u32 s23, v54  }
.Ltmp34:
0x475: {  	_ = 	snop;
	(pc) =	sbr.rel @!p2 .LBB2_53-.Ltmp34, $4  }
0x476: {  	v28 =	vadd.s32 v32, v28  }
0x477: {  	v35 =	vor.u32 s23, v51;
	v32 =	vld.idx.msk [tilespmem:v34+s13+$0x0], $0xffff;
	v28 =	vadd.s32 v40, v28  }
0x478: {  	v36 =	vor.u32 s23, v52;
	v34 =	vld.idx.msk [tilespmem:v41+s13+$0x0], $0xffff;
	v28 =	vadd.s32 v38, v28;
	v39 =	vor.u32 s23, v48  }
0x479: {  	s28 =	simm.s32 $0x2;
	p0 =	por $0x1, $0x1;
	v38 =	vor.u32 s23, v49;
	v40 =	vadd.s32 v47, v28;
	v33 =	vor.u32 s23, v50;
	v37 =	vld.idx.msk [tilespmem:v42+s13+$0x0], $0xffff  }
0x47a: {  	_ =	sdelay $0x1  }
0x47b: {  	v47 =	vld [tilespmem:$0x1FB80]  }
0x47c: {  	v28 =	vadd.s32 v29, v40  }
0x47d: {  	v29 =	vld.idx.msk [tilespmem:v33+s13+$0x0], $0xffff;
	v28 =	vadd.s32 v30, v28  }
0x47e: {  	v38 =	vld.idx.msk [tilespmem:v38+s13+$0x0], $0xffff;
	v28 =	vadd.s32 v31, v28  }
0x47f: {  	v42 =	vld [tilespmem:$0x1FFD0];
	v28 =	vadd.s32 v32, v28  }
0x480: {  	v30 =	vld.idx.msk [tilespmem:v35+s13+$0x0], $0xffff;
	v28 =	vadd.s32 v34, v28;
	v43 =	vor.u32 s23, v47  }
0x481: {  	v31 =	vld.idx.msk [tilespmem:v36+s13+$0x0], $0xffff;
	v28 =	vadd.s32 v37, v28  }
0x482: {  	v28 =	vadd.s32 v29, v28;
	v29 =	vld [tilespmem:$0x1FE00]  }
0x483: {  	v39 =	vld.idx.msk [tilespmem:v39+s13+$0x0], $0xffff;
	s26 =	simm.s32 $0x100  }
0x484: {  	v34 =	vor.u32 s26, v42;
	v42 =	vld [tilespmem:$0x1FF00]  }
0x485: {  	v33 =	vld.idx.msk [tilespmem:v43+s13+$0x0], $0xffff  }
0x486: {  	v41 =	vld [tilespmem:$0x1FCB0];
	v28 =	vadd.s32 v30, v28  }
0x487: {  	v30 =	vor.u32 s26, v19;
	v28 =	vadd.s32 v31, v28;
	v29 =	vor.u32 s26, v29  }
0x488: {  	v28 =	vadd.s32 v38, v28;
	v29 =	vand.u32 v17, v29  }
0x489: {  	v31 =	vor.u32 s26, v18;
	v28 =	vadd.s32 v39, v28  }
0x48a: {  	v40 =	vor.u32 s26, v20;
	v39 =	vor.u32 s26, v42;
	v42 =	vld [tilespmem:$0x1FE90];
	v28 =	vadd.s32 v33, v28  }
0x48b: {  	v33 =	vor.u32 s26, v41;
	v41 =	vld [tilespmem:$0x1FF70];
	[tilespmem:s24+$0x0] =	vst v28  }
0x48c: {  	v43 =	vor.u32 s26, v23;
	v30 =	vld.idx.msk [tilespmem:v30+s13+$0x0], $0xffff  }
0x48d: {  	v29 =	vld.idx.msk [tilespmem:v29+s13+$0x0], $0xffff  }
0x48e: {  	v36 =	vor.u32 s26, v5;
	v31 =	vld.idx.msk [tilespmem:v31+s13+$0x0], $0xffff  }
0x48f: {  	v32 =	vld.idx.msk [tilespmem:v40+s13+$0x0], $0xffff  }
0x490: {  	v34 =	vld.idx.msk [tilespmem:v34+s13+$0x0], $0xffff  }
0x491: {  	v35 =	vld.idx.msk [tilespmem:v43+s13+$0x0], $0xffff  }
0x492: {  	v40 =	vld [tilespmem:$0x1FEB0]  }
0x493: {  	v36 =	vld.idx.msk [tilespmem:v36+s13+$0x0], $0xffff  }
0x494: {  	v37 =	vor.u32 s26, v63;
	v43 =	vld [tilespmem:$0x1FED0]  }
0x495: {  	v33 =	vld.idx.msk [tilespmem:v33+s13+$0x0], $0xffff  }
0x496: {  	v29 =	vadd.s32 v29, v30;
	v30 =	vld [tilespmem:$0x1FFC0]  }
0x497: {  	v38 =	vor.u32 s26, v41;
	v29 =	vadd.s32 v31, v29;
	v31 =	vld [tilespmem:$0x1FEC0]  }
0x498: {  	v41 =	vld [tilespmem:$0x1FEE0]  }
0x499: {  	v37 =	vld.idx.msk [tilespmem:v37+s13+$0x0], $0xffff;
	v40 =	vor.u32 s26, v40  }
0x49a: {  	v39 =	vld.idx.msk [tilespmem:v39+s13+$0x0], $0xffff  }
0x49b: {  	v29 =	vadd.s32 v32, v29;
	v32 =	vor.u32 s26, v43;
	v43 =	vld [tilespmem:$0x1FEF0];
	v30 =	vor.u32 s26, v30  }
0x49c: {  	v38 =	vld.idx.msk [tilespmem:v38+s13+$0x0], $0xffff;
	v31 =	vor.u32 s26, v31  }
0x49d: {  	v29 =	vadd.s32 v33, v29;
	v33 =	vor.u32 s26, v41;
	v41 =	vld [tilespmem:$0x1FCD0]  }
0x49e: {  	v29 =	vadd.s32 v34, v29;
	v40 =	vld.idx.msk [tilespmem:v40+s13+$0x0], $0xffff  }
0x49f: {  	v29 =	vadd.s32 v35, v29;
	v35 =	vor.u32 s26, v42;
	v42 =	vld [tilespmem:$0x1FF80]  }
0x4a0: {  	v29 =	vadd.s32 v36, v29;
	v30 =	vld.idx.msk [tilespmem:v30+s13+$0x0], $0xffff  }
0x4a1: {  	v29 =	vadd.s32 v37, v29;
	v31 =	vld.idx.msk [tilespmem:v31+s13+$0x0], $0xffff  }
0x4a2: {  	v32 =	vld.idx.msk [tilespmem:v32+s13+$0x0], $0xffff;
	v29 =	vadd.s32 v38, v29  }
0x4a3: {  	v34 =	vor.u32 s26, v21;
	v36 =	vor.u32 s26, v43;
	v43 =	vld [tilespmem:$0x1FCE0];
	v29 =	vadd.s32 v39, v29  }
0x4a4: {  	v29 =	vadd.s32 v40, v29;
	v40 =	vld [tilespmem:$0x1FCF0]  }
0x4a5: {  	v29 =	vadd.s32 v30, v29;
	v30 =	vld [tilespmem:$0x1FF30]  }
0x4a6: {  	v37 =	vor.u32 s26, v41;
	v29 =	vadd.s32 v31, v29;
	v31 =	vld [tilespmem:$0x1FFA0]  }
0x4a7: {  	v33 =	vld.idx.msk [tilespmem:v33+s13+$0x0], $0xffff;
	v38 =	vor.u32 s26, v42  }
0x4a8: {  	v34 =	vld.idx.msk [tilespmem:v34+s13+$0x0], $0xffff;
	v39 =	vor.u32 s26, v43  }
0x4a9: {  	v35 =	vld.idx.msk [tilespmem:v35+s13+$0x0], $0xffff;
	v40 =	vor.u32 s26, v40  }
0x4aa: {  	v36 =	vld.idx.msk [tilespmem:v36+s13+$0x0], $0xffff;
	v30 =	vor.u32 s26, v30  }
0x4ab: {  	v37 =	vld.idx.msk [tilespmem:v37+s13+$0x0], $0xffff;
	v29 =	vadd.s32 v32, v29;
	v31 =	vor.u32 s26, v31  }
0x4ac: {  	v38 =	vld.idx.msk [tilespmem:v38+s13+$0x0], $0xffff;
	v29 =	vadd.s32 v33, v29  }
0x4ad: {  	v42 =	vor.u32 s26, v61;
	v39 =	vld.idx.msk [tilespmem:v39+s13+$0x0], $0xffff;
	v29 =	vadd.s32 v34, v29  }
0x4ae: {  	v32 =	vor.u32 s26, v22;
	v40 =	vld.idx.msk [tilespmem:v40+s13+$0x0], $0xffff;
	v29 =	vadd.s32 v35, v29  }
0x4af: {  	v29 =	vadd.s32 v36, v29;
	v30 =	vld.idx.msk [tilespmem:v30+s13+$0x0], $0xffff  }
0x4b0: {  	v29 =	vadd.s32 v37, v29;
	v31 =	vld.idx.msk [tilespmem:v31+s13+$0x0], $0xffff  }
0x4b1: {  	v33 =	vor.u32 s26, v62;
	v29 =	vadd.s32 v38, v29  }
0x4b2: {  	v43 =	vor.u32 s26, v59;
	v34 =	vld.idx.msk [tilespmem:v42+s13+$0x0], $0xffff;
	v29 =	vadd.s32 v39, v29  }
0x4b3: {  	v36 =	vor.u32 s26, v60;
	v32 =	vld.idx.msk [tilespmem:v32+s13+$0x0], $0xffff;
	v29 =	vadd.s32 v40, v29  }
0x4b4: {  	v37 =	vor.u32 s26, v57;
	v29 =	vadd.s32 v30, v29;
	v30 =	vld [tilespmem:$0x1FFB0]  }
0x4b5: {  	v38 =	vor.u32 s26, v58;
	v29 =	vadd.s32 v31, v29;
	v31 =	vld [tilespmem:$0x1FF40]  }
0x4b6: {  	v33 =	vld.idx.msk [tilespmem:v33+s13+$0x0], $0xffff;
	v39 =	vor.u32 s26, v55  }
0x4b7: {  	v35 =	vld.idx.msk [tilespmem:v43+s13+$0x0], $0xffff;
	v40 =	vor.u32 s26, v46  }
0x4b8: {  	v42 =	vor.u32 s26, v2;
	v36 =	vld.idx.msk [tilespmem:v36+s13+$0x0], $0xffff  }
0x4b9: {  	v37 =	vld.idx.msk [tilespmem:v37+s13+$0x0], $0xffff;
	v30 =	vor.u32 s26, v30  }
0x4ba: {  	v38 =	vld.idx.msk [tilespmem:v38+s13+$0x0], $0xffff;
	v29 =	vadd.s32 v32, v29;
	v31 =	vor.u32 s26, v31  }
0x4bb: {  	v39 =	vld.idx.msk [tilespmem:v39+s13+$0x0], $0xffff;
	v32 =	vor.u32 s26, v44;
	v29 =	vadd.s32 v33, v29  }
0x4bc: {  	v40 =	vld.idx.msk [tilespmem:v40+s13+$0x0], $0xffff;
	v33 =	vor.u32 s26, v45;
	v29 =	vadd.s32 v34, v29  }
0x4bd: {  	v43 =	vor.u32 s26, v4;
	v34 =	vld.idx.msk [tilespmem:v42+s13+$0x0], $0xffff;
	v29 =	vadd.s32 v35, v29  }
0x4be: {  	v29 =	vadd.s32 v36, v29;
	v36 =	vor.u32 s26, v6;
	v30 =	vld.idx.msk [tilespmem:v30+s13+$0x0], $0xffff  }
0x4bf: {  	v29 =	vadd.s32 v37, v29;
	v37 =	vor.u32 s26, v7;
	v31 =	vld.idx.msk [tilespmem:v31+s13+$0x0], $0xffff  }
0x4c0: {  	v32 =	vld.idx.msk [tilespmem:v32+s13+$0x0], $0xffff;
	v29 =	vadd.s32 v38, v29;
	v38 =	vor.u32 s26, v24  }
0x4c1: {  	v33 =	vld.idx.msk [tilespmem:v33+s13+$0x0], $0xffff;
	v29 =	vadd.s32 v39, v29;
	v39 =	vor.u32 s26, v25  }
0x4c2: {  	v35 =	vld.idx.msk [tilespmem:v43+s13+$0x0], $0xffff;
	v29 =	vadd.s32 v40, v29;
	v40 =	vor.u32 s26, v26  }
0x4c3: {  	v36 =	vld.idx.msk [tilespmem:v36+s13+$0x0], $0xffff;
	v29 =	vadd.s32 v30, v29;
	v30 =	vor.u32 s26, v27  }
0x4c4: {  	v37 =	vld.idx.msk [tilespmem:v37+s13+$0x0], $0xffff;
	v29 =	vadd.s32 v31, v29;
	v31 =	vor.u32 s26, v8  }
0x4c5: {  	v41 =	vor.u32 s26, v12;
	v38 =	vld.idx.msk [tilespmem:v38+s13+$0x0], $0xffff;
	v29 =	vadd.s32 v32, v29  }
0x4c6: {  	v39 =	vld.idx.msk [tilespmem:v39+s13+$0x0], $0xffff;
	v32 =	vor.u32 s26, v10;
	v29 =	vadd.s32 v33, v29  }
0x4c7: {  	v40 =	vld.idx.msk [tilespmem:v40+s13+$0x0], $0xffff;
	v33 =	vor.u32 s26, v9;
	v29 =	vadd.s32 v34, v29  }
0x4c8: {  	v42 =	vor.u32 s26, v11;
	v30 =	vld.idx.msk [tilespmem:v30+s13+$0x0], $0xffff;
	v29 =	vadd.s32 v35, v29  }
0x4c9: {  	(xrf0) =	vadd.scan.msk.s32 $0xffff, v28;
	v28 =	vld.idx.msk [tilespmem:v31+s13+$0x0], $0xffff;
	v31 =	vor.u32 s26, v13;
	v29 =	vadd.s32 v36, v29  }
0x4ca: {  	v34 =	vld.idx.msk [tilespmem:v41+s13+$0x0], $0xffff;
	v36 =	vor.u32 s26, v15;
	v29 =	vadd.s32 v37, v29  }
0x4cb: {  	v32 =	vld.idx.msk [tilespmem:v32+s13+$0x0], $0xffff;
	v37 =	vor.u32 s26, v14;
	v29 =	vadd.s32 v38, v29  }
0x4cc: {  	v35 =	vor.u32 s26, v56;
	v33 =	vld.idx.msk [tilespmem:v33+s13+$0x0], $0xffff;
	v29 =	vadd.s32 v39, v29  }
0x4cd: {  	v38 =	vor.u32 s26, v16;
	v39 =	vld.idx.msk [tilespmem:v42+s13+$0x0], $0xffff;
	v29 =	vadd.s32 v40, v29  }
0x4ce: {  	v41 =	vor.u32 s26, v53;
	v40 =	vld.idx.msk [tilespmem:v31+s13+$0x0], $0xffff;
	v30 =	vadd.s32 v30, v29  }
0x4cf: {  	p2 =	por $0x1, $0x1;
	v43 =	vmov s23;
	v42 =	vor.u32 s26, v54;
	v29 =	vld.idx.msk [tilespmem:v36+s13+$0x0], $0xffff;
	v28 =	vadd.s32 v28, v30  }
.Ltmp35:
0x4d0: {  	vm3 =	veq.s32 v43, v0;
	v31, _, _ =	vpop (xrf0);
	v30 =	vld.idx.msk [tilespmem:v37+s13+$0x0], $0xffff;
	v28 =	vadd.s32 v32, v28;
	(pc) =	sbr.rel @!p2 .LBB2_55-.Ltmp35, $4  }
0x4d1: {  	v36 =	vbroadcast v31, $0xF;
	v32 =	vld.idx.msk [tilespmem:v35+s13+$0x0], $0xffff;
	v35 =	vor.u32 s26, v51;
	v43 =	vadd.s32 v33, v28  }
0x4d2: {  	v31 =	vld.idx.msk [tilespmem:v38+s13+$0x0], $0xffff;
	v38 =	vor.u32 s26, v49;
	v28 =	vimm.s32 $0x0;
	v37 =	vadd.s32 v34, v43  }
0x4d3: {  	v33 =	vor.u32 s26, v50;
	v28 =	vsel vm3, v36, v28;
	v34 =	vld.idx.msk [tilespmem:v41+s13+$0x0], $0xffff;
	v39 =	vadd.s32 v39, v37  }
0x4d4: {  	s30 =	simm.s32 $0x3;
	p1 =	por $0x1, $0x1;
	s29 =	simm.s32 $0x19000;
	v36 =	vor.u32 s26, v52;
	v37 =	vld.idx.msk [tilespmem:v42+s13+$0x0], $0xffff;
	v40 =	vadd.s32 v40, v39;
	v39 =	vor.u32 s26, v48  }
.LBB2_56:
0x4d5: {  	v41 =	vor.u32 s26, v47;
	_ =	sdelay $0x2  }
0x4d6: {  	v33 =	vld.idx.msk [tilespmem:v33+s13+$0x0], $0xffff  }
0x4d7: {  	v29 =	vadd.s32 v29, v40;
	v35 =	vld.idx.msk [tilespmem:v35+s13+$0x0], $0xffff  }
0x4d8: {  	v29 =	vadd.s32 v30, v29;
	v40 =	vld.idx.msk [tilespmem:v41+s13+$0x0], $0xffff  }
0x4d9: {  	v29 =	vadd.s32 v31, v29;
	v41 =	vld [tilespmem:$0x1FE00]  }
0x4da: {  	v30 =	vld.idx.msk [tilespmem:v36+s13+$0x0], $0xffff;
	v29 =	vadd.s32 v32, v29  }
0x4db: {  	v31 =	vld.idx.msk [tilespmem:v38+s13+$0x0], $0xffff;
	v29 =	vadd.s32 v34, v29  }
0x4dc: {  	v39 =	vld.idx.msk [tilespmem:v39+s13+$0x0], $0xffff;
	v29 =	vadd.s32 v37, v29  }
0x4dd: {  	s26 =	sadd.s32 $0x100, s26;
	v29 =	vadd.s32 v33, v29  }
0x4de: {  	v29 =	vadd.s32 v35, v29;
	v33 =	vor.u32 s26, v41;
	v41 =	vld [tilespmem:$0x1FFD0]  }
0x4df: {  	v42 =	vor.u32 s26, v19;
	v29 =	vadd.s32 v30, v29  }
0x4e0: {  	v30 =	vand.u32 v17, v33;
	v29 =	vadd.s32 v31, v29  }
0x4e1: {  	v43 =	vor.u32 s26, v20;
	v29 =	vadd.s32 v39, v29  }
0x4e2: {  	s29 =	sadd.s32 $0x10, s29;
	v29 =	vadd.s32 v40, v29;
	v40 =	vld [tilespmem:$0x1FCB0]  }
0x4e3: {  	[tilespmem:s29+$0x0] =	vst v29;
	v34 =	vor.u32 s26, v41;
	v41 =	vld [tilespmem:$0x1FEB0]  }
0x4e4: {  	v35 =	vor.u32 s26, v23;
	(xrf0) =	vadd.scan.msk.s32 $0xffff, v29;
	v29 =	vld.idx.msk [tilespmem:v42+s13+$0x0], $0xffff  }
0x4e5: {  	v36 =	vor.u32 s26, v5;
	v30 =	vld.idx.msk [tilespmem:v30+s13+$0x0], $0xffff  }
0x4e6: {  	v31 =	vor.u32 s26, v18;
	v32 =	vld.idx.msk [tilespmem:v43+s13+$0x0], $0xffff  }
0x4e7: {  	v42 =	vld [tilespmem:$0x1FF70]  }
0x4e8: {  	v43 =	vld [tilespmem:$0x1FF00]  }
0x4e9: {  	v37 =	vor.u32 s26, v63;
	v35 =	vld.idx.msk [tilespmem:v35+s13+$0x0], $0xffff  }
0x4ea: {  	v36 =	vld.idx.msk [tilespmem:v36+s13+$0x0], $0xffff  }
0x4eb: {  	v31 =	vld.idx.msk [tilespmem:v31+s13+$0x0], $0xffff;
	v33 =	vor.u32 s26, v40  }
0x4ec: {  	v34 =	vld.idx.msk [tilespmem:v34+s13+$0x0], $0xffff  }
0x4ed: {  	v38 =	vor.u32 s26, v42;
	v39 =	vor.u32 s26, v43;
	v43 =	vld [tilespmem:$0x1FFC0]  }
0x4ee: {  	v40, _, _ =	vpop (xrf0);
	v42 =	vmov s25;
	v29 =	vadd.s32 v30, v29;
	v30 =	vld.idx.msk [tilespmem:v37+s13+$0x0], $0xffff  }
0x4ef: {  	v40 =	vbroadcast v40, $0xF;
	vm3 =	veq.s32 v42, v0;
	v42 =	vld [tilespmem:$0x1FEC0]  }
0x4f0: {  	v41 =	vor.u32 s26, v41;
	v33 =	vld.idx.msk [tilespmem:v33+s13+$0x0], $0xffff  }
0x4f1: {  	v28 =	vsel vm3, v40, v28;
	v40 =	vld [tilespmem:$0x1FED0]  }
0x4f2: {  	v29 =	vadd.s32 v31, v29;
	v43 =	vor.u32 s26, v43;
	v31 =	vld.idx.msk [tilespmem:v38+s13+$0x0], $0xffff  }
0x4f3: {  	v29 =	vadd.s32 v32, v29;
	v32 =	vld.idx.msk [tilespmem:v39+s13+$0x0], $0xffff  }
0x4f4: {  	v37 =	vor.u32 s26, v42;
	v42 =	vld [tilespmem:$0x1FEE0]  }
0x4f5: {  	v29 =	vadd.s32 v33, v29;
	v33 =	vld.idx.msk [tilespmem:v41+s13+$0x0], $0xffff  }
0x4f6: {  	v38 =	vor.u32 s26, v40;
	v41 =	vld [tilespmem:$0x1FE90]  }
0x4f7: {  	v40 =	vor.u32 s26, v21;
	v29 =	vadd.s32 v34, v29;
	v34 =	vld.idx.msk [tilespmem:v43+s13+$0x0], $0xffff  }
0x4f8: {  	v43 =	vld [tilespmem:$0x1FEF0]  }
0x4f9: {  	v29 =	vadd.s32 v35, v29;
	v35 =	vld.idx.msk [tilespmem:v37+s13+$0x0], $0xffff  }
0x4fa: {  	v39 =	vor.u32 s26, v42;
	v29 =	vadd.s32 v36, v29;
	v42 =	vld [tilespmem:$0x1FCD0]  }
0x4fb: {  	v29 =	vadd.s32 v30, v29;
	v41 =	vor.u32 s26, v41;
	v36 =	vld.idx.msk [tilespmem:v38+s13+$0x0], $0xffff  }
0x4fc: {  	v29 =	vadd.s32 v31, v29;
	v31 =	vld.idx.msk [tilespmem:v40+s13+$0x0], $0xffff  }
0x4fd: {  	v40 =	vld [tilespmem:$0x1FCE0]  }
0x4fe: {  	v37 =	vor.u32 s26, v43;
	v43 =	vld [tilespmem:$0x1FF80]  }
0x4ff: {  	v30 =	vld.idx.msk [tilespmem:v39+s13+$0x0], $0xffff  }
0x500: {  	v29 =	vadd.s32 v32, v29;
	v32 =	vld.idx.msk [tilespmem:v41+s13+$0x0], $0xffff  }
0x501: {  	v38 =	vor.u32 s26, v42;
	v41 =	vld [tilespmem:$0x1FCF0]  }
0x502: {  	v42 =	vld [tilespmem:$0x1FF30]  }
0x503: {  	v40 =	vor.u32 s26, v40;
	v39 =	vor.u32 s26, v43;
	v43 =	vld [tilespmem:$0x1FFA0];
	_ =	sdelay $0x1  }
0x504: {  	v29 =	vadd.s32 v33, v29;
	v33 =	vld.idx.msk [tilespmem:v37+s13+$0x0], $0xffff  }
0x505: {  	v29 =	vadd.s32 v34, v29;
	v34 =	vld.idx.msk [tilespmem:v38+s13+$0x0], $0xffff;
	v41 =	vor.u32 s26, v41  }
0x506: {  	v29 =	vadd.s32 v35, v29;
	v37 =	vor.u32 s26, v42;
	v42 =	vld [tilespmem:$0x1FFB0]  }
0x507: {  	v29 =	vadd.s32 v36, v29;
	v36 =	vld.idx.msk [tilespmem:v40+s13+$0x0], $0xffff;
	v38 =	vor.u32 s26, v43  }
0x508: {  	v35 =	vld.idx.msk [tilespmem:v39+s13+$0x0], $0xffff;
	v39 =	vor.u32 s26, v22  }
0x509: {  	v29 =	vadd.s32 v30, v29;
	v40 =	vor.u32 s26, v62;
	v43 =	vld [tilespmem:$0x1FF40]  }
0x50a: {  	v29 =	vadd.s32 v31, v29;
	v30 =	vld.idx.msk [tilespmem:v41+s13+$0x0], $0xffff;
	v41 =	vor.u32 s26, v61  }
0x50b: {  	v29 =	vadd.s32 v32, v29;
	v31 =	vld.idx.msk [tilespmem:v37+s13+$0x0], $0xffff;
	v37 =	vor.u32 s26, v59  }
0x50c: {  	v29 =	vadd.s32 v33, v29;
	v32 =	vld.idx.msk [tilespmem:v38+s13+$0x0], $0xffff;
	v38 =	vor.u32 s26, v60  }
0x50d: {  	v29 =	vadd.s32 v34, v29;
	v33 =	vld.idx.msk [tilespmem:v39+s13+$0x0], $0xffff;
	v39 =	vor.u32 s26, v57  }
0x50e: {  	v34 =	vld.idx.msk [tilespmem:v40+s13+$0x0], $0xffff;
	v40 =	vor.u32 s26, v58;
	v29 =	vadd.s32 v35, v29  }
0x50f: {  	v29 =	vadd.s32 v36, v29;
	v35 =	vld.idx.msk [tilespmem:v41+s13+$0x0], $0xffff;
	v41 =	vor.u32 s26, v55  }
0x510: {  	v36 =	vld.idx.msk [tilespmem:v37+s13+$0x0], $0xffff;
	v37 =	vor.u32 s26, v46;
	v29 =	vadd.s32 v30, v29  }
0x511: {  	v29 =	vadd.s32 v31, v29;
	v30 =	vld.idx.msk [tilespmem:v38+s13+$0x0], $0xffff;
	v38 =	vor.u32 s26, v42  }
0x512: {  	v31 =	vld.idx.msk [tilespmem:v39+s13+$0x0], $0xffff;
	v39 =	vor.u32 s26, v43;
	v29 =	vadd.s32 v32, v29  }
0x513: {  	v32 =	vld.idx.msk [tilespmem:v40+s13+$0x0], $0xffff;
	v40 =	vor.u32 s26, v44;
	v29 =	vadd.s32 v33, v29  }
0x514: {  	v29 =	vadd.s32 v34, v29;
	v33 =	vld.idx.msk [tilespmem:v41+s13+$0x0], $0xffff;
	v41 =	vor.u32 s26, v45  }
0x515: {  	v34 =	vld.idx.msk [tilespmem:v37+s13+$0x0], $0xffff;
	v37 =	vor.u32 s26, v2;
	v29 =	vadd.s32 v35, v29  }
0x516: {  	v29 =	vadd.s32 v36, v29;
	v35 =	vld.idx.msk [tilespmem:v38+s13+$0x0], $0xffff;
	v38 =	vor.u32 s26, v4  }
0x517: {  	v36 =	vld.idx.msk [tilespmem:v39+s13+$0x0], $0xffff;
	v39 =	vor.u32 s26, v6;
	v29 =	vadd.s32 v30, v29  }
0x518: {  	v30 =	vld.idx.msk [tilespmem:v40+s13+$0x0], $0xffff;
	v40 =	vor.u32 s26, v7;
	v29 =	vadd.s32 v31, v29  }
0x519: {  	v29 =	vadd.s32 v32, v29;
	v31 =	vld.idx.msk [tilespmem:v41+s13+$0x0], $0xffff;
	v41 =	vor.u32 s26, v24  }
0x51a: {  	v32 =	vld.idx.msk [tilespmem:v37+s13+$0x0], $0xffff;
	v37 =	vor.u32 s26, v25;
	v29 =	vadd.s32 v33, v29  }
0x51b: {  	v29 =	vadd.s32 v34, v29;
	v33 =	vld.idx.msk [tilespmem:v38+s13+$0x0], $0xffff;
	v38 =	vor.u32 s26, v26  }
0x51c: {  	v34 =	vld.idx.msk [tilespmem:v39+s13+$0x0], $0xffff;
	v39 =	vor.u32 s26, v27;
	v29 =	vadd.s32 v35, v29  }
0x51d: {  	v35 =	vld.idx.msk [tilespmem:v40+s13+$0x0], $0xffff;
	v40 =	vor.u32 s26, v8;
	v29 =	vadd.s32 v36, v29  }
0x51e: {  	v29 =	vadd.s32 v30, v29;
	v36 =	vld.idx.msk [tilespmem:v41+s13+$0x0], $0xffff;
	v41 =	vor.u32 s26, v10  }
0x51f: {  	v30 =	vld.idx.msk [tilespmem:v37+s13+$0x0], $0xffff;
	v37 =	vor.u32 s26, v9;
	v29 =	vadd.s32 v31, v29  }
0x520: {  	v29 =	vadd.s32 v32, v29;
	v31 =	vld.idx.msk [tilespmem:v38+s13+$0x0], $0xffff;
	v38 =	vor.u32 s26, v12  }
0x521: {  	v32 =	vld.idx.msk [tilespmem:v39+s13+$0x0], $0xffff;
	v39 =	vor.u32 s26, v11;
	v29 =	vadd.s32 v33, v29  }
0x522: {  	v33 =	vld.idx.msk [tilespmem:v40+s13+$0x0], $0xffff;
	v40 =	vor.u32 s26, v13;
	v29 =	vadd.s32 v34, v29  }
0x523: {  	v29 =	vadd.s32 v35, v29;
	v34 =	vld.idx.msk [tilespmem:v41+s13+$0x0], $0xffff;
	v41 =	vor.u32 s26, v15  }
0x524: {  	v37 =	vld.idx.msk [tilespmem:v37+s13+$0x0], $0xffff;
	v35 =	vor.u32 s26, v14;
	v29 =	vadd.s32 v36, v29  }
0x525: {  	v36 =	vor.u32 s26, v16;
	v29 =	vadd.s32 v30, v29;
	v38 =	vld.idx.msk [tilespmem:v38+s13+$0x0], $0xffff  }
0x526: {  	v42 =	vor.u32 s26, v56;
	v39 =	vld.idx.msk [tilespmem:v39+s13+$0x0], $0xffff;
	v29 =	vadd.s32 v31, v29  }
0x527: {  	v43 =	vor.u32 s26, v53;
	v40 =	vld.idx.msk [tilespmem:v40+s13+$0x0], $0xffff;
	v30 =	vadd.s32 v32, v29  }
0x528: {  	p2 =	sne.s32 s30, $0xF;
	v31 =	vadd.s32 v33, v30;
	v29 =	vld.idx.msk [tilespmem:v41+s13+$0x0], $0xffff;
	v41 =	vor.u32 s26, v54  }
.Ltmp36:
0x529: {  	v30 =	vld.idx.msk [tilespmem:v35+s13+$0x0], $0xffff;
	v32 =	vadd.s32 v34, v31;
	(pc) =	sbr.rel @p2 .LBB2_56-.Ltmp36, $4  }
0x52a: {  	v31 =	vld.idx.msk [tilespmem:v36+s13+$0x0], $0xffff;
	v34 =	vadd.s32 v37, v32  }
0x52b: {  	v33 =	vor.u32 s26, v50;
	v32 =	vld.idx.msk [tilespmem:v42+s13+$0x0], $0xffff;
	v37 =	vadd.s32 v38, v34  }
0x52c: {  	v35 =	vor.u32 s26, v51;
	v36 =	vor.u32 s26, v52;
	v34 =	vld.idx.msk [tilespmem:v43+s13+$0x0], $0xffff;
	v42 =	vadd.s32 v39, v37  }
0x52d: {  	s25 =	smov.u32 s28;
	s28 =	smov.u32 s30;
	s30 =	sadd.s32 $0x1, s30;
	v38 =	vor.u32 s26, v49;
	v39 =	vor.u32 s26, v48;
	v40 =	vadd.s32 v40, v42;
	v37 =	vld.idx.msk [tilespmem:v41+s13+$0x0], $0xffff  }
0x52e: {  	v43 =	vld [tilespmem:$0x1FE20]  }
0x52f: {  	v41 =	vld [tilespmem:$0x1FE30]  }
0x530: {  	v49 =	vld [tilespmem:$0x1FE90]  }
0x531: {  	v45 =	vld [tilespmem:$0x1FEF0]  }
0x532: {  	v27 =	vld [tilespmem:$0x1FCD0]  }
0x533: {  	v44 =	vld [tilespmem:$0x1FCE0]  }
0x534: {  	v24 =	vld [tilespmem:$0x1FCF0]  }
0x535: {  	v25 =	vmov v55;
	v55 =	vmov v9;
	v9 =	vld [tilespmem:$0x1FF30]  }
0x536: {  	v14 =	vld [tilespmem:$0x1FFA0]  }
0x537: {  	v6 =	vmov v12;
	v12 =	vmov v16;
	v16 =	vmov v20;
	v20 =	vld [tilespmem:$0x1FE50]  }
0x538: {  	v7 =	vld [tilespmem:$0x1FCB0]  }
0x539: {  	v50 =	vld [tilespmem:$0x1FFD0]  }
0x53a: {  	v4 =	vmov v22;
	v22 =	vld [tilespmem:$0x1FE60]  }
0x53b: {  	v2 =	vld [tilespmem:$0x1FE00]  }
0x53c: {  	v51 =	vmov v57;
	v57 =	vld [tilespmem:$0x1FF80]  }
0x53d: {  	v48 =	vmov v61;
	v61 =	vmov v10;
	v10 =	vld [tilespmem:$0x1FF70]  }
0x53e: {  	v56 =	vmov v17;
	v17 =	vmov v19;
	v19 =	vld [tilespmem:$0x1FF00]  }
0x53f: {  	v47 =	vld [tilespmem:$0x1FEB0]  }
0x540: {  	v21 =	vmov v60;
	v60 =	vmov v11;
	v11 =	vld [tilespmem:$0x1FFC0]  }
0x541: {  	v52 =	vld [tilespmem:$0x1FEC0]  }
0x542: {  	v53 =	vld [tilespmem:$0x1FEE0]  }
0x543: {  	v54 =	vld [tilespmem:$0x1FED0]  }
0x544: {  	v13 =	vmov v23;
	v23 =	vmov v5;
	v5 =	vmov v63;
	v63 =	vld [tilespmem:$0x1FFB0]  }
0x545: {  	v42 =	vmov v46;
	v46 =	vld [tilespmem:$0x1FF40]  }
0x546: {  	s30 =	smov.u32 s25;
	s25 =	smov.u32 s28;
	v26 =	vmov v58;
	v58 =	vld [tilespmem:$0x1FB50]  }
.LBB2_58:
0x547: {  	v8 =	vld [tilespmem:$0x1FB80];
	_ =	sdelay $0x3  }
0x548: {  	v29 =	vadd.s32 @p0 v29, v40  }
0x549: {  	v33 =	vld.idx.msk @p0 [tilespmem:v33+s13+$0x0], $0xffff;
	v29 =	vadd.s32 @p0 v30, v29;
	v40 =	vor.u32 @p0 s26, v8  }
0x54a: {  	v30 =	vld.idx.msk @p0 [tilespmem:v35+s13+$0x0], $0xffff;
	v29 =	vadd.s32 @p0 v31, v29  }
0x54b: {  	v31 =	vld.idx.msk @p0 [tilespmem:v36+s13+$0x0], $0xffff;
	v29 =	vadd.s32 @p0 v32, v29  }
0x54c: {  	v32 =	vld.idx.msk @p0 [tilespmem:v38+s13+$0x0], $0xffff;
	v29 =	vadd.s32 @p0 v34, v29  }
0x54d: {  	v34 =	vld.idx.msk @p0 [tilespmem:v39+s13+$0x0], $0xffff;
	v29 =	vadd.s32 @p0 v37, v29  }
0x54e: {  	s1 =	sadd.s32 @p0 $0x100, s26;
	s28 =	simm.s32 $0x0;
	v29 =	vadd.s32 @p0 v33, v29;
	v35 =	vld.idx.msk @p0 [tilespmem:v40+s13+$0x0], $0xffff  }
0x54f: {  	s28 =	smov.u32 @p0 s1;
	v29 =	vadd.s32 @p0 v30, v29  }
0x550: {  	v39 =	vor.u32 s28, v17;
	v30 =	vor.u32 s28, v2;
	v29 =	vadd.s32 @p0 v31, v29  }
0x551: {  	v30 =	vand.u32 v56, v30;
	v29 =	vadd.s32 @p0 v32, v29  }
0x552: {  	s1 =	sadd.s32 @p1 $0x10, s29;
	s26 =	simm.s32 $0x19000;
	v31 =	vor.u32 s28, v18;
	v29 =	vadd.s32 @p0 v34, v29  }
0x553: {  	s26 =	smov.u32 @p1 s1;
	v32 =	vor.u32 s28, v16;
	v29 =	vadd.s32 @p0 v35, v29  }
0x554: {  	v40 =	vor.u32 s28, v7;
	[tilespmem:s26+$0x0] =	vst @p0 v29  }
0x555: {  	v35 =	vor.u32 s28, v50;
	v33 =	vld.idx.msk [tilespmem:v39+s13+$0x0], $0xffff  }
0x556: {  	v36 =	vor.u32 s28, v13;
	v30 =	vld.idx.msk [tilespmem:v30+s13+$0x0], $0xffff  }
0x557: {  	v31 =	vld.idx.msk [tilespmem:v31+s13+$0x0], $0xffff  }
0x558: {  	v32 =	vld.idx.msk [tilespmem:v32+s13+$0x0], $0xffff  }
0x559: {  	v34 =	vld.idx.msk [tilespmem:v40+s13+$0x0], $0xffff  }
0x55a: {  	v35 =	vld.idx.msk [tilespmem:v35+s13+$0x0], $0xffff  }
0x55b: {  	v36 =	vld.idx.msk [tilespmem:v36+s13+$0x0], $0xffff;
	v30 =	vadd.s32 v30, v33  }
0x55c: {  	v37 =	vor.u32 s28, v23;
	v30 =	vadd.s32 v31, v30  }
0x55d: {  	v38 =	vor.u32 s28, v5;
	v30 =	vadd.s32 v32, v30  }
0x55e: {  	v39 =	vor.u32 s28, v10;
	v30 =	vadd.s32 v34, v30  }
0x55f: {  	v40 =	vor.u32 s28, v19;
	v30 =	vadd.s32 v35, v30  }
0x560: {  	v33 =	vor.u32 s28, v47;
	v30 =	vadd.s32 v36, v30;
	v36 =	vld [tilespmem:$0x1FCC0]  }
0x561: {  	v37 =	vld.idx.msk [tilespmem:v37+s13+$0x0], $0xffff;
	v31 =	vor.u32 s28, v11  }
0x562: {  	v38 =	vld.idx.msk [tilespmem:v38+s13+$0x0], $0xffff;
	v32 =	vor.u32 s28, v52  }
0x563: {  	v39 =	vld.idx.msk [tilespmem:v39+s13+$0x0], $0xffff;
	v34 =	vor.u32 s28, v54  }
0x564: {  	v40 =	vld.idx.msk [tilespmem:v40+s13+$0x0], $0xffff;
	v35 =	vor.u32 s28, v53  }
0x565: {  	v33 =	vld.idx.msk [tilespmem:v33+s13+$0x0], $0xffff;
	v36 =	vor.u32 s28, v36  }
0x566: {  	v31 =	vld.idx.msk [tilespmem:v31+s13+$0x0], $0xffff;
	v30 =	vadd.s32 v37, v30;
	v37 =	vor.u32 s28, v49  }
0x567: {  	v32 =	vld.idx.msk [tilespmem:v32+s13+$0x0], $0xffff;
	v30 =	vadd.s32 v38, v30  }
0x568: {  	v45 =	vor.u32 s28, v45;
	v34 =	vld.idx.msk [tilespmem:v34+s13+$0x0], $0xffff;
	v30 =	vadd.s32 v39, v30  }
0x569: {  	v57 =	vor.u32 s28, v57;
	v35 =	vld.idx.msk [tilespmem:v35+s13+$0x0], $0xffff;
	v30 =	vadd.s32 v40, v30  }
0x56a: {  	v49 =	vor.u32 s28, v27;
	v30 =	vadd.s32 v33, v30;
	v36 =	vld.idx.msk [tilespmem:v36+s13+$0x0], $0xffff  }
0x56b: {  	v37 =	vld.idx.msk [tilespmem:v37+s13+$0x0], $0xffff;
	v30 =	vadd.s32 v31, v30  }
0x56c: {  	v33 =	vor.u32 s28, v44;
	v30 =	vadd.s32 v32, v30  }
0x56d: {  	v38 =	vld.idx.msk [tilespmem:v45+s13+$0x0], $0xffff;
	v30 =	vadd.s32 v34, v30  }
0x56e: {  	v40 =	vld.idx.msk [tilespmem:v57+s13+$0x0], $0xffff;
	v30 =	vadd.s32 v35, v30  }
0x56f: {  	v57 =	vor.u32 s28, v4;
	v39 =	vld.idx.msk [tilespmem:v49+s13+$0x0], $0xffff;
	v30 =	vadd.s32 v36, v30  }
0x570: {  	v49 =	vor.u32 s28, v14;
	v30 =	vadd.s32 v37, v30  }
0x571: {  	v33 =	vld.idx.msk [tilespmem:v33+s13+$0x0], $0xffff;
	v37 =	vor.u32 s28, v48;
	v48 =	vor.u32 s28, v59;
	v59 =	vor.u32 s28, v26  }
0x572: {  	v2 =	vld [tilespmem:$0x1FE70]  }
0x573: {  	v30 =	vadd.s32 v38, v30  }
0x574: {  	v35 =	vld.idx.msk [tilespmem:v57+s13+$0x0], $0xffff;
	v30 =	vadd.s32 v39, v30  }
0x575: {  	v34 =	vld.idx.msk [tilespmem:v49+s13+$0x0], $0xffff;
	v49 =	vor.u32 s28, v21;
	v30 =	vadd.s32 v40, v30  }
0x576: {  	v57 =	vor.u32 s28, v51;
	v30 =	vadd.s32 v33, v30;
	v33 =	vld.idx.msk [tilespmem:v59+s13+$0x0], $0xffff  }
0x577: {  	v59 =	vor.u32 s28, v2;
	v2 =	vld [tilespmem:$0x1FE80];
	_ =	sdelay $0x1  }
0x578: {  	v31 =	vor.u32 s28, v24  }
0x579: {  	v32 =	vor.u32 s28, v9;
	v39 =	vld.idx.msk [tilespmem:v49+s13+$0x0], $0xffff  }
0x57a: {  	v36 =	vor.u32 s28, v62;
	v62 =	vmov v51;
	v40 =	vld.idx.msk [tilespmem:v57+s13+$0x0], $0xffff  }
0x57b: {  	v51 =	vmovc v63;
	v49 =	vor.u32 s28, v63;
	v57 =	vor.u32 s28, v46;
	v46 =	vmovc v2;
	v63 =	vor.u32 s28, v2;
	v2 =	vld [tilespmem:$0x1FD30];
	_ =	sdelay $0x1  }
0x57c: {  	v31 =	vld.idx.msk [tilespmem:v31+s13+$0x0], $0xffff  }
0x57d: {  	v32 =	vld.idx.msk [tilespmem:v32+s13+$0x0], $0xffff  }
0x57e: {  	v38 =	vld.idx.msk [tilespmem:v48+s13+$0x0], $0xffff  }
0x57f: {  	v48 =	vor.u32 s28, v2;
	v2 =	vld [tilespmem:$0x1FD40];
	_ =	sdelay $0x1  }
0x580: {  	v30 =	vadd.s32 v31, v30  }
0x581: {  	v30 =	vadd.s32 v32, v30  }
0x582: {  	v30 =	vadd.s32 v34, v30;
	v34 =	vld.idx.msk [tilespmem:v49+s13+$0x0], $0xffff  }
0x583: {  	v49 =	vor.u32 s28, v2;
	v2 =	vld [tilespmem:$0x1FD50];
	_ =	sdelay $0x1  }
0x584: {  	v36 =	vld.idx.msk [tilespmem:v36+s13+$0x0], $0xffff  }
0x585: {  	v37 =	vld.idx.msk [tilespmem:v37+s13+$0x0], $0xffff;
	v31 =	vor.u32 s28, v25  }
0x586: {  	v30 =	vadd.s32 v35, v30;
	v35 =	vld.idx.msk [tilespmem:v57+s13+$0x0], $0xffff  }
0x587: {  	v57 =	vor.u32 s28, v2;
	v2 =	vld [tilespmem:$0x1FD60];
	_ =	sdelay $0x2  }
0x588: {  	v31 =	vld.idx.msk [tilespmem:v31+s13+$0x0], $0xffff  }
0x589: {  	v32 =	vor.u32 s28, v42;
	v30 =	vadd.s32 v36, v30;
	v36 =	vld.idx.msk [tilespmem:v59+s13+$0x0], $0xffff  }
0x58a: {  	v30 =	vadd.s32 v37, v30;
	v59 =	vor.u32 s28, v2;
	v2 =	vld [tilespmem:$0x1FD70]  }
0x58b: {  	v30 =	vadd.s32 v38, v30  }
0x58c: {  	v30 =	vadd.s32 v39, v30  }
0x58d: {  	v30 =	vadd.s32 v40, v30  }
0x58e: {  	v32 =	vld.idx.msk [tilespmem:v32+s13+$0x0], $0xffff;
	v30 =	vadd.s32 v33, v30  }
0x58f: {  	v30 =	vadd.s32 v31, v30;
	v31 =	vor.u32 s28, v2;
	v2 =	vld [tilespmem:$0x1FD80];
	_ =	sdelay $0x4  }
0x590: {  	v30 =	vadd.s32 v32, v30;
	v32 =	vor.u32 s28, v2;
	v2 =	vld [tilespmem:$0x1FD90];
	_ =	sdelay $0x3  }
0x591: {  	v37 =	vld.idx.msk [tilespmem:v63+s13+$0x0], $0xffff  }
0x592: {  	v63 =	vor.u32 s28, v2;
	v2 =	vld [tilespmem:$0x1FDA0]  }
0x593: {  	v7 =	vld [tilespmem:$0x1FBC0]  }
0x594: {  	v44 =	vmov v14;
	v14 =	vmov v4;
	v4 =	vld [tilespmem:$0x1FBD0]  }
0x595: {  	v24 =	vld [tilespmem:$0x1FBB0]  }
0x596: {  	v26 =	vld [tilespmem:$0x1FB70]  }
0x597: {  	v45 =	vmov v9;
	v9 =	vmov v42;
	v42 =	vor.u32 s28, v2;
	v2 =	vld [tilespmem:$0x1FDB0]  }
0x598: {  	v38 =	vld.idx.msk [tilespmem:v48+s13+$0x0], $0xffff  }
0x599: {  	v39 =	vld.idx.msk [tilespmem:v49+s13+$0x0], $0xffff  }
0x59a: {  	v55 =	vor.u32 s28, v55;
	v30 =	vadd.s32 v34, v30;
	v40 =	vld.idx.msk [tilespmem:v57+s13+$0x0], $0xffff  }
0x59b: {  	v30 =	vadd.s32 v35, v30;
	v33 =	vld.idx.msk [tilespmem:v59+s13+$0x0], $0xffff  }
0x59c: {  	v30 =	vadd.s32 v36, v30;
	v48 =	vor.u32 s28, v2;
	v2 =	vld [tilespmem:$0x1FDD0]  }
0x59d: {  	v30 =	vadd.s32 v37, v30;
	v31 =	vld.idx.msk [tilespmem:v31+s13+$0x0], $0xffff  }
0x59e: {  	v25 =	vld [tilespmem:$0x1FB90];
	v30 =	vadd.s32 v38, v30  }
0x59f: {  	v38 =	vld.idx.msk [tilespmem:v55+s13+$0x0], $0xffff;
	v30 =	vadd.s32 v39, v30  }
0x5a0: {  	v30 =	vadd.s32 v40, v30;
	v32 =	vld.idx.msk [tilespmem:v32+s13+$0x0], $0xffff  }
0x5a1: {  	v49 =	vor.u32 s28, v61;
	v59 =	vmovc v61;
	v30 =	vadd.s32 v33, v30;
	v61 =	vor.u32 s28, v2;
	v2 =	vld [tilespmem:$0x1FBF0]  }
0x5a2: {  	v30 =	vadd.s32 v31, v30;
	v31 =	vor.u32 s28, v15;
	v15 =	vld [tilespmem:$0x1FDF0]  }
0x5a3: {  	v34 =	vld.idx.msk [tilespmem:v63+s13+$0x0], $0xffff  }
0x5a4: {  	v57 =	vor.u32 s28, v6;
	v35 =	vld.idx.msk [tilespmem:v42+s13+$0x0], $0xffff  }
0x5a5: {  	v60 =	vor.u32 s28, v60;
	v36 =	vld.idx.msk [tilespmem:v48+s13+$0x0], $0xffff  }
0x5a6: {  	v55 =	vor.u32 s28, v2;
	v2 =	vld [tilespmem:$0x1FBE0]  }
0x5a7: {  	v37 =	vld.idx.msk [tilespmem:v49+s13+$0x0], $0xffff  }
0x5a8: {  	v6 =	vld [tilespmem:$0x1FBA0];
	v30 =	vadd.s32 v32, v30;
	v63 =	vor.u32 s28, v15  }
0x5a9: {  	v39 =	vld.idx.msk [tilespmem:v57+s13+$0x0], $0xffff;
	v30 =	vadd.s32 v34, v30;
	v48 =	vor.u32 s28, v12  }
0x5aa: {  	v49 =	vld.idx.msk [tilespmem:v60+s13+$0x0], $0xffff;
	v30 =	vadd.s32 v35, v30  }
0x5ab: {  	v30 =	vadd.s32 v36, v30;
	v33 =	vld.idx.msk [tilespmem:v61+s13+$0x0], $0xffff;
	v2 =	vor.u32 s28, v2  }
0x5ac: {  	v4 =	vor.u32 s28, v4;
	v31 =	vld.idx.msk [tilespmem:v31+s13+$0x0], $0xffff;
	v30 =	vadd.s32 v37, v30  }
0x5ad: {  	v6 =	vor.u32 s28, v6;
	v32 =	vld.idx.msk [tilespmem:v63+s13+$0x0], $0xffff;
	v30 =	vadd.s32 v38, v30  }
0x5ae: {  	v7 =	vor.u32 s28, v7;
	v34 =	vld.idx.msk [tilespmem:v48+s13+$0x0], $0xffff;
	v30 =	vadd.s32 v39, v30  }
0x5af: {  	v24 =	vor.u32 s28, v24;
	v30 =	vadd.s32 v49, v30;
	v57 =	vld.idx.msk [tilespmem:v55+s13+$0x0], $0xffff  }
0x5b0: {  	v25 =	vor.u32 s28, v25;
	v30 =	vadd.s32 v33, v30;
	v2 =	vld.idx.msk [tilespmem:v2+s13+$0x0], $0xffff  }
0x5b1: {  	v4 =	vld.idx.msk [tilespmem:v4+s13+$0x0], $0xffff;
	v26 =	vor.u32 s28, v26;
	v30 =	vadd.s32 v31, v30  }
0x5b2: {  	v27 =	vor.u32 s28, v8;
	v6 =	vld.idx.msk [tilespmem:v6+s13+$0x0], $0xffff;
	v30 =	vadd.s32 v32, v30  }
0x5b3: {  	v7 =	vld.idx.msk [tilespmem:v7+s13+$0x0], $0xffff;
	v30 =	vadd.s32 v34, v30  }
0x5b4: {  	v24 =	vld.idx.msk [tilespmem:v24+s13+$0x0], $0xffff;
	v30 =	vadd.s32 v57, v30  }
0x5b5: {  	v25 =	vld.idx.msk [tilespmem:v25+s13+$0x0], $0xffff;
	v2 =	vadd.s32 v2, v30  }
0x5b6: {  	v26 =	vld.idx.msk [tilespmem:v26+s13+$0x0], $0xffff;
	v2 =	vadd.s32 v4, v2  }
0x5b7: {  	v4 =	vld.idx.msk [tilespmem:v27+s13+$0x0], $0xffff;
	v2 =	vadd.s32 v6, v2  }
0x5b8: {  	v2 =	vadd.s32 v7, v2  }
0x5b9: {  	v2 =	vadd.s32 v24, v2  }
0x5ba: {  	v2 =	vadd.s32 v25, v2  }
0x5bb: {  	(xrf0) =	vadd.scan.msk.s32 @p0 $0xffff, v29;
	v2 =	vadd.s32 v26, v2  }
0x5bc: {  	v2 =	vadd.s32 v4, v2  }
0x5bd: {  	(xrf0) =	vadd.scan.msk.s32 $0xffff, v2;
	_ =	sdelay $0x2  }
0x5be: {  	v6 =	vmov @p0 s30  }
0x5bf: {  	v4, _, _ =	vpop @p0 (xrf0)  }
0x5c0: {  	v24 =	vld [tilespmem:$0x1FC00];
	v4 =	vbroadcast @p0 v4, $0xF  }
0x5c1: {  	v8 =	vimm.s32 $0x0;
	vm3 =	veq.s32 @p0 v6, v0;
	v6, _, _ =	vpop (xrf0)  }
0x5c2: {  	v7 =	vmov s25;
	v4 =	vsel @p0 vm3, v4, v28;
	v6 =	vbroadcast v6, $0xF  }
0x5c3: {  	vm3 =	veq.s32 v7, v0;
	v4 =	vpsel p0, v4, v8  }
0x5c4: {  	v4 =	vsel vm3, v6, v4  }
0x5c5: {  	v6 =	vperm.xlane v4, v24;
	_ =	sdelay $0x1  }
0x5c6: {  	(xrf0) =	vadd.scan.msk.s32 $0xffff, v6;
	_ =	sdelay $0x5  }
0x5c7: {  	v6, _, _ =	vpop (xrf0)  }
0x5c8: {  	v6 =	vperm.xlane v6, v24;
	_ =	sdelay $0x1  }
0x5c9: {  	vm3 =	vgt.s32 v6, $0x1D  }
0x5ca: {  	v7 =	vsel vm3, $0x1, v1  }
0x5cb: {  	(xrf0) =	vadd.scan.msk.s32 $0xffff, v7;
	_ =	sdelay $0x5  }
0x5cc: {  	v7, _, _ =	vpop (xrf0)  }
0x5cd: {  	(v2sf) =	vpush v7, $0xF;
	_ =	sdelay $0xe  }
0x5ce: {  	s25 =	spop (v2sf)  }
0x5cf: {  	s1 =	sadd.s32 $0xFFFFFFFF, s25  }
0x5d0: {  	v7 =	vmov s1  }
0x5d1: {  	v6 =	vxor.u32 $0x80000000, v6;
	vm3 =	veq.s32 v7, v0  }
0x5d2: {  	v4 =	vxor.u32 $0x80000000, v4;
	v6 =	vnsel vm3, $0x0, v6  }
0x5d3: {  	v4 =	vnsel vm3, $0x0, v4;
	(xrf0) =	vmax.scan.msk.u32 $0xffff, v6  }
0x5d4: {  	(xrf0) =	vmax.scan.msk.u32 $0xffff, v4;
	_ =	sdelay $0x4  }
0x5d5: {  	v4, _, _ =	vpop (xrf0)  }
0x5d6: {  	s3 =	sadd.s32 @p0 $0x10, s26;
	(v2sf) =	vpush v4, $0xF;
	v4, _, _ =	vpop (xrf0)  }
0x5d7: {  	s24 =	smov.u32 @p0 s3;
	(v2sf) =	vpush v4, $0xF  }
0x5d8: {  	[tilespmem:s24+$0x0] =	vst v2;
	s1 =	sshll.u32 s1, $0x4  }
0x5d9: {  	v4 =	vld [tilespmem:s1+$0x19000];
	_ =	sdelay $0x4  }
0x5da: {  	v2 =	vperm.xlane v4, v24;
	_ =	sdelay $0x1  }
0x5db: {  	(xrf0) =	vadd.scan.msk.s32 $0xffff, v2;
	_ =	sdelay $0x4  }
0x5dc: {  	s26 =	spop (v2sf)  }
0x5dd: {  	v2, _, _ =	vpop (xrf0);
	s19 =	spop (v2sf)  }
0x5de: {  	v2 =	vperm.xlane v2, v24;
	s3 =	sxor.u32 $0x80000000, s26;
	s19 =	sxor.u32 $0x80000000, s19  }
0x5df: {  	s3 =	ssub.s32 s3, s19  }
0x5e0: {  	v6 =	vadd.s32 s3, v2  }
0x5e1: {  	vm3 =	vgt.s32 v6, $0x1D  }
0x5e2: {  	v2 =	vsel vm3, $0x1, v1  }
0x5e3: {  	(xrf0) =	vadd.scan.msk.s32 $0xffff, v2;
	_ =	sdelay $0x5  }
0x5e4: {  	v2, _, _ =	vpop (xrf0)  }
0x5e5: {  	(v2sf) =	vpush v2, $0xF;
	_ =	sdelay $0xa  }
0x5e6: {  	s28 =	simm.s32 $0x8020  }
0x5e7: {  	v7 =	vld [tilespmem:s28+$0xFFFFFFE0];
	_ =	sdelay $0x2  }
0x5e8: {  	s25 =	spop (v2sf)  }
0x5e9: {  	v24 =	vld [tilespmem:s28+$0xFFFFFFF0];
	s1 =	sadd.s32 s25, s1  }
0x5ea: {  	v2 =	vshra.s32 v7, $0x1F;
	s26 =	sadd.s32 $0xFFFFFF7F, s1  }
0x5eb: {  	v25 =	vand.u32 $0x7FFFFFFF, v2;
	s24 =	sshll.u32 s26, $0x18  }
0x5ec: {  	v7 =	vxor.u32 v7, v25;
	v2 =	vmov s24  }
0x5ed: {  	vm4 =	vlt.s32 v8, $0x280;
	v25 =	vld [tilespmem:s28+$0x0];
	vm3 =	vge.s32 v7, v2  }
0x5ee: {  	v26 =	vshra.s32 v24, $0x1F;
	vm5 =	vmand vm4, vm3  }
0x5ef: {  	v26 =	vand.u32 $0x7FFFFFFF, v26;
	v27 =	vsel vm5, $0x1, v1  }
0x5f0: {  	v26 =	vxor.u32 v24, v26;
	v27 =	vadd.s32 v27, v8  }
0x5f1: {  	v24 =	vld [tilespmem:s28+$0x10];
	vm3 =	vge.s32 v26, v2;
	vm4 =	vlt.s32 v27, $0x280  }
0x5f2: {  	v28 =	vshra.s32 v25, $0x1F;
	vm4 =	vmand vm3, vm4  }
0x5f3: {  	v30 =	vshll.u32 v8, $0x4;
	v28 =	vand.u32 $0x7FFFFFFF, v28;
	s1 =	simm.s32 $0x8060;
	v29 =	vsel vm4, $0x1, v1  }
0x5f4: {  	v25 =	vxor.u32 v25, v28;
	v28 =	vor.u32 v0, v30;
	v30 =	vld [tilespmem:s1+$0xFFFFFFE0];
	v29 =	vadd.s32 v29, v27  }
0x5f5: {  	vm3 =	vge.s32 v25, v2;
	vm6 =	vlt.s32 v29, $0x280  }
0x5f6: {  	v61 =	vor.u32 s23, v0;
	v31 =	vshra.s32 v24, $0x1F;
	vm6 =	vmand vm3, vm6  }
0x5f7: {  	v31 =	vand.u32 $0x7FFFFFFF, v31;
	v27 =	vshll.u32 v27, $0x4;
	v60 =	vsel vm6, $0x1, v1  }
0x5f8: {  	v31 =	vxor.u32 v24, v31;
	v27 =	vor.u32 v0, v27;
	v32 =	vadd.s32 v60, v29  }
0x5f9: {  	[tilespmem:v28+s14+$0x0] =	vst.idx.msk vm5, v7;
	v7 =	vshra.s32 v30, $0x1F;
	vm3 =	vge.s32 v31, v2;
	vm7 =	vlt.s32 v32, $0x280  }
0x5fa: {  	v24 =	vshll.u32 v29, $0x4;
	v7 =	vand.u32 $0x7FFFFFFF, v7;
	vm3 =	vmand vm3, vm7  }
0x5fb: {  	[tilespmem:v28+s15+$0x0] =	vst.idx.msk vm5, v61;
	v7 =	vxor.u32 v30, v7;
	v29 =	vor.u32 v0, v24;
	v28 =	vsel vm3, $0x1, v1  }
0x5fc: {  	s29 =	simm.s32 $0x10;
	v63 =	vld [tilespmem:s1+$0xFFFFFFF0];
	vm5 =	vge.s32 v7, v2;
	v30 =	vadd.s32 v28, v32  }
0x5fd: {  	v24 =	vshll.u32 v32, $0x4;
	[tilespmem:v27+s14+$0x0] =	vst.idx.msk vm4, v26;
	v26 =	vor.u32 s29, v0;
	vm7 =	vlt.s32 v30, $0x280  }
0x5fe: {  	v24 =	vor.u32 v0, v24;
	[tilespmem:v27+s15+$0x0] =	vst.idx.msk vm4, v26;
	vm4 =	vmand vm7, vm5  }
0x5ff: {  	s30 =	simm.s32 $0x20;
	v27 =	vsel vm4, $0x1, v1  }
0x600: {  	[tilespmem:v29+s14+$0x0] =	vst.idx.msk vm6, v25;
	v25 =	vor.u32 s30, v0;
	v28 =	vadd.s32 v27, v30;
	v27 =	vld [tilespmem:s1+$0x0]  }
0x601: {  	v26 =	vshra.s32 v63, $0x1F;
	[tilespmem:v29+s15+$0x0] =	vst.idx.msk vm6, v25;
	v29 =	vshll.u32 v30, $0x4  }
0x602: {  	s31 =	simm.s32 $0x30;
	v25 =	vand.u32 $0x7FFFFFFF, v26;
	v26 =	vor.u32 v0, v29  }
0x603: {  	s3 =	simm.s32 $0x4;
	v25 =	vxor.u32 v63, v25;
	v29 =	vor.u32 s31, v0;
	[tilespmem:v24+s14+$0x0] =	vst.idx.msk vm3, v31  }
.LBB2_59:
0x604: {  	s3 =	sadd.s32 $0x4, s3;
	vm5 =	vge.s32 v25, v2;
	vm6 =	vlt.s32 v28, $0x280;
	v30 =	vshll.u32 v28, $0x4;
	v31 =	vld [tilespmem:s1+$0x10];
	[tilespmem:v24+s15+$0x0] =	vst.idx.msk vm3, v29  }
0x605: {  	p0 =	slt.u32 s3, $0x7FC;
	vm3 =	vmand vm5, vm6;
	v24 =	vor.u32 v0, v30;
	v29 =	vshra.s32 v27, $0x1F  }
0x606: {  	s23 =	sadd.s32 $0x40, s23;
	v30 =	vsel vm3, $0x1, v1;
	v29 =	vand.u32 $0x7FFFFFFF, v29  }
0x607: {  	s1 =	sadd.s32 $0x40, s1;
	[tilespmem:v26+s14+$0x0] =	vst.idx.msk vm4, v7;
	v7 =	vor.u32 s23, v0;
	v28 =	vadd.s32 v30, v28;
	v27 =	vxor.u32 v27, v29  }
0x608: {  	v29 =	vld [tilespmem:s1+$0xFFFFFFE0];
	[tilespmem:v26+s15+$0x0] =	vst.idx.msk vm4, v7;
	vm4 =	vge.s32 v27, v2;
	vm5 =	vlt.s32 v28, $0x280;
	v7 =	vshll.u32 v28, $0x4  }
0x609: {  	vm4 =	vmand vm4, vm5;
	v26 =	vor.u32 v0, v7;
	v7 =	vshra.s32 v31, $0x1F  }
0x60a: {  	s19 =	sadd.s32 $0x10, s23;
	v30 =	vsel vm4, $0x1, v1;
	v7 =	vand.u32 $0x7FFFFFFF, v7  }
0x60b: {  	[tilespmem:v24+s14+$0x0] =	vst.idx.msk vm3, v25;
	v25 =	vor.u32 s19, v0;
	v28 =	vadd.s32 v30, v28;
	v30 =	vxor.u32 v31, v7  }
0x60c: {  	v31 =	vld [tilespmem:s1+$0xFFFFFFF0];
	[tilespmem:v24+s15+$0x0] =	vst.idx.msk vm3, v25;
	vm3 =	vge.s32 v30, v2;
	vm5 =	vlt.s32 v28, $0x280;
	v7 =	vshll.u32 v28, $0x4  }
0x60d: {  	v25 =	vshra.s32 v29, $0x1F;
	vm3 =	vmand vm3, vm5;
	v24 =	vor.u32 v0, v7  }
0x60e: {  	s19 =	sadd.s32 $0x20, s23;
	v7 =	vand.u32 $0x7FFFFFFF, v25;
	v25 =	vsel vm3, $0x1, v1  }
.Ltmp37:
0x60f: {  	v7 =	vxor.u32 v29, v7;
	[tilespmem:v26+s14+$0x0] =	vst.idx.msk vm4, v27;
	v29 =	vor.u32 s19, v0;
	v25 =	vadd.s32 v25, v28;
	(pc) =	sbr.rel @p0 .LBB2_59-.Ltmp37, $4  }
0x610: {  	vm5 =	vge.s32 v7, v2;
	vm6 =	vlt.s32 v25, $0x280;
	v28 =	vshll.u32 v25, $0x4;
	v27 =	vld [tilespmem:s1+$0x0];
	[tilespmem:v26+s15+$0x0] =	vst.idx.msk vm4, v29  }
0x611: {  	vm4 =	vmand vm6, vm5;
	v26 =	vor.u32 v0, v28;
	v28 =	vshra.s32 v31, $0x1F  }
0x612: {  	s19 =	sadd.s32 $0x30, s23;
	v29 =	vsel vm4, $0x1, v1;
	v32 =	vand.u32 $0x7FFFFFFF, v28  }
0x613: {  	v28 =	vadd.s32 v29, v25;
	v25 =	vxor.u32 v31, v32;
	[tilespmem:v24+s14+$0x0] =	vst.idx.msk vm3, v30;
	v29 =	vor.u32 s19, v0  }
0x614: {  	vm5 =	vge.s32 v25, v2;
	vm6 =	vlt.s32 v28, $0x280;
	v30 =	vld [tilespmem:s1+$0x10]  }
0x615: {  	vm5 =	vmand vm5, vm6;
	v31 =	vshra.s32 v27, $0x1F  }
0x616: {  	v32 =	vsel vm5, $0x1, v1;
	v31 =	vand.u32 $0x7FFFFFFF, v31  }
0x617: {  	v32 =	vadd.s32 v32, v28;
	v49 =	vxor.u32 v27, v31  }
0x618: {  	v55 =	vshll.u32 v28, $0x4;
	vm14 =	vge.s32 v49, v2;
	vm7 =	vlt.s32 v32, $0x280  }
0x619: {  	v28 =	vor.u32 v0, v55;
	vm6 =	vmand vm14, vm7;
	v57 =	vshra.s32 v30, $0x1F  }
0x61a: {  	v33 =	vsel vm6, $0x1, v1;
	v31 =	vand.u32 $0x7FFFFFFF, v57  }
0x61b: {  	v30 =	vxor.u32 v30, v31;
	v60 =	vadd.s32 v33, v32;
	v32 =	vshll.u32 v32, $0x4  }
0x61c: {  	[tilespmem:v24+s15+$0x0] =	vst.idx.msk vm3, v29;
	v61 =	vor.u32 v0, v32;
	vm3 =	vge.s32 v30, v2;
	vm15 =	vlt.s32 v60, $0x280  }
0x61d: {  	s30 =	sadd.s32 $0x40, s23;
	[tilespmem:v26+s14+$0x0] =	vst.idx.msk vm4, v7;
	v7 =	vshll.u32 v60, $0x4;
	vm3 =	vmand vm3, vm15  }
0x61e: {  	s3 =	sadd.s32 $0x10, s30;
	v2 =	vor.u32 s30, v0;
	[tilespmem:v28+s14+$0x0] =	vst.idx.msk vm5, v25;
	v7 =	vor.u32 v0, v7  }
0x61f: {  	[tilespmem:v26+s15+$0x0] =	vst.idx.msk vm4, v2;
	v2 =	vor.u32 s3, v0  }
0x620: {  	s31 =	sadd.s32 $0x20, s30;
	[tilespmem:v28+s15+$0x0] =	vst.idx.msk vm5, v2  }
0x621: {  	v2 =	vor.u32 s31, v0;
	[tilespmem:v61+s14+$0x0] =	vst.idx.msk vm6, v49  }
0x622: {  	s1 =	sadd.s32 $0x30, s30;
	[tilespmem:v61+s15+$0x0] =	vst.idx.msk vm6, v2  }
0x623: {  	v63 =	vor.u32 s1, v0;
	[tilespmem:v7+s14+$0x0] =	vst.idx.msk vm3, v30  }
0x624: {  	s1 =	simm.s32 $0x15040;
	[tilespmem:v7+s15+$0x0] =	vst.idx.msk vm3, v63  }
0x625: {  	[tilespmem:s1+$0xFFFFFFC0] =	vst v1  }
0x626: {  	[tilespmem:s1+$0x30] =	vst v1  }
0x627: {  	p0 =	por $0x1, $0x1;
	[tilespmem:s1+$0x20] =	vst v1  }
.Ltmp38:
0x628: {  	[tilespmem:s1+$0x10] =	vst v1;
	(pc) =	sbr.rel @!p0 .LBB2_62-.Ltmp38, $4  }
0x629: {  	[tilespmem:s1+$0x0] =	vst v1  }
0x62a: {  	[tilespmem:s1+$0xFFFFFFF0] =	vst v1  }
0x62b: {  	v2 =	vsel vm3, $0x1, v1;
	[tilespmem:s1+$0xFFFFFFE0] =	vst v1  }
0x62c: {  	v55 =	vmov v59;
	s3 =	simm.s32 $0x0;
	v49 =	vmov v44;
	v2 =	vadd.s32 v2, v60;
	v59 =	vld [tilespmem:$0x1FEF0]  }
.LBB2_61:
0x62d: {  	s3 =	sadd.s32 $0x8, s3;
	[tilespmem:s1+$0xFFFFFFD0] =	vst v1;
	s1 =	sadd.s32 $0x80, s1  }
0x62e: {  	[tilespmem:s1+$0xFFFFFFC0] =	vst v1;
	p0 =	slt.u32 s3, $0xF8  }
0x62f: {  	[tilespmem:s1+$0x30] =	vst v1  }
.Ltmp39:
0x630: {  	[tilespmem:s1+$0x20] =	vst v1;
	(pc) =	sbr.rel @p0 .LBB2_61-.Ltmp39, $4  }
0x631: {  	[tilespmem:s1+$0x10] =	vst v1  }
0x632: {  	[tilespmem:s1+$0x0] =	vst v1  }
0x633: {  	[tilespmem:s1+$0xFFFFFFF0] =	vst v1  }
0x634: {  	[tilespmem:s1+$0xFFFFFFE0] =	vst v1  }
.LBB2_62:
0x635: {  	s31 =	sadd.s32 $0xFFFFFFFF, s25  }
0x636: {  	v7 =	vmov s31  }
0x637: {  	v6 =	vxor.u32 $0x80000000, v6;
	vm3 =	veq.s32 v7, v0  }
0x638: {  	v4 =	vxor.u32 $0x80000000, v4;
	v6 =	vnsel vm3, $0x0, v6  }
0x639: {  	v4 =	vnsel vm3, $0x0, v4;
	(xrf0) =	vmax.scan.msk.u32 $0xffff, v6  }
0x63a: {  	(xrf0) =	vmax.scan.msk.u32 $0xffff, v4;
	v4 =	vxor.u32 $0x80000000, v2  }
0x63b: {  	(xrf0) =	vmax.scan.msk.u32 $0xffff, v4;
	_ =	sdelay $0x3  }
0x63c: {  	v4, _, _ =	vpop (xrf0)  }
0x63d: {  	v6, _, _ =	vpop (xrf0);
	(v2sf) =	vpush v4, $0xF  }
0x63e: {  	(v2sf) =	vpush v6, $0xF;
	v4, _, _ =	vpop (xrf0)  }
0x63f: {  	(v2sf) =	vpush v4, $0xF;
	_ =	sdelay $0xc  }
0x640: {  	s28 =	spop (v2sf)  }
0x641: {  	s29 =	spop (v2sf)  }
0x642: {  	s25 =	spop (v2sf)  }
0x643: {  	s23 =	sxor.u32 $0x80000000, s25  }
0x644: {  	p0 =	slt.s32 s23, $0x1  }
.Ltmp40:
0x645: {  	[tilespmem:s1+$0xFFFFFFD0] =	vst v1;
	(pc) =	sbr.rel @p0 .LBB2_66-.Ltmp40, $4  }
0x646: {  	v40 =	vld [tilespmem:$0x1FF80]  }
0x647: {  	v48 =	vld [tilespmem:$0x1FF10]  }
0x648: {  	v57 =	vld [tilespmem:$0x1FE90]  }
0x649: {  	v39 =	vmov v14;
	v15 =	vmov v13;
	v14 =	vld [tilespmem:$0x1FF20]  }
0x64a: {  	s1 =	simm.s32 $0x10000  }
0x64b: {  	v6 =	vld [tilespmem:s1+$0x0];
	_ =	sdelay $0x2  }
0x64c: {  	p0 =	sne.s32 s23, $0x1  }
.Ltmp41:
0x64d: {  	s3 =	simm.s32 $0x0;
	(pc) =	sbr.rel @!p0 .LBB2_65-.Ltmp41, $4  }
0x64e: {  	v4 =	vmov s26;
	v7 =	vmov s3;
	v24 =	vshra.s32 v6, $0x18  }
0x64f: {  	vm3 =	vlt.s32 v7, v2;
	v6 =	vshrl.u32 v6, $0xC;
	vm4 =	veq.s32 v24, v4  }
0x650: {  	v6 =	vand.u32 $0xFF0, v6;
	vm3 =	vmand vm3, vm4  }
0x651: {  	s3 =	simm.s32 $0x1;
	v6 =	vor.u32 v0, v6  }
.LBB2_64:
0x652: {  	_ =	sdelay $0x3  }
0x653: {  	[tilespmem:v6+s13+$0x0] =	vst.idx.add.s32.msk vm3, v3;
	s1 =	sadd.s32 $0x10, s1;
	s19 =	smov.u32 s3;
	s3 =	sadd.s32 $0x1, s3  }
0x654: {  	v6 =	vld [tilespmem:s1+$0x0];
	p0 =	sne.s32 s23, s3;
	_ =	sdelay $0x3  }
.Ltmp42:
0x655: {  	(pc) =	sbr.rel @p0 .LBB2_64-.Ltmp42, $4  }
0x656: {  	v7 =	vmov s19;
	v24 =	vshra.s32 v6, $0x18;
	v6 =	vshrl.u32 v6, $0xC  }
0x657: {  	vm3 =	vlt.s32 v7, v2;
	vm4 =	veq.s32 v24, v4;
	v6 =	vand.u32 $0xFF0, v6  }
0x658: {  	vm3 =	vmand vm3, vm4  }
0x659: {  	v6 =	vor.u32 v0, v6  }
.LBB2_65:
0x65a: {  	_ =	sdelay $0x4  }
0x65b: {  	[tilespmem:v6+s13+$0x0] =	vst.idx.add.s32.msk vm3, v3  }
.LBB2_66:
0x65c: {  	v38 =	vld [tilespmem:$0x1FE00];
	_ =	sdelay $0x3  }
0x65d: {  	s19 =	simm.s32 $0x0;
	v13 =	vld [tilespmem:$0x1FCB0]  }
0x65e: {  	v6 =	vor.u32 s19, v17;
	v4 =	vor.u32 s19, v38  }
0x65f: {  	v4 =	vand.u32 v56, v4  }
0x660: {  	v7 =	vor.u32 s19, v18  }
0x661: {  	v24 =	vor.u32 s19, v16  }
0x662: {  	v25 =	vor.u32 s19, v13  }
0x663: {  	v26 =	vor.u32 s19, v50;
	v6 =	vld.idx.msk [tilespmem:v6+s13+$0x0], $0xffff  }
0x664: {  	v27 =	vor.u32 s19, v15;
	v4 =	vld.idx.msk [tilespmem:v4+s13+$0x0], $0xffff  }
0x665: {  	v28 =	vor.u32 s19, v23;
	v7 =	vld.idx.msk [tilespmem:v7+s13+$0x0], $0xffff  }
0x666: {  	v29 =	vor.u32 s19, v5;
	v24 =	vld.idx.msk [tilespmem:v24+s13+$0x0], $0xffff  }
0x667: {  	v30 =	vor.u32 s19, v10;
	v25 =	vld.idx.msk [tilespmem:v25+s13+$0x0], $0xffff  }
0x668: {  	v31 =	vor.u32 s19, v19;
	v26 =	vld.idx.msk [tilespmem:v26+s13+$0x0], $0xffff  }
0x669: {  	v32 =	vor.u32 s19, v47;
	v27 =	vld.idx.msk [tilespmem:v27+s13+$0x0], $0xffff;
	v4 =	vadd.s32 v4, v6  }
0x66a: {  	v6 =	vld.idx.msk [tilespmem:v28+s13+$0x0], $0xffff;
	v28 =	vor.u32 s19, v11;
	v4 =	vadd.s32 v7, v4  }
0x66b: {  	v7 =	vld.idx.msk [tilespmem:v29+s13+$0x0], $0xffff;
	v29 =	vor.u32 s19, v52;
	v4 =	vadd.s32 v24, v4  }
0x66c: {  	v24 =	vld.idx.msk [tilespmem:v30+s13+$0x0], $0xffff;
	v30 =	vor.u32 s19, v54;
	v4 =	vadd.s32 v25, v4  }
0x66d: {  	v25 =	vld.idx.msk [tilespmem:v31+s13+$0x0], $0xffff;
	v31 =	vor.u32 s19, v53;
	v4 =	vadd.s32 v26, v4  }
0x66e: {  	v26 =	vld.idx.msk [tilespmem:v32+s13+$0x0], $0xffff;
	v4 =	vadd.s32 v27, v4  }
0x66f: {  	v27 =	vld.idx.msk [tilespmem:v28+s13+$0x0], $0xffff;
	v4 =	vadd.s32 v6, v4  }
0x670: {  	v6 =	vld.idx.msk [tilespmem:v29+s13+$0x0], $0xffff;
	v4 =	vadd.s32 v7, v4  }
0x671: {  	v7 =	vld.idx.msk [tilespmem:v30+s13+$0x0], $0xffff;
	v4 =	vadd.s32 v24, v4  }
0x672: {  	v24 =	vld.idx.msk [tilespmem:v31+s13+$0x0], $0xffff;
	v4 =	vadd.s32 v25, v4  }
0x673: {  	s3 =	simm.s32 $0x100;
	v4 =	vadd.s32 v26, v4  }
0x674: {  	v25 =	vor.u32 s3, v38;
	v26 =	vor.u32 s3, v17;
	v4 =	vadd.s32 v27, v4  }
0x675: {  	v25 =	vand.u32 v56, v25;
	v4 =	vadd.s32 v6, v4  }
0x676: {  	v6 =	vor.u32 s3, v18;
	v4 =	vadd.s32 v7, v4  }
0x677: {  	s1 =	simm.s32 $0x19000;
	v7 =	vor.u32 s3, v16;
	v4 =	vadd.s32 v24, v4  }
0x678: {  	v24 =	vor.u32 s3, v13;
	[tilespmem:s1+$0x0] =	vst v4  }
0x679: {  	(xrf0) =	vadd.scan.msk.s32 $0xffff, v4;
	v4 =	vld.idx.msk [tilespmem:v26+s13+$0x0], $0xffff;
	v26 =	vor.u32 s3, v50  }
0x67a: {  	v28 =	vld.idx.msk [tilespmem:v25+s13+$0x0], $0xffff;
	v25 =	vor.u32 s3, v15  }
0x67b: {  	v29 =	vor.u32 s3, v23;
	v31 =	vld.idx.msk [tilespmem:v6+s13+$0x0], $0xffff  }
0x67c: {  	v30 =	vor.u32 s3, v5;
	v33 =	vld.idx.msk [tilespmem:v7+s13+$0x0], $0xffff  }
0x67d: {  	v61 =	vor.u32 s3, v10;
	v6 =	vld.idx.msk [tilespmem:v24+s13+$0x0], $0xffff  }
0x67e: {  	v7 =	vld.idx.msk [tilespmem:v26+s13+$0x0], $0xffff;
	v26 =	vor.u32 s3, v19  }
0x67f: {  	v34 =	vimm.s32 $0x0;
	v36 =	vmov s19;
	v27 =	vor.u32 s3, v47;
	v35, _, _ =	vpop (xrf0);
	v24 =	vld.idx.msk [tilespmem:v25+s13+$0x0], $0xffff  }
0x680: {  	v25 =	vld.idx.msk [tilespmem:v29+s13+$0x0], $0xffff;
	v29 =	vor.u32 s3, v11;
	v4 =	vadd.s32 v28, v4;
	v35 =	vbroadcast v35, $0xF  }
0x681: {  	s26 =	sxor.u32 $0x7FFFFFFF, s28;
	s28 =	sxor.u32 $0x80000000, s29;
	vm3 =	veq.s32 v36, v0;
	v28 =	vld.idx.msk [tilespmem:v30+s13+$0x0], $0xffff;
	v30 =	vor.u32 s3, v52;
	v63 =	vadd.s32 v31, v4  }
0x682: {  	s30 =	simm.s32 $0x1;
	s29 =	simm.s32 $0x2;
	s19 =	simm.s32 $0x3;
	v32 =	vor.u32 s3, v54;
	v31 =	vld.idx.msk [tilespmem:v61+s13+$0x0], $0xffff;
	v33 =	vadd.s32 v33, v63;
	v4 =	vsel vm3, v35, v34  }
.LBB2_67:
0x683: {  	p0 =	sne.s32 s19, $0xF;
	v26 =	vld.idx.msk [tilespmem:v26+s13+$0x0], $0xffff;
	v34 =	vor.u32 s3, v53;
	v6 =	vadd.s32 v6, v33  }
0x684: {  	v27 =	vld.idx.msk [tilespmem:v27+s13+$0x0], $0xffff;
	v6 =	vadd.s32 v7, v6  }
0x685: {  	v7 =	vld.idx.msk [tilespmem:v29+s13+$0x0], $0xffff;
	v6 =	vadd.s32 v24, v6  }
0x686: {  	v24 =	vld.idx.msk [tilespmem:v30+s13+$0x0], $0xffff;
	v6 =	vadd.s32 v25, v6  }
0x687: {  	v25 =	vld.idx.msk [tilespmem:v32+s13+$0x0], $0xffff;
	v6 =	vadd.s32 v28, v6  }
0x688: {  	v28 =	vld.idx.msk [tilespmem:v34+s13+$0x0], $0xffff;
	v6 =	vadd.s32 v31, v6  }
0x689: {  	v6 =	vadd.s32 v26, v6  }
0x68a: {  	s3 =	sadd.s32 $0x100, s3;
	v6 =	vadd.s32 v27, v6  }
0x68b: {  	v26 =	vor.u32 s3, v38;
	v27 =	vor.u32 s3, v17;
	v6 =	vadd.s32 v7, v6  }
0x68c: {  	v7 =	vand.u32 v56, v26;
	v6 =	vadd.s32 v24, v6  }
0x68d: {  	v24 =	vor.u32 s3, v18;
	v6 =	vadd.s32 v25, v6  }
0x68e: {  	s1 =	sadd.s32 $0x10, s1;
	v25 =	vor.u32 s3, v16;
	v6 =	vadd.s32 v28, v6  }
0x68f: {  	v26 =	vor.u32 s3, v13;
	[tilespmem:s1+$0x0] =	vst v6;
	(xrf0) =	vadd.scan.msk.s32 $0xffff, v6  }
0x690: {  	v28 =	vld.idx.msk [tilespmem:v27+s13+$0x0], $0xffff;
	v27 =	vor.u32 s3, v50  }
0x691: {  	v29 =	vor.u32 s3, v15;
	v30 =	vld.idx.msk [tilespmem:v7+s13+$0x0], $0xffff  }
0x692: {  	v32 =	vor.u32 s3, v23;
	v31 =	vld.idx.msk [tilespmem:v24+s13+$0x0], $0xffff  }
0x693: {  	v34 =	vor.u32 s3, v5;
	v33 =	vld.idx.msk [tilespmem:v25+s13+$0x0], $0xffff  }
0x694: {  	v35 =	vor.u32 s3, v10;
	v6 =	vld.idx.msk [tilespmem:v26+s13+$0x0], $0xffff  }
.Ltmp43:
0x695: {  	v26 =	vor.u32 s3, v19;
	v7 =	vld.idx.msk [tilespmem:v27+s13+$0x0], $0xffff;
	v25, _, _ =	vpop (xrf0);
	(pc) =	sbr.rel @p0 .LBB2_67-.Ltmp43, $4  }
0x696: {  	v36 =	vmov s30;
	s30 =	smov.u32 s29;
	s29 =	smov.u32 s19;
	v27 =	vor.u32 s3, v47;
	v24 =	vld.idx.msk [tilespmem:v29+s13+$0x0], $0xffff;
	v37 =	vbroadcast v25, $0xF  }
0x697: {  	vm3 =	veq.s32 v36, v0;
	v29 =	vor.u32 s3, v11;
	v25 =	vld.idx.msk [tilespmem:v32+s13+$0x0], $0xffff;
	v32 =	vadd.s32 v30, v28  }
0x698: {  	v30 =	vor.u32 s3, v52;
	v28 =	vld.idx.msk [tilespmem:v34+s13+$0x0], $0xffff;
	v34 =	vadd.s32 v31, v32;
	v4 =	vsel vm3, v37, v4  }
0x699: {  	s19 =	sadd.s32 $0x1, s19;
	v32 =	vor.u32 s3, v54;
	v31 =	vld.idx.msk [tilespmem:v35+s13+$0x0], $0xffff;
	v33 =	vadd.s32 v33, v34  }
0x69a: {  	_ =	sdelay $0x2  }
0x69b: {  	v6 =	vadd.s32 v6, v33  }
0x69c: {  	v26 =	vld.idx.msk [tilespmem:v26+s13+$0x0], $0xffff;
	v60 =	vor.u32 s3, v53;
	v6 =	vadd.s32 v7, v6  }
0x69d: {  	v7 =	vld.idx.msk [tilespmem:v27+s13+$0x0], $0xffff;
	v6 =	vadd.s32 v24, v6  }
0x69e: {  	v61 =	vld.idx.msk [tilespmem:v29+s13+$0x0], $0xffff;
	v6 =	vadd.s32 v25, v6  }
0x69f: {  	v63 =	vld.idx.msk [tilespmem:v30+s13+$0x0], $0xffff;
	v6 =	vadd.s32 v28, v6  }
0x6a0: {  	v32 =	vld.idx.msk [tilespmem:v32+s13+$0x0], $0xffff;
	v6 =	vadd.s32 v31, v6  }
0x6a1: {  	v33 =	vld.idx.msk [tilespmem:v60+s13+$0x0], $0xffff;
	v6 =	vadd.s32 v26, v6  }
0x6a2: {  	s19 =	sadd.s32 $0x100, s3;
	v6 =	vadd.s32 v7, v6  }
0x6a3: {  	v34 =	vor.u32 s19, v17;
	v7 =	vor.u32 s19, v38;
	v6 =	vadd.s32 v61, v6  }
0x6a4: {  	v7 =	vand.u32 v56, v7;
	v6 =	vadd.s32 v63, v6  }
0x6a5: {  	v35 =	vor.u32 s19, v18;
	v6 =	vadd.s32 v32, v6  }
0x6a6: {  	s1 =	sadd.s32 $0x10, s1;
	v36 =	vor.u32 s19, v16;
	v6 =	vadd.s32 v33, v6  }
0x6a7: {  	v37 =	vor.u32 s19, v13;
	[tilespmem:s1+$0x0] =	vst v6  }
0x6a8: {  	v38 =	vor.u32 s19, v50;
	v26 =	vld.idx.msk [tilespmem:v34+s13+$0x0], $0xffff  }
0x6a9: {  	v42 =	vor.u32 s19, v15;
	v7 =	vld.idx.msk [tilespmem:v7+s13+$0x0], $0xffff  }
0x6aa: {  	v44 =	vor.u32 s19, v23;
	v24 =	vld.idx.msk [tilespmem:v35+s13+$0x0], $0xffff  }
0x6ab: {  	v60 =	vor.u32 s19, v5;
	v25 =	vld.idx.msk [tilespmem:v36+s13+$0x0], $0xffff  }
0x6ac: {  	v61 =	vor.u32 s19, v10;
	v27 =	vld.idx.msk [tilespmem:v37+s13+$0x0], $0xffff  }
0x6ad: {  	v63 =	vor.u32 s19, v19;
	v28 =	vld.idx.msk [tilespmem:v38+s13+$0x0], $0xffff  }
0x6ae: {  	v29 =	vld.idx.msk [tilespmem:v42+s13+$0x0], $0xffff;
	v34 =	vor.u32 s19, v47;
	v7 =	vadd.s32 v7, v26  }
0x6af: {  	v36 =	vld.idx.msk [tilespmem:v44+s13+$0x0], $0xffff;
	v37 =	vor.u32 s19, v11;
	v7 =	vadd.s32 v24, v7  }
0x6b0: {  	v38 =	vld.idx.msk [tilespmem:v60+s13+$0x0], $0xffff;
	v42 =	vor.u32 s19, v52;
	v7 =	vadd.s32 v25, v7  }
0x6b1: {  	v44 =	vld.idx.msk [tilespmem:v61+s13+$0x0], $0xffff;
	v60 =	vor.u32 s19, v54;
	v7 =	vadd.s32 v27, v7  }
0x6b2: {  	v61 =	vld.idx.msk [tilespmem:v63+s13+$0x0], $0xffff;
	v63 =	vor.u32 s19, v53;
	v7 =	vadd.s32 v28, v7  }
0x6b3: {  	v34 =	vld.idx.msk [tilespmem:v34+s13+$0x0], $0xffff;
	v7 =	vadd.s32 v29, v7  }
0x6b4: {  	v35 =	vld.idx.msk [tilespmem:v37+s13+$0x0], $0xffff;
	v7 =	vadd.s32 v36, v7  }
0x6b5: {  	v36 =	vld.idx.msk [tilespmem:v42+s13+$0x0], $0xffff;
	v7 =	vadd.s32 v38, v7  }
0x6b6: {  	v37 =	vld.idx.msk [tilespmem:v60+s13+$0x0], $0xffff;
	v7 =	vadd.s32 v44, v7  }
0x6b7: {  	v38 =	vld.idx.msk [tilespmem:v63+s13+$0x0], $0xffff;
	v7 =	vadd.s32 v61, v7  }
0x6b8: {  	v7 =	vadd.s32 v34, v7  }
0x6b9: {  	v7 =	vadd.s32 v35, v7  }
0x6ba: {  	v7 =	vadd.s32 v36, v7  }
0x6bb: {  	v7 =	vadd.s32 v37, v7  }
0x6bc: {  	(xrf0) =	vadd.scan.msk.s32 $0xffff, v6;
	v6 =	vadd.s32 v38, v7  }
0x6bd: {  	(xrf0) =	vadd.scan.msk.s32 $0xffff, v6;
	_ =	sdelay $0x4  }
0x6be: {  	v13 =	vld [tilespmem:$0x1FC00];
	v7, _, _ =	vpop (xrf0)  }
0x6bf: {  	v42 =	vmov s30;
	v7 =	vbroadcast v7, $0xF;
	v44, _, _ =	vpop (xrf0)  }
0x6c0: {  	v60 =	vmov s29;
	vm3 =	veq.s32 v42, v0;
	v25 =	vbroadcast v44, $0xF  }
0x6c1: {  	v4 =	vsel vm3, v7, v4;
	vm3 =	veq.s32 v60, v0  }
0x6c2: {  	v4 =	vsel vm3, v25, v4  }
0x6c3: {  	v7 =	vperm.xlane v4, v13;
	_ =	sdelay $0x1  }
0x6c4: {  	(xrf0) =	vadd.scan.msk.s32 $0xffff, v7;
	_ =	sdelay $0x5  }
0x6c5: {  	v7, _, _ =	vpop (xrf0)  }
0x6c6: {  	s30 =	sadd.s32 s28, s26;
	v7 =	vperm.xlane v7, v13  }
0x6c7: {  	s3 =	sadd.s32 $0x1F, s30  }
0x6c8: {  	vm3 =	vge.s32 v7, s3  }
0x6c9: {  	v61 =	vsel vm3, $0x1, v1  }
0x6ca: {  	(xrf0) =	vadd.scan.msk.s32 $0xffff, v61;
	_ =	sdelay $0x5  }
0x6cb: {  	v24, _, _ =	vpop (xrf0)  }
0x6cc: {  	(v2sf) =	vpush v24, $0xF;
	_ =	sdelay $0xe  }
0x6cd: {  	s19 =	spop (v2sf)  }
0x6ce: {  	s19 =	sadd.s32 $0xFFFFFFFF, s19  }
0x6cf: {  	v63 =	vmov s19  }
0x6d0: {  	v7 =	vxor.u32 $0x80000000, v7;
	vm3 =	veq.s32 v63, v0  }
0x6d1: {  	v4 =	vxor.u32 $0x80000000, v4;
	v7 =	vnsel vm3, $0x0, v7  }
0x6d2: {  	v4 =	vnsel vm3, $0x0, v4;
	(xrf0) =	vmax.scan.msk.u32 $0xffff, v7  }
0x6d3: {  	(xrf0) =	vmax.scan.msk.u32 $0xffff, v4;
	_ =	sdelay $0x4  }
0x6d4: {  	v4, _, _ =	vpop (xrf0)  }
0x6d5: {  	(v2sf) =	vpush v4, $0xF;
	v4, _, _ =	vpop (xrf0)  }
0x6d6: {  	s1 =	sadd.s32 $0x10, s1;
	(v2sf) =	vpush v4, $0xF  }
0x6d7: {  	[tilespmem:s1+$0x0] =	vst v6;
	s31 =	sshll.u32 s19, $0x4  }
0x6d8: {  	v4 =	vld [tilespmem:s31+$0x19000];
	_ =	sdelay $0x4  }
0x6d9: {  	v4 =	vperm.xlane v4, v13;
	_ =	sdelay $0x1  }
0x6da: {  	(xrf0) =	vadd.scan.msk.s32 $0xffff, v4;
	_ =	sdelay $0x4  }
0x6db: {  	s28 =	spop (v2sf)  }
0x6dc: {  	v4, _, _ =	vpop (xrf0);
	s29 =	spop (v2sf)  }
0x6dd: {  	v4 =	vperm.xlane v4, v13;
	s19 =	sxor.u32 $0x80000000, s28;
	s26 =	sxor.u32 $0x80000000, s29  }
0x6de: {  	s19 =	ssub.s32 s19, s26  }
0x6df: {  	v4 =	vadd.s32 s19, v4  }
0x6e0: {  	vm3 =	vge.s32 v4, s3  }
0x6e1: {  	v4 =	vsel vm3, $0x1, v1  }
0x6e2: {  	(xrf0) =	vadd.scan.msk.s32 $0xffff, v4;
	_ =	sdelay $0x5  }
0x6e3: {  	v4, _, _ =	vpop (xrf0)  }
0x6e4: {  	(v2sf) =	vpush v4, $0xF;
	_ =	sdelay $0xe  }
0x6e5: {  	s30 =	spop (v2sf)  }
0x6e6: {  	s1 =	sadd.s32 s31, s30;
	s31 =	sshrl.u32 s23, $0x1F  }
0x6e7: {  	s1 =	sshll.u32 s1, $0x10;
	s3 =	sadd.s32 s31, s23  }
0x6e8: {  	s1 =	sadd.s32 s1, s24;
	s24 =	sand.u32 $0xFFFFFFFE, s3  }
0x6e9: {  	p0 =	slt.s32 s24, $0x1  }
.Ltmp44:
0x6ea: {  	_ = 	snop;
	(pc) =	sbr.rel @p0 .LBB2_69-.Ltmp44, $3  }
0x6eb: {  	_ =	sdelay $0x1  }
0x6ec: {  	s1 =	sadd.s32 $0xFFFF0000, s1  }
0x6ed: {  	v13 =	vmov v15;
	v6 =	vmov s1  }
0x6ee: {  	s26 =	simm.s32 $0x10010  }
0x6ef: {  	p1 =	sgt.s32 s24, $0x2;
	v28 =	vld [tilespmem:s26+$0xFFFFFFF0]  }
.Ltmp45:
0x6f0: {  	_ = 	snop;
	(pc) =	sbr.rel @!p1 .LBB2_86-.Ltmp45, $4  }
0x6f1: {  	s19 =	simm.s32 $0x0;
	v7 =	vld [tilespmem:s26+$0x0]  }
0x6f2: {  	v25 =	vimm.s32 $0x0;
	v4 =	vmov s19  }
0x6f3: {  	vm5 =	vlt.s32 v25, $0x20;
	vm3 =	vlt.s32 v4, v2;
	v4 =	vshll.u32 v25, $0x4  }
0x6f4: {  	s1 =	simm.s32 $0x12810;
	v15 =	vmovc v39;
	v44 =	vmovc v46;
	s3 =	simm.s32 $0x2;
	p0 =	por $0x0, $0x0;
	vm5 =	vmand vm3, vm5;
	v4 =	vor.u32 v0, v4;
	vm4 =	vge.s32 v28, v6  }
0x6f5: {  	vm4 =	vmand vm5, vm4  }
0x6f6: {  	s19 =	simm.s32 $0x1;
	v24 =	vsel vm4, $0x1, v1  }
0x6f7: {  	v26 =	vld [tilespmem:s1+$0xFFFFFFF0];
	v25 =	vadd.s32 v24, v25;
	v24 =	vmov s19  }
0x6f8: {  	s19 =	simm.s32 $0x10030;
	vm3 =	vlt.s32 v24, v2;
	vm5 =	vlt.s32 v25, $0x20  }
0x6f9: {  	p1 =	sgt.s32 s24, $0x4;
	vm6 =	vge.s32 v7, v6;
	v27 =	vld [tilespmem:s19+$0xFFFFFFF0];
	vm3 =	vmand vm3, vm5  }
.Ltmp46:
0x6fa: {  	v24 =	vshll.u32 v25, $0x4;
	vm3 =	vmand vm3, vm6;
	(pc) =	sbr.rel @!p1 .LBB2_88-.Ltmp46, $4  }
0x6fb: {  	v24 =	vor.u32 v0, v24;
	v29 =	vsel vm3, $0x1, v1;
	[tilespmem:v4+s16+$0x0] =	vst.idx.msk vm4, v28  }
0x6fc: {  	v28 =	vmov s3;
	v25 =	vadd.s32 v29, v25;
	[tilespmem:v4+s17+$0x0] =	vst.idx.msk vm4, v26;
	v26 =	vld [tilespmem:s1+$0x0]  }
0x6fd: {  	vm5 =	vlt.s32 v28, v2;
	vm6 =	vlt.s32 v25, $0x20;
	v4 =	vshll.u32 v25, $0x4  }
0x6fe: {  	s28 =	simm.s32 $0x4;
	p0 =	por $0x1, $0x1;
	s26 =	simm.s32 $0x12810;
	v28 =	vld [tilespmem:s19+$0x0];
	vm4 =	vge.s32 v27, v6;
	vm5 =	vmand vm5, vm6;
	v4 =	vor.u32 v0, v4  }
.LBB2_89:
0x6ff: {  	vm4 =	vmand vm5, vm4;
	s29 =	smov.u32 s28;
	s28 =	sadd.s32 $0x2, s28  }
0x700: {  	s3 =	sadd.s32 $0x1, s3;
	s26 =	sadd.s32 $0x20, s26;
	p1 =	slt.s32 s28, s24;
	v29 =	vsel vm4, $0x1, v1;
	[tilespmem:v24+s16+$0x0] =	vst.idx.msk vm3, v7  }
0x701: {  	v12 =	vmov s3;
	s3 =	smov.u32 s29;
	v30 =	vld [tilespmem:s26+$0xFFFFFFF0];
	v25 =	vadd.s32 v29, v25;
	[tilespmem:v24+s17+$0x0] =	vst.idx.msk vm3, v26  }
0x702: {  	s19 =	sadd.s32 $0x20, s19;
	vm3 =	vlt.s32 v12, v2;
	vm5 =	vlt.s32 v25, $0x20;
	v8 =	vshll.u32 v25, $0x4  }
0x703: {  	v29 =	vld [tilespmem:s19+$0xFFFFFFF0];
	vm6 =	vge.s32 v28, v6;
	vm3 =	vmand vm3, vm5;
	v24 =	vor.u32 v0, v8;
	v7 =	vmovc v28  }
.Ltmp47:
0x704: {  	vm3 =	vmand vm3, vm6;
	(pc) =	sbr.rel @p1 .LBB2_89-.Ltmp47, $4  }
0x705: {  	[tilespmem:v4+s16+$0x0] =	vst.idx.msk vm4, v27;
	v27 =	vsel vm3, $0x1, v1  }
0x706: {  	v28 =	vmov s3;
	[tilespmem:v4+s17+$0x0] =	vst.idx.msk vm4, v30;
	v26 =	vld [tilespmem:s26+$0x0];
	v25 =	vadd.s32 v27, v25  }
0x707: {  	vm5 =	vlt.s32 v28, v2;
	vm6 =	vlt.s32 v25, $0x20;
	v4 =	vshll.u32 v25, $0x4  }
0x708: {  	vm4 =	vge.s32 v29, v6;
	vm5 =	vmand vm5, vm6;
	v4 =	vor.u32 v0, v4;
	v28 =	vld [tilespmem:s19+$0x0];
	v27 =	vmovc v29  }
0x709: {  	_ =	sdelay $0x3  }
0x70a: {  	v29 =	vmov v7;
	s19 =	smov.u32 s3;
	v7 =	vmov v28;
	v28 =	vmov v27  }
.LBB2_91:
0x70b: {  	vm4 =	vmand vm5, vm4  }
0x70c: {  	s3 =	sadd.s32 $0x1, s19;
	v27 =	vsel vm4, $0x1, v1  }
0x70d: {  	v60 =	vmov s3;
	v25 =	vadd.s32 v27, v25  }
0x70e: {  	s3 =	sadd.s32 @p0 $0x20, s26;
	vm14 =	vlt.s32 v60, v2;
	vm6 =	vlt.s32 v25, $0x20  }
0x70f: {  	vm15 =	vge.s32 v7, v6;
	s1 =	smov.u32 @p0 s3;
	vm5 =	vmand vm14, vm6  }
0x710: {  	v61 =	vld [tilespmem:s1+$0xFFFFFFF0];
	v30 =	vshll.u32 v25, $0x4;
	vm5 =	vmand vm5, vm15  }
0x711: {  	v30 =	vor.u32 v0, v30  }
0x712: {  	[tilespmem:v24+s16+$0x0] =	vst.idx.msk @p0 vm3, v29;
	v63 =	vld [tilespmem:s1+$0x0]  }
.Ltmp48:
0x713: {  	[tilespmem:v24+s17+$0x0] =	vst.idx.msk @p0 vm3, v26;
	(pc) =	sbr.rel .LBB2_70-.Ltmp48, $4  }
0x714: {  	[tilespmem:v4+s16+$0x0] =	vst.idx.msk vm4, v28  }
0x715: {  	[tilespmem:v4+s17+$0x0] =	vst.idx.msk vm4, v61  }
0x716: {  	v4 =	vsel vm5, $0x1, v1;
	[tilespmem:v30+s16+$0x0] =	vst.idx.msk vm5, v7  }
0x717: {  	v4 =	vadd.s32 v4, v25;
	[tilespmem:v30+s17+$0x0] =	vst.idx.msk vm5, v63  }
.LBB2_69:
0x718: {  	v4 =	vimm.s32 $0x0;
	v15 =	vmov v39;
	v44 =	vmov v46  }
.LBB2_70:
0x719: {  	p0 =	sge.s32 s24, s23  }
.Ltmp49:
0x71a: {  	_ = 	snop;
	(pc) =	sbr.rel @p0 .LBB2_73-.Ltmp49, $1  }
0x71b: {  	_ =	sdelay $0x3  }
0x71c: {  	s1 =	ssub.s32 s23, s24  }
0x71d: {  	s3 =	sshll.u32 s25, $0x6;
	s19 =	sshll.u32 s1, $0x6  }
0x71e: {  	s3 =	ssub.s32 s3, s19  }
0x71f: {  	s19 =	sshra.s32 s3, $0x2  }
0x720: {  	s1 =	ssub.s32 $0x0, s1;
	s3 =	sadd.s32 $0x10000, s19;
	s19 =	sadd.s32 $0x12800, s19  }
.LBB2_72:
0x721: {  	v7 =	vld [tilespmem:s3+$0x0];
	_ =	sdelay $0x1  }
0x722: {  	s24 =	sadd.s32 s1, s23  }
0x723: {  	v24 =	vmov s24  }
0x724: {  	vm4 =	vlt.s32 v4, $0x20;
	vm3 =	vlt.s32 v24, v2  }
0x725: {  	vm3 =	vmand vm3, vm4;
	vm5 =	vge.s32 v7, v6  }
0x726: {  	v63 =	vshll.u32 v4, $0x4;
	vm3 =	vmand vm3, vm5  }
0x727: {  	s1 =	sadd.s32 $0x1, s1;
	v24 =	vor.u32 v0, v63  }
0x728: {  	v25 =	vld [tilespmem:s19+$0x0];
	p0 =	seq.s32 s1, $0x0  }
.Ltmp50:
0x729: {  	_ = 	snop;
	(pc) =	sbr.rel @!p0 .LBB2_72-.Ltmp50, $3  }
0x72a: {  	_ =	sdelay $0x1  }
0x72b: {  	[tilespmem:v24+s16+$0x0] =	vst.idx.msk vm3, v7;
	v7 =	vsel vm3, $0x1, v1  }
0x72c: {  	s3 =	sadd.s32 $0x10, s3;
	s19 =	sadd.s32 $0x10, s19;
	[tilespmem:v24+s17+$0x0] =	vst.idx.msk vm3, v25;
	v4 =	vadd.s32 v7, v4  }
.LBB2_73:
0x72d: {  	v2 =	vxor.u32 $0x80000000, v4  }
0x72e: {  	(xrf0) =	vmax.scan.msk.u32 $0xffff, v2;
	_ =	sdelay $0x5  }
0x72f: {  	v2, _, _ =	vpop (xrf0)  }
0x730: {  	(v2sf) =	vpush v2, $0xF;
	_ =	sdelay $0xe  }
0x731: {  	s1 =	spop (v2sf)  }
0x732: {  	s23 =	sxor.u32 $0x80000000, s1  }
0x733: {  	s3 =	sshrl.u32 s23, $0x1F  }
0x734: {  	s3 =	sadd.s32 s3, s23  }
0x735: {  	s24 =	sand.u32 $0xFFFFFFFE, s3  }
.Ltmp51:
0x736: {  	s3 =	ssub.s32 s23, s24;
	(pc) =	sbr.rel .LBB2_74-.Ltmp51, $4  }
0x737: {  	s29 =	simm.s32 $0x0;
	s1 =	sshll.u32 s1, $0x6;
	s19 =	sshll.u32 s3, $0x6  }
0x738: {  	p0 =	slt.s32 s24, $0x1;
	p1 =	sge.s32 s24, s23;
	s1 =	ssub.s32 s1, s19  }
0x739: {  	v7 =	vimm.s32 $0x0;
	s25 =	ssub.s32 $0x0, s3;
	s3 =	simm.s32 $0xFFFFFFFF;
	s1 =	sshra.s32 s1, $0x2  }
0x73a: {  	v6 =	vimm.s32 $0xFFFFFFFF;
	v24 =	vimm.s32 $0x0;
	v2 =	vimm.s32 $0xFFFFFFFF;
	s26 =	sadd.s32 $0x19100, s1;
	s28 =	sadd.s32 $0x19300, s1;
	s1 =	simm.s32 $0x7FFFFFFF  }
.LBB2_79:
0x73b: {  	v25 =	vxor.u32 $0x80000000, v28  }
0x73c: {  	(xrf0) =	vmax.scan.msk.u32 $0xffff, v25;
	_ =	sdelay $0x5  }
0x73d: {  	v25, _, _ =	vpop (xrf0)  }
0x73e: {  	(v2sf) =	vpush v25, $0xF;
	_ =	sdelay $0xe  }
0x73f: {  	s1 =	spop (v2sf)  }
0x740: {  	s1 =	sxor.u32 $0x80000000, s1  }
0x741: {  	v25 =	vxor.u32 $0x80000000, v27;
	vm3 =	veq.s32 v28, s1  }
0x742: {  	v25 =	vnsel vm3, $0xFFFFFFFF, v25  }
0x743: {  	(xrf0) =	vmin.scan.msk.u32 $0xffff, v25;
	_ =	sdelay $0x5  }
0x744: {  	v25, _, _ =	vpop (xrf0)  }
0x745: {  	(v2sf) =	vpush v25, $0xF;
	_ =	sdelay $0xa  }
0x746: {  	s3 =	sadd.s32 $0xFFFFFFF0, s29;
	v25 =	vmov s29;
	s29 =	sadd.s32 $0x1, s29  }
0x747: {  	p2 =	sne.s32 s29, $0x1E  }
.Ltmp52:
0x748: {  	_ = 	snop;
	(pc) =	sbr.rel @!p2 .LBB2_80-.Ltmp52, $4  }
0x749: {  	_ = 	snop  }
0x74a: {  	vm3 =	veq.s32 v25, v0;
	v25 =	vmov s3;
	s19 =	spop (v2sf)  }
0x74b: {  	vm4 =	veq.s32 v25, v0;
	v24 =	vsel vm3, s1, v24;
	s3 =	sxor.u32 $0x80000000, s19  }
0x74c: {  	v7 =	vsel vm4, s1, v7;
	v6 =	vsel vm3, s3, v6;
	v2 =	vsel vm4, s3, v2  }
.LBB2_74:
.Ltmp53:
0x74d: {  	(pc) =	sbr.rel @p0 .LBB2_75-.Ltmp53, $2  }
0x74e: {  	_ =	sdelay $0x2  }
0x74f: {  	v25 =	vmov s1;
	v26 =	vmov s3  }
0x750: {  	s19 =	simm.s32 $0x19110  }
0x751: {  	s1 =	simm.s32 $0x19310;
	v31 =	vld [tilespmem:s19+$0xFFFFFFF0]  }
0x752: {  	v32 =	vld [tilespmem:s1+$0xFFFFFFF0];
	_ =	sdelay $0x1  }
0x753: {  	v27 =	vld [tilespmem:s1+$0x0]  }
0x754: {  	s3 =	simm.s32 $0x0;
	v28 =	vld [tilespmem:s19+$0x0]  }
0x755: {  	v29 =	vimm.s32 $0x80000000;
	v30 =	vimm.s32 $0x7FFFFFFF;
	s31 =	simm.s32 $0x1;
	v33 =	vmov s3  }
0x756: {  	p2 =	sgt.s32 s24, $0x2;
	v34 =	vmov s31;
	vm3 =	veq.s32 v31, v25;
	vm4 =	vgt.s32 v32, v26  }
.Ltmp54:
0x757: {  	vm5 =	vlt.s32 v33, v4;
	vm6 =	vlt.s32 v31, v25;
	vm3 =	vmand vm3, vm4;
	(pc) =	sbr.rel @!p2 .LBB2_94-.Ltmp54, $4  }
0x758: {  	vm7 =	vgt.s32 v27, v26;
	vm4 =	vmor vm6, vm3;
	vm3 =	vlt.s32 v34, v4  }
0x759: {  	vm6 =	vlt.s32 v28, v25;
	vm4 =	vmand vm5, vm4;
	vm5 =	veq.s32 v28, v25  }
0x75a: {  	v31 =	vnsel vm4, $0x80000000, v31;
	v32 =	vnsel vm4, $0x7FFFFFFF, v32;
	vm7 =	vmand vm5, vm7  }
0x75b: {  	s3 =	simm.s32 $0x2;
	s19 =	simm.s32 $0x19130;
	vm4 =	veq.s32 v31, v29;
	vm5 =	vlt.s32 v32, v30;
	vm6 =	vmor vm6, vm7  }
.LBB2_93:
0x75c: {  	v33 =	vld [tilespmem:s19+$0xFFFFFFF0];
	vm7 =	vgt.s32 v31, v29;
	vm4 =	vmand vm4, vm5;
	vm3 =	vmand vm3, vm6;
	s1 =	sadd.s32 $0x20, s1;
	s30 =	smov.u32 s3  }
0x75d: {  	s3 =	sadd.s32 $0x2, s3;
	v34 =	vld [tilespmem:s1+$0xFFFFFFF0];
	vm4 =	vmor vm7, vm4;
	v35 =	vnsel vm3, $0x80000000, v28  }
0x75e: {  	p2 =	slt.s32 s3, s24;
	v29 =	vsel vm4, v31, v29;
	v30 =	vsel vm4, v32, v30;
	v31 =	vnsel vm3, $0x7FFFFFFF, v27  }
0x75f: {  	v28 =	vld [tilespmem:s19+$0x0];
	vm3 =	veq.s32 v35, v29;
	vm4 =	vlt.s32 v31, v30  }
0x760: {  	v32 =	vmov s30;
	s30 =	sadd.s32 $0x1, s30;
	vm5 =	vgt.s32 v35, v29;
	v27 =	vld [tilespmem:s1+$0x0];
	vm3 =	vmand vm3, vm4  }
0x761: {  	v36 =	vmov s30;
	vm4 =	veq.s32 v33, v25;
	vm3 =	vmor vm5, vm3  }
0x762: {  	vm5 =	vgt.s32 v34, v26;
	v29 =	vsel vm3, v35, v29;
	v30 =	vsel vm3, v31, v30  }
.Ltmp55:
0x763: {  	vm6 =	vlt.s32 v32, v4;
	vm3 =	vlt.s32 v33, v25;
	vm4 =	vmand vm4, vm5;
	(pc) =	sbr.rel @p2 .LBB2_93-.Ltmp55, $4  }
0x764: {  	vm4 =	vmor vm3, vm4;
	vm3 =	vlt.s32 v36, v4;
	vm7 =	vlt.s32 v28, v25  }
0x765: {  	vm5 =	veq.s32 v28, v25;
	vm4 =	vmand vm6, vm4;
	vm6 =	vgt.s32 v27, v26  }
0x766: {  	v31 =	vnsel vm4, $0x80000000, v33;
	v32 =	vnsel vm4, $0x7FFFFFFF, v34;
	vm6 =	vmand vm5, vm6  }
0x767: {  	s19 =	sadd.s32 $0x20, s19;
	vm4 =	veq.s32 v31, v29;
	vm5 =	vlt.s32 v32, v30;
	vm6 =	vmor vm7, vm6  }
.LBB2_94:
0x768: {  	vm7 =	vgt.s32 v31, v29;
	vm4 =	vmand vm4, vm5;
	vm3 =	vmand vm3, vm6  }
0x769: {  	vm4 =	vmor vm7, vm4;
	v28 =	vnsel vm3, $0x80000000, v28  }
.Ltmp56:
0x76a: {  	v27 =	vnsel vm3, $0x7FFFFFFF, v27;
	v29 =	vsel vm4, v31, v29;
	v30 =	vsel vm4, v32, v30;
	(pc) =	sbr.rel .LBB2_76-.Ltmp56, $4  }
0x76b: {  	vm3 =	veq.s32 v28, v29;
	vm4 =	vlt.s32 v27, v30  }
0x76c: {  	vm15 =	vgt.s32 v28, v29;
	vm3 =	vmand vm3, vm4  }
0x76d: {  	vm3 =	vmor vm15, vm3  }
0x76e: {  	v28 =	vsel vm3, v28, v29;
	v27 =	vsel vm3, v27, v30  }
.LBB2_75:
0x76f: {  	v27 =	vimm.s32 $0x7FFFFFFF;
	v28 =	vimm.s32 $0x80000000  }
.LBB2_76:
.Ltmp57:
0x770: {  	(pc) =	sbr.rel @p1 .LBB2_79-.Ltmp57, $1  }
0x771: {  	_ =	sdelay $0x3  }
0x772: {  	s1 =	smov.u32 s28;
	s3 =	smov.u32 s26;
	s19 =	smov.u32 s25  }
.LBB2_78:
0x773: {  	v29 =	vld [tilespmem:s3+$0x0]  }
0x774: {  	v30 =	vld [tilespmem:s1+$0x0];
	_ =	sdelay $0x4  }
0x775: {  	s30 =	sadd.s32 s19, s23;
	vm3 =	veq.s32 v29, v25;
	vm4 =	vgt.s32 v30, v26  }
0x776: {  	v31 =	vmov s30;
	vm5 =	vlt.s32 v29, v25;
	vm3 =	vmand vm3, vm4  }
0x777: {  	s19 =	sadd.s32 $0x1, s19;
	vm13 =	vlt.s32 v31, v4;
	vm3 =	vmor vm5, vm3  }
0x778: {  	p2 =	seq.s32 s19, $0x0;
	vm3 =	vmand vm13, vm3  }
.Ltmp58:
0x779: {  	v29 =	vnsel vm3, $0x80000000, v29;
	v30 =	vnsel vm3, $0x7FFFFFFF, v30;
	(pc) =	sbr.rel @!p2 .LBB2_78-.Ltmp58, $4  }
0x77a: {  	vm3 =	veq.s32 v29, v28;
	vm14 =	vlt.s32 v30, v27  }
0x77b: {  	vm15 =	vgt.s32 v29, v28;
	vm3 =	vmand vm3, vm14  }
0x77c: {  	vm3 =	vmor vm15, vm3  }
0x77d: {  	s3 =	sadd.s32 $0x10, s3;
	s1 =	sadd.s32 $0x10, s1;
	v28 =	vsel vm3, v29, v28;
	v27 =	vsel vm3, v30, v27  }
.Ltmp59:
0x77e: {  	_ = 	snop;
	(pc) =	sbr.rel .LBB2_79-.Ltmp59, $1  }
0x77f: {  	_ =	sdelay $0x3  }
.LBB2_80:
0x780: {  	s1 =	simm.s32 $0x0  }
0x781: {  	v4 =	vmov s1;
	_ =	sdelay $0x3  }
0x782: {  	s31 =	simm.s32 $0x1  }
0x783: {  	v25 =	vld.idx.msk [tilespmem:v4+s18+$0x0], $0xffff;
	v4 =	vmov s31;
	_ =	sdelay $0x3  }
0x784: {  	vm4 =	vmmov vm0  }
0x785: {  	vm3 =	vmmov vm0;
	s1 =	simm.s32 $0x2;
	v4 =	vld.idx.msk [tilespmem:v4+s18+$0x0], $0xffff;
	vm6 =	veq.s32 v6, v25;
	vm5 =	veq.s32 v2, v25  }
.LBB2_81:
0x786: {  	v25 =	vmov s1;
	p0 =	sne.s32 s1, $0x1D;
	s1 =	sadd.s32 $0x1, s1;
	vm4 =	vmor vm4, vm6;
	vm3 =	vmor vm3, vm5  }
.Ltmp60:
0x787: {  	(pc) =	sbr.rel @p0 .LBB2_81-.Ltmp60, $2  }
0x788: {  	_ =	sdelay $0x2  }
0x789: {  	vm6 =	veq.s32 v6, v4;
	vm5 =	veq.s32 v2, v4;
	v4 =	vld.idx.msk [tilespmem:v25+s18+$0x0], $0xffff  }
0x78a: {  	v28 =	vld [tilespmem:$0x1FB60];
	_ =	sdelay $0x3  }
0x78b: {  	v25 =	vshra.s32 v24, $0x1F  }
0x78c: {  	v26 =	vshra.s32 v7, $0x1F;
	v25 =	vand.u32 $0x7FFFFFFF, v25;
	v61 =	vshra.s32 v28, $0x1F  }
0x78d: {  	v27 =	vshra.s32 v58, $0x1F;
	v60 =	vxor.u32 v24, v25;
	v25 =	vand.u32 $0x7FFFFFFF, v61  }
0x78e: {  	v26 =	vand.u32 $0x7FFFFFFF, v26;
	v27 =	vand.u32 $0x7FFFFFFF, v27;
	v25 =	vxor.u32 v28, v25  }
0x78f: {  	v7 =	vxor.u32 v7, v26;
	v63 =	vxor.u32 v58, v27;
	v24 =	vsub.f32 v60, v25  }
0x790: {  	vm4 =	vmor vm4, vm6;
	v7 =	vsub.f32 v7, v63  }
0x791: {  	vm3 =	vmor vm3, vm5;
	vm14 =	veq.s32 v6, v4;
	v6 =	vand.u32 $0x7FFFFFFF, v24  }
0x792: {  	vm15 =	veq.s32 v2, v4;
	vm4 =	vmor vm4, vm14;
	v2 =	vand.u32 $0x7FFFFFFF, v7;
	(xrf2) =	vadd.scan.msk.f32 $0xffff, v6  }
0x793: {  	vm3 =	vmor vm3, vm15;
	(xrf2) =	vadd.scan.msk.f32 $0xffff, v2;
	v2 =	vsel vm4, $0x3F800000, v1  }
0x794: {  	(xrf2) =	vadd.scan.msk.f32 $0xffff, v2;
	v2 =	vsel vm3, $0x3F800000, v1  }
0x795: {  	(xrf2) =	vadd.scan.msk.f32 $0xffff, v2;
	_ =	sdelay $0x6  }
0x796: {  	v2, _, _ =	vpop (xrf2)  }
0x797: {  	v4, _, _ =	vpop (xrf2);
	(v2sf) =	vpush v2, $0xF  }
0x798: {  	v2, _, _ =	vpop (xrf2);
	(v2sf) =	vpush v4, $0xF  }
0x799: {  	(v2sf) =	vpush v2, $0xF;
	v2, _, _ =	vpop (xrf2)  }
0x79a: {  	(v2sf) =	vpush v2, $0xF;
	_ =	sdelay $0xb  }
0x79b: {  	s1 =	spop (v2sf)  }
0x79c: {  	s3 =	spop (v2sf)  }
0x79d: {  	s19 =	spop (v2sf)  }
0x79e: {  	s30 =	sshll.u32 s22, $0x4;
	s22 =	sadd.s32 $0x1, s22;
	s23 =	spop (v2sf)  }
0x79f: {  	p0 =	sne.s32 s22, $0x4;
	s19 =	sadd.f32 s23, s19  }
.Ltmp61:
0x7a0: {  	_ = 	snop;
	(pc) =	sbr.rel @p0 .LBB2_2-.Ltmp61, $4  }
.Ltmp62:
0x7a1: {  	s1 =	sadd.f32 s3, s1;
	v2 =	vmov s19;
	(pc) =	sbr.rel @!p0 .LBB2_83-.Ltmp62, $4  }
0x7a2: {  	v2 =	vnsel vm1, $0x0, v2  }
0x7a3: {  	s31 =	sand.u32 $0x3FFFFFF0, s30;
	v2 =	vsel vm2, s1, v2  }
0x7a4: {  	v6 =	vld [tilespmem:$0x1FEA0];
	[tilespmem:s31+$0x19580] =	vst v2  }
0x7a5: {  	_ = 	snop  }
.LBB2_7:
0x7a6: {  	v13 =	vld [tilespmem:$0x1FCB0]  }
0x7a7: {  	v61 =	vld [tilespmem:$0x1FE00]  }
0x7a8: {  	v12 =	vld [tilespmem:$0x1FDE0]  }
0x7a9: {  	v46 =	vld [tilespmem:$0x1FE10]  }
0x7aa: {  	v51 =	vld [tilespmem:$0x1FD10]  }
0x7ab: {  	v9 =	vld [tilespmem:$0x1FDF0]  }
0x7ac: {  	v58 =	vmov v63;
	v63 =	vld [tilespmem:$0x1FF50]  }
0x7ad: {  	v48 =	vmov v59;
	v59 =	vld [tilespmem:$0x1FF40]  }
.Ltmp63:
0x7ae: {  	v43 =	vld [tilespmem:$0x1FD00];
	(pc) =	sbr.rel .LBB2_14-.Ltmp63, $4  }
0x7af: {  	v41 =	vmov v42;
	v42 =	vmov v45;
	v45 =	vld [tilespmem:$0x1FDC0]  }
0x7b0: {  	v62 =	vmovc v60;
	v60 =	vmov v47;
	v47 =	vmov v57;
	v57 =	vmov v14;
	v14 =	vld [tilespmem:$0x1FE70]  }
0x7b1: {  	v8 =	vmov v19;
	v19 =	vld [tilespmem:$0x1FDD0]  }
0x7b2: {  	s28 =	simm.s32 $0x0;
	s30 =	simm.s32 $0x19000;
	s26 =	simm.s32 $0x0;
	v28 =	vimm.s32 $0x0;
	v21 =	vld [tilespmem:$0x1FD50]  }
.LBB2_41:
0x7b3: {  	v55 =	vld [tilespmem:$0x1FDC0]  }
0x7b4: {  	v15 =	vld [tilespmem:$0x1FDE0]  }
.Ltmp64:
0x7b5: {  	v60 =	vmov v49;
	v49 =	vmov v12;
	v12 =	vld [tilespmem:$0x1FE10];
	(pc) =	sbr.rel .LBB2_58-.Ltmp64, $4  }
0x7b6: {  	v4 =	vmov v48;
	v48 =	vmov v6;
	v6 =	vld [tilespmem:$0x1FF60]  }
0x7b7: {  	v27 =	vmov v61;
	v61 =	vld [tilespmem:$0x1FE40]  }
0x7b8: {  	v28 =	vimm.s32 $0x0;
	v44 =	vmovc v25;
	v25 =	vmov v14;
	v14 =	vmov v9;
	v9 =	vld [tilespmem:$0x1FF30]  }
0x7b9: {  	s26 =	simm.s32 $0x0;
	s29 =	simm.s32 $0x19000;
	s25 =	simm.s32 $0x0;
	v62 =	vmovc v59;
	v42 =	vmovc v26;
	v59 =	vmov v21;
	v21 =	vld [tilespmem:$0x1FD20];
	v26 =	vmov v46;
	v46 =	vmov v8  }
.LBB2_9:
0x7ba: {  	v21 =	vld [tilespmem:$0x1FD50]  }
0x7bb: {  	v51 =	vld [tilespmem:$0x1FD10]  }
0x7bc: {  	v14 =	vmov v13;
	v13 =	vmov v62;
	v62 =	vld [tilespmem:$0x1FF20]  }
0x7bd: {  	v59 =	vld [tilespmem:$0x1FF40]  }
0x7be: {  	v42 =	vld [tilespmem:$0x1FF30]  }
0x7bf: {  	v12 =	vmov v55;
	v55 =	vmov v49;
	v49 =	vld [tilespmem:$0x1FFA0]  }
.Ltmp65:
0x7c0: {  	v43 =	vld [tilespmem:$0x1FD00];
	(pc) =	sbr.rel .LBB2_14-.Ltmp65, $4  }
0x7c1: {  	v48 =	vmov v41;
	v41 =	vmov v57;
	v57 =	vld [tilespmem:$0x1FEA0]  }
0x7c2: {  	v45 =	vld [tilespmem:$0x1FDC0]  }
0x7c3: {  	v28 =	vimm.s32 $0x0;
	v8 =	vmovc v19;
	v6 =	vmov v15;
	v15 =	vmov v46;
	v19 =	vld [tilespmem:$0x1FDD0]  }
0x7c4: {  	s28 =	simm.s32 $0x0;
	s30 =	simm.s32 $0x19000;
	s31 =	simm.s32 $0x0;
	v46 =	vmovc v2;
	v58 =	vmovc v60;
	v63 =	vmov v10;
	v60 =	vmov v47;
	v10 =	vld [tilespmem:$0x1FF70];
	v47 =	vmov v6  }
.LBB2_53:
0x7c5: {  	v41 =	vld [tilespmem:$0x1FE30]  }
0x7c6: {  	v49 =	vld [tilespmem:$0x1FE90]  }
0x7c7: {  	v45 =	vld [tilespmem:$0x1FEF0]  }
0x7c8: {  	v27 =	vld [tilespmem:$0x1FCD0]  }
0x7c9: {  	v44 =	vld [tilespmem:$0x1FCE0]  }
0x7ca: {  	v24 =	vld [tilespmem:$0x1FCF0]  }
0x7cb: {  	v25 =	vmov v55;
	v55 =	vmov v9;
	v9 =	vld [tilespmem:$0x1FF30]  }
0x7cc: {  	v14 =	vld [tilespmem:$0x1FFA0]  }
0x7cd: {  	v6 =	vmov v12;
	v12 =	vmov v16;
	v16 =	vmov v20;
	v20 =	vld [tilespmem:$0x1FE50]  }
0x7ce: {  	v7 =	vld [tilespmem:$0x1FCB0]  }
0x7cf: {  	v50 =	vld [tilespmem:$0x1FFD0]  }
0x7d0: {  	v4 =	vmov v22;
	v22 =	vld [tilespmem:$0x1FE60]  }
0x7d1: {  	v2 =	vld [tilespmem:$0x1FE00]  }
0x7d2: {  	v51 =	vmov v57;
	v57 =	vld [tilespmem:$0x1FF80]  }
0x7d3: {  	v48 =	vmov v61;
	v61 =	vmov v10;
	v10 =	vld [tilespmem:$0x1FF70]  }
0x7d4: {  	v56 =	vmov v17;
	v17 =	vmov v19;
	v19 =	vld [tilespmem:$0x1FF00]  }
0x7d5: {  	v47 =	vld [tilespmem:$0x1FEB0]  }
0x7d6: {  	v21 =	vmov v60;
	v60 =	vmov v11;
	v11 =	vld [tilespmem:$0x1FFC0]  }
0x7d7: {  	v52 =	vld [tilespmem:$0x1FEC0]  }
.Ltmp66:
0x7d8: {  	v53 =	vld [tilespmem:$0x1FEE0];
	(pc) =	sbr.rel .LBB2_58-.Ltmp66, $4  }
0x7d9: {  	v54 =	vld [tilespmem:$0x1FED0]  }
0x7da: {  	v13 =	vmov v23;
	v23 =	vmov v5;
	v5 =	vmov v63;
	v63 =	vld [tilespmem:$0x1FFB0]  }
0x7db: {  	v42 =	vmov v46;
	v46 =	vld [tilespmem:$0x1FF40]  }
0x7dc: {  	s26 =	simm.s32 $0x0;
	s29 =	simm.s32 $0x19000;
	s30 =	simm.s32 $0x0;
	v28 =	vimm.s32 $0x0;
	v26 =	vmov v58;
	v58 =	vld [tilespmem:$0x1FB50]  }
.LBB2_11:
0x7dd: {  	v42 =	vmovc v53;
	v49 =	vmov v54;
	v43 =	vmov v56;
	v51 =	vmov v58  }
.Ltmp67:
0x7de: {  	v58 =	vmovc v6;
	v59 =	vmovc v25;
	v56 =	vmov v9;
	v4 =	vmov v16;
	v16 =	vmov v12;
	v12 =	vld [tilespmem:$0x1FDE0];
	(pc) =	sbr.rel .LBB2_14-.Ltmp67, $4  }
0x7df: {  	v6 =	vmovc v17;
	v17 =	vmovc v10;
	v8 =	vmov v19;
	v60 =	vmov v20;
	v52 =	vmov v22;
	v9 =	vld [tilespmem:$0x1FDF0]  }
0x7e0: {  	v54 =	vmovc v23;
	v53 =	vmovc v5;
	v61 =	vmov v3;
	v3 =	vimm.s32 $0x1;
	v45 =	vmov v26;
	v46 =	vld [tilespmem:$0x1FE10]  }
0x7e1: {  	v19 =	vmovc v0;
	v0 =	vlaneseq.u32;
	v10 =	vmovc v18;
	v18 =	vmov v11;
	v11 =	vmov v21;
	v21 =	vld [tilespmem:$0x1FD50]  }
0x7e2: {  	s30 =	simm.s32 $0x19000;
	s31 =	simm.s32 $0x1;
	s26 =	simm.s32 $0x2;
	v23 =	vmovc v4;
	v5 =	vmovc v6;
	v4 =	vld [tilespmem:$0x1FC10];
	v41 =	vmov v50;
	v50 =	vmov v14;
	v14 =	vmov v2  }
.LBB2_55:
0x7e3: {  	v43 =	vld [tilespmem:$0x1FE20]  }
0x7e4: {  	v41 =	vld [tilespmem:$0x1FE30]  }
0x7e5: {  	v49 =	vld [tilespmem:$0x1FE90]  }
0x7e6: {  	v45 =	vld [tilespmem:$0x1FEF0]  }
0x7e7: {  	v27 =	vld [tilespmem:$0x1FCD0]  }
0x7e8: {  	v44 =	vld [tilespmem:$0x1FCE0]  }
0x7e9: {  	v24 =	vld [tilespmem:$0x1FCF0]  }
0x7ea: {  	v25 =	vmov v55;
	v55 =	vmov v9;
	v9 =	vld [tilespmem:$0x1FF30]  }
0x7eb: {  	v14 =	vld [tilespmem:$0x1FFA0]  }
0x7ec: {  	v6 =	vmov v12;
	v12 =	vmov v16;
	v16 =	vmov v20;
	v20 =	vld [tilespmem:$0x1FE50]  }
0x7ed: {  	v7 =	vld [tilespmem:$0x1FCB0]  }
0x7ee: {  	v50 =	vld [tilespmem:$0x1FFD0]  }
0x7ef: {  	v4 =	vmov v22;
	v22 =	vld [tilespmem:$0x1FE60]  }
0x7f0: {  	v2 =	vld [tilespmem:$0x1FE00]  }
0x7f1: {  	v51 =	vmov v57;
	v57 =	vld [tilespmem:$0x1FF80]  }
0x7f2: {  	v48 =	vmov v61;
	v61 =	vmov v10;
	v10 =	vld [tilespmem:$0x1FF70]  }
0x7f3: {  	v56 =	vmov v17;
	v17 =	vmov v19;
	v19 =	vld [tilespmem:$0x1FF00]  }
0x7f4: {  	v47 =	vld [tilespmem:$0x1FEB0]  }
0x7f5: {  	v21 =	vmov v60;
	v60 =	vmov v11;
	v11 =	vld [tilespmem:$0x1FFC0]  }
0x7f6: {  	v52 =	vld [tilespmem:$0x1FEC0]  }
.Ltmp68:
0x7f7: {  	v53 =	vld [tilespmem:$0x1FEE0];
	(pc) =	sbr.rel .LBB2_58-.Ltmp68, $4  }
0x7f8: {  	v54 =	vld [tilespmem:$0x1FED0]  }
0x7f9: {  	v13 =	vmov v23;
	v23 =	vmov v5;
	v5 =	vmov v63;
	v63 =	vld [tilespmem:$0x1FFB0]  }
0x7fa: {  	v42 =	vmov v46;
	v46 =	vld [tilespmem:$0x1FF40]  }
0x7fb: {  	s29 =	simm.s32 $0x19000;
	s30 =	simm.s32 $0x1;
	s25 =	simm.s32 $0x2;
	v26 =	vmov v58;
	v58 =	vld [tilespmem:$0x1FB50]  }
.LBB2_43:
.Ltmp69:
0x7fc: {  	(pc) =	sbr.rel .LBB2_48-.Ltmp69, $4  }
0x7fd: {  	_ = 	snop  }
0x7fe: {  	v6 =	vld [tilespmem:$0x1FEA0]  }
0x7ff: {  	v46 =	vld [tilespmem:$0x1FF10]  }
0x800: {  	s28 =	simm.s32 $0x12810;
	v14 =	vld [tilespmem:$0x1FF20]  }
.LBB2_86:
.Ltmp70:
0x801: {  	(pc) =	sbr.rel .LBB2_91-.Ltmp70, $2  }
0x802: {  	_ =	sdelay $0x2  }
0x803: {  	s26 =	simm.s32 $0x12810  }
.LBB2_45:
.Ltmp71:
0x804: {  	(pc) =	sbr.rel .LBB2_48-.Ltmp71, $2  }
0x805: {  	_ =	sdelay $0x2  }
0x806: {  	v37 =	vmov v31;
	s19 =	simm.s32 $0x2;
	s28 =	simm.s32 $0x12810;
	v31 =	vmov v36;
	v36 =	vmov v35  }
.LBB2_88:
.Ltmp72:
0x807: {  	_ = 	snop;
	(pc) =	sbr.rel .LBB2_91-.Ltmp72, $2  }
0x808: {  	_ =	sdelay $0x2  }
0x809: {  	v29 =	vmov v7;
	s19 =	simm.s32 $0x2;
	s26 =	simm.s32 $0x12810;
	v7 =	vmov v28;
	v28 =	vmov v27  }
.LBB2_84:
0x80a: {  	_ =	sfence.sel $0x180000  }
0x80b: {  	[bflag:$0x0] =	sbarrier.arrive $0xFFFF  }
0x80c: {  	_ =	strace $0x90000047  }
0x80d: {  	s0 =	stileid.u32;
	[bflag:$0x2] =	sbarrier.arrive $0xFFFF  }
0x80e: {  	p0 =	sne.s32 s0, $0x0;
	s0 =	rddreg [dreg:$0x3]  }
0x80f: {  	s0 =	sadd.s32 @!p0 $0x100000, s0  }
0x810: {  	[sflag:s0] =	ssyncadd.tile.s32 @!p0 $0x1;
	_ =	shalt  }
.Lfunc_end2:
_tile_overlayer_lowered:
.L_overlay_start_2:
0x811: {  	(tag) =	ssettag $0x2  }
0x812: {  	s0 =	rddreg [dreg:$0x0];
	s2 =	stileid.u32  }
0x813: {  	s1 =	rddreg [dreg:$0x1];
	p0 =	sne.s32 s2, $0x0  }
0x814: {  	s3 =	rddreg [dreg:$0x2];
	[bflag:$0x3] =	sbarrier.arrive $0xFFFF;
	s2 =	simm.s32 @!p0 $0x1C02  }
0x815: {  	[timem:s3], [sflag:s2] =	dma.local @!p0 [hbm:s0], s1  }
0x816: {  	s0 =	simm.s32 @!p0 $0x2  }
0x817: {  	_ =	swait.ge @!p0 [sflag:s0], s1  }
0x818: {  	s1 =	ssub.s32 @!p0 $0x0, s1;
	[sflag:s0] =	ssyncset.done @!p0 $0x0  }
0x819: {  	[sflag:s0] =	ssyncadd.s32 @!p0 s1  }
0x81a: {  	[bflag:$0x3] =	sbarrier.arrive $0xFFFF  }
0x81b: {  	_ =	shalt  }

</sc_bundles>
